<compile_context>
chip_gen: v7x
topology: tpu7x:2x2x1
jax: 0.10.2.dev20260603
libtpu: 0.0.44.dev20260713+nightly
codegen_flags: <defaults>
</compile_context>

<pallas_src>
import functools

import jax
import jax.numpy as jnp
from jax import lax
from jax.experimental import pallas as pl
from jax.experimental.pallas import tpu as pltpu
from jax.experimental.pallas import tpu_sc as plsc

NC = 2
NS = 16
NW = NC * NS
CHUNK = 128
GBG = 4
GBS = 2
GRP = NW * CHUNK * GBG
PADROWS = 112


def _sc_mesh():
    return plsc.VectorSubcoreMesh(core_axis_name="c", subcore_axis_name="s")


def _make_gather(N, EP, D):
    KMAX = EP // (NW * CHUNK)
    NCHK = EP // CHUNK
    SR = 80
    NSC = N // SR

    @functools.partial(
        pl.kernel,
        out_type=jax.ShapeDtypeStruct((NCHK, CHUNK, D), jnp.float32),
        mesh=_sc_mesh(),
        scratch_types=[
            pltpu.VMEM((2, CHUNK), jnp.int32),
            pltpu.VMEM((2, CHUNK, D), jnp.float32),
            pltpu.VMEM_SHARED((N, D), jnp.float32),
            pltpu.SemaphoreType.DMA,
            pltpu.SemaphoreType.DMA,
            pltpu.SemaphoreType.DMA,
        ],
    )
    def gath(s_hbm, row2d_hbm, msg, rowbuf, gbuf, s_sp, sem_i, sem_g, sem_w):
        c = lax.axis_index("c")
        sid = lax.axis_index("s")
        w = c * NS + sid

        @pl.loop(0, (NSC + NS - 1) // NS)
        def lbody(j):
            ch = sid + NS * j

            @pl.when(ch < NSC)
            def _():
                pltpu.sync_copy(s_hbm.at[pl.ds(ch * SR, SR)],
                                s_sp.at[pl.ds(ch * SR, SR)])

        plsc.subcore_barrier()

        def chunk_of(g):
            return g * NW + w

        pltpu.async_copy(row2d_hbm.at[pl.ds(chunk_of(0), 1)],
                         rowbuf.at[pl.ds(0, 1)], sem_i)

        @pl.loop(0, KMAX)
        def gbody(g):
            cur = lax.rem(g, 2)
            nxt = lax.rem(g + 1, 2)

            @pl.when(g + 1 < KMAX)
            def _():
                pltpu.async_copy(row2d_hbm.at[pl.ds(chunk_of(g + 1), 1)],
                                 rowbuf.at[pl.ds(nxt, 1)], sem_i)

            pltpu.make_async_copy(row2d_hbm.at[pl.ds(chunk_of(g), 1)],
                                  rowbuf.at[pl.ds(cur, 1)], sem_i).wait()

            @pl.when(g >= 2)
            def _():
                pltpu.make_async_copy(gbuf.at[pl.ds(cur, 1)],
                                      msg.at[pl.ds(chunk_of(g - 2), 1)],
                                      sem_w).wait()

            pltpu.async_copy(s_sp.at[rowbuf.at[cur]], gbuf.at[cur],
                             sem_g).wait()
            pltpu.async_copy(gbuf.at[pl.ds(cur, 1)],
                             msg.at[pl.ds(chunk_of(g), 1)], sem_w)

        pltpu.make_async_copy(gbuf.at[pl.ds(0, 1)],
                              msg.at[pl.ds(chunk_of(KMAX - 2), 1)],
                              sem_w).wait()
        pltpu.make_async_copy(gbuf.at[pl.ds(1, 1)],
                              msg.at[pl.ds(chunk_of(KMAX - 1), 1)],
                              sem_w).wait()

    return gath


def _make_scatter(N, EP, D):
    KMAX = EP // (NW * CHUNK)
    NA = N + PADROWS
    NZ = NA // CHUNK
    ZJ = (NZ + NS - 1) // NS
    OR = 80
    NO = N // OR
    OJ = (NO + NS - 1) // NS

    @functools.partial(
        pl.kernel,
        out_type=(jax.ShapeDtypeStruct((N, D), jnp.float32),
                  jax.ShapeDtypeStruct((N, D), jnp.float32)),
        mesh=_sc_mesh(),
        scratch_types=[
            pltpu.VMEM((2, CHUNK), jnp.int32),
            pltpu.VMEM((2, CHUNK, D), jnp.float32),
            pltpu.VMEM_SHARED((N + PADROWS, D), jnp.float32),
            pltpu.SemaphoreType.DMA,
            pltpu.SemaphoreType.DMA,
            pltpu.SemaphoreType.DMA,
        ],
    )
    def scat(msg_hbm, col2d_hbm, zeros_hbm, out_a, out_b,
             colbuf, gbuf, acc, sem_i, sem_m, sem_s):
        c = lax.axis_index("c")
        sid = lax.axis_index("s")
        w = c * NS + sid

        pltpu.sync_copy(zeros_hbm, gbuf.at[0])

        @pl.loop(0, ZJ)
        def zbody(j):
            ch = sid + NS * j

            @pl.when(ch < NZ)
            def _():
                pltpu.sync_copy(gbuf.at[0], acc.at[pl.ds(ch * CHUNK, CHUNK)])

        plsc.subcore_barrier()

        def chunk_of(g):
            return g * NW + w

        pltpu.async_copy(col2d_hbm.at[pl.ds(chunk_of(0), 1)],
                         colbuf.at[pl.ds(0, 1)], sem_i)
        pltpu.async_copy(msg_hbm.at[pl.ds(chunk_of(0), 1)],
                         gbuf.at[pl.ds(0, 1)], sem_m)

        @pl.loop(0, KMAX)
        def gbody(g):
            cur = lax.rem(g, 2)
            nxt = lax.rem(g + 1, 2)

            @pl.when(g + 1 < KMAX)
            def _():
                pltpu.async_copy(col2d_hbm.at[pl.ds(chunk_of(g + 1), 1)],
                                 colbuf.at[pl.ds(nxt, 1)], sem_i)
                pltpu.async_copy(msg_hbm.at[pl.ds(chunk_of(g + 1), 1)],
                                 gbuf.at[pl.ds(nxt, 1)], sem_m)

            pltpu.make_async_copy(col2d_hbm.at[pl.ds(chunk_of(g), 1)],
                                  colbuf.at[pl.ds(cur, 1)], sem_i).wait()
            pltpu.make_async_copy(msg_hbm.at[pl.ds(chunk_of(g), 1)],
                                  gbuf.at[pl.ds(cur, 1)], sem_m).wait()
            pltpu.async_copy(gbuf.at[cur], acc.at[colbuf.at[cur]], sem_s,
                             add=True)
            pltpu.make_async_copy(gbuf.at[cur], acc.at[colbuf.at[cur]],
                                  sem_s).wait()

        plsc.subcore_barrier()

        @pl.loop(0, OJ)
        def obody(j):
            ch = sid + NS * j

            @pl.when(ch < NO)
            def _():
                rows = pl.ds(ch * OR, OR)
                stage = gbuf.at[0].at[pl.ds(0, OR)]
                pltpu.sync_copy(acc.at[rows], stage)

                @pl.when(c == 0)
                def _():
                    pltpu.sync_copy(stage, out_a.at[rows])

                @pl.when(c == 1)
                def _():
                    pltpu.sync_copy(stage, out_b.at[rows])

    return scat


def _make_deg(N, EP, D):
    KMAX = EP // (NW * CHUNK * GBG)
    NA = N + PADROWS
    NZ = NA // CHUNK
    ZJ = (NZ + NS - 1) // NS
    OR = 80
    NO = N // OR
    OJ = (NO + NS - 1) // NS

    @functools.partial(
        pl.kernel,
        out_type=(jax.ShapeDtypeStruct((N, D), jnp.float32),
                  jax.ShapeDtypeStruct((N, D), jnp.float32)),
        mesh=_sc_mesh(),
        scratch_types=[
            pltpu.VMEM((GBG, CHUNK), jnp.int32),
            pltpu.VMEM((CHUNK, D), jnp.float32),
            pltpu.VMEM_SHARED((N + PADROWS, D), jnp.float32),
            pltpu.SemaphoreType.DMA,
            pltpu.SemaphoreType.DMA,
        ],
    )
    def deg(col2d_hbm, ones_hbm, zeros_hbm, out_a, out_b,
            colbuf, onesbuf, acc, sem_i, sem_s):
        c = lax.axis_index("c")
        sid = lax.axis_index("s")
        w = c * NS + sid

        pltpu.sync_copy(zeros_hbm, onesbuf)

        @pl.loop(0, ZJ)
        def zbody(j):
            ch = sid + NS * j

            @pl.when(ch < NZ)
            def _():
                pltpu.sync_copy(onesbuf, acc.at[pl.ds(ch * CHUNK, CHUNK)])

        plsc.subcore_barrier()
        pltpu.sync_copy(ones_hbm, onesbuf)

        @pl.loop(0, KMAX)
        def gbody(g):
            base = (g * NW + w) * GBG
            pltpu.async_copy(col2d_hbm.at[pl.ds(base, GBG)], colbuf, sem_i)
            pltpu.make_async_copy(col2d_hbm.at[pl.ds(base, GBG)], colbuf,
                                  sem_i).wait()
            for i in range(GBG):
                pltpu.async_copy(onesbuf, acc.at[colbuf.at[i]], sem_s,
                                 add=True)
            for i in range(GBG):
                pltpu.make_async_copy(onesbuf, acc.at[colbuf.at[i]],
                                      sem_s).wait()

        plsc.subcore_barrier()

        @pl.loop(0, OJ)
        def obody(j):
            ch = sid + NS * j

            @pl.when(ch < NO)
            def _():
                rows = pl.ds(ch * OR, OR)
                stage = onesbuf.at[pl.ds(0, OR)]
                pltpu.sync_copy(acc.at[rows], stage)

                @pl.when(c == 0)
                def _():
                    pltpu.sync_copy(stage, out_a.at[rows])

                @pl.when(c == 1)
                def _():
                    pltpu.sync_copy(stage, out_b.at[rows])

    return deg


def _dinv_from(da_ref, db_ref):
    return lax.rsqrt(da_ref[:, 0:1] + db_ref[:, 0:1] + 1.0)


def _mm_first(x, W, b, dega, degb, BLK=1000):
    N, D = x.shape

    def body(x_ref, w_ref, b_ref, da_ref, db_ref, o_ref):
        dinv = _dinv_from(da_ref, db_ref)
        z = jnp.dot(x_ref[:, :], w_ref[:, :],
                    preferred_element_type=jnp.float32) + b_ref[0:1, :]
        o_ref[:, :] = z * dinv

    return pl.pallas_call(
        body,
        grid=(N // BLK,),
        in_specs=[
            pl.BlockSpec((BLK, D), lambda i: (i, 0)),
            pl.BlockSpec((D, D), lambda i: (0, 0)),
            pl.BlockSpec((1, D), lambda i: (0, 0)),
            pl.BlockSpec((BLK, D), lambda i: (i, 0)),
            pl.BlockSpec((BLK, D), lambda i: (i, 0)),
        ],
        out_specs=pl.BlockSpec((BLK, D), lambda i: (i, 0)),
        out_shape=jax.ShapeDtypeStruct((N, D), jnp.float32),
    )(x, W, b, dega, degb)


def _mm_mid(pa, pb, s_prev, W, b, dega, degb, BLK=1000):
    N, D = s_prev.shape

    def body(pa_ref, pb_ref, s_ref, w_ref, b_ref, da_ref, db_ref, o_ref):
        dinv = _dinv_from(da_ref, db_ref)
        h = jnp.maximum((pa_ref[:, :] + pb_ref[:, :] + s_ref[:, :]) * dinv, 0.0)
        z = jnp.dot(h, w_ref[:, :],
                    preferred_element_type=jnp.float32) + b_ref[0:1, :]
        o_ref[:, :] = z * dinv

    return pl.pallas_call(
        body,
        grid=(N // BLK,),
        in_specs=[
            pl.BlockSpec((BLK, D), lambda i: (i, 0)),
            pl.BlockSpec((BLK, D), lambda i: (i, 0)),
            pl.BlockSpec((BLK, D), lambda i: (i, 0)),
            pl.BlockSpec((D, D), lambda i: (0, 0)),
            pl.BlockSpec((1, D), lambda i: (0, 0)),
            pl.BlockSpec((BLK, D), lambda i: (i, 0)),
            pl.BlockSpec((BLK, D), lambda i: (i, 0)),
        ],
        out_specs=pl.BlockSpec((BLK, D), lambda i: (i, 0)),
        out_shape=jax.ShapeDtypeStruct((N, D), jnp.float32),
    )(pa, pb, s_prev, W, b, dega, degb)


def _final(pa, pb, s_prev, dega, degb, batch3d, Wh1, bh1, Wh2p, bh2p, BLK=1000):
    N, D = s_prev.shape
    GP = 128
    nblk = N // BLK

    def body(pa_ref, pb_ref, s_ref, da_ref, db_ref, bt_ref,
             wh1_ref, bh1_ref, wh2_ref, bh2_ref, o_ref, pool_acc, cnt_acc):
        i = pl.program_id(0)

        @pl.when(i == 0)
        def _():
            pool_acc[:, :] = jnp.zeros((GP, D), jnp.float32)
            cnt_acc[:, :] = jnp.zeros((GP, D), jnp.float32)

        dinv = _dinv_from(da_ref, db_ref)
        h = jnp.maximum((pa_ref[:, :] + pb_ref[:, :] + s_ref[:, :]) * dinv, 0.0)
        bt = jnp.broadcast_to(bt_ref[0], (GP, BLK))
        gid = lax.broadcasted_iota(jnp.int32, (GP, BLK), 0)
        onehot_t = jnp.where(bt == gid, 1.0, 0.0)
        pool_acc[:, :] += lax.dot_general(
            onehot_t, h, (((1,), (0,)), ((), ())),
            preferred_element_type=jnp.float32)
        cnt_acc[:, :] += lax.dot_general(
            onehot_t, jnp.ones((BLK, D), jnp.float32), (((1,), (0,)), ((), ())),
            preferred_element_type=jnp.float32)

        @pl.when(i == nblk - 1)
        def _():
            g = pool_acc[:, :] / jnp.maximum(cnt_acc[:, :], 1.0)
            g1 = jnp.maximum(
                jnp.dot(g, wh1_ref[:, :],
                        preferred_element_type=jnp.float32) + bh1_ref[0:1, :],
                0.0)
            o_ref[:, :] = jnp.dot(g1, wh2_ref[:, :],
                                  preferred_element_type=jnp.float32) + bh2_ref[0:1, :]

    return pl.pallas_call(
        body,
        grid=(nblk,),
        in_specs=[
            pl.BlockSpec((BLK, D), lambda i: (i, 0)),
            pl.BlockSpec((BLK, D), lambda i: (i, 0)),
            pl.BlockSpec((BLK, D), lambda i: (i, 0)),
            pl.BlockSpec((BLK, D), lambda i: (i, 0)),
            pl.BlockSpec((BLK, D), lambda i: (i, 0)),
            pl.BlockSpec((1, 1, BLK), lambda i: (i, 0, 0)),
            pl.BlockSpec((D, D), lambda i: (0, 0)),
            pl.BlockSpec((1, D), lambda i: (0, 0)),
            pl.BlockSpec((D, GP), lambda i: (0, 0)),
            pl.BlockSpec((1, GP), lambda i: (0, 0)),
        ],
        out_specs=pl.BlockSpec((GP, D), lambda i: (0, 0)),
        out_shape=jax.ShapeDtypeStruct((GP, D), jnp.float32),
        scratch_shapes=[
            pltpu.VMEM((GP, D), jnp.float32),
            pltpu.VMEM((GP, D), jnp.float32),
        ],
    )(pa, pb, s_prev, dega, degb, batch3d, Wh1, bh1, Wh2p, bh2p)


def kernel(x, edge_index, batch, W0, b0, W1, b1, W2, b2, Wh1, bh1, Wh2, bh2):
    N, D = x.shape
    E = edge_index.shape[1]
    G = 64
    EP = ((E + GRP - 1) // GRP) * GRP
    pad = EP - E
    row = jnp.concatenate(
        [edge_index[0], jnp.zeros((pad,), jnp.int32)]).reshape(EP // CHUNK, CHUNK)
    col = jnp.concatenate(
        [edge_index[1], jnp.full((pad,), N, jnp.int32)]).reshape(EP // CHUNK, CHUNK)

    zeros_d = jnp.zeros((CHUNK, D), jnp.float32)
    ones_d = jnp.ones((CHUNK, D), jnp.float32)
    batch3d = batch.reshape(N // 1000, 1, 1000)
    b0r = b0.reshape(1, D)
    b1r = b1.reshape(1, D)
    b2r = b2.reshape(1, D)
    bh1r = bh1.reshape(1, D)
    Wh2p = jnp.pad(Wh2, ((0, 0), (0, 128 - Wh2.shape[1])))
    bh2p = jnp.broadcast_to(bh2.reshape(1, 1), (1, 128))

    deg = _make_deg(N, EP, D)
    gath = _make_gather(N, EP, D)
    scat = _make_scatter(N, EP, D)

    dega, degb = deg(col, ones_d, zeros_d)

    s0 = _mm_first(x, W0, b0r, dega, degb)
    p0a, p0b = scat(gath(s0, row), col, zeros_d)
    s1 = _mm_mid(p0a, p0b, s0, W1, b1r, dega, degb)
    p1a, p1b = scat(gath(s1, row), col, zeros_d)
    s2 = _mm_mid(p1a, p1b, s1, W2, b2r, dega, degb)
    p2a, p2b = scat(gath(s2, row), col, zeros_d)

    out = _final(p2a, p2b, s2, dega, degb, batch3d, Wh1, bh1r, Wh2p, bh2p)
    return out[:G, 0]

# --- scband reference (transcript-rebuilt; emitter-appended) ---
"""Pipeline reference for scband-graph-cn-36240934043948 (READ-ONLY COPY).

The authoritative reference and input builder live on the scoring server;
editing this copy changes nothing except your own understanding.
"""

import jax, jax.numpy as jnp
import numpy as np

N = 10000
E = 320000
D = 128
H = 128
G = 64


def setup_inputs(seed: int = 0) -> dict:
    key = jax.random.key(seed)
    ks = jax.random.split(key, 16)
    x = jax.random.normal(ks[0], (N, D), dtype=jnp.float32)
    edge_index = jax.random.randint(ks[1], (2, E), 0, N, dtype=jnp.int32)
    batch = jnp.sort(jax.random.randint(ks[2], (N,), 0, G, dtype=jnp.int32))
    def lin(k, fan_in, fan_out):
        k1, k2 = jax.random.split(k)
        lim = 1.0 / np.sqrt(fan_in)
        W = jax.random.uniform(k1, (fan_in, fan_out), minval=-lim, maxval=lim, dtype=jnp.float32)
        b = jax.random.uniform(k2, (fan_out,), minval=-lim, maxval=lim, dtype=jnp.float32)
        return W, b
    W0, b0 = lin(ks[3], D, H)
    W1, b1 = lin(ks[4], H, H)
    W2, b2 = lin(ks[5], H, H)
    Wh1, bh1 = lin(ks[6], H, H)
    Wh2, bh2 = lin(ks[7], H, 1)
    return {"x": x, "edge_index": edge_index, "batch": batch,
            "W0": W0, "b0": b0, "W1": W1, "b1": b1, "W2": W2, "b2": b2,
            "Wh1": Wh1, "bh1": bh1, "Wh2": Wh2, "bh2": bh2}


def gcn_layer(x, edge_index, W, b):
    n = x.shape[0]
    loops = jnp.arange(n, dtype=edge_index.dtype)
    ei = jnp.concatenate([edge_index, jnp.stack([loops, loops])], axis=1)
    h = x @ W + b
    row, col = ei[0], ei[1]
    deg = jnp.zeros((n,), x.dtype).at[col].add(1.0)
    dinv = jnp.where(deg > 0, deg ** -0.5, 0.0)
    norm = dinv[row] * dinv[col]
    msg = norm[:, None] * h[row]
    return jnp.zeros((n, h.shape[1]), x.dtype).at[col].add(msg)


def reference(x, edge_index, batch, W0, b0, W1, b1, W2, b2, Wh1, bh1, Wh2, bh2):
    h = x
    for W, b in ((W0, b0), (W1, b1), (W2, b2)):
        h = jax.nn.relu(gcn_layer(h, edge_index, W, b))
        # dropout is identity in eval mode
    sums = jax.ops.segment_sum(h, batch, num_segments=G)
    counts = jax.ops.segment_sum(jnp.ones((h.shape[0],), h.dtype), batch, num_segments=G)
    g = sums / jnp.maximum(counts, 1.0)[:, None]
    g = jax.nn.relu(g @ Wh1 + bh1)
    out = g @ Wh2 + bh2
    return out.reshape(-1)

if __name__ == "__main__":
    import jax
    _d = setup_inputs()
    print(jax.jit(kernel)(*tuple(_d.values())))

</pallas_src>

<mosaic_0001>
#map = affine_map<(d0, d1) -> (0, 0, 0)>
#map1 = affine_map<(d0, d1) -> (0, 0)>
module attributes {stable_mosaic.version = 14 : i64} {
  func.func @scat(%arg0: i32, %arg1: i32, %arg2: memref<2560x128x128xf32, #tpu.memory_space<hbm>>, %arg3: memref<2560x128xi32, #tpu.memory_space<hbm>>, %arg4: memref<128x128xf32, #tpu.memory_space<hbm>>, %arg5: memref<10000x128xf32, #tpu.memory_space<hbm>>, %arg6: memref<10000x128xf32, #tpu.memory_space<hbm>>, %arg7: memref<2x128xi32, #tpu.memory_space<vmem>>, %arg8: memref<2x128x128xf32, #tpu.memory_space<vmem>>, %arg9: memref<10112x128xf32, #tpu.memory_space<vmem_shared>>, %arg10: memref<!tpu.dma_semaphore, #tpu.memory_space<semaphore_mem>>, %arg11: memref<!tpu.dma_semaphore, #tpu.memory_space<semaphore_mem>>, %arg12: memref<!tpu.dma_semaphore, #tpu.memory_space<semaphore_mem>>) attributes {dimension_semantics = [#tpu.dimension_semantics<core_parallel>, #tpu.dimension_semantics<subcore_parallel>], iteration_bounds = array<i64: 2, 16>, scalar_prefetch = 0 : i64, scratch_operands = 6 : i64, tpu.core_type = #tpu.core_type<sc_vector_subcore>, window_params = [{transform_indices = #map}, {transform_indices = #map1}, {transform_indices = #map1}, {transform_indices = #map1}, {transform_indices = #map1}]} {
    %mul3A = arith.constant 16 : i32
    %mul3A_0 = arith.muli %arg0, %mul3A : i32
    %add3A = arith.addi %mul3A_0, %arg1 : i32
    %run_scoped3A = arith.constant 0 : i32
    "tpu.region"() ({
      %run_scoped3A_43 = tpu.sem_alloc : memref<!tpu.dma_semaphore, #tpu.memory_space<semaphore_mem>>
      %dma_start3A_44 = arith.constant 0 : i32
      %dma_start3A_45 = arith.constant 0 : i32
      %dma_start3A_46 = tpu.memref_slice %arg8[%run_scoped3A, %dma_start3A_44, %dma_start3A_45] : memref<2x128x128xf32, #tpu.memory_space<vmem>> -> memref<1x128x128xf32, #tpu.memory_space<vmem>>
      %dma_start3A_47 = tpu.memref_squeeze %dma_start3A_46 : memref<1x128x128xf32, #tpu.memory_space<vmem>> -> memref<128x128xf32, #tpu.memory_space<vmem>>
      %dma_start3A_48 = arith.constant 0 : i32
      %dma_start3A_49 = arith.constant 0 : i32
      %dma_start3A_50 = tpu.memref_slice %arg8[%run_scoped3A, %dma_start3A_48, %dma_start3A_49] : memref<2x128x128xf32, #tpu.memory_space<vmem>> -> memref<1x128x128xf32, #tpu.memory_space<vmem>>
      %dma_start3A_51 = tpu.memref_squeeze %dma_start3A_50 : memref<1x128x128xf32, #tpu.memory_space<vmem>> -> memref<128x128xf32, #tpu.memory_space<vmem>>
      tpu.enqueue_dma source(%arg4 : memref<128x128xf32, #tpu.memory_space<hbm>>) target(%dma_start3A_51 : memref<128x128xf32, #tpu.memory_space<vmem>>) target_semaphore(%run_scoped3A_43 : memref<!tpu.dma_semaphore, #tpu.memory_space<semaphore_mem>>)
      %dma_wait3A = arith.constant 0 : i32
      %dma_wait3A_52 = arith.constant 0 : i32
      %dma_wait3A_53 = tpu.memref_slice %arg8[%run_scoped3A, %dma_wait3A, %dma_wait3A_52] : memref<2x128x128xf32, #tpu.memory_space<vmem>> -> memref<1x128x128xf32, #tpu.memory_space<vmem>>
      %dma_wait3A_54 = tpu.memref_squeeze %dma_wait3A_53 : memref<1x128x128xf32, #tpu.memory_space<vmem>> -> memref<128x128xf32, #tpu.memory_space<vmem>>
      %dma_wait3A_55 = arith.constant 0 : i32
      %dma_wait3A_56 = arith.constant 0 : i32
      %dma_wait3A_57 = tpu.memref_slice %arg8[%run_scoped3A, %dma_wait3A_55, %dma_wait3A_56] : memref<2x128x128xf32, #tpu.memory_space<vmem>> -> memref<1x128x128xf32, #tpu.memory_space<vmem>>
      %dma_wait3A_58 = tpu.memref_squeeze %dma_wait3A_57 : memref<1x128x128xf32, #tpu.memory_space<vmem>> -> memref<128x128xf32, #tpu.memory_space<vmem>>
      tpu.wait_dma2 semaphore(%run_scoped3A_43 : memref<!tpu.dma_semaphore, #tpu.memory_space<semaphore_mem>>) src(%arg4 : memref<128x128xf32, #tpu.memory_space<hbm>>) dst(%dma_wait3A_58 : memref<128x128xf32, #tpu.memory_space<vmem>>)
      tpu.yield
    }) : () -> ()
    %scan3A = arith.constant 0 : i32
    %scan3A_1 = arith.constant 5 : i32
    %scan3A_2 = arith.addi %scan3A, %scan3A_1 : i32
    %scan3A_3 = arith.constant 1 : i32
    scf.for %scan3A_43 = %scan3A to %scan3A_2 step %scan3A_3  : i32 {
      %mul3A_44 = arith.constant 1 : i32
      %mul3A_45 = arith.muli %scan3A_43, %mul3A_44 : i32
      %add3A_46 = arith.constant 0 : i32
      %add3A_47 = arith.addi %add3A_46, %mul3A_45 : i32
      %mul3A_48 = arith.constant 16 : i32
      %mul3A_49 = arith.muli %mul3A_48, %add3A_47 : i32
      %add3A_50 = arith.addi %arg1, %mul3A_49 : i32
      %lt3A = arith.constant 79 : i32
      %lt3A_51 = arith.cmpi slt, %add3A_50, %lt3A : i32
      %convert_element_type3A = arith.extui %lt3A_51 : i1 to i32
      %cond3A = arith.constant 0 : i32
      %cond3A_52 = arith.cmpi ne, %convert_element_type3A, %cond3A : i32
      scf.if %cond3A_52 {
        %mul3A_53 = arith.constant 128 : i32
        %mul3A_54 = arith.muli %add3A_50, %mul3A_53 : i32
        %run_scoped3A_55 = arith.constant 0 : i32
        "tpu.region"() ({
          %run_scoped3A_56 = tpu.sem_alloc : memref<!tpu.dma_semaphore, #tpu.memory_space<semaphore_mem>>
          %dma_start3A_57 = arith.constant 0 : i32
          %dma_start3A_58 = arith.constant 0 : i32
          %dma_start3A_59 = tpu.memref_slice %arg8[%run_scoped3A_55, %dma_start3A_57, %dma_start3A_58] : memref<2x128x128xf32, #tpu.memory_space<vmem>> -> memref<1x128x128xf32, #tpu.memory_space<vmem>>
          %dma_start3A_60 = tpu.memref_squeeze %dma_start3A_59 : memref<1x128x128xf32, #tpu.memory_space<vmem>> -> memref<128x128xf32, #tpu.memory_space<vmem>>
          %dma_start3A_61 = arith.constant 0 : i32
          %dma_start3A_62 = tpu.memref_slice %arg9[%mul3A_54, %dma_start3A_61] : memref<10112x128xf32, #tpu.memory_space<vmem_shared>> -> memref<128x128xf32, #tpu.memory_space<vmem_shared>>
          %dma_start3A_63 = arith.constant 0 : i32
          %dma_start3A_64 = tpu.memref_slice %arg9[%mul3A_54, %dma_start3A_63] : memref<10112x128xf32, #tpu.memory_space<vmem_shared>> -> memref<128x128xf32, #tpu.memory_space<vmem_shared>>
          %dma_start3A_65 = arith.constant 0 : i32
          %dma_start3A_66 = arith.constant 0 : i32
          %dma_start3A_67 = tpu.memref_slice %arg8[%run_scoped3A_55, %dma_start3A_65, %dma_start3A_66] : memref<2x128x128xf32, #tpu.memory_space<vmem>> -> memref<1x128x128xf32, #tpu.memory_space<vmem>>
          %dma_start3A_68 = tpu.memref_squeeze %dma_start3A_67 : memref<1x128x128xf32, #tpu.memory_space<vmem>> -> memref<128x128xf32, #tpu.memory_space<vmem>>
          tpu.enqueue_dma source(%dma_start3A_68 : memref<128x128xf32, #tpu.memory_space<vmem>>) target(%dma_start3A_64 : memref<128x128xf32, #tpu.memory_space<vmem_shared>>) target_semaphore(%run_scoped3A_56 : memref<!tpu.dma_semaphore, #tpu.memory_space<semaphore_mem>>)
          %dma_wait3A = arith.constant 0 : i32
          %dma_wait3A_69 = arith.constant 0 : i32
          %dma_wait3A_70 = tpu.memref_slice %arg8[%run_scoped3A_55, %dma_wait3A, %dma_wait3A_69] : memref<2x128x128xf32, #tpu.memory_space<vmem>> -> memref<1x128x128xf32, #tpu.memory_space<vmem>>
          %dma_wait3A_71 = tpu.memref_squeeze %dma_wait3A_70 : memref<1x128x128xf32, #tpu.memory_space<vmem>> -> memref<128x128xf32, #tpu.memory_space<vmem>>
          %dma_wait3A_72 = arith.constant 0 : i32
          %dma_wait3A_73 = tpu.memref_slice %arg9[%mul3A_54, %dma_wait3A_72] : memref<10112x128xf32, #tpu.memory_space<vmem_shared>> -> memref<128x128xf32, #tpu.memory_space<vmem_shared>>
          %dma_wait3A_74 = arith.constant 0 : i32
          %dma_wait3A_75 = tpu.memref_slice %arg9[%mul3A_54, %dma_wait3A_74] : memref<10112x128xf32, #tpu.memory_space<vmem_shared>> -> memref<128x128xf32, #tpu.memory_space<vmem_shared>>
          %dma_wait3A_76 = arith.constant 0 : i32
          %dma_wait3A_77 = arith.constant 0 : i32
          %dma_wait3A_78 = tpu.memref_slice %arg8[%run_scoped3A_55, %dma_wait3A_76, %dma_wait3A_77] : memref<2x128x128xf32, #tpu.memory_space<vmem>> -> memref<1x128x128xf32, #tpu.memory_space<vmem>>
          %dma_wait3A_79 = tpu.memref_squeeze %dma_wait3A_78 : memref<1x128x128xf32, #tpu.memory_space<vmem>> -> memref<128x128xf32, #tpu.memory_space<vmem>>
          tpu.wait_dma2 semaphore(%run_scoped3A_56 : memref<!tpu.dma_semaphore, #tpu.memory_space<semaphore_mem>>) src(%dma_wait3A_79 : memref<128x128xf32, #tpu.memory_space<vmem>>) dst(%dma_wait3A_75 : memref<128x128xf32, #tpu.memory_space<vmem_shared>>)
          tpu.yield
        }) : () -> ()
      } else {
      }
    }
    %scan3A_4 = arith.constant 5 : i32
    %barrier3A = arith.constant 0 : index
    tpu.barrier barrier_id(%barrier3A)
    %add3A_5 = arith.constant 0 : i32
    %add3A_6 = arith.addi %add3A_5, %add3A : i32
    %dma_start3A = arith.constant 0 : i32
    %dma_start3A_7 = arith.constant 0 : i32
    %dma_start3A_8 = tpu.memref_slice %arg7[%dma_start3A, %dma_start3A_7] : memref<2x128xi32, #tpu.memory_space<vmem>> -> memref<1x128xi32, #tpu.memory_space<vmem>>
    %dma_start3A_9 = arith.constant 0 : i32
    %dma_start3A_10 = tpu.memref_slice %arg3[%add3A_6, %dma_start3A_9] : memref<2560x128xi32, #tpu.memory_space<hbm>> -> memref<1x128xi32, #tpu.memory_space<hbm>>
    %dma_start3A_11 = arith.constant 0 : i32
    %dma_start3A_12 = arith.constant 0 : i32
    %dma_start3A_13 = tpu.memref_slice %arg7[%dma_start3A_11, %dma_start3A_12] : memref<2x128xi32, #tpu.memory_space<vmem>> -> memref<1x128xi32, #tpu.memory_space<vmem>>
    %dma_start3A_14 = arith.constant 0 : i32
    %dma_start3A_15 = tpu.memref_slice %arg3[%add3A_6, %dma_start3A_14] : memref<2560x128xi32, #tpu.memory_space<hbm>> -> memref<1x128xi32, #tpu.memory_space<hbm>>
    tpu.enqueue_dma source(%dma_start3A_15 : memref<1x128xi32, #tpu.memory_space<hbm>>) target(%dma_start3A_13 : memref<1x128xi32, #tpu.memory_space<vmem>>) target_semaphore(%arg10 : memref<!tpu.dma_semaphore, #tpu.memory_space<semaphore_mem>>)
    %add3A_16 = arith.constant 0 : i32
    %add3A_17 = arith.addi %add3A_16, %add3A : i32
    %dma_start3A_18 = arith.constant 0 : i32
    %dma_start3A_19 = arith.constant 0 : i32
    %dma_start3A_20 = arith.constant 0 : i32
    %dma_start3A_21 = tpu.memref_slice %arg8[%dma_start3A_18, %dma_start3A_19, %dma_start3A_20] : memref<2x128x128xf32, #tpu.memory_space<vmem>> -> memref<1x128x128xf32, #tpu.memory_space<vmem>>
    %dma_start3A_22 = arith.constant 0 : i32
    %dma_start3A_23 = arith.constant 0 : i32
    %dma_start3A_24 = tpu.memref_slice %arg2[%add3A_17, %dma_start3A_22, %dma_start3A_23] : memref<2560x128x128xf32, #tpu.memory_space<hbm>> -> memref<1x128x128xf32, #tpu.memory_space<hbm>>
    %dma_start3A_25 = arith.constant 0 : i32
    %dma_start3A_26 = arith.constant 0 : i32
    %dma_start3A_27 = arith.constant 0 : i32
    %dma_start3A_28 = tpu.memref_slice %arg8[%dma_start3A_25, %dma_start3A_26, %dma_start3A_27] : memref<2x128x128xf32, #tpu.memory_space<vmem>> -> memref<1x128x128xf32, #tpu.memory_space<vmem>>
    %dma_start3A_29 = arith.constant 0 : i32
    %dma_start3A_30 = arith.constant 0 : i32
    %dma_start3A_31 = tpu.memref_slice %arg2[%add3A_17, %dma_start3A_29, %dma_start3A_30] : memref<2560x128x128xf32, #tpu.memory_space<hbm>> -> memref<1x128x128xf32, #tpu.memory_space<hbm>>
    tpu.enqueue_dma source(%dma_start3A_31 : memref<1x128x128xf32, #tpu.memory_space<hbm>>) target(%dma_start3A_28 : memref<1x128x128xf32, #tpu.memory_space<vmem>>) target_semaphore(%arg11 : memref<!tpu.dma_semaphore, #tpu.memory_space<semaphore_mem>>)
    %scan3A_32 = arith.constant 0 : i32
    %scan3A_33 = arith.constant 80 : i32
    %scan3A_34 = arith.addi %scan3A_32, %scan3A_33 : i32
    %scan3A_35 = arith.constant 1 : i32
    scf.for %scan3A_43 = %scan3A_32 to %scan3A_34 step %scan3A_35  : i32 {
      %mul3A_44 = arith.constant 1 : i32
      %mul3A_45 = arith.muli %scan3A_43, %mul3A_44 : i32
      %add3A_46 = arith.constant 0 : i32
      %add3A_47 = arith.addi %add3A_46, %mul3A_45 : i32
      %rem3A = arith.constant 2 : i32
      %rem3A_48 = arith.remsi %add3A_47, %rem3A : i32
      %add3A_49 = arith.constant 1 : i32
      %add3A_50 = arith.addi %add3A_47, %add3A_49 : i32
      %rem3A_51 = arith.constant 2 : i32
      %rem3A_52 = arith.remsi %add3A_50, %rem3A_51 : i32
      %add3A_53 = arith.constant 1 : i32
      %add3A_54 = arith.addi %add3A_47, %add3A_53 : i32
      %lt3A = arith.constant 80 : i32
      %lt3A_55 = arith.cmpi slt, %add3A_54, %lt3A : i32
      %convert_element_type3A = arith.extui %lt3A_55 : i1 to i32
      %cond3A = arith.constant 0 : i32
      %cond3A_56 = arith.cmpi ne, %convert_element_type3A, %cond3A : i32
      scf.if %cond3A_56 {
        %add3A_102 = arith.constant 1 : i32
        %add3A_103 = arith.addi %add3A_47, %add3A_102 : i32
        %mul3A_104 = arith.constant 32 : i32
        %mul3A_105 = arith.muli %add3A_103, %mul3A_104 : i32
        %add3A_106 = arith.addi %mul3A_105, %add3A : i32
        %dma_start3A_107 = arith.constant 0 : i32
        %dma_start3A_108 = tpu.memref_slice %arg7[%rem3A_52, %dma_start3A_107] : memref<2x128xi32, #tpu.memory_space<vmem>> -> memref<1x128xi32, #tpu.memory_space<vmem>>
        %dma_start3A_109 = arith.constant 0 : i32
        %dma_start3A_110 = tpu.memref_slice %arg3[%add3A_106, %dma_start3A_109] : memref<2560x128xi32, #tpu.memory_space<hbm>> -> memref<1x128xi32, #tpu.memory_space<hbm>>
        %dma_start3A_111 = arith.constant 0 : i32
        %dma_start3A_112 = tpu.memref_slice %arg7[%rem3A_52, %dma_start3A_111] : memref<2x128xi32, #tpu.memory_space<vmem>> -> memref<1x128xi32, #tpu.memory_space<vmem>>
        %dma_start3A_113 = arith.constant 0 : i32
        %dma_start3A_114 = tpu.memref_slice %arg3[%add3A_106, %dma_start3A_113] : memref<2560x128xi32, #tpu.memory_space<hbm>> -> memref<1x128xi32, #tpu.memory_space<hbm>>
        tpu.enqueue_dma source(%dma_start3A_114 : memref<1x128xi32, #tpu.memory_space<hbm>>) target(%dma_start3A_112 : memref<1x128xi32, #tpu.memory_space<vmem>>) target_semaphore(%arg10 : memref<!tpu.dma_semaphore, #tpu.memory_space<semaphore_mem>>)
        %add3A_115 = arith.constant 1 : i32
        %add3A_116 = arith.addi %add3A_47, %add3A_115 : i32
        %mul3A_117 = arith.constant 32 : i32
        %mul3A_118 = arith.muli %add3A_116, %mul3A_117 : i32
        %add3A_119 = arith.addi %mul3A_118, %add3A : i32
        %dma_start3A_120 = arith.constant 0 : i32
        %dma_start3A_121 = arith.constant 0 : i32
        %dma_start3A_122 = tpu.memref_slice %arg8[%rem3A_52, %dma_start3A_120, %dma_start3A_121] : memref<2x128x128xf32, #tpu.memory_space<vmem>> -> memref<1x128x128xf32, #tpu.memory_space<vmem>>
        %dma_start3A_123 = arith.constant 0 : i32
        %dma_start3A_124 = arith.constant 0 : i32
        %dma_start3A_125 = tpu.memref_slice %arg2[%add3A_119, %dma_start3A_123, %dma_start3A_124] : memref<2560x128x128xf32, #tpu.memory_space<hbm>> -> memref<1x128x128xf32, #tpu.memory_space<hbm>>
        %dma_start3A_126 = arith.constant 0 : i32
        %dma_start3A_127 = arith.constant 0 : i32
        %dma_start3A_128 = tpu.memref_slice %arg8[%rem3A_52, %dma_start3A_126, %dma_start3A_127] : memref<2x128x128xf32, #tpu.memory_space<vmem>> -> memref<1x128x128xf32, #tpu.memory_space<vmem>>
        %dma_start3A_129 = arith.constant 0 : i32
        %dma_start3A_130 = arith.constant 0 : i32
        %dma_start3A_131 = tpu.memref_slice %arg2[%add3A_119, %dma_start3A_129, %dma_start3A_130] : memref<2560x128x128xf32, #tpu.memory_space<hbm>> -> memref<1x128x128xf32, #tpu.memory_space<hbm>>
        tpu.enqueue_dma source(%dma_start3A_131 : memref<1x128x128xf32, #tpu.memory_space<hbm>>) target(%dma_start3A_128 : memref<1x128x128xf32, #tpu.memory_space<vmem>>) target_semaphore(%arg11 : memref<!tpu.dma_semaphore, #tpu.memory_space<semaphore_mem>>)
      } else {
      }
      %mul3A_57 = arith.constant 32 : i32
      %mul3A_58 = arith.muli %add3A_47, %mul3A_57 : i32
      %add3A_59 = arith.addi %mul3A_58, %add3A : i32
      %dma_wait3A = arith.constant 0 : i32
      %dma_wait3A_60 = tpu.memref_slice %arg7[%rem3A_48, %dma_wait3A] : memref<2x128xi32, #tpu.memory_space<vmem>> -> memref<1x128xi32, #tpu.memory_space<vmem>>
      %dma_wait3A_61 = arith.constant 0 : i32
      %dma_wait3A_62 = tpu.memref_slice %arg3[%add3A_59, %dma_wait3A_61] : memref<2560x128xi32, #tpu.memory_space<hbm>> -> memref<1x128xi32, #tpu.memory_space<hbm>>
      %dma_wait3A_63 = arith.constant 0 : i32
      %dma_wait3A_64 = tpu.memref_slice %arg7[%rem3A_48, %dma_wait3A_63] : memref<2x128xi32, #tpu.memory_space<vmem>> -> memref<1x128xi32, #tpu.memory_space<vmem>>
      %dma_wait3A_65 = arith.constant 0 : i32
      %dma_wait3A_66 = tpu.memref_slice %arg3[%add3A_59, %dma_wait3A_65] : memref<2560x128xi32, #tpu.memory_space<hbm>> -> memref<1x128xi32, #tpu.memory_space<hbm>>
      tpu.wait_dma2 semaphore(%arg10 : memref<!tpu.dma_semaphore, #tpu.memory_space<semaphore_mem>>) src(%dma_wait3A_66 : memref<1x128xi32, #tpu.memory_space<hbm>>) dst(%dma_wait3A_64 : memref<1x128xi32, #tpu.memory_space<vmem>>)
      %mul3A_67 = arith.constant 32 : i32
      %mul3A_68 = arith.muli %add3A_47, %mul3A_67 : i32
      %add3A_69 = arith.addi %mul3A_68, %add3A : i32
      %dma_wait3A_70 = arith.constant 0 : i32
      %dma_wait3A_71 = arith.constant 0 : i32
      %dma_wait3A_72 = tpu.memref_slice %arg8[%rem3A_48, %dma_wait3A_70, %dma_wait3A_71] : memref<2x128x128xf32, #tpu.memory_space<vmem>> -> memref<1x128x128xf32, #tpu.memory_space<vmem>>
      %dma_wait3A_73 = arith.constant 0 : i32
      %dma_wait3A_74 = arith.constant 0 : i32
      %dma_wait3A_75 = tpu.memref_slice %arg2[%add3A_69, %dma_wait3A_73, %dma_wait3A_74] : memref<2560x128x128xf32, #tpu.memory_space<hbm>> -> memref<1x128x128xf32, #tpu.memory_space<hbm>>
      %dma_wait3A_76 = arith.constant 0 : i32
      %dma_wait3A_77 = arith.constant 0 : i32
      %dma_wait3A_78 = tpu.memref_slice %arg8[%rem3A_48, %dma_wait3A_76, %dma_wait3A_77] : memref<2x128x128xf32, #tpu.memory_space<vmem>> -> memref<1x128x128xf32, #tpu.memory_space<vmem>>
      %dma_wait3A_79 = arith.constant 0 : i32
      %dma_wait3A_80 = arith.constant 0 : i32
      %dma_wait3A_81 = tpu.memref_slice %arg2[%add3A_69, %dma_wait3A_79, %dma_wait3A_80] : memref<2560x128x128xf32, #tpu.memory_space<hbm>> -> memref<1x128x128xf32, #tpu.memory_space<hbm>>
      tpu.wait_dma2 semaphore(%arg11 : memref<!tpu.dma_semaphore, #tpu.memory_space<semaphore_mem>>) src(%dma_wait3A_81 : memref<1x128x128xf32, #tpu.memory_space<hbm>>) dst(%dma_wait3A_78 : memref<1x128x128xf32, #tpu.memory_space<vmem>>)
      %dma_start3A_82 = arith.constant 0 : i32
      %dma_start3A_83 = arith.constant 0 : i32
      %dma_start3A_84 = tpu.memref_slice %arg8[%rem3A_48, %dma_start3A_82, %dma_start3A_83] : memref<2x128x128xf32, #tpu.memory_space<vmem>> -> memref<1x128x128xf32, #tpu.memory_space<vmem>>
      %dma_start3A_85 = tpu.memref_squeeze %dma_start3A_84 : memref<1x128x128xf32, #tpu.memory_space<vmem>> -> memref<128x128xf32, #tpu.memory_space<vmem>>
      %dma_start3A_86 = arith.constant 0 : i32
      %dma_start3A_87 = tpu.memref_slice %arg7[%rem3A_48, %dma_start3A_86] : memref<2x128xi32, #tpu.memory_space<vmem>> -> memref<1x128xi32, #tpu.memory_space<vmem>>
      %dma_start3A_88 = tpu.memref_squeeze %dma_start3A_87 : memref<1x128xi32, #tpu.memory_space<vmem>> -> memref<128xi32, #tpu.memory_space<vmem>>
      %dma_start3A_89 = arith.constant 0 : i32
      %dma_start3A_90 = arith.constant 0 : i32
      %dma_start3A_91 = tpu.memref_slice %arg9[%dma_start3A_89, %dma_start3A_90] : memref<10112x128xf32, #tpu.memory_space<vmem_shared>> -> memref<10112x128xf32, #tpu.memory_space<vmem_shared>>
      tpu.enqueue_indirect_dma source(%dma_start3A_85 : memref<128x128xf32, #tpu.memory_space<vmem>>) target(%dma_start3A_91 : memref<10112x128xf32, #tpu.memory_space<vmem_shared>>) offsets(%dma_start3A_88 : memref<128xi32, #tpu.memory_space<vmem>>) semaphore(%arg12 : memref<!tpu.dma_semaphore, #tpu.memory_space<semaphore_mem>>) {add = true}
      %dma_wait3A_92 = arith.constant 0 : i32
      %dma_wait3A_93 = arith.constant 0 : i32
      %dma_wait3A_94 = tpu.memref_slice %arg8[%rem3A_48, %dma_wait3A_92, %dma_wait3A_93] : memref<2x128x128xf32, #tpu.memory_space<vmem>> -> memref<1x128x128xf32, #tpu.memory_space<vmem>>
      %dma_wait3A_95 = tpu.memref_squeeze %dma_wait3A_94 : memref<1x128x128xf32, #tpu.memory_space<vmem>> -> memref<128x128xf32, #tpu.memory_space<vmem>>
      %dma_wait3A_96 = arith.constant 0 : i32
      %dma_wait3A_97 = tpu.memref_slice %arg7[%rem3A_48, %dma_wait3A_96] : memref<2x128xi32, #tpu.memory_space<vmem>> -> memref<1x128xi32, #tpu.memory_space<vmem>>
      %dma_wait3A_98 = tpu.memref_squeeze %dma_wait3A_97 : memref<1x128xi32, #tpu.memory_space<vmem>> -> memref<128xi32, #tpu.memory_space<vmem>>
      %dma_wait3A_99 = arith.constant 0 : i32
      %dma_wait3A_100 = arith.constant 0 : i32
      %dma_wait3A_101 = tpu.memref_slice %arg9[%dma_wait3A_99, %dma_wait3A_100] : memref<10112x128xf32, #tpu.memory_space<vmem_shared>> -> memref<10112x128xf32, #tpu.memory_space<vmem_shared>>
      tpu.wait_indirect_dma semaphore(%arg12 : memref<!tpu.dma_semaphore, #tpu.memory_space<semaphore_mem>>) src(%dma_wait3A_95 : memref<128x128xf32, #tpu.memory_space<vmem>>) dst(%dma_wait3A_101 : memref<10112x128xf32, #tpu.memory_space<vmem_shared>>)
    }
    %scan3A_36 = arith.constant 80 : i32
    %barrier3A_37 = arith.constant 0 : index
    tpu.barrier barrier_id(%barrier3A_37)
    %scan3A_38 = arith.constant 0 : i32
    %scan3A_39 = arith.constant 8 : i32
    %scan3A_40 = arith.addi %scan3A_38, %scan3A_39 : i32
    %scan3A_41 = arith.constant 1 : i32
    scf.for %scan3A_43 = %scan3A_38 to %scan3A_40 step %scan3A_41  : i32 {
      %mul3A_44 = arith.constant 1 : i32
      %mul3A_45 = arith.muli %scan3A_43, %mul3A_44 : i32
      %add3A_46 = arith.constant 0 : i32
      %add3A_47 = arith.addi %add3A_46, %mul3A_45 : i32
      %mul3A_48 = arith.constant 16 : i32
      %mul3A_49 = arith.muli %mul3A_48, %add3A_47 : i32
      %add3A_50 = arith.addi %arg1, %mul3A_49 : i32
      %lt3A = arith.constant 125 : i32
      %lt3A_51 = arith.cmpi slt, %add3A_50, %lt3A : i32
      %convert_element_type3A = arith.extui %lt3A_51 : i1 to i32
      %cond3A = arith.constant 0 : i32
      %cond3A_52 = arith.cmpi ne, %convert_element_type3A, %cond3A : i32
      scf.if %cond3A_52 {
        %mul3A_53 = arith.constant 80 : i32
        %mul3A_54 = arith.muli %add3A_50, %mul3A_53 : i32
        %run_scoped3A_55 = arith.constant 0 : i32
        "tpu.region"() ({
          %run_scoped3A_67 = tpu.sem_alloc : memref<!tpu.dma_semaphore, #tpu.memory_space<semaphore_mem>>
          %dma_start3A_68 = arith.constant 0 : i32
          %dma_start3A_69 = arith.constant 0 : i32
          %dma_start3A_70 = tpu.memref_slice %arg8[%run_scoped3A_55, %dma_start3A_68, %dma_start3A_69] : memref<2x128x128xf32, #tpu.memory_space<vmem>> -> memref<1x128x128xf32, #tpu.memory_space<vmem>>
          %dma_start3A_71 = tpu.memref_squeeze %dma_start3A_70 : memref<1x128x128xf32, #tpu.memory_space<vmem>> -> memref<128x128xf32, #tpu.memory_space<vmem>>
          %dma_start3A_72 = arith.constant 0 : i32
          %dma_start3A_73 = arith.constant 0 : i32
          %dma_start3A_74 = tpu.memref_slice %dma_start3A_71[%dma_start3A_72, %dma_start3A_73] : memref<128x128xf32, #tpu.memory_space<vmem>> -> memref<80x128xf32, #tpu.memory_space<vmem>>
          %dma_start3A_75 = arith.constant 0 : i32
          %dma_start3A_76 = tpu.memref_slice %arg9[%mul3A_54, %dma_start3A_75] : memref<10112x128xf32, #tpu.memory_space<vmem_shared>> -> memref<80x128xf32, #tpu.memory_space<vmem_shared>>
          %dma_start3A_77 = arith.constant 0 : i32
          %dma_start3A_78 = arith.constant 0 : i32
          %dma_start3A_79 = tpu.memref_slice %arg8[%run_scoped3A_55, %dma_start3A_77, %dma_start3A_78] : memref<2x128x128xf32, #tpu.memory_space<vmem>> -> memref<1x128x128xf32, #tpu.memory_space<vmem>>
          %dma_start3A_80 = tpu.memref_squeeze %dma_start3A_79 : memref<1x128x128xf32, #tpu.memory_space<vmem>> -> memref<128x128xf32, #tpu.memory_space<vmem>>
          %dma_start3A_81 = arith.constant 0 : i32
          %dma_start3A_82 = arith.constant 0 : i32
          %dma_start3A_83 = tpu.memref_slice %dma_start3A_80[%dma_start3A_81, %dma_start3A_82] : memref<128x128xf32, #tpu.memory_space<vmem>> -> memref<80x128xf32, #tpu.memory_space<vmem>>
          %dma_start3A_84 = arith.constant 0 : i32
          %dma_start3A_85 = tpu.memref_slice %arg9[%mul3A_54, %dma_start3A_84] : memref<10112x128xf32, #tpu.memory_space<vmem_shared>> -> memref<80x128xf32, #tpu.memory_space<vmem_shared>>
          tpu.enqueue_dma source(%dma_start3A_85 : memref<80x128xf32, #tpu.memory_space<vmem_shared>>) target(%dma_start3A_83 : memref<80x128xf32, #tpu.memory_space<vmem>>) target_semaphore(%run_scoped3A_67 : memref<!tpu.dma_semaphore, #tpu.memory_space<semaphore_mem>>)
          %dma_wait3A = arith.constant 0 : i32
          %dma_wait3A_86 = arith.constant 0 : i32
          %dma_wait3A_87 = tpu.memref_slice %arg8[%run_scoped3A_55, %dma_wait3A, %dma_wait3A_86] : memref<2x128x128xf32, #tpu.memory_space<vmem>> -> memref<1x128x128xf32, #tpu.memory_space<vmem>>
          %dma_wait3A_88 = tpu.memref_squeeze %dma_wait3A_87 : memref<1x128x128xf32, #tpu.memory_space<vmem>> -> memref<128x128xf32, #tpu.memory_space<vmem>>
          %dma_wait3A_89 = arith.constant 0 : i32
          %dma_wait3A_90 = arith.constant 0 : i32
          %dma_wait3A_91 = tpu.memref_slice %dma_wait3A_88[%dma_wait3A_89, %dma_wait3A_90] : memref<128x128xf32, #tpu.memory_space<vmem>> -> memref<80x128xf32, #tpu.memory_space<vmem>>
          %dma_wait3A_92 = arith.constant 0 : i32
          %dma_wait3A_93 = tpu.memref_slice %arg9[%mul3A_54, %dma_wait3A_92] : memref<10112x128xf32, #tpu.memory_space<vmem_shared>> -> memref<80x128xf32, #tpu.memory_space<vmem_shared>>
          %dma_wait3A_94 = arith.constant 0 : i32
          %dma_wait3A_95 = arith.constant 0 : i32
          %dma_wait3A_96 = tpu.memref_slice %arg8[%run_scoped3A_55, %dma_wait3A_94, %dma_wait3A_95] : memref<2x128x128xf32, #tpu.memory_space<vmem>> -> memref<1x128x128xf32, #tpu.memory_space<vmem>>
          %dma_wait3A_97 = tpu.memref_squeeze %dma_wait3A_96 : memref<1x128x128xf32, #tpu.memory_space<vmem>> -> memref<128x128xf32, #tpu.memory_space<vmem>>
          %dma_wait3A_98 = arith.constant 0 : i32
          %dma_wait3A_99 = arith.constant 0 : i32
          %dma_wait3A_100 = tpu.memref_slice %dma_wait3A_97[%dma_wait3A_98, %dma_wait3A_99] : memref<128x128xf32, #tpu.memory_space<vmem>> -> memref<80x128xf32, #tpu.memory_space<vmem>>
          %dma_wait3A_101 = arith.constant 0 : i32
          %dma_wait3A_102 = tpu.memref_slice %arg9[%mul3A_54, %dma_wait3A_101] : memref<10112x128xf32, #tpu.memory_space<vmem_shared>> -> memref<80x128xf32, #tpu.memory_space<vmem_shared>>
          tpu.wait_dma2 semaphore(%run_scoped3A_67 : memref<!tpu.dma_semaphore, #tpu.memory_space<semaphore_mem>>) src(%dma_wait3A_102 : memref<80x128xf32, #tpu.memory_space<vmem_shared>>) dst(%dma_wait3A_100 : memref<80x128xf32, #tpu.memory_space<vmem>>)
          tpu.yield
        }) : () -> ()
        %eq3A = arith.constant 0 : i32
        %eq3A_56 = arith.cmpi eq, %arg0, %eq3A : i32
        %convert_element_type3A_57 = arith.extui %eq3A_56 : i1 to i32
        %cond3A_58 = arith.constant 0 : i32
        %cond3A_59 = arith.constant 0 : i32
        %cond3A_60 = arith.cmpi ne, %convert_element_type3A_57, %cond3A_59 : i32
        scf.if %cond3A_60 {
          "tpu.region"() ({
            %run_scoped3A_67 = tpu.sem_alloc : memref<!tpu.dma_semaphore, #tpu.memory_space<semaphore_mem>>
            %dma_start3A_68 = arith.constant 0 : i32
            %dma_start3A_69 = arith.constant 0 : i32
            %dma_start3A_70 = tpu.memref_slice %arg8[%cond3A_58, %dma_start3A_68, %dma_start3A_69] : memref<2x128x128xf32, #tpu.memory_space<vmem>> -> memref<1x128x128xf32, #tpu.memory_space<vmem>>
            %dma_start3A_71 = tpu.memref_squeeze %dma_start3A_70 : memref<1x128x128xf32, #tpu.memory_space<vmem>> -> memref<128x128xf32, #tpu.memory_space<vmem>>
            %dma_start3A_72 = arith.constant 0 : i32
            %dma_start3A_73 = arith.constant 0 : i32
            %dma_start3A_74 = tpu.memref_slice %dma_start3A_71[%dma_start3A_72, %dma_start3A_73] : memref<128x128xf32, #tpu.memory_space<vmem>> -> memref<80x128xf32, #tpu.memory_space<vmem>>
            %dma_start3A_75 = arith.constant 0 : i32
            %dma_start3A_76 = tpu.memref_slice %arg5[%mul3A_54, %dma_start3A_75] : memref<10000x128xf32, #tpu.memory_space<hbm>> -> memref<80x128xf32, #tpu.memory_space<hbm>>
            %dma_start3A_77 = arith.constant 0 : i32
            %dma_start3A_78 = tpu.memref_slice %arg5[%mul3A_54, %dma_start3A_77] : memref<10000x128xf32, #tpu.memory_space<hbm>> -> memref<80x128xf32, #tpu.memory_space<hbm>>
            %dma_start3A_79 = arith.constant 0 : i32
            %dma_start3A_80 = arith.constant 0 : i32
            %dma_start3A_81 = tpu.memref_slice %arg8[%cond3A_58, %dma_start3A_79, %dma_start3A_80] : memref<2x128x128xf32, #tpu.memory_space<vmem>> -> memref<1x128x128xf32, #tpu.memory_space<vmem>>
            %dma_start3A_82 = tpu.memref_squeeze %dma_start3A_81 : memref<1x128x128xf32, #tpu.memory_space<vmem>> -> memref<128x128xf32, #tpu.memory_space<vmem>>
            %dma_start3A_83 = arith.constant 0 : i32
            %dma_start3A_84 = arith.constant 0 : i32
            %dma_start3A_85 = tpu.memref_slice %dma_start3A_82[%dma_start3A_83, %dma_start3A_84] : memref<128x128xf32, #tpu.memory_space<vmem>> -> memref<80x128xf32, #tpu.memory_space<vmem>>
            tpu.enqueue_dma source(%dma_start3A_85 : memref<80x128xf32, #tpu.memory_space<vmem>>) target(%dma_start3A_78 : memref<80x128xf32, #tpu.memory_space<hbm>>) target_semaphore(%run_scoped3A_67 : memref<!tpu.dma_semaphore, #tpu.memory_space<semaphore_mem>>)
            %dma_wait3A = arith.constant 0 : i32
            %dma_wait3A_86 = arith.constant 0 : i32
            %dma_wait3A_87 = tpu.memref_slice %arg8[%cond3A_58, %dma_wait3A, %dma_wait3A_86] : memref<2x128x128xf32, #tpu.memory_space<vmem>> -> memref<1x128x128xf32, #tpu.memory_space<vmem>>
            %dma_wait3A_88 = tpu.memref_squeeze %dma_wait3A_87 : memref<1x128x128xf32, #tpu.memory_space<vmem>> -> memref<128x128xf32, #tpu.memory_space<vmem>>
            %dma_wait3A_89 = arith.constant 0 : i32
            %dma_wait3A_90 = arith.constant 0 : i32
            %dma_wait3A_91 = tpu.memref_slice %dma_wait3A_88[%dma_wait3A_89, %dma_wait3A_90] : memref<128x128xf32, #tpu.memory_space<vmem>> -> memref<80x128xf32, #tpu.memory_space<vmem>>
            %dma_wait3A_92 = arith.constant 0 : i32
            %dma_wait3A_93 = tpu.memref_slice %arg5[%mul3A_54, %dma_wait3A_92] : memref<10000x128xf32, #tpu.memory_space<hbm>> -> memref<80x128xf32, #tpu.memory_space<hbm>>
            %dma_wait3A_94 = arith.constant 0 : i32
            %dma_wait3A_95 = tpu.memref_slice %arg5[%mul3A_54, %dma_wait3A_94] : memref<10000x128xf32, #tpu.memory_space<hbm>> -> memref<80x128xf32, #tpu.memory_space<hbm>>
            %dma_wait3A_96 = arith.constant 0 : i32
            %dma_wait3A_97 = arith.constant 0 : i32
            %dma_wait3A_98 = tpu.memref_slice %arg8[%cond3A_58, %dma_wait3A_96, %dma_wait3A_97] : memref<2x128x128xf32, #tpu.memory_space<vmem>> -> memref<1x128x128xf32, #tpu.memory_space<vmem>>
            %dma_wait3A_99 = tpu.memref_squeeze %dma_wait3A_98 : memref<1x128x128xf32, #tpu.memory_space<vmem>> -> memref<128x128xf32, #tpu.memory_space<vmem>>
            %dma_wait3A_100 = arith.constant 0 : i32
            %dma_wait3A_101 = arith.constant 0 : i32
            %dma_wait3A_102 = tpu.memref_slice %dma_wait3A_99[%dma_wait3A_100, %dma_wait3A_101] : memref<128x128xf32, #tpu.memory_space<vmem>> -> memref<80x128xf32, #tpu.memory_space<vmem>>
            tpu.wait_dma2 semaphore(%run_scoped3A_67 : memref<!tpu.dma_semaphore, #tpu.memory_space<semaphore_mem>>) src(%dma_wait3A_102 : memref<80x128xf32, #tpu.memory_space<vmem>>) dst(%dma_wait3A_95 : memref<80x128xf32, #tpu.memory_space<hbm>>)
            tpu.yield
          }) : () -> ()
        } else {
        }
        %eq3A_61 = arith.constant 1 : i32
        %eq3A_62 = arith.cmpi eq, %arg0, %eq3A_61 : i32
        %convert_element_type3A_63 = arith.extui %eq3A_62 : i1 to i32
        %cond3A_64 = arith.constant 0 : i32
        %cond3A_65 = arith.constant 0 : i32
        %cond3A_66 = arith.cmpi ne, %convert_element_type3A_63, %cond3A_65 : i32
        scf.if %cond3A_66 {
          "tpu.region"() ({
            %run_scoped3A_67 = tpu.sem_alloc : memref<!tpu.dma_semaphore, #tpu.memory_space<semaphore_mem>>
            %dma_start3A_68 = arith.constant 0 : i32
            %dma_start3A_69 = arith.constant 0 : i32
            %dma_start3A_70 = tpu.memref_slice %arg8[%cond3A_64, %dma_start3A_68, %dma_start3A_69] : memref<2x128x128xf32, #tpu.memory_space<vmem>> -> memref<1x128x128xf32, #tpu.memory_space<vmem>>
            %dma_start3A_71 = tpu.memref_squeeze %dma_start3A_70 : memref<1x128x128xf32, #tpu.memory_space<vmem>> -> memref<128x128xf32, #tpu.memory_space<vmem>>
            %dma_start3A_72 = arith.constant 0 : i32
            %dma_start3A_73 = arith.constant 0 : i32
            %dma_start3A_74 = tpu.memref_slice %dma_start3A_71[%dma_start3A_72, %dma_start3A_73] : memref<128x128xf32, #tpu.memory_space<vmem>> -> memref<80x128xf32, #tpu.memory_space<vmem>>
            %dma_start3A_75 = arith.constant 0 : i32
            %dma_start3A_76 = tpu.memref_slice %arg6[%mul3A_54, %dma_start3A_75] : memref<10000x128xf32, #tpu.memory_space<hbm>> -> memref<80x128xf32, #tpu.memory_space<hbm>>
            %dma_start3A_77 = arith.constant 0 : i32
            %dma_start3A_78 = tpu.memref_slice %arg6[%mul3A_54, %dma_start3A_77] : memref<10000x128xf32, #tpu.memory_space<hbm>> -> memref<80x128xf32, #tpu.memory_space<hbm>>
            %dma_start3A_79 = arith.constant 0 : i32
            %dma_start3A_80 = arith.constant 0 : i32
            %dma_start3A_81 = tpu.memref_slice %arg8[%cond3A_64, %dma_start3A_79, %dma_start3A_80] : memref<2x128x128xf32, #tpu.memory_space<vmem>> -> memref<1x128x128xf32, #tpu.memory_space<vmem>>
            %dma_start3A_82 = tpu.memref_squeeze %dma_start3A_81 : memref<1x128x128xf32, #tpu.memory_space<vmem>> -> memref<128x128xf32, #tpu.memory_space<vmem>>
            %dma_start3A_83 = arith.constant 0 : i32
            %dma_start3A_84 = arith.constant 0 : i32
            %dma_start3A_85 = tpu.memref_slice %dma_start3A_82[%dma_start3A_83, %dma_start3A_84] : memref<128x128xf32, #tpu.memory_space<vmem>> -> memref<80x128xf32, #tpu.memory_space<vmem>>
            tpu.enqueue_dma source(%dma_start3A_85 : memref<80x128xf32, #tpu.memory_space<vmem>>) target(%dma_start3A_78 : memref<80x128xf32, #tpu.memory_space<hbm>>) target_semaphore(%run_scoped3A_67 : memref<!tpu.dma_semaphore, #tpu.memory_space<semaphore_mem>>)
            %dma_wait3A = arith.constant 0 : i32
            %dma_wait3A_86 = arith.constant 0 : i32
            %dma_wait3A_87 = tpu.memref_slice %arg8[%cond3A_64, %dma_wait3A, %dma_wait3A_86] : memref<2x128x128xf32, #tpu.memory_space<vmem>> -> memref<1x128x128xf32, #tpu.memory_space<vmem>>
            %dma_wait3A_88 = tpu.memref_squeeze %dma_wait3A_87 : memref<1x128x128xf32, #tpu.memory_space<vmem>> -> memref<128x128xf32, #tpu.memory_space<vmem>>
            %dma_wait3A_89 = arith.constant 0 : i32
            %dma_wait3A_90 = arith.constant 0 : i32
            %dma_wait3A_91 = tpu.memref_slice %dma_wait3A_88[%dma_wait3A_89, %dma_wait3A_90] : memref<128x128xf32, #tpu.memory_space<vmem>> -> memref<80x128xf32, #tpu.memory_space<vmem>>
            %dma_wait3A_92 = arith.constant 0 : i32
            %dma_wait3A_93 = tpu.memref_slice %arg6[%mul3A_54, %dma_wait3A_92] : memref<10000x128xf32, #tpu.memory_space<hbm>> -> memref<80x128xf32, #tpu.memory_space<hbm>>
            %dma_wait3A_94 = arith.constant 0 : i32
            %dma_wait3A_95 = tpu.memref_slice %arg6[%mul3A_54, %dma_wait3A_94] : memref<10000x128xf32, #tpu.memory_space<hbm>> -> memref<80x128xf32, #tpu.memory_space<hbm>>
            %dma_wait3A_96 = arith.constant 0 : i32
            %dma_wait3A_97 = arith.constant 0 : i32
            %dma_wait3A_98 = tpu.memref_slice %arg8[%cond3A_64, %dma_wait3A_96, %dma_wait3A_97] : memref<2x128x128xf32, #tpu.memory_space<vmem>> -> memref<1x128x128xf32, #tpu.memory_space<vmem>>
            %dma_wait3A_99 = tpu.memref_squeeze %dma_wait3A_98 : memref<1x128x128xf32, #tpu.memory_space<vmem>> -> memref<128x128xf32, #tpu.memory_space<vmem>>
            %dma_wait3A_100 = arith.constant 0 : i32
            %dma_wait3A_101 = arith.constant 0 : i32
            %dma_wait3A_102 = tpu.memref_slice %dma_wait3A_99[%dma_wait3A_100, %dma_wait3A_101] : memref<128x128xf32, #tpu.memory_space<vmem>> -> memref<80x128xf32, #tpu.memory_space<vmem>>
            tpu.wait_dma2 semaphore(%run_scoped3A_67 : memref<!tpu.dma_semaphore, #tpu.memory_space<semaphore_mem>>) src(%dma_wait3A_102 : memref<80x128xf32, #tpu.memory_space<vmem>>) dst(%dma_wait3A_95 : memref<80x128xf32, #tpu.memory_space<hbm>>)
            tpu.yield
          }) : () -> ()
        } else {
        }
      } else {
      }
    }
    %scan3A_42 = arith.constant 8 : i32
    return
  }
}

#map = affine_map<(d0, d1) -> (0, 0)>
module attributes {stable_mosaic.version = 14 : i64} {
  func.func @deg(%arg0: i32, %arg1: i32, %arg2: memref<2560x128xi32, #tpu.memory_space<hbm>>, %arg3: memref<128x128xf32, #tpu.memory_space<hbm>>, %arg4: memref<128x128xf32, #tpu.memory_space<hbm>>, %arg5: memref<10000x128xf32, #tpu.memory_space<hbm>>, %arg6: memref<10000x128xf32, #tpu.memory_space<hbm>>, %arg7: memref<4x128xi32, #tpu.memory_space<vmem>>, %arg8: memref<128x128xf32, #tpu.memory_space<vmem>>, %arg9: memref<10112x128xf32, #tpu.memory_space<vmem_shared>>, %arg10: memref<!tpu.dma_semaphore, #tpu.memory_space<semaphore_mem>>, %arg11: memref<!tpu.dma_semaphore, #tpu.memory_space<semaphore_mem>>) attributes {dimension_semantics = [#tpu.dimension_semantics<core_parallel>, #tpu.dimension_semantics<subcore_parallel>], iteration_bounds = array<i64: 2, 16>, scalar_prefetch = 0 : i64, scratch_operands = 5 : i64, tpu.core_type = #tpu.core_type<sc_vector_subcore>, window_params = [{transform_indices = #map}, {transform_indices = #map}, {transform_indices = #map}, {transform_indices = #map}, {transform_indices = #map}]} {
    %mul3A = arith.constant 16 : i32
    %mul3A_0 = arith.muli %arg0, %mul3A : i32
    %add3A = arith.addi %mul3A_0, %arg1 : i32
    "tpu.region"() ({
      %run_scoped3A = tpu.sem_alloc : memref<!tpu.dma_semaphore, #tpu.memory_space<semaphore_mem>>
      tpu.enqueue_dma source(%arg4 : memref<128x128xf32, #tpu.memory_space<hbm>>) target(%arg8 : memref<128x128xf32, #tpu.memory_space<vmem>>) target_semaphore(%run_scoped3A : memref<!tpu.dma_semaphore, #tpu.memory_space<semaphore_mem>>)
      tpu.wait_dma2 semaphore(%run_scoped3A : memref<!tpu.dma_semaphore, #tpu.memory_space<semaphore_mem>>) src(%arg4 : memref<128x128xf32, #tpu.memory_space<hbm>>) dst(%arg8 : memref<128x128xf32, #tpu.memory_space<vmem>>)
      tpu.yield
    }) : () -> ()
    %scan3A = arith.constant 0 : i32
    %scan3A_1 = arith.constant 5 : i32
    %scan3A_2 = arith.addi %scan3A, %scan3A_1 : i32
    %scan3A_3 = arith.constant 1 : i32
    scf.for %scan3A_16 = %scan3A to %scan3A_2 step %scan3A_3  : i32 {
      %mul3A_17 = arith.constant 1 : i32
      %mul3A_18 = arith.muli %scan3A_16, %mul3A_17 : i32
      %add3A_19 = arith.constant 0 : i32
      %add3A_20 = arith.addi %add3A_19, %mul3A_18 : i32
      %mul3A_21 = arith.constant 16 : i32
      %mul3A_22 = arith.muli %mul3A_21, %add3A_20 : i32
      %add3A_23 = arith.addi %arg1, %mul3A_22 : i32
      %lt3A = arith.constant 79 : i32
      %lt3A_24 = arith.cmpi slt, %add3A_23, %lt3A : i32
      %convert_element_type3A = arith.extui %lt3A_24 : i1 to i32
      %cond3A = arith.constant 0 : i32
      %cond3A_25 = arith.cmpi ne, %convert_element_type3A, %cond3A : i32
      scf.if %cond3A_25 {
        %mul3A_26 = arith.constant 128 : i32
        %mul3A_27 = arith.muli %add3A_23, %mul3A_26 : i32
        "tpu.region"() ({
          %run_scoped3A = tpu.sem_alloc : memref<!tpu.dma_semaphore, #tpu.memory_space<semaphore_mem>>
          %dma_start3A = arith.constant 0 : i32
          %dma_start3A_28 = tpu.memref_slice %arg9[%mul3A_27, %dma_start3A] : memref<10112x128xf32, #tpu.memory_space<vmem_shared>> -> memref<128x128xf32, #tpu.memory_space<vmem_shared>>
          %dma_start3A_29 = arith.constant 0 : i32
          %dma_start3A_30 = tpu.memref_slice %arg9[%mul3A_27, %dma_start3A_29] : memref<10112x128xf32, #tpu.memory_space<vmem_shared>> -> memref<128x128xf32, #tpu.memory_space<vmem_shared>>
          tpu.enqueue_dma source(%arg8 : memref<128x128xf32, #tpu.memory_space<vmem>>) target(%dma_start3A_30 : memref<128x128xf32, #tpu.memory_space<vmem_shared>>) target_semaphore(%run_scoped3A : memref<!tpu.dma_semaphore, #tpu.memory_space<semaphore_mem>>)
          %dma_wait3A = arith.constant 0 : i32
          %dma_wait3A_31 = tpu.memref_slice %arg9[%mul3A_27, %dma_wait3A] : memref<10112x128xf32, #tpu.memory_space<vmem_shared>> -> memref<128x128xf32, #tpu.memory_space<vmem_shared>>
          %dma_wait3A_32 = arith.constant 0 : i32
          %dma_wait3A_33 = tpu.memref_slice %arg9[%mul3A_27, %dma_wait3A_32] : memref<10112x128xf32, #tpu.memory_space<vmem_shared>> -> memref<128x128xf32, #tpu.memory_space<vmem_shared>>
          tpu.wait_dma2 semaphore(%run_scoped3A : memref<!tpu.dma_semaphore, #tpu.memory_space<semaphore_mem>>) src(%arg8 : memref<128x128xf32, #tpu.memory_space<vmem>>) dst(%dma_wait3A_33 : memref<128x128xf32, #tpu.memory_space<vmem_shared>>)
          tpu.yield
        }) : () -> ()
      } else {
      }
    }
    %scan3A_4 = arith.constant 5 : i32
    %barrier3A = arith.constant 0 : index
    tpu.barrier barrier_id(%barrier3A)
    "tpu.region"() ({
      %run_scoped3A = tpu.sem_alloc : memref<!tpu.dma_semaphore, #tpu.memory_space<semaphore_mem>>
      tpu.enqueue_dma source(%arg3 : memref<128x128xf32, #tpu.memory_space<hbm>>) target(%arg8 : memref<128x128xf32, #tpu.memory_space<vmem>>) target_semaphore(%run_scoped3A : memref<!tpu.dma_semaphore, #tpu.memory_space<semaphore_mem>>)
      tpu.wait_dma2 semaphore(%run_scoped3A : memref<!tpu.dma_semaphore, #tpu.memory_space<semaphore_mem>>) src(%arg3 : memref<128x128xf32, #tpu.memory_space<hbm>>) dst(%arg8 : memref<128x128xf32, #tpu.memory_space<vmem>>)
      tpu.yield
    }) : () -> ()
    %scan3A_5 = arith.constant 0 : i32
    %scan3A_6 = arith.constant 20 : i32
    %scan3A_7 = arith.addi %scan3A_5, %scan3A_6 : i32
    %scan3A_8 = arith.constant 1 : i32
    scf.for %scan3A_16 = %scan3A_5 to %scan3A_7 step %scan3A_8  : i32 {
      %mul3A_17 = arith.constant 1 : i32
      %mul3A_18 = arith.muli %scan3A_16, %mul3A_17 : i32
      %add3A_19 = arith.constant 0 : i32
      %add3A_20 = arith.addi %add3A_19, %mul3A_18 : i32
      %mul3A_21 = arith.constant 32 : i32
      %mul3A_22 = arith.muli %add3A_20, %mul3A_21 : i32
      %add3A_23 = arith.addi %mul3A_22, %add3A : i32
      %mul3A_24 = arith.constant 4 : i32
      %mul3A_25 = arith.muli %add3A_23, %mul3A_24 : i32
      %dma_start3A = arith.constant 0 : i32
      %dma_start3A_26 = tpu.memref_slice %arg2[%mul3A_25, %dma_start3A] : memref<2560x128xi32, #tpu.memory_space<hbm>> -> memref<4x128xi32, #tpu.memory_space<hbm>>
      %dma_start3A_27 = arith.constant 0 : i32
      %dma_start3A_28 = tpu.memref_slice %arg2[%mul3A_25, %dma_start3A_27] : memref<2560x128xi32, #tpu.memory_space<hbm>> -> memref<4x128xi32, #tpu.memory_space<hbm>>
      tpu.enqueue_dma source(%dma_start3A_28 : memref<4x128xi32, #tpu.memory_space<hbm>>) target(%arg7 : memref<4x128xi32, #tpu.memory_space<vmem>>) target_semaphore(%arg10 : memref<!tpu.dma_semaphore, #tpu.memory_space<semaphore_mem>>)
      %dma_wait3A = arith.constant 0 : i32
      %dma_wait3A_29 = tpu.memref_slice %arg2[%mul3A_25, %dma_wait3A] : memref<2560x128xi32, #tpu.memory_space<hbm>> -> memref<4x128xi32, #tpu.memory_space<hbm>>
      %dma_wait3A_30 = arith.constant 0 : i32
      %dma_wait3A_31 = tpu.memref_slice %arg2[%mul3A_25, %dma_wait3A_30] : memref<2560x128xi32, #tpu.memory_space<hbm>> -> memref<4x128xi32, #tpu.memory_space<hbm>>
      tpu.wait_dma2 semaphore(%arg10 : memref<!tpu.dma_semaphore, #tpu.memory_space<semaphore_mem>>) src(%dma_wait3A_31 : memref<4x128xi32, #tpu.memory_space<hbm>>) dst(%arg7 : memref<4x128xi32, #tpu.memory_space<vmem>>)
      %dma_start3A_32 = arith.constant 0 : i32
      %dma_start3A_33 = arith.constant 0 : i32
      %dma_start3A_34 = tpu.memref_slice %arg7[%dma_start3A_32, %dma_start3A_33] : memref<4x128xi32, #tpu.memory_space<vmem>> -> memref<1x128xi32, #tpu.memory_space<vmem>>
      %dma_start3A_35 = tpu.memref_squeeze %dma_start3A_34 : memref<1x128xi32, #tpu.memory_space<vmem>> -> memref<128xi32, #tpu.memory_space<vmem>>
      %dma_start3A_36 = arith.constant 0 : i32
      %dma_start3A_37 = arith.constant 0 : i32
      %dma_start3A_38 = tpu.memref_slice %arg9[%dma_start3A_36, %dma_start3A_37] : memref<10112x128xf32, #tpu.memory_space<vmem_shared>> -> memref<10112x128xf32, #tpu.memory_space<vmem_shared>>
      tpu.enqueue_indirect_dma source(%arg8 : memref<128x128xf32, #tpu.memory_space<vmem>>) target(%dma_start3A_38 : memref<10112x128xf32, #tpu.memory_space<vmem_shared>>) offsets(%dma_start3A_35 : memref<128xi32, #tpu.memory_space<vmem>>) semaphore(%arg11 : memref<!tpu.dma_semaphore, #tpu.memory_space<semaphore_mem>>) {add = true}
      %dma_start3A_39 = arith.constant 1 : i32
      %dma_start3A_40 = arith.constant 0 : i32
      %dma_start3A_41 = tpu.memref_slice %arg7[%dma_start3A_39, %dma_start3A_40] : memref<4x128xi32, #tpu.memory_space<vmem>> -> memref<1x128xi32, #tpu.memory_space<vmem>>
      %dma_start3A_42 = tpu.memref_squeeze %dma_start3A_41 : memref<1x128xi32, #tpu.memory_space<vmem>> -> memref<128xi32, #tpu.memory_space<vmem>>
      %dma_start3A_43 = arith.constant 0 : i32
      %dma_start3A_44 = arith.constant 0 : i32
      %dma_start3A_45 = tpu.memref_slice %arg9[%dma_start3A_43, %dma_start3A_44] : memref<10112x128xf32, #tpu.memory_space<vmem_shared>> -> memref<10112x128xf32, #tpu.memory_space<vmem_shared>>
      tpu.enqueue_indirect_dma source(%arg8 : memref<128x128xf32, #tpu.memory_space<vmem>>) target(%dma_start3A_45 : memref<10112x128xf32, #tpu.memory_space<vmem_shared>>) offsets(%dma_start3A_42 : memref<128xi32, #tpu.memory_space<vmem>>) semaphore(%arg11 : memref<!tpu.dma_semaphore, #tpu.memory_space<semaphore_mem>>) {add = true}
      %dma_start3A_46 = arith.constant 2 : i32
      %dma_start3A_47 = arith.constant 0 : i32
      %dma_start3A_48 = tpu.memref_slice %arg7[%dma_start3A_46, %dma_start3A_47] : memref<4x128xi32, #tpu.memory_space<vmem>> -> memref<1x128xi32, #tpu.memory_space<vmem>>
      %dma_start3A_49 = tpu.memref_squeeze %dma_start3A_48 : memref<1x128xi32, #tpu.memory_space<vmem>> -> memref<128xi32, #tpu.memory_space<vmem>>
      %dma_start3A_50 = arith.constant 0 : i32
      %dma_start3A_51 = arith.constant 0 : i32
      %dma_start3A_52 = tpu.memref_slice %arg9[%dma_start3A_50, %dma_start3A_51] : memref<10112x128xf32, #tpu.memory_space<vmem_shared>> -> memref<10112x128xf32, #tpu.memory_space<vmem_shared>>
      tpu.enqueue_indirect_dma source(%arg8 : memref<128x128xf32, #tpu.memory_space<vmem>>) target(%dma_start3A_52 : memref<10112x128xf32, #tpu.memory_space<vmem_shared>>) offsets(%dma_start3A_49 : memref<128xi32, #tpu.memory_space<vmem>>) semaphore(%arg11 : memref<!tpu.dma_semaphore, #tpu.memory_space<semaphore_mem>>) {add = true}
      %dma_start3A_53 = arith.constant 3 : i32
      %dma_start3A_54 = arith.constant 0 : i32
      %dma_start3A_55 = tpu.memref_slice %arg7[%dma_start3A_53, %dma_start3A_54] : memref<4x128xi32, #tpu.memory_space<vmem>> -> memref<1x128xi32, #tpu.memory_space<vmem>>
      %dma_start3A_56 = tpu.memref_squeeze %dma_start3A_55 : memref<1x128xi32, #tpu.memory_space<vmem>> -> memref<128xi32, #tpu.memory_space<vmem>>
      %dma_start3A_57 = arith.constant 0 : i32
      %dma_start3A_58 = arith.constant 0 : i32
      %dma_start3A_59 = tpu.memref_slice %arg9[%dma_start3A_57, %dma_start3A_58] : memref<10112x128xf32, #tpu.memory_space<vmem_shared>> -> memref<10112x128xf32, #tpu.memory_space<vmem_shared>>
      tpu.enqueue_indirect_dma source(%arg8 : memref<128x128xf32, #tpu.memory_space<vmem>>) target(%dma_start3A_59 : memref<10112x128xf32, #tpu.memory_space<vmem_shared>>) offsets(%dma_start3A_56 : memref<128xi32, #tpu.memory_space<vmem>>) semaphore(%arg11 : memref<!tpu.dma_semaphore, #tpu.memory_space<semaphore_mem>>) {add = true}
      %dma_wait3A_60 = arith.constant 0 : i32
      %dma_wait3A_61 = arith.constant 0 : i32
      %dma_wait3A_62 = tpu.memref_slice %arg7[%dma_wait3A_60, %dma_wait3A_61] : memref<4x128xi32, #tpu.memory_space<vmem>> -> memref<1x128xi32, #tpu.memory_space<vmem>>
      %dma_wait3A_63 = tpu.memref_squeeze %dma_wait3A_62 : memref<1x128xi32, #tpu.memory_space<vmem>> -> memref<128xi32, #tpu.memory_space<vmem>>
      %dma_wait3A_64 = arith.constant 0 : i32
      %dma_wait3A_65 = arith.constant 0 : i32
      %dma_wait3A_66 = tpu.memref_slice %arg9[%dma_wait3A_64, %dma_wait3A_65] : memref<10112x128xf32, #tpu.memory_space<vmem_shared>> -> memref<10112x128xf32, #tpu.memory_space<vmem_shared>>
      tpu.wait_indirect_dma semaphore(%arg11 : memref<!tpu.dma_semaphore, #tpu.memory_space<semaphore_mem>>) src(%arg8 : memref<128x128xf32, #tpu.memory_space<vmem>>) dst(%dma_wait3A_66 : memref<10112x128xf32, #tpu.memory_space<vmem_shared>>)
      %dma_wait3A_67 = arith.constant 1 : i32
      %dma_wait3A_68 = arith.constant 0 : i32
      %dma_wait3A_69 = tpu.memref_slice %arg7[%dma_wait3A_67, %dma_wait3A_68] : memref<4x128xi32, #tpu.memory_space<vmem>> -> memref<1x128xi32, #tpu.memory_space<vmem>>
      %dma_wait3A_70 = tpu.memref_squeeze %dma_wait3A_69 : memref<1x128xi32, #tpu.memory_space<vmem>> -> memref<128xi32, #tpu.memory_space<vmem>>
      %dma_wait3A_71 = arith.constant 0 : i32
      %dma_wait3A_72 = arith.constant 0 : i32
      %dma_wait3A_73 = tpu.memref_slice %arg9[%dma_wait3A_71, %dma_wait3A_72] : memref<10112x128xf32, #tpu.memory_space<vmem_shared>> -> memref<10112x128xf32, #tpu.memory_space<vmem_shared>>
      tpu.wait_indirect_dma semaphore(%arg11 : memref<!tpu.dma_semaphore, #tpu.memory_space<semaphore_mem>>) src(%arg8 : memref<128x128xf32, #tpu.memory_space<vmem>>) dst(%dma_wait3A_73 : memref<10112x128xf32, #tpu.memory_space<vmem_shared>>)
      %dma_wait3A_74 = arith.constant 2 : i32
      %dma_wait3A_75 = arith.constant 0 : i32
      %dma_wait3A_76 = tpu.memref_slice %arg7[%dma_wait3A_74, %dma_wait3A_75] : memref<4x128xi32, #tpu.memory_space<vmem>> -> memref<1x128xi32, #tpu.memory_space<vmem>>
      %dma_wait3A_77 = tpu.memref_squeeze %dma_wait3A_76 : memref<1x128xi32, #tpu.memory_space<vmem>> -> memref<128xi32, #tpu.memory_space<vmem>>
      %dma_wait3A_78 = arith.constant 0 : i32
      %dma_wait3A_79 = arith.constant 0 : i32
      %dma_wait3A_80 = tpu.memref_slice %arg9[%dma_wait3A_78, %dma_wait3A_79] : memref<10112x128xf32, #tpu.memory_space<vmem_shared>> -> memref<10112x128xf32, #tpu.memory_space<vmem_shared>>
      tpu.wait_indirect_dma semaphore(%arg11 : memref<!tpu.dma_semaphore, #tpu.memory_space<semaphore_mem>>) src(%arg8 : memref<128x128xf32, #tpu.memory_space<vmem>>) dst(%dma_wait3A_80 : memref<10112x128xf32, #tpu.memory_space<vmem_shared>>)
      %dma_wait3A_81 = arith.constant 3 : i32
      %dma_wait3A_82 = arith.constant 0 : i32
      %dma_wait3A_83 = tpu.memref_slice %arg7[%dma_wait3A_81, %dma_wait3A_82] : memref<4x128xi32, #tpu.memory_space<vmem>> -> memref<1x128xi32, #tpu.memory_space<vmem>>
      %dma_wait3A_84 = tpu.memref_squeeze %dma_wait3A_83 : memref<1x128xi32, #tpu.memory_space<vmem>> -> memref<128xi32, #tpu.memory_space<vmem>>
      %dma_wait3A_85 = arith.constant 0 : i32
      %dma_wait3A_86 = arith.constant 0 : i32
      %dma_wait3A_87 = tpu.memref_slice %arg9[%dma_wait3A_85, %dma_wait3A_86] : memref<10112x128xf32, #tpu.memory_space<vmem_shared>> -> memref<10112x128xf32, #tpu.memory_space<vmem_shared>>
      tpu.wait_indirect_dma semaphore(%arg11 : memref<!tpu.dma_semaphore, #tpu.memory_space<semaphore_mem>>) src(%arg8 : memref<128x128xf32, #tpu.memory_space<vmem>>) dst(%dma_wait3A_87 : memref<10112x128xf32, #tpu.memory_space<vmem_shared>>)
    }
    %scan3A_9 = arith.constant 20 : i32
    %barrier3A_10 = arith.constant 0 : index
    tpu.barrier barrier_id(%barrier3A_10)
    %scan3A_11 = arith.constant 0 : i32
    %scan3A_12 = arith.constant 8 : i32
    %scan3A_13 = arith.addi %scan3A_11, %scan3A_12 : i32
    %scan3A_14 = arith.constant 1 : i32
    scf.for %scan3A_16 = %scan3A_11 to %scan3A_13 step %scan3A_14  : i32 {
      %mul3A_17 = arith.constant 1 : i32
      %mul3A_18 = arith.muli %scan3A_16, %mul3A_17 : i32
      %add3A_19 = arith.constant 0 : i32
      %add3A_20 = arith.addi %add3A_19, %mul3A_18 : i32
      %mul3A_21 = arith.constant 16 : i32
      %mul3A_22 = arith.muli %mul3A_21, %add3A_20 : i32
      %add3A_23 = arith.addi %arg1, %mul3A_22 : i32
      %lt3A = arith.constant 125 : i32
      %lt3A_24 = arith.cmpi slt, %add3A_23, %lt3A : i32
      %convert_element_type3A = arith.extui %lt3A_24 : i1 to i32
      %cond3A = arith.constant 0 : i32
      %cond3A_25 = arith.cmpi ne, %convert_element_type3A, %cond3A : i32
      scf.if %cond3A_25 {
        %mul3A_26 = arith.constant 80 : i32
        %mul3A_27 = arith.muli %add3A_23, %mul3A_26 : i32
        "tpu.region"() ({
          %run_scoped3A = tpu.sem_alloc : memref<!tpu.dma_semaphore, #tpu.memory_space<semaphore_mem>>
          %dma_start3A = arith.constant 0 : i32
          %dma_start3A_37 = arith.constant 0 : i32
          %dma_start3A_38 = tpu.memref_slice %arg8[%dma_start3A, %dma_start3A_37] : memref<128x128xf32, #tpu.memory_space<vmem>> -> memref<80x128xf32, #tpu.memory_space<vmem>>
          %dma_start3A_39 = arith.constant 0 : i32
          %dma_start3A_40 = tpu.memref_slice %arg9[%mul3A_27, %dma_start3A_39] : memref<10112x128xf32, #tpu.memory_space<vmem_shared>> -> memref<80x128xf32, #tpu.memory_space<vmem_shared>>
          %dma_start3A_41 = arith.constant 0 : i32
          %dma_start3A_42 = arith.constant 0 : i32
          %dma_start3A_43 = tpu.memref_slice %arg8[%dma_start3A_41, %dma_start3A_42] : memref<128x128xf32, #tpu.memory_space<vmem>> -> memref<80x128xf32, #tpu.memory_space<vmem>>
          %dma_start3A_44 = arith.constant 0 : i32
          %dma_start3A_45 = tpu.memref_slice %arg9[%mul3A_27, %dma_start3A_44] : memref<10112x128xf32, #tpu.memory_space<vmem_shared>> -> memref<80x128xf32, #tpu.memory_space<vmem_shared>>
          tpu.enqueue_dma source(%dma_start3A_45 : memref<80x128xf32, #tpu.memory_space<vmem_shared>>) target(%dma_start3A_43 : memref<80x128xf32, #tpu.memory_space<vmem>>) target_semaphore(%run_scoped3A : memref<!tpu.dma_semaphore, #tpu.memory_space<semaphore_mem>>)
          %dma_wait3A = arith.constant 0 : i32
          %dma_wait3A_46 = arith.constant 0 : i32
          %dma_wait3A_47 = tpu.memref_slice %arg8[%dma_wait3A, %dma_wait3A_46] : memref<128x128xf32, #tpu.memory_space<vmem>> -> memref<80x128xf32, #tpu.memory_space<vmem>>
          %dma_wait3A_48 = arith.constant 0 : i32
          %dma_wait3A_49 = tpu.memref_slice %arg9[%mul3A_27, %dma_wait3A_48] : memref<10112x128xf32, #tpu.memory_space<vmem_shared>> -> memref<80x128xf32, #tpu.memory_space<vmem_shared>>
          %dma_wait3A_50 = arith.constant 0 : i32
          %dma_wait3A_51 = arith.constant 0 : i32
          %dma_wait3A_52 = tpu.memref_slice %arg8[%dma_wait3A_50, %dma_wait3A_51] : memref<128x128xf32, #tpu.memory_space<vmem>> -> memref<80x128xf32, #tpu.memory_space<vmem>>
          %dma_wait3A_53 = arith.constant 0 : i32
          %dma_wait3A_54 = tpu.memref_slice %arg9[%mul3A_27, %dma_wait3A_53] : memref<10112x128xf32, #tpu.memory_space<vmem_shared>> -> memref<80x128xf32, #tpu.memory_space<vmem_shared>>
          tpu.wait_dma2 semaphore(%run_scoped3A : memref<!tpu.dma_semaphore, #tpu.memory_space<semaphore_mem>>) src(%dma_wait3A_54 : memref<80x128xf32, #tpu.memory_space<vmem_shared>>) dst(%dma_wait3A_52 : memref<80x128xf32, #tpu.memory_space<vmem>>)
          tpu.yield
        }) : () -> ()
        %eq3A = arith.constant 0 : i32
        %eq3A_28 = arith.cmpi eq, %arg0, %eq3A : i32
        %convert_element_type3A_29 = arith.extui %eq3A_28 : i1 to i32
        %cond3A_30 = arith.constant 0 : i32
        %cond3A_31 = arith.cmpi ne, %convert_element_type3A_29, %cond3A_30 : i32
        scf.if %cond3A_31 {
          "tpu.region"() ({
            %run_scoped3A = tpu.sem_alloc : memref<!tpu.dma_semaphore, #tpu.memory_space<semaphore_mem>>
            %dma_start3A = arith.constant 0 : i32
            %dma_start3A_37 = arith.constant 0 : i32
            %dma_start3A_38 = tpu.memref_slice %arg8[%dma_start3A, %dma_start3A_37] : memref<128x128xf32, #tpu.memory_space<vmem>> -> memref<80x128xf32, #tpu.memory_space<vmem>>
            %dma_start3A_39 = arith.constant 0 : i32
            %dma_start3A_40 = tpu.memref_slice %arg5[%mul3A_27, %dma_start3A_39] : memref<10000x128xf32, #tpu.memory_space<hbm>> -> memref<80x128xf32, #tpu.memory_space<hbm>>
            %dma_start3A_41 = arith.constant 0 : i32
            %dma_start3A_42 = tpu.memref_slice %arg5[%mul3A_27, %dma_start3A_41] : memref<10000x128xf32, #tpu.memory_space<hbm>> -> memref<80x128xf32, #tpu.memory_space<hbm>>
            %dma_start3A_43 = arith.constant 0 : i32
            %dma_start3A_44 = arith.constant 0 : i32
            %dma_start3A_45 = tpu.memref_slice %arg8[%dma_start3A_43, %dma_start3A_44] : memref<128x128xf32, #tpu.memory_space<vmem>> -> memref<80x128xf32, #tpu.memory_space<vmem>>
            tpu.enqueue_dma source(%dma_start3A_45 : memref<80x128xf32, #tpu.memory_space<vmem>>) target(%dma_start3A_42 : memref<80x128xf32, #tpu.memory_space<hbm>>) target_semaphore(%run_scoped3A : memref<!tpu.dma_semaphore, #tpu.memory_space<semaphore_mem>>)
            %dma_wait3A = arith.constant 0 : i32
            %dma_wait3A_46 = arith.constant 0 : i32
            %dma_wait3A_47 = tpu.memref_slice %arg8[%dma_wait3A, %dma_wait3A_46] : memref<128x128xf32, #tpu.memory_space<vmem>> -> memref<80x128xf32, #tpu.memory_space<vmem>>
            %dma_wait3A_48 = arith.constant 0 : i32
            %dma_wait3A_49 = tpu.memref_slice %arg5[%mul3A_27, %dma_wait3A_48] : memref<10000x128xf32, #tpu.memory_space<hbm>> -> memref<80x128xf32, #tpu.memory_space<hbm>>
            %dma_wait3A_50 = arith.constant 0 : i32
            %dma_wait3A_51 = tpu.memref_slice %arg5[%mul3A_27, %dma_wait3A_50] : memref<10000x128xf32, #tpu.memory_space<hbm>> -> memref<80x128xf32, #tpu.memory_space<hbm>>
            %dma_wait3A_52 = arith.constant 0 : i32
            %dma_wait3A_53 = arith.constant 0 : i32
            %dma_wait3A_54 = tpu.memref_slice %arg8[%dma_wait3A_52, %dma_wait3A_53] : memref<128x128xf32, #tpu.memory_space<vmem>> -> memref<80x128xf32, #tpu.memory_space<vmem>>
            tpu.wait_dma2 semaphore(%run_scoped3A : memref<!tpu.dma_semaphore, #tpu.memory_space<semaphore_mem>>) src(%dma_wait3A_54 : memref<80x128xf32, #tpu.memory_space<vmem>>) dst(%dma_wait3A_51 : memref<80x128xf32, #tpu.memory_space<hbm>>)
            tpu.yield
          }) : () -> ()
        } else {
        }
        %eq3A_32 = arith.constant 1 : i32
        %eq3A_33 = arith.cmpi eq, %arg0, %eq3A_32 : i32
        %convert_element_type3A_34 = arith.extui %eq3A_33 : i1 to i32
        %cond3A_35 = arith.constant 0 : i32
        %cond3A_36 = arith.cmpi ne, %convert_element_type3A_34, %cond3A_35 : i32
        scf.if %cond3A_36 {
          "tpu.region"() ({
            %run_scoped3A = tpu.sem_alloc : memref<!tpu.dma_semaphore, #tpu.memory_space<semaphore_mem>>
            %dma_start3A = arith.constant 0 : i32
            %dma_start3A_37 = arith.constant 0 : i32
            %dma_start3A_38 = tpu.memref_slice %arg8[%dma_start3A, %dma_start3A_37] : memref<128x128xf32, #tpu.memory_space<vmem>> -> memref<80x128xf32, #tpu.memory_space<vmem>>
            %dma_start3A_39 = arith.constant 0 : i32
            %dma_start3A_40 = tpu.memref_slice %arg6[%mul3A_27, %dma_start3A_39] : memref<10000x128xf32, #tpu.memory_space<hbm>> -> memref<80x128xf32, #tpu.memory_space<hbm>>
            %dma_start3A_41 = arith.constant 0 : i32
            %dma_start3A_42 = tpu.memref_slice %arg6[%mul3A_27, %dma_start3A_41] : memref<10000x128xf32, #tpu.memory_space<hbm>> -> memref<80x128xf32, #tpu.memory_space<hbm>>
            %dma_start3A_43 = arith.constant 0 : i32
            %dma_start3A_44 = arith.constant 0 : i32
            %dma_start3A_45 = tpu.memref_slice %arg8[%dma_start3A_43, %dma_start3A_44] : memref<128x128xf32, #tpu.memory_space<vmem>> -> memref<80x128xf32, #tpu.memory_space<vmem>>
            tpu.enqueue_dma source(%dma_start3A_45 : memref<80x128xf32, #tpu.memory_space<vmem>>) target(%dma_start3A_42 : memref<80x128xf32, #tpu.memory_space<hbm>>) target_semaphore(%run_scoped3A : memref<!tpu.dma_semaphore, #tpu.memory_space<semaphore_mem>>)
            %dma_wait3A = arith.constant 0 : i32
            %dma_wait3A_46 = arith.constant 0 : i32
            %dma_wait3A_47 = tpu.memref_slice %arg8[%dma_wait3A, %dma_wait3A_46] : memref<128x128xf32, #tpu.memory_space<vmem>> -> memref<80x128xf32, #tpu.memory_space<vmem>>
            %dma_wait3A_48 = arith.constant 0 : i32
            %dma_wait3A_49 = tpu.memref_slice %arg6[%mul3A_27, %dma_wait3A_48] : memref<10000x128xf32, #tpu.memory_space<hbm>> -> memref<80x128xf32, #tpu.memory_space<hbm>>
            %dma_wait3A_50 = arith.constant 0 : i32
            %dma_wait3A_51 = tpu.memref_slice %arg6[%mul3A_27, %dma_wait3A_50] : memref<10000x128xf32, #tpu.memory_space<hbm>> -> memref<80x128xf32, #tpu.memory_space<hbm>>
            %dma_wait3A_52 = arith.constant 0 : i32
            %dma_wait3A_53 = arith.constant 0 : i32
            %dma_wait3A_54 = tpu.memref_slice %arg8[%dma_wait3A_52, %dma_wait3A_53] : memref<128x128xf32, #tpu.memory_space<vmem>> -> memref<80x128xf32, #tpu.memory_space<vmem>>
            tpu.wait_dma2 semaphore(%run_scoped3A : memref<!tpu.dma_semaphore, #tpu.memory_space<semaphore_mem>>) src(%dma_wait3A_54 : memref<80x128xf32, #tpu.memory_space<vmem>>) dst(%dma_wait3A_51 : memref<80x128xf32, #tpu.memory_space<hbm>>)
            tpu.yield
          }) : () -> ()
        } else {
        }
      } else {
      }
    }
    %scan3A_15 = arith.constant 8 : i32
    return
  }
}

#map = affine_map<(d0, d1) -> (0, 0)>
#map1 = affine_map<(d0, d1) -> (0, 0, 0)>
module attributes {stable_mosaic.version = 14 : i64} {
  func.func @gath(%arg0: i32, %arg1: i32, %arg2: memref<10000x128xf32, #tpu.memory_space<hbm>>, %arg3: memref<2560x128xi32, #tpu.memory_space<hbm>>, %arg4: memref<2560x128x128xf32, #tpu.memory_space<hbm>>, %arg5: memref<2x128xi32, #tpu.memory_space<vmem>>, %arg6: memref<2x128x128xf32, #tpu.memory_space<vmem>>, %arg7: memref<10000x128xf32, #tpu.memory_space<vmem_shared>>, %arg8: memref<!tpu.dma_semaphore, #tpu.memory_space<semaphore_mem>>, %arg9: memref<!tpu.dma_semaphore, #tpu.memory_space<semaphore_mem>>, %arg10: memref<!tpu.dma_semaphore, #tpu.memory_space<semaphore_mem>>) attributes {dimension_semantics = [#tpu.dimension_semantics<core_parallel>, #tpu.dimension_semantics<subcore_parallel>], iteration_bounds = array<i64: 2, 16>, scalar_prefetch = 0 : i64, scratch_operands = 6 : i64, tpu.core_type = #tpu.core_type<sc_vector_subcore>, window_params = [{transform_indices = #map}, {transform_indices = #map}, {transform_indices = #map1}]} {
    %mul3A = arith.constant 16 : i32
    %mul3A_0 = arith.muli %arg0, %mul3A : i32
    %add3A = arith.addi %mul3A_0, %arg1 : i32
    %scan3A = arith.constant 0 : i32
    %scan3A_1 = arith.constant 8 : i32
    %scan3A_2 = arith.addi %scan3A, %scan3A_1 : i32
    %scan3A_3 = arith.constant 1 : i32
    scf.for %scan3A_52 = %scan3A to %scan3A_2 step %scan3A_3  : i32 {
      %mul3A_53 = arith.constant 1 : i32
      %mul3A_54 = arith.muli %scan3A_52, %mul3A_53 : i32
      %add3A_55 = arith.constant 0 : i32
      %add3A_56 = arith.addi %add3A_55, %mul3A_54 : i32
      %mul3A_57 = arith.constant 16 : i32
      %mul3A_58 = arith.muli %mul3A_57, %add3A_56 : i32
      %add3A_59 = arith.addi %arg1, %mul3A_58 : i32
      %lt3A = arith.constant 125 : i32
      %lt3A_60 = arith.cmpi slt, %add3A_59, %lt3A : i32
      %convert_element_type3A = arith.extui %lt3A_60 : i1 to i32
      %cond3A = arith.constant 0 : i32
      %cond3A_61 = arith.cmpi ne, %convert_element_type3A, %cond3A : i32
      scf.if %cond3A_61 {
        %mul3A_62 = arith.constant 80 : i32
        %mul3A_63 = arith.muli %add3A_59, %mul3A_62 : i32
        %mul3A_64 = arith.constant 80 : i32
        %mul3A_65 = arith.muli %add3A_59, %mul3A_64 : i32
        "tpu.region"() ({
          %run_scoped3A = tpu.sem_alloc : memref<!tpu.dma_semaphore, #tpu.memory_space<semaphore_mem>>
          %dma_start3A_66 = arith.constant 0 : i32
          %dma_start3A_67 = tpu.memref_slice %arg7[%mul3A_65, %dma_start3A_66] : memref<10000x128xf32, #tpu.memory_space<vmem_shared>> -> memref<80x128xf32, #tpu.memory_space<vmem_shared>>
          %dma_start3A_68 = arith.constant 0 : i32
          %dma_start3A_69 = tpu.memref_slice %arg2[%mul3A_63, %dma_start3A_68] : memref<10000x128xf32, #tpu.memory_space<hbm>> -> memref<80x128xf32, #tpu.memory_space<hbm>>
          tpu.enqueue_dma source(%dma_start3A_69 : memref<80x128xf32, #tpu.memory_space<hbm>>) target(%dma_start3A_67 : memref<80x128xf32, #tpu.memory_space<vmem_shared>>) target_semaphore(%run_scoped3A : memref<!tpu.dma_semaphore, #tpu.memory_space<semaphore_mem>>)
          %dma_wait3A_70 = arith.constant 0 : i32
          %dma_wait3A_71 = tpu.memref_slice %arg7[%mul3A_65, %dma_wait3A_70] : memref<10000x128xf32, #tpu.memory_space<vmem_shared>> -> memref<80x128xf32, #tpu.memory_space<vmem_shared>>
          %dma_wait3A_72 = arith.constant 0 : i32
          %dma_wait3A_73 = tpu.memref_slice %arg2[%mul3A_63, %dma_wait3A_72] : memref<10000x128xf32, #tpu.memory_space<hbm>> -> memref<80x128xf32, #tpu.memory_space<hbm>>
          tpu.wait_dma2 semaphore(%run_scoped3A : memref<!tpu.dma_semaphore, #tpu.memory_space<semaphore_mem>>) src(%dma_wait3A_73 : memref<80x128xf32, #tpu.memory_space<hbm>>) dst(%dma_wait3A_71 : memref<80x128xf32, #tpu.memory_space<vmem_shared>>)
          tpu.yield
        }) : () -> ()
      } else {
      }
    }
    %scan3A_4 = arith.constant 8 : i32
    %barrier3A = arith.constant 0 : index
    tpu.barrier barrier_id(%barrier3A)
    %add3A_5 = arith.constant 0 : i32
    %add3A_6 = arith.addi %add3A_5, %add3A : i32
    %dma_start3A = arith.constant 0 : i32
    %dma_start3A_7 = arith.constant 0 : i32
    %dma_start3A_8 = tpu.memref_slice %arg5[%dma_start3A, %dma_start3A_7] : memref<2x128xi32, #tpu.memory_space<vmem>> -> memref<1x128xi32, #tpu.memory_space<vmem>>
    %dma_start3A_9 = arith.constant 0 : i32
    %dma_start3A_10 = tpu.memref_slice %arg3[%add3A_6, %dma_start3A_9] : memref<2560x128xi32, #tpu.memory_space<hbm>> -> memref<1x128xi32, #tpu.memory_space<hbm>>
    %dma_start3A_11 = arith.constant 0 : i32
    %dma_start3A_12 = arith.constant 0 : i32
    %dma_start3A_13 = tpu.memref_slice %arg5[%dma_start3A_11, %dma_start3A_12] : memref<2x128xi32, #tpu.memory_space<vmem>> -> memref<1x128xi32, #tpu.memory_space<vmem>>
    %dma_start3A_14 = arith.constant 0 : i32
    %dma_start3A_15 = tpu.memref_slice %arg3[%add3A_6, %dma_start3A_14] : memref<2560x128xi32, #tpu.memory_space<hbm>> -> memref<1x128xi32, #tpu.memory_space<hbm>>
    tpu.enqueue_dma source(%dma_start3A_15 : memref<1x128xi32, #tpu.memory_space<hbm>>) target(%dma_start3A_13 : memref<1x128xi32, #tpu.memory_space<vmem>>) target_semaphore(%arg8 : memref<!tpu.dma_semaphore, #tpu.memory_space<semaphore_mem>>)
    %scan3A_16 = arith.constant 0 : i32
    %scan3A_17 = arith.constant 80 : i32
    %scan3A_18 = arith.addi %scan3A_16, %scan3A_17 : i32
    %scan3A_19 = arith.constant 1 : i32
    scf.for %scan3A_52 = %scan3A_16 to %scan3A_18 step %scan3A_19  : i32 {
      %mul3A_53 = arith.constant 1 : i32
      %mul3A_54 = arith.muli %scan3A_52, %mul3A_53 : i32
      %add3A_55 = arith.constant 0 : i32
      %add3A_56 = arith.addi %add3A_55, %mul3A_54 : i32
      %rem3A = arith.constant 2 : i32
      %rem3A_57 = arith.remsi %add3A_56, %rem3A : i32
      %add3A_58 = arith.constant 1 : i32
      %add3A_59 = arith.addi %add3A_56, %add3A_58 : i32
      %rem3A_60 = arith.constant 2 : i32
      %rem3A_61 = arith.remsi %add3A_59, %rem3A_60 : i32
      %add3A_62 = arith.constant 1 : i32
      %add3A_63 = arith.addi %add3A_56, %add3A_62 : i32
      %lt3A = arith.constant 80 : i32
      %lt3A_64 = arith.cmpi slt, %add3A_63, %lt3A : i32
      %convert_element_type3A = arith.extui %lt3A_64 : i1 to i32
      %cond3A = arith.constant 0 : i32
      %cond3A_65 = arith.cmpi ne, %convert_element_type3A, %cond3A : i32
      scf.if %cond3A_65 {
        %add3A_116 = arith.constant 1 : i32
        %add3A_117 = arith.addi %add3A_56, %add3A_116 : i32
        %mul3A_118 = arith.constant 32 : i32
        %mul3A_119 = arith.muli %add3A_117, %mul3A_118 : i32
        %add3A_120 = arith.addi %mul3A_119, %add3A : i32
        %dma_start3A_121 = arith.constant 0 : i32
        %dma_start3A_122 = tpu.memref_slice %arg5[%rem3A_61, %dma_start3A_121] : memref<2x128xi32, #tpu.memory_space<vmem>> -> memref<1x128xi32, #tpu.memory_space<vmem>>
        %dma_start3A_123 = arith.constant 0 : i32
        %dma_start3A_124 = tpu.memref_slice %arg3[%add3A_120, %dma_start3A_123] : memref<2560x128xi32, #tpu.memory_space<hbm>> -> memref<1x128xi32, #tpu.memory_space<hbm>>
        %dma_start3A_125 = arith.constant 0 : i32
        %dma_start3A_126 = tpu.memref_slice %arg5[%rem3A_61, %dma_start3A_125] : memref<2x128xi32, #tpu.memory_space<vmem>> -> memref<1x128xi32, #tpu.memory_space<vmem>>
        %dma_start3A_127 = arith.constant 0 : i32
        %dma_start3A_128 = tpu.memref_slice %arg3[%add3A_120, %dma_start3A_127] : memref<2560x128xi32, #tpu.memory_space<hbm>> -> memref<1x128xi32, #tpu.memory_space<hbm>>
        tpu.enqueue_dma source(%dma_start3A_128 : memref<1x128xi32, #tpu.memory_space<hbm>>) target(%dma_start3A_126 : memref<1x128xi32, #tpu.memory_space<vmem>>) target_semaphore(%arg8 : memref<!tpu.dma_semaphore, #tpu.memory_space<semaphore_mem>>)
      } else {
      }
      %mul3A_66 = arith.constant 32 : i32
      %mul3A_67 = arith.muli %add3A_56, %mul3A_66 : i32
      %add3A_68 = arith.addi %mul3A_67, %add3A : i32
      %dma_wait3A_69 = arith.constant 0 : i32
      %dma_wait3A_70 = tpu.memref_slice %arg5[%rem3A_57, %dma_wait3A_69] : memref<2x128xi32, #tpu.memory_space<vmem>> -> memref<1x128xi32, #tpu.memory_space<vmem>>
      %dma_wait3A_71 = arith.constant 0 : i32
      %dma_wait3A_72 = tpu.memref_slice %arg3[%add3A_68, %dma_wait3A_71] : memref<2560x128xi32, #tpu.memory_space<hbm>> -> memref<1x128xi32, #tpu.memory_space<hbm>>
      %dma_wait3A_73 = arith.constant 0 : i32
      %dma_wait3A_74 = tpu.memref_slice %arg5[%rem3A_57, %dma_wait3A_73] : memref<2x128xi32, #tpu.memory_space<vmem>> -> memref<1x128xi32, #tpu.memory_space<vmem>>
      %dma_wait3A_75 = arith.constant 0 : i32
      %dma_wait3A_76 = tpu.memref_slice %arg3[%add3A_68, %dma_wait3A_75] : memref<2560x128xi32, #tpu.memory_space<hbm>> -> memref<1x128xi32, #tpu.memory_space<hbm>>
      tpu.wait_dma2 semaphore(%arg8 : memref<!tpu.dma_semaphore, #tpu.memory_space<semaphore_mem>>) src(%dma_wait3A_76 : memref<1x128xi32, #tpu.memory_space<hbm>>) dst(%dma_wait3A_74 : memref<1x128xi32, #tpu.memory_space<vmem>>)
      %ge3A = arith.constant 2 : i32
      %ge3A_77 = arith.cmpi sge, %add3A_56, %ge3A : i32
      %convert_element_type3A_78 = arith.extui %ge3A_77 : i1 to i32
      %cond3A_79 = arith.constant 0 : i32
      %cond3A_80 = arith.cmpi ne, %convert_element_type3A_78, %cond3A_79 : i32
      scf.if %cond3A_80 {
        %sub3A = arith.constant 2 : i32
        %sub3A_116 = arith.subi %add3A_56, %sub3A : i32
        %mul3A_117 = arith.constant 32 : i32
        %mul3A_118 = arith.muli %sub3A_116, %mul3A_117 : i32
        %add3A_119 = arith.addi %mul3A_118, %add3A : i32
        %dma_wait3A_120 = arith.constant 0 : i32
        %dma_wait3A_121 = arith.constant 0 : i32
        %dma_wait3A_122 = tpu.memref_slice %arg6[%rem3A_57, %dma_wait3A_120, %dma_wait3A_121] : memref<2x128x128xf32, #tpu.memory_space<vmem>> -> memref<1x128x128xf32, #tpu.memory_space<vmem>>
        %dma_wait3A_123 = arith.constant 0 : i32
        %dma_wait3A_124 = arith.constant 0 : i32
        %dma_wait3A_125 = tpu.memref_slice %arg4[%add3A_119, %dma_wait3A_123, %dma_wait3A_124] : memref<2560x128x128xf32, #tpu.memory_space<hbm>> -> memref<1x128x128xf32, #tpu.memory_space<hbm>>
        %dma_wait3A_126 = arith.constant 0 : i32
        %dma_wait3A_127 = arith.constant 0 : i32
        %dma_wait3A_128 = tpu.memref_slice %arg4[%add3A_119, %dma_wait3A_126, %dma_wait3A_127] : memref<2560x128x128xf32, #tpu.memory_space<hbm>> -> memref<1x128x128xf32, #tpu.memory_space<hbm>>
        %dma_wait3A_129 = arith.constant 0 : i32
        %dma_wait3A_130 = arith.constant 0 : i32
        %dma_wait3A_131 = tpu.memref_slice %arg6[%rem3A_57, %dma_wait3A_129, %dma_wait3A_130] : memref<2x128x128xf32, #tpu.memory_space<vmem>> -> memref<1x128x128xf32, #tpu.memory_space<vmem>>
        tpu.wait_dma2 semaphore(%arg10 : memref<!tpu.dma_semaphore, #tpu.memory_space<semaphore_mem>>) src(%dma_wait3A_131 : memref<1x128x128xf32, #tpu.memory_space<vmem>>) dst(%dma_wait3A_128 : memref<1x128x128xf32, #tpu.memory_space<hbm>>)
      } else {
      }
      %dma_start3A_81 = arith.constant 0 : i32
      %dma_start3A_82 = arith.constant 0 : i32
      %dma_start3A_83 = tpu.memref_slice %arg6[%rem3A_57, %dma_start3A_81, %dma_start3A_82] : memref<2x128x128xf32, #tpu.memory_space<vmem>> -> memref<1x128x128xf32, #tpu.memory_space<vmem>>
      %dma_start3A_84 = tpu.memref_squeeze %dma_start3A_83 : memref<1x128x128xf32, #tpu.memory_space<vmem>> -> memref<128x128xf32, #tpu.memory_space<vmem>>
      %dma_start3A_85 = arith.constant 0 : i32
      %dma_start3A_86 = tpu.memref_slice %arg5[%rem3A_57, %dma_start3A_85] : memref<2x128xi32, #tpu.memory_space<vmem>> -> memref<1x128xi32, #tpu.memory_space<vmem>>
      %dma_start3A_87 = tpu.memref_squeeze %dma_start3A_86 : memref<1x128xi32, #tpu.memory_space<vmem>> -> memref<128xi32, #tpu.memory_space<vmem>>
      %dma_start3A_88 = arith.constant 0 : i32
      %dma_start3A_89 = arith.constant 0 : i32
      %dma_start3A_90 = tpu.memref_slice %arg7[%dma_start3A_88, %dma_start3A_89] : memref<10000x128xf32, #tpu.memory_space<vmem_shared>> -> memref<10000x128xf32, #tpu.memory_space<vmem_shared>>
      tpu.enqueue_indirect_dma source(%dma_start3A_90 : memref<10000x128xf32, #tpu.memory_space<vmem_shared>>) target(%dma_start3A_84 : memref<128x128xf32, #tpu.memory_space<vmem>>) offsets(%dma_start3A_87 : memref<128xi32, #tpu.memory_space<vmem>>) semaphore(%arg9 : memref<!tpu.dma_semaphore, #tpu.memory_space<semaphore_mem>>)
      %dma_wait3A_91 = arith.constant 0 : i32
      %dma_wait3A_92 = arith.constant 0 : i32
      %dma_wait3A_93 = tpu.memref_slice %arg6[%rem3A_57, %dma_wait3A_91, %dma_wait3A_92] : memref<2x128x128xf32, #tpu.memory_space<vmem>> -> memref<1x128x128xf32, #tpu.memory_space<vmem>>
      %dma_wait3A_94 = tpu.memref_squeeze %dma_wait3A_93 : memref<1x128x128xf32, #tpu.memory_space<vmem>> -> memref<128x128xf32, #tpu.memory_space<vmem>>
      %dma_wait3A_95 = arith.constant 0 : i32
      %dma_wait3A_96 = tpu.memref_slice %arg5[%rem3A_57, %dma_wait3A_95] : memref<2x128xi32, #tpu.memory_space<vmem>> -> memref<1x128xi32, #tpu.memory_space<vmem>>
      %dma_wait3A_97 = tpu.memref_squeeze %dma_wait3A_96 : memref<1x128xi32, #tpu.memory_space<vmem>> -> memref<128xi32, #tpu.memory_space<vmem>>
      %dma_wait3A_98 = arith.constant 0 : i32
      %dma_wait3A_99 = arith.constant 0 : i32
      %dma_wait3A_100 = tpu.memref_slice %arg7[%dma_wait3A_98, %dma_wait3A_99] : memref<10000x128xf32, #tpu.memory_space<vmem_shared>> -> memref<10000x128xf32, #tpu.memory_space<vmem_shared>>
      tpu.wait_indirect_dma semaphore(%arg9 : memref<!tpu.dma_semaphore, #tpu.memory_space<semaphore_mem>>) src(%dma_wait3A_100 : memref<10000x128xf32, #tpu.memory_space<vmem_shared>>) dst(%dma_wait3A_94 : memref<128x128xf32, #tpu.memory_space<vmem>>)
      %mul3A_101 = arith.constant 32 : i32
      %mul3A_102 = arith.muli %add3A_56, %mul3A_101 : i32
      %add3A_103 = arith.addi %mul3A_102, %add3A : i32
      %dma_start3A_104 = arith.constant 0 : i32
      %dma_start3A_105 = arith.constant 0 : i32
      %dma_start3A_106 = tpu.memref_slice %arg6[%rem3A_57, %dma_start3A_104, %dma_start3A_105] : memref<2x128x128xf32, #tpu.memory_space<vmem>> -> memref<1x128x128xf32, #tpu.memory_space<vmem>>
      %dma_start3A_107 = arith.constant 0 : i32
      %dma_start3A_108 = arith.constant 0 : i32
      %dma_start3A_109 = tpu.memref_slice %arg4[%add3A_103, %dma_start3A_107, %dma_start3A_108] : memref<2560x128x128xf32, #tpu.memory_space<hbm>> -> memref<1x128x128xf32, #tpu.memory_space<hbm>>
      %dma_start3A_110 = arith.constant 0 : i32
      %dma_start3A_111 = arith.constant 0 : i32
      %dma_start3A_112 = tpu.memref_slice %arg4[%add3A_103, %dma_start3A_110, %dma_start3A_111] : memref<2560x128x128xf32, #tpu.memory_space<hbm>> -> memref<1x128x128xf32, #tpu.memory_space<hbm>>
      %dma_start3A_113 = arith.constant 0 : i32
      %dma_start3A_114 = arith.constant 0 : i32
      %dma_start3A_115 = tpu.memref_slice %arg6[%rem3A_57, %dma_start3A_113, %dma_start3A_114] : memref<2x128x128xf32, #tpu.memory_space<vmem>> -> memref<1x128x128xf32, #tpu.memory_space<vmem>>
      tpu.enqueue_dma source(%dma_start3A_115 : memref<1x128x128xf32, #tpu.memory_space<vmem>>) target(%dma_start3A_112 : memref<1x128x128xf32, #tpu.memory_space<hbm>>) target_semaphore(%arg10 : memref<!tpu.dma_semaphore, #tpu.memory_space<semaphore_mem>>)
    }
    %scan3A_20 = arith.constant 80 : i32
    %add3A_21 = arith.constant 2496 : i32
    %add3A_22 = arith.addi %add3A_21, %add3A : i32
    %dma_wait3A = arith.constant 0 : i32
    %dma_wait3A_23 = arith.constant 0 : i32
    %dma_wait3A_24 = arith.constant 0 : i32
    %dma_wait3A_25 = tpu.memref_slice %arg6[%dma_wait3A, %dma_wait3A_23, %dma_wait3A_24] : memref<2x128x128xf32, #tpu.memory_space<vmem>> -> memref<1x128x128xf32, #tpu.memory_space<vmem>>
    %dma_wait3A_26 = arith.constant 0 : i32
    %dma_wait3A_27 = arith.constant 0 : i32
    %dma_wait3A_28 = tpu.memref_slice %arg4[%add3A_22, %dma_wait3A_26, %dma_wait3A_27] : memref<2560x128x128xf32, #tpu.memory_space<hbm>> -> memref<1x128x128xf32, #tpu.memory_space<hbm>>
    %dma_wait3A_29 = arith.constant 0 : i32
    %dma_wait3A_30 = arith.constant 0 : i32
    %dma_wait3A_31 = tpu.memref_slice %arg4[%add3A_22, %dma_wait3A_29, %dma_wait3A_30] : memref<2560x128x128xf32, #tpu.memory_space<hbm>> -> memref<1x128x128xf32, #tpu.memory_space<hbm>>
    %dma_wait3A_32 = arith.constant 0 : i32
    %dma_wait3A_33 = arith.constant 0 : i32
    %dma_wait3A_34 = arith.constant 0 : i32
    %dma_wait3A_35 = tpu.memref_slice %arg6[%dma_wait3A_32, %dma_wait3A_33, %dma_wait3A_34] : memref<2x128x128xf32, #tpu.memory_space<vmem>> -> memref<1x128x128xf32, #tpu.memory_space<vmem>>
    tpu.wait_dma2 semaphore(%arg10 : memref<!tpu.dma_semaphore, #tpu.memory_space<semaphore_mem>>) src(%dma_wait3A_35 : memref<1x128x128xf32, #tpu.memory_space<vmem>>) dst(%dma_wait3A_31 : memref<1x128x128xf32, #tpu.memory_space<hbm>>)
    %add3A_36 = arith.constant 2528 : i32
    %add3A_37 = arith.addi %add3A_36, %add3A : i32
    %dma_wait3A_38 = arith.constant 1 : i32
    %dma_wait3A_39 = arith.constant 0 : i32
    %dma_wait3A_40 = arith.constant 0 : i32
    %dma_wait3A_41 = tpu.memref_slice %arg6[%dma_wait3A_38, %dma_wait3A_39, %dma_wait3A_40] : memref<2x128x128xf32, #tpu.memory_space<vmem>> -> memref<1x128x128xf32, #tpu.memory_space<vmem>>
    %dma_wait3A_42 = arith.constant 0 : i32
    %dma_wait3A_43 = arith.constant 0 : i32
    %dma_wait3A_44 = tpu.memref_slice %arg4[%add3A_37, %dma_wait3A_42, %dma_wait3A_43] : memref<2560x128x128xf32, #tpu.memory_space<hbm>> -> memref<1x128x128xf32, #tpu.memory_space<hbm>>
    %dma_wait3A_45 = arith.constant 0 : i32
    %dma_wait3A_46 = arith.constant 0 : i32
    %dma_wait3A_47 = tpu.memref_slice %arg4[%add3A_37, %dma_wait3A_45, %dma_wait3A_46] : memref<2560x128x128xf32, #tpu.memory_space<hbm>> -> memref<1x128x128xf32, #tpu.memory_space<hbm>>
    %dma_wait3A_48 = arith.constant 1 : i32
    %dma_wait3A_49 = arith.constant 0 : i32
    %dma_wait3A_50 = arith.constant 0 : i32
    %dma_wait3A_51 = tpu.memref_slice %arg6[%dma_wait3A_48, %dma_wait3A_49, %dma_wait3A_50] : memref<2x128x128xf32, #tpu.memory_space<vmem>> -> memref<1x128x128xf32, #tpu.memory_space<vmem>>
    tpu.wait_dma2 semaphore(%arg10 : memref<!tpu.dma_semaphore, #tpu.memory_space<semaphore_mem>>) src(%dma_wait3A_51 : memref<1x128x128xf32, #tpu.memory_space<vmem>>) dst(%dma_wait3A_47 : memref<1x128x128xf32, #tpu.memory_space<hbm>>)
    return
  }
}

#map = affine_map<(d0, d1) -> (0, 0)>
#map1 = affine_map<(d0, d1) -> (0, 0, 0)>
module attributes {stable_mosaic.version = 14 : i64} {
  func.func @gath(%arg0: i32, %arg1: i32, %arg2: memref<10000x128xf32, #tpu.memory_space<hbm>>, %arg3: memref<2560x128xi32, #tpu.memory_space<hbm>>, %arg4: memref<2560x128x128xf32, #tpu.memory_space<hbm>>, %arg5: memref<2x128xi32, #tpu.memory_space<vmem>>, %arg6: memref<2x128x128xf32, #tpu.memory_space<vmem>>, %arg7: memref<10000x128xf32, #tpu.memory_space<vmem_shared>>, %arg8: memref<!tpu.dma_semaphore, #tpu.memory_space<semaphore_mem>>, %arg9: memref<!tpu.dma_semaphore, #tpu.memory_space<semaphore_mem>>, %arg10: memref<!tpu.dma_semaphore, #tpu.memory_space<semaphore_mem>>) attributes {dimension_semantics = [#tpu.dimension_semantics<core_parallel>, #tpu.dimension_semantics<subcore_parallel>], iteration_bounds = array<i64: 2, 16>, scalar_prefetch = 0 : i64, scratch_operands = 6 : i64, tpu.core_type = #tpu.core_type<sc_vector_subcore>, window_params = [{transform_indices = #map}, {transform_indices = #map}, {transform_indices = #map1}]} {
    %mul3A = arith.constant 16 : i32
    %mul3A_0 = arith.muli %arg0, %mul3A : i32
    %add3A = arith.addi %mul3A_0, %arg1 : i32
    %scan3A = arith.constant 0 : i32
    %scan3A_1 = arith.constant 8 : i32
    %scan3A_2 = arith.addi %scan3A, %scan3A_1 : i32
    %scan3A_3 = arith.constant 1 : i32
    scf.for %scan3A_52 = %scan3A to %scan3A_2 step %scan3A_3  : i32 {
      %mul3A_53 = arith.constant 1 : i32
      %mul3A_54 = arith.muli %scan3A_52, %mul3A_53 : i32
      %add3A_55 = arith.constant 0 : i32
      %add3A_56 = arith.addi %add3A_55, %mul3A_54 : i32
      %mul3A_57 = arith.constant 16 : i32
      %mul3A_58 = arith.muli %mul3A_57, %add3A_56 : i32
      %add3A_59 = arith.addi %arg1, %mul3A_58 : i32
      %lt3A = arith.constant 125 : i32
      %lt3A_60 = arith.cmpi slt, %add3A_59, %lt3A : i32
      %convert_element_type3A = arith.extui %lt3A_60 : i1 to i32
      %cond3A = arith.constant 0 : i32
      %cond3A_61 = arith.cmpi ne, %convert_element_type3A, %cond3A : i32
      scf.if %cond3A_61 {
        %mul3A_62 = arith.constant 80 : i32
        %mul3A_63 = arith.muli %add3A_59, %mul3A_62 : i32
        %mul3A_64 = arith.constant 80 : i32
        %mul3A_65 = arith.muli %add3A_59, %mul3A_64 : i32
        "tpu.region"() ({
          %run_scoped3A = tpu.sem_alloc : memref<!tpu.dma_semaphore, #tpu.memory_space<semaphore_mem>>
          %dma_start3A_66 = arith.constant 0 : i32
          %dma_start3A_67 = tpu.memref_slice %arg7[%mul3A_65, %dma_start3A_66] : memref<10000x128xf32, #tpu.memory_space<vmem_shared>> -> memref<80x128xf32, #tpu.memory_space<vmem_shared>>
          %dma_start3A_68 = arith.constant 0 : i32
          %dma_start3A_69 = tpu.memref_slice %arg2[%mul3A_63, %dma_start3A_68] : memref<10000x128xf32, #tpu.memory_space<hbm>> -> memref<80x128xf32, #tpu.memory_space<hbm>>
          tpu.enqueue_dma source(%dma_start3A_69 : memref<80x128xf32, #tpu.memory_space<hbm>>) target(%dma_start3A_67 : memref<80x128xf32, #tpu.memory_space<vmem_shared>>) target_semaphore(%run_scoped3A : memref<!tpu.dma_semaphore, #tpu.memory_space<semaphore_mem>>)
          %dma_wait3A_70 = arith.constant 0 : i32
          %dma_wait3A_71 = tpu.memref_slice %arg7[%mul3A_65, %dma_wait3A_70] : memref<10000x128xf32, #tpu.memory_space<vmem_shared>> -> memref<80x128xf32, #tpu.memory_space<vmem_shared>>
          %dma_wait3A_72 = arith.constant 0 : i32
          %dma_wait3A_73 = tpu.memref_slice %arg2[%mul3A_63, %dma_wait3A_72] : memref<10000x128xf32, #tpu.memory_space<hbm>> -> memref<80x128xf32, #tpu.memory_space<hbm>>
          tpu.wait_dma2 semaphore(%run_scoped3A : memref<!tpu.dma_semaphore, #tpu.memory_space<semaphore_mem>>) src(%dma_wait3A_73 : memref<80x128xf32, #tpu.memory_space<hbm>>) dst(%dma_wait3A_71 : memref<80x128xf32, #tpu.memory_space<vmem_shared>>)
          tpu.yield
        }) : () -> ()
      } else {
      }
    }
    %scan3A_4 = arith.constant 8 : i32
    %barrier3A = arith.constant 0 : index
    tpu.barrier barrier_id(%barrier3A)
    %add3A_5 = arith.constant 0 : i32
    %add3A_6 = arith.addi %add3A_5, %add3A : i32
    %dma_start3A = arith.constant 0 : i32
    %dma_start3A_7 = arith.constant 0 : i32
    %dma_start3A_8 = tpu.memref_slice %arg5[%dma_start3A, %dma_start3A_7] : memref<2x128xi32, #tpu.memory_space<vmem>> -> memref<1x128xi32, #tpu.memory_space<vmem>>
    %dma_start3A_9 = arith.constant 0 : i32
    %dma_start3A_10 = tpu.memref_slice %arg3[%add3A_6, %dma_start3A_9] : memref<2560x128xi32, #tpu.memory_space<hbm>> -> memref<1x128xi32, #tpu.memory_space<hbm>>
    %dma_start3A_11 = arith.constant 0 : i32
    %dma_start3A_12 = arith.constant 0 : i32
    %dma_start3A_13 = tpu.memref_slice %arg5[%dma_start3A_11, %dma_start3A_12] : memref<2x128xi32, #tpu.memory_space<vmem>> -> memref<1x128xi32, #tpu.memory_space<vmem>>
    %dma_start3A_14 = arith.constant 0 : i32
    %dma_start3A_15 = tpu.memref_slice %arg3[%add3A_6, %dma_start3A_14] : memref<2560x128xi32, #tpu.memory_space<hbm>> -> memref<1x128xi32, #tpu.memory_space<hbm>>
    tpu.enqueue_dma source(%dma_start3A_15 : memref<1x128xi32, #tpu.memory_space<hbm>>) target(%dma_start3A_13 : memref<1x128xi32, #tpu.memory_space<vmem>>) target_semaphore(%arg8 : memref<!tpu.dma_semaphore, #tpu.memory_space<semaphore_mem>>)
    %scan3A_16 = arith.constant 0 : i32
    %scan3A_17 = arith.constant 80 : i32
    %scan3A_18 = arith.addi %scan3A_16, %scan3A_17 : i32
    %scan3A_19 = arith.constant 1 : i32
    scf.for %scan3A_52 = %scan3A_16 to %scan3A_18 step %scan3A_19  : i32 {
      %mul3A_53 = arith.constant 1 : i32
      %mul3A_54 = arith.muli %scan3A_52, %mul3A_53 : i32
      %add3A_55 = arith.constant 0 : i32
      %add3A_56 = arith.addi %add3A_55, %mul3A_54 : i32
      %rem3A = arith.constant 2 : i32
      %rem3A_57 = arith.remsi %add3A_56, %rem3A : i32
      %add3A_58 = arith.constant 1 : i32
      %add3A_59 = arith.addi %add3A_56, %add3A_58 : i32
      %rem3A_60 = arith.constant 2 : i32
      %rem3A_61 = arith.remsi %add3A_59, %rem3A_60 : i32
      %add3A_62 = arith.constant 1 : i32
      %add3A_63 = arith.addi %add3A_56, %add3A_62 : i32
      %lt3A = arith.constant 80 : i32
      %lt3A_64 = arith.cmpi slt, %add3A_63, %lt3A : i32
      %convert_element_type3A = arith.extui %lt3A_64 : i1 to i32
      %cond3A = arith.constant 0 : i32
      %cond3A_65 = arith.cmpi ne, %convert_element_type3A, %cond3A : i32
      scf.if %cond3A_65 {
        %add3A_116 = arith.constant 1 : i32
        %add3A_117 = arith.addi %add3A_56, %add3A_116 : i32
        %mul3A_118 = arith.constant 32 : i32
        %mul3A_119 = arith.muli %add3A_117, %mul3A_118 : i32
        %add3A_120 = arith.addi %mul3A_119, %add3A : i32
        %dma_start3A_121 = arith.constant 0 : i32
        %dma_start3A_122 = tpu.memref_slice %arg5[%rem3A_61, %dma_start3A_121] : memref<2x128xi32, #tpu.memory_space<vmem>> -> memref<1x128xi32, #tpu.memory_space<vmem>>
        %dma_start3A_123 = arith.constant 0 : i32
        %dma_start3A_124 = tpu.memref_slice %arg3[%add3A_120, %dma_start3A_123] : memref<2560x128xi32, #tpu.memory_space<hbm>> -> memref<1x128xi32, #tpu.memory_space<hbm>>
        %dma_start3A_125 = arith.constant 0 : i32
        %dma_start3A_126 = tpu.memref_slice %arg5[%rem3A_61, %dma_start3A_125] : memref<2x128xi32, #tpu.memory_space<vmem>> -> memref<1x128xi32, #tpu.memory_space<vmem>>
        %dma_start3A_127 = arith.constant 0 : i32
        %dma_start3A_128 = tpu.memref_slice %arg3[%add3A_120, %dma_start3A_127] : memref<2560x128xi32, #tpu.memory_space<hbm>> -> memref<1x128xi32, #tpu.memory_space<hbm>>
        tpu.enqueue_dma source(%dma_start3A_128 : memref<1x128xi32, #tpu.memory_space<hbm>>) target(%dma_start3A_126 : memref<1x128xi32, #tpu.memory_space<vmem>>) target_semaphore(%arg8 : memref<!tpu.dma_semaphore, #tpu.memory_space<semaphore_mem>>)
      } else {
      }
      %mul3A_66 = arith.constant 32 : i32
      %mul3A_67 = arith.muli %add3A_56, %mul3A_66 : i32
      %add3A_68 = arith.addi %mul3A_67, %add3A : i32
      %dma_wait3A_69 = arith.constant 0 : i32
      %dma_wait3A_70 = tpu.memref_slice %arg5[%rem3A_57, %dma_wait3A_69] : memref<2x128xi32, #tpu.memory_space<vmem>> -> memref<1x128xi32, #tpu.memory_space<vmem>>
      %dma_wait3A_71 = arith.constant 0 : i32
      %dma_wait3A_72 = tpu.memref_slice %arg3[%add3A_68, %dma_wait3A_71] : memref<2560x128xi32, #tpu.memory_space<hbm>> -> memref<1x128xi32, #tpu.memory_space<hbm>>
      %dma_wait3A_73 = arith.constant 0 : i32
      %dma_wait3A_74 = tpu.memref_slice %arg5[%rem3A_57, %dma_wait3A_73] : memref<2x128xi32, #tpu.memory_space<vmem>> -> memref<1x128xi32, #tpu.memory_space<vmem>>
      %dma_wait3A_75 = arith.constant 0 : i32
      %dma_wait3A_76 = tpu.memref_slice %arg3[%add3A_68, %dma_wait3A_75] : memref<2560x128xi32, #tpu.memory_space<hbm>> -> memref<1x128xi32, #tpu.memory_space<hbm>>
      tpu.wait_dma2 semaphore(%arg8 : memref<!tpu.dma_semaphore, #tpu.memory_space<semaphore_mem>>) src(%dma_wait3A_76 : memref<1x128xi32, #tpu.memory_space<hbm>>) dst(%dma_wait3A_74 : memref<1x128xi32, #tpu.memory_space<vmem>>)
      %ge3A = arith.constant 2 : i32
      %ge3A_77 = arith.cmpi sge, %add3A_56, %ge3A : i32
      %convert_element_type3A_78 = arith.extui %ge3A_77 : i1 to i32
      %cond3A_79 = arith.constant 0 : i32
      %cond3A_80 = arith.cmpi ne, %convert_element_type3A_78, %cond3A_79 : i32
      scf.if %cond3A_80 {
        %sub3A = arith.constant 2 : i32
        %sub3A_116 = arith.subi %add3A_56, %sub3A : i32
        %mul3A_117 = arith.constant 32 : i32
        %mul3A_118 = arith.muli %sub3A_116, %mul3A_117 : i32
        %add3A_119 = arith.addi %mul3A_118, %add3A : i32
        %dma_wait3A_120 = arith.constant 0 : i32
        %dma_wait3A_121 = arith.constant 0 : i32
        %dma_wait3A_122 = tpu.memref_slice %arg6[%rem3A_57, %dma_wait3A_120, %dma_wait3A_121] : memref<2x128x128xf32, #tpu.memory_space<vmem>> -> memref<1x128x128xf32, #tpu.memory_space<vmem>>
        %dma_wait3A_123 = arith.constant 0 : i32
        %dma_wait3A_124 = arith.constant 0 : i32
        %dma_wait3A_125 = tpu.memref_slice %arg4[%add3A_119, %dma_wait3A_123, %dma_wait3A_124] : memref<2560x128x128xf32, #tpu.memory_space<hbm>> -> memref<1x128x128xf32, #tpu.memory_space<hbm>>
        %dma_wait3A_126 = arith.constant 0 : i32
        %dma_wait3A_127 = arith.constant 0 : i32
        %dma_wait3A_128 = tpu.memref_slice %arg4[%add3A_119, %dma_wait3A_126, %dma_wait3A_127] : memref<2560x128x128xf32, #tpu.memory_space<hbm>> -> memref<1x128x128xf32, #tpu.memory_space<hbm>>
        %dma_wait3A_129 = arith.constant 0 : i32
        %dma_wait3A_130 = arith.constant 0 : i32
        %dma_wait3A_131 = tpu.memref_slice %arg6[%rem3A_57, %dma_wait3A_129, %dma_wait3A_130] : memref<2x128x128xf32, #tpu.memory_space<vmem>> -> memref<1x128x128xf32, #tpu.memory_space<vmem>>
        tpu.wait_dma2 semaphore(%arg10 : memref<!tpu.dma_semaphore, #tpu.memory_space<semaphore_mem>>) src(%dma_wait3A_131 : memref<1x128x128xf32, #tpu.memory_space<vmem>>) dst(%dma_wait3A_128 : memref<1x128x128xf32, #tpu.memory_space<hbm>>)
      } else {
      }
      %dma_start3A_81 = arith.constant 0 : i32
      %dma_start3A_82 = arith.constant 0 : i32
      %dma_start3A_83 = tpu.memref_slice %arg6[%rem3A_57, %dma_start3A_81, %dma_start3A_82] : memref<2x128x128xf32, #tpu.memory_space<vmem>> -> memref<1x128x128xf32, #tpu.memory_space<vmem>>
      %dma_start3A_84 = tpu.memref_squeeze %dma_start3A_83 : memref<1x128x128xf32, #tpu.memory_space<vmem>> -> memref<128x128xf32, #tpu.memory_space<vmem>>
      %dma_start3A_85 = arith.constant 0 : i32
      %dma_start3A_86 = tpu.memref_slice %arg5[%rem3A_57, %dma_start3A_85] : memref<2x128xi32, #tpu.memory_space<vmem>> -> memref<1x128xi32, #tpu.memory_space<vmem>>
      %dma_start3A_87 = tpu.memref_squeeze %dma_start3A_86 : memref<1x128xi32, #tpu.memory_space<vmem>> -> memref<128xi32, #tpu.memory_space<vmem>>
      %dma_start3A_88 = arith.constant 0 : i32
      %dma_start3A_89 = arith.constant 0 : i32
      %dma_start3A_90 = tpu.memref_slice %arg7[%dma_start3A_88, %dma_start3A_89] : memref<10000x128xf32, #tpu.memory_space<vmem_shared>> -> memref<10000x128xf32, #tpu.memory_space<vmem_shared>>
      tpu.enqueue_indirect_dma source(%dma_start3A_90 : memref<10000x128xf32, #tpu.memory_space<vmem_shared>>) target(%dma_start3A_84 : memref<128x128xf32, #tpu.memory_space<vmem>>) offsets(%dma_start3A_87 : memref<128xi32, #tpu.memory_space<vmem>>) semaphore(%arg9 : memref<!tpu.dma_semaphore, #tpu.memory_space<semaphore_mem>>)
      %dma_wait3A_91 = arith.constant 0 : i32
      %dma_wait3A_92 = arith.constant 0 : i32
      %dma_wait3A_93 = tpu.memref_slice %arg6[%rem3A_57, %dma_wait3A_91, %dma_wait3A_92] : memref<2x128x128xf32, #tpu.memory_space<vmem>> -> memref<1x128x128xf32, #tpu.memory_space<vmem>>
      %dma_wait3A_94 = tpu.memref_squeeze %dma_wait3A_93 : memref<1x128x128xf32, #tpu.memory_space<vmem>> -> memref<128x128xf32, #tpu.memory_space<vmem>>
      %dma_wait3A_95 = arith.constant 0 : i32
      %dma_wait3A_96 = tpu.memref_slice %arg5[%rem3A_57, %dma_wait3A_95] : memref<2x128xi32, #tpu.memory_space<vmem>> -> memref<1x128xi32, #tpu.memory_space<vmem>>
      %dma_wait3A_97 = tpu.memref_squeeze %dma_wait3A_96 : memref<1x128xi32, #tpu.memory_space<vmem>> -> memref<128xi32, #tpu.memory_space<vmem>>
      %dma_wait3A_98 = arith.constant 0 : i32
      %dma_wait3A_99 = arith.constant 0 : i32
      %dma_wait3A_100 = tpu.memref_slice %arg7[%dma_wait3A_98, %dma_wait3A_99] : memref<10000x128xf32, #tpu.memory_space<vmem_shared>> -> memref<10000x128xf32, #tpu.memory_space<vmem_shared>>
      tpu.wait_indirect_dma semaphore(%arg9 : memref<!tpu.dma_semaphore, #tpu.memory_space<semaphore_mem>>) src(%dma_wait3A_100 : memref<10000x128xf32, #tpu.memory_space<vmem_shared>>) dst(%dma_wait3A_94 : memref<128x128xf32, #tpu.memory_space<vmem>>)
      %mul3A_101 = arith.constant 32 : i32
      %mul3A_102 = arith.muli %add3A_56, %mul3A_101 : i32
      %add3A_103 = arith.addi %mul3A_102, %add3A : i32
      %dma_start3A_104 = arith.constant 0 : i32
      %dma_start3A_105 = arith.constant 0 : i32
      %dma_start3A_106 = tpu.memref_slice %arg6[%rem3A_57, %dma_start3A_104, %dma_start3A_105] : memref<2x128x128xf32, #tpu.memory_space<vmem>> -> memref<1x128x128xf32, #tpu.memory_space<vmem>>
      %dma_start3A_107 = arith.constant 0 : i32
      %dma_start3A_108 = arith.constant 0 : i32
      %dma_start3A_109 = tpu.memref_slice %arg4[%add3A_103, %dma_start3A_107, %dma_start3A_108] : memref<2560x128x128xf32, #tpu.memory_space<hbm>> -> memref<1x128x128xf32, #tpu.memory_space<hbm>>
      %dma_start3A_110 = arith.constant 0 : i32
      %dma_start3A_111 = arith.constant 0 : i32
      %dma_start3A_112 = tpu.memref_slice %arg4[%add3A_103, %dma_start3A_110, %dma_start3A_111] : memref<2560x128x128xf32, #tpu.memory_space<hbm>> -> memref<1x128x128xf32, #tpu.memory_space<hbm>>
      %dma_start3A_113 = arith.constant 0 : i32
      %dma_start3A_114 = arith.constant 0 : i32
      %dma_start3A_115 = tpu.memref_slice %arg6[%rem3A_57, %dma_start3A_113, %dma_start3A_114] : memref<2x128x128xf32, #tpu.memory_space<vmem>> -> memref<1x128x128xf32, #tpu.memory_space<vmem>>
      tpu.enqueue_dma source(%dma_start3A_115 : memref<1x128x128xf32, #tpu.memory_space<vmem>>) target(%dma_start3A_112 : memref<1x128x128xf32, #tpu.memory_space<hbm>>) target_semaphore(%arg10 : memref<!tpu.dma_semaphore, #tpu.memory_space<semaphore_mem>>)
    }
    %scan3A_20 = arith.constant 80 : i32
    %add3A_21 = arith.constant 2496 : i32
    %add3A_22 = arith.addi %add3A_21, %add3A : i32
    %dma_wait3A = arith.constant 0 : i32
    %dma_wait3A_23 = arith.constant 0 : i32
    %dma_wait3A_24 = arith.constant 0 : i32
    %dma_wait3A_25 = tpu.memref_slice %arg6[%dma_wait3A, %dma_wait3A_23, %dma_wait3A_24] : memref<2x128x128xf32, #tpu.memory_space<vmem>> -> memref<1x128x128xf32, #tpu.memory_space<vmem>>
    %dma_wait3A_26 = arith.constant 0 : i32
    %dma_wait3A_27 = arith.constant 0 : i32
    %dma_wait3A_28 = tpu.memref_slice %arg4[%add3A_22, %dma_wait3A_26, %dma_wait3A_27] : memref<2560x128x128xf32, #tpu.memory_space<hbm>> -> memref<1x128x128xf32, #tpu.memory_space<hbm>>
    %dma_wait3A_29 = arith.constant 0 : i32
    %dma_wait3A_30 = arith.constant 0 : i32
    %dma_wait3A_31 = tpu.memref_slice %arg4[%add3A_22, %dma_wait3A_29, %dma_wait3A_30] : memref<2560x128x128xf32, #tpu.memory_space<hbm>> -> memref<1x128x128xf32, #tpu.memory_space<hbm>>
    %dma_wait3A_32 = arith.constant 0 : i32
    %dma_wait3A_33 = arith.constant 0 : i32
    %dma_wait3A_34 = arith.constant 0 : i32
    %dma_wait3A_35 = tpu.memref_slice %arg6[%dma_wait3A_32, %dma_wait3A_33, %dma_wait3A_34] : memref<2x128x128xf32, #tpu.memory_space<vmem>> -> memref<1x128x128xf32, #tpu.memory_space<vmem>>
    tpu.wait_dma2 semaphore(%arg10 : memref<!tpu.dma_semaphore, #tpu.memory_space<semaphore_mem>>) src(%dma_wait3A_35 : memref<1x128x128xf32, #tpu.memory_space<vmem>>) dst(%dma_wait3A_31 : memref<1x128x128xf32, #tpu.memory_space<hbm>>)
    %add3A_36 = arith.constant 2528 : i32
    %add3A_37 = arith.addi %add3A_36, %add3A : i32
    %dma_wait3A_38 = arith.constant 1 : i32
    %dma_wait3A_39 = arith.constant 0 : i32
    %dma_wait3A_40 = arith.constant 0 : i32
    %dma_wait3A_41 = tpu.memref_slice %arg6[%dma_wait3A_38, %dma_wait3A_39, %dma_wait3A_40] : memref<2x128x128xf32, #tpu.memory_space<vmem>> -> memref<1x128x128xf32, #tpu.memory_space<vmem>>
    %dma_wait3A_42 = arith.constant 0 : i32
    %dma_wait3A_43 = arith.constant 0 : i32
    %dma_wait3A_44 = tpu.memref_slice %arg4[%add3A_37, %dma_wait3A_42, %dma_wait3A_43] : memref<2560x128x128xf32, #tpu.memory_space<hbm>> -> memref<1x128x128xf32, #tpu.memory_space<hbm>>
    %dma_wait3A_45 = arith.constant 0 : i32
    %dma_wait3A_46 = arith.constant 0 : i32
    %dma_wait3A_47 = tpu.memref_slice %arg4[%add3A_37, %dma_wait3A_45, %dma_wait3A_46] : memref<2560x128x128xf32, #tpu.memory_space<hbm>> -> memref<1x128x128xf32, #tpu.memory_space<hbm>>
    %dma_wait3A_48 = arith.constant 1 : i32
    %dma_wait3A_49 = arith.constant 0 : i32
    %dma_wait3A_50 = arith.constant 0 : i32
    %dma_wait3A_51 = tpu.memref_slice %arg6[%dma_wait3A_48, %dma_wait3A_49, %dma_wait3A_50] : memref<2x128x128xf32, #tpu.memory_space<vmem>> -> memref<1x128x128xf32, #tpu.memory_space<vmem>>
    tpu.wait_dma2 semaphore(%arg10 : memref<!tpu.dma_semaphore, #tpu.memory_space<semaphore_mem>>) src(%dma_wait3A_51 : memref<1x128x128xf32, #tpu.memory_space<vmem>>) dst(%dma_wait3A_47 : memref<1x128x128xf32, #tpu.memory_space<hbm>>)
    return
  }
}

#map = affine_map<(d0, d1) -> (0, 0, 0)>
#map1 = affine_map<(d0, d1) -> (0, 0)>
module attributes {stable_mosaic.version = 14 : i64} {
  func.func @scat(%arg0: i32, %arg1: i32, %arg2: memref<2560x128x128xf32, #tpu.memory_space<hbm>>, %arg3: memref<2560x128xi32, #tpu.memory_space<hbm>>, %arg4: memref<128x128xf32, #tpu.memory_space<hbm>>, %arg5: memref<10000x128xf32, #tpu.memory_space<hbm>>, %arg6: memref<10000x128xf32, #tpu.memory_space<hbm>>, %arg7: memref<2x128xi32, #tpu.memory_space<vmem>>, %arg8: memref<2x128x128xf32, #tpu.memory_space<vmem>>, %arg9: memref<10112x128xf32, #tpu.memory_space<vmem_shared>>, %arg10: memref<!tpu.dma_semaphore, #tpu.memory_space<semaphore_mem>>, %arg11: memref<!tpu.dma_semaphore, #tpu.memory_space<semaphore_mem>>, %arg12: memref<!tpu.dma_semaphore, #tpu.memory_space<semaphore_mem>>) attributes {dimension_semantics = [#tpu.dimension_semantics<core_parallel>, #tpu.dimension_semantics<subcore_parallel>], iteration_bounds = array<i64: 2, 16>, scalar_prefetch = 0 : i64, scratch_operands = 6 : i64, tpu.core_type = #tpu.core_type<sc_vector_subcore>, window_params = [{transform_indices = #map}, {transform_indices = #map1}, {transform_indices = #map1}, {transform_indices = #map1}, {transform_indices = #map1}]} {
    %mul3A = arith.constant 16 : i32
    %mul3A_0 = arith.muli %arg0, %mul3A : i32
    %add3A = arith.addi %mul3A_0, %arg1 : i32
    %run_scoped3A = arith.constant 0 : i32
    "tpu.region"() ({
      %run_scoped3A_43 = tpu.sem_alloc : memref<!tpu.dma_semaphore, #tpu.memory_space<semaphore_mem>>
      %dma_start3A_44 = arith.constant 0 : i32
      %dma_start3A_45 = arith.constant 0 : i32
      %dma_start3A_46 = tpu.memref_slice %arg8[%run_scoped3A, %dma_start3A_44, %dma_start3A_45] : memref<2x128x128xf32, #tpu.memory_space<vmem>> -> memref<1x128x128xf32, #tpu.memory_space<vmem>>
      %dma_start3A_47 = tpu.memref_squeeze %dma_start3A_46 : memref<1x128x128xf32, #tpu.memory_space<vmem>> -> memref<128x128xf32, #tpu.memory_space<vmem>>
      %dma_start3A_48 = arith.constant 0 : i32
      %dma_start3A_49 = arith.constant 0 : i32
      %dma_start3A_50 = tpu.memref_slice %arg8[%run_scoped3A, %dma_start3A_48, %dma_start3A_49] : memref<2x128x128xf32, #tpu.memory_space<vmem>> -> memref<1x128x128xf32, #tpu.memory_space<vmem>>
      %dma_start3A_51 = tpu.memref_squeeze %dma_start3A_50 : memref<1x128x128xf32, #tpu.memory_space<vmem>> -> memref<128x128xf32, #tpu.memory_space<vmem>>
      tpu.enqueue_dma source(%arg4 : memref<128x128xf32, #tpu.memory_space<hbm>>) target(%dma_start3A_51 : memref<128x128xf32, #tpu.memory_space<vmem>>) target_semaphore(%run_scoped3A_43 : memref<!tpu.dma_semaphore, #tpu.memory_space<semaphore_mem>>)
      %dma_wait3A = arith.constant 0 : i32
      %dma_wait3A_52 = arith.constant 0 : i32
      %dma_wait3A_53 = tpu.memref_slice %arg8[%run_scoped3A, %dma_wait3A, %dma_wait3A_52] : memref<2x128x128xf32, #tpu.memory_space<vmem>> -> memref<1x128x128xf32, #tpu.memory_space<vmem>>
      %dma_wait3A_54 = tpu.memref_squeeze %dma_wait3A_53 : memref<1x128x128xf32, #tpu.memory_space<vmem>> -> memref<128x128xf32, #tpu.memory_space<vmem>>
      %dma_wait3A_55 = arith.constant 0 : i32
      %dma_wait3A_56 = arith.constant 0 : i32
      %dma_wait3A_57 = tpu.memref_slice %arg8[%run_scoped3A, %dma_wait3A_55, %dma_wait3A_56] : memref<2x128x128xf32, #tpu.memory_space<vmem>> -> memref<1x128x128xf32, #tpu.memory_space<vmem>>
      %dma_wait3A_58 = tpu.memref_squeeze %dma_wait3A_57 : memref<1x128x128xf32, #tpu.memory_space<vmem>> -> memref<128x128xf32, #tpu.memory_space<vmem>>
      tpu.wait_dma2 semaphore(%run_scoped3A_43 : memref<!tpu.dma_semaphore, #tpu.memory_space<semaphore_mem>>) src(%arg4 : memref<128x128xf32, #tpu.memory_space<hbm>>) dst(%dma_wait3A_58 : memref<128x128xf32, #tpu.memory_space<vmem>>)
      tpu.yield
    }) : () -> ()
    %scan3A = arith.constant 0 : i32
    %scan3A_1 = arith.constant 5 : i32
    %scan3A_2 = arith.addi %scan3A, %scan3A_1 : i32
    %scan3A_3 = arith.constant 1 : i32
    scf.for %scan3A_43 = %scan3A to %scan3A_2 step %scan3A_3  : i32 {
      %mul3A_44 = arith.constant 1 : i32
      %mul3A_45 = arith.muli %scan3A_43, %mul3A_44 : i32
      %add3A_46 = arith.constant 0 : i32
      %add3A_47 = arith.addi %add3A_46, %mul3A_45 : i32
      %mul3A_48 = arith.constant 16 : i32
      %mul3A_49 = arith.muli %mul3A_48, %add3A_47 : i32
      %add3A_50 = arith.addi %arg1, %mul3A_49 : i32
      %lt3A = arith.constant 79 : i32
      %lt3A_51 = arith.cmpi slt, %add3A_50, %lt3A : i32
      %convert_element_type3A = arith.extui %lt3A_51 : i1 to i32
      %cond3A = arith.constant 0 : i32
      %cond3A_52 = arith.cmpi ne, %convert_element_type3A, %cond3A : i32
      scf.if %cond3A_52 {
        %mul3A_53 = arith.constant 128 : i32
        %mul3A_54 = arith.muli %add3A_50, %mul3A_53 : i32
        %run_scoped3A_55 = arith.constant 0 : i32
        "tpu.region"() ({
          %run_scoped3A_56 = tpu.sem_alloc : memref<!tpu.dma_semaphore, #tpu.memory_space<semaphore_mem>>
          %dma_start3A_57 = arith.constant 0 : i32
          %dma_start3A_58 = arith.constant 0 : i32
          %dma_start3A_59 = tpu.memref_slice %arg8[%run_scoped3A_55, %dma_start3A_57, %dma_start3A_58] : memref<2x128x128xf32, #tpu.memory_space<vmem>> -> memref<1x128x128xf32, #tpu.memory_space<vmem>>
          %dma_start3A_60 = tpu.memref_squeeze %dma_start3A_59 : memref<1x128x128xf32, #tpu.memory_space<vmem>> -> memref<128x128xf32, #tpu.memory_space<vmem>>
          %dma_start3A_61 = arith.constant 0 : i32
          %dma_start3A_62 = tpu.memref_slice %arg9[%mul3A_54, %dma_start3A_61] : memref<10112x128xf32, #tpu.memory_space<vmem_shared>> -> memref<128x128xf32, #tpu.memory_space<vmem_shared>>
          %dma_start3A_63 = arith.constant 0 : i32
          %dma_start3A_64 = tpu.memref_slice %arg9[%mul3A_54, %dma_start3A_63] : memref<10112x128xf32, #tpu.memory_space<vmem_shared>> -> memref<128x128xf32, #tpu.memory_space<vmem_shared>>
          %dma_start3A_65 = arith.constant 0 : i32
          %dma_start3A_66 = arith.constant 0 : i32
          %dma_start3A_67 = tpu.memref_slice %arg8[%run_scoped3A_55, %dma_start3A_65, %dma_start3A_66] : memref<2x128x128xf32, #tpu.memory_space<vmem>> -> memref<1x128x128xf32, #tpu.memory_space<vmem>>
          %dma_start3A_68 = tpu.memref_squeeze %dma_start3A_67 : memref<1x128x128xf32, #tpu.memory_space<vmem>> -> memref<128x128xf32, #tpu.memory_space<vmem>>
          tpu.enqueue_dma source(%dma_start3A_68 : memref<128x128xf32, #tpu.memory_space<vmem>>) target(%dma_start3A_64 : memref<128x128xf32, #tpu.memory_space<vmem_shared>>) target_semaphore(%run_scoped3A_56 : memref<!tpu.dma_semaphore, #tpu.memory_space<semaphore_mem>>)
          %dma_wait3A = arith.constant 0 : i32
          %dma_wait3A_69 = arith.constant 0 : i32
          %dma_wait3A_70 = tpu.memref_slice %arg8[%run_scoped3A_55, %dma_wait3A, %dma_wait3A_69] : memref<2x128x128xf32, #tpu.memory_space<vmem>> -> memref<1x128x128xf32, #tpu.memory_space<vmem>>
          %dma_wait3A_71 = tpu.memref_squeeze %dma_wait3A_70 : memref<1x128x128xf32, #tpu.memory_space<vmem>> -> memref<128x128xf32, #tpu.memory_space<vmem>>
          %dma_wait3A_72 = arith.constant 0 : i32
          %dma_wait3A_73 = tpu.memref_slice %arg9[%mul3A_54, %dma_wait3A_72] : memref<10112x128xf32, #tpu.memory_space<vmem_shared>> -> memref<128x128xf32, #tpu.memory_space<vmem_shared>>
          %dma_wait3A_74 = arith.constant 0 : i32
          %dma_wait3A_75 = tpu.memref_slice %arg9[%mul3A_54, %dma_wait3A_74] : memref<10112x128xf32, #tpu.memory_space<vmem_shared>> -> memref<128x128xf32, #tpu.memory_space<vmem_shared>>
          %dma_wait3A_76 = arith.constant 0 : i32
          %dma_wait3A_77 = arith.constant 0 : i32
          %dma_wait3A_78 = tpu.memref_slice %arg8[%run_scoped3A_55, %dma_wait3A_76, %dma_wait3A_77] : memref<2x128x128xf32, #tpu.memory_space<vmem>> -> memref<1x128x128xf32, #tpu.memory_space<vmem>>
          %dma_wait3A_79 = tpu.memref_squeeze %dma_wait3A_78 : memref<1x128x128xf32, #tpu.memory_space<vmem>> -> memref<128x128xf32, #tpu.memory_space<vmem>>
          tpu.wait_dma2 semaphore(%run_scoped3A_56 : memref<!tpu.dma_semaphore, #tpu.memory_space<semaphore_mem>>) src(%dma_wait3A_79 : memref<128x128xf32, #tpu.memory_space<vmem>>) dst(%dma_wait3A_75 : memref<128x128xf32, #tpu.memory_space<vmem_shared>>)
          tpu.yield
        }) : () -> ()
      } else {
      }
    }
    %scan3A_4 = arith.constant 5 : i32
    %barrier3A = arith.constant 0 : index
    tpu.barrier barrier_id(%barrier3A)
    %add3A_5 = arith.constant 0 : i32
    %add3A_6 = arith.addi %add3A_5, %add3A : i32
    %dma_start3A = arith.constant 0 : i32
    %dma_start3A_7 = arith.constant 0 : i32
    %dma_start3A_8 = tpu.memref_slice %arg7[%dma_start3A, %dma_start3A_7] : memref<2x128xi32, #tpu.memory_space<vmem>> -> memref<1x128xi32, #tpu.memory_space<vmem>>
    %dma_start3A_9 = arith.constant 0 : i32
    %dma_start3A_10 = tpu.memref_slice %arg3[%add3A_6, %dma_start3A_9] : memref<2560x128xi32, #tpu.memory_space<hbm>> -> memref<1x128xi32, #tpu.memory_space<hbm>>
    %dma_start3A_11 = arith.constant 0 : i32
    %dma_start3A_12 = arith.constant 0 : i32
    %dma_start3A_13 = tpu.memref_slice %arg7[%dma_start3A_11, %dma_start3A_12] : memref<2x128xi32, #tpu.memory_space<vmem>> -> memref<1x128xi32, #tpu.memory_space<vmem>>
    %dma_start3A_14 = arith.constant 0 : i32
    %dma_start3A_15 = tpu.memref_slice %arg3[%add3A_6, %dma_start3A_14] : memref<2560x128xi32, #tpu.memory_space<hbm>> -> memref<1x128xi32, #tpu.memory_space<hbm>>
    tpu.enqueue_dma source(%dma_start3A_15 : memref<1x128xi32, #tpu.memory_space<hbm>>) target(%dma_start3A_13 : memref<1x128xi32, #tpu.memory_space<vmem>>) target_semaphore(%arg10 : memref<!tpu.dma_semaphore, #tpu.memory_space<semaphore_mem>>)
    %add3A_16 = arith.constant 0 : i32
    %add3A_17 = arith.addi %add3A_16, %add3A : i32
    %dma_start3A_18 = arith.constant 0 : i32
    %dma_start3A_19 = arith.constant 0 : i32
    %dma_start3A_20 = arith.constant 0 : i32
    %dma_start3A_21 = tpu.memref_slice %arg8[%dma_start3A_18, %dma_start3A_19, %dma_start3A_20] : memref<2x128x128xf32, #tpu.memory_space<vmem>> -> memref<1x128x128xf32, #tpu.memory_space<vmem>>
    %dma_start3A_22 = arith.constant 0 : i32
    %dma_start3A_23 = arith.constant 0 : i32
    %dma_start3A_24 = tpu.memref_slice %arg2[%add3A_17, %dma_start3A_22, %dma_start3A_23] : memref<2560x128x128xf32, #tpu.memory_space<hbm>> -> memref<1x128x128xf32, #tpu.memory_space<hbm>>
    %dma_start3A_25 = arith.constant 0 : i32
    %dma_start3A_26 = arith.constant 0 : i32
    %dma_start3A_27 = arith.constant 0 : i32
    %dma_start3A_28 = tpu.memref_slice %arg8[%dma_start3A_25, %dma_start3A_26, %dma_start3A_27] : memref<2x128x128xf32, #tpu.memory_space<vmem>> -> memref<1x128x128xf32, #tpu.memory_space<vmem>>
    %dma_start3A_29 = arith.constant 0 : i32
    %dma_start3A_30 = arith.constant 0 : i32
    %dma_start3A_31 = tpu.memref_slice %arg2[%add3A_17, %dma_start3A_29, %dma_start3A_30] : memref<2560x128x128xf32, #tpu.memory_space<hbm>> -> memref<1x128x128xf32, #tpu.memory_space<hbm>>
    tpu.enqueue_dma source(%dma_start3A_31 : memref<1x128x128xf32, #tpu.memory_space<hbm>>) target(%dma_start3A_28 : memref<1x128x128xf32, #tpu.memory_space<vmem>>) target_semaphore(%arg11 : memref<!tpu.dma_semaphore, #tpu.memory_space<semaphore_mem>>)
    %scan3A_32 = arith.constant 0 : i32
    %scan3A_33 = arith.constant 80 : i32
    %scan3A_34 = arith.addi %scan3A_32, %scan3A_33 : i32
    %scan3A_35 = arith.constant 1 : i32
    scf.for %scan3A_43 = %scan3A_32 to %scan3A_34 step %scan3A_35  : i32 {
      %mul3A_44 = arith.constant 1 : i32
      %mul3A_45 = arith.muli %scan3A_43, %mul3A_44 : i32
      %add3A_46 = arith.constant 0 : i32
      %add3A_47 = arith.addi %add3A_46, %mul3A_45 : i32
      %rem3A = arith.constant 2 : i32
      %rem3A_48 = arith.remsi %add3A_47, %rem3A : i32
      %add3A_49 = arith.constant 1 : i32
      %add3A_50 = arith.addi %add3A_47, %add3A_49 : i32
      %rem3A_51 = arith.constant 2 : i32
      %rem3A_52 = arith.remsi %add3A_50, %rem3A_51 : i32
      %add3A_53 = arith.constant 1 : i32
      %add3A_54 = arith.addi %add3A_47, %add3A_53 : i32
      %lt3A = arith.constant 80 : i32
      %lt3A_55 = arith.cmpi slt, %add3A_54, %lt3A : i32
      %convert_element_type3A = arith.extui %lt3A_55 : i1 to i32
      %cond3A = arith.constant 0 : i32
      %cond3A_56 = arith.cmpi ne, %convert_element_type3A, %cond3A : i32
      scf.if %cond3A_56 {
        %add3A_102 = arith.constant 1 : i32
        %add3A_103 = arith.addi %add3A_47, %add3A_102 : i32
        %mul3A_104 = arith.constant 32 : i32
        %mul3A_105 = arith.muli %add3A_103, %mul3A_104 : i32
        %add3A_106 = arith.addi %mul3A_105, %add3A : i32
        %dma_start3A_107 = arith.constant 0 : i32
        %dma_start3A_108 = tpu.memref_slice %arg7[%rem3A_52, %dma_start3A_107] : memref<2x128xi32, #tpu.memory_space<vmem>> -> memref<1x128xi32, #tpu.memory_space<vmem>>
        %dma_start3A_109 = arith.constant 0 : i32
        %dma_start3A_110 = tpu.memref_slice %arg3[%add3A_106, %dma_start3A_109] : memref<2560x128xi32, #tpu.memory_space<hbm>> -> memref<1x128xi32, #tpu.memory_space<hbm>>
        %dma_start3A_111 = arith.constant 0 : i32
        %dma_start3A_112 = tpu.memref_slice %arg7[%rem3A_52, %dma_start3A_111] : memref<2x128xi32, #tpu.memory_space<vmem>> -> memref<1x128xi32, #tpu.memory_space<vmem>>
        %dma_start3A_113 = arith.constant 0 : i32
        %dma_start3A_114 = tpu.memref_slice %arg3[%add3A_106, %dma_start3A_113] : memref<2560x128xi32, #tpu.memory_space<hbm>> -> memref<1x128xi32, #tpu.memory_space<hbm>>
        tpu.enqueue_dma source(%dma_start3A_114 : memref<1x128xi32, #tpu.memory_space<hbm>>) target(%dma_start3A_112 : memref<1x128xi32, #tpu.memory_space<vmem>>) target_semaphore(%arg10 : memref<!tpu.dma_semaphore, #tpu.memory_space<semaphore_mem>>)
        %add3A_115 = arith.constant 1 : i32
        %add3A_116 = arith.addi %add3A_47, %add3A_115 : i32
        %mul3A_117 = arith.constant 32 : i32
        %mul3A_118 = arith.muli %add3A_116, %mul3A_117 : i32
        %add3A_119 = arith.addi %mul3A_118, %add3A : i32
        %dma_start3A_120 = arith.constant 0 : i32
        %dma_start3A_121 = arith.constant 0 : i32
        %dma_start3A_122 = tpu.memref_slice %arg8[%rem3A_52, %dma_start3A_120, %dma_start3A_121] : memref<2x128x128xf32, #tpu.memory_space<vmem>> -> memref<1x128x128xf32, #tpu.memory_space<vmem>>
        %dma_start3A_123 = arith.constant 0 : i32
        %dma_start3A_124 = arith.constant 0 : i32
        %dma_start3A_125 = tpu.memref_slice %arg2[%add3A_119, %dma_start3A_123, %dma_start3A_124] : memref<2560x128x128xf32, #tpu.memory_space<hbm>> -> memref<1x128x128xf32, #tpu.memory_space<hbm>>
        %dma_start3A_126 = arith.constant 0 : i32
        %dma_start3A_127 = arith.constant 0 : i32
        %dma_start3A_128 = tpu.memref_slice %arg8[%rem3A_52, %dma_start3A_126, %dma_start3A_127] : memref<2x128x128xf32, #tpu.memory_space<vmem>> -> memref<1x128x128xf32, #tpu.memory_space<vmem>>
        %dma_start3A_129 = arith.constant 0 : i32
        %dma_start3A_130 = arith.constant 0 : i32
        %dma_start3A_131 = tpu.memref_slice %arg2[%add3A_119, %dma_start3A_129, %dma_start3A_130] : memref<2560x128x128xf32, #tpu.memory_space<hbm>> -> memref<1x128x128xf32, #tpu.memory_space<hbm>>
        tpu.enqueue_dma source(%dma_start3A_131 : memref<1x128x128xf32, #tpu.memory_space<hbm>>) target(%dma_start3A_128 : memref<1x128x128xf32, #tpu.memory_space<vmem>>) target_semaphore(%arg11 : memref<!tpu.dma_semaphore, #tpu.memory_space<semaphore_mem>>)
      } else {
      }
      %mul3A_57 = arith.constant 32 : i32
      %mul3A_58 = arith.muli %add3A_47, %mul3A_57 : i32
      %add3A_59 = arith.addi %mul3A_58, %add3A : i32
      %dma_wait3A = arith.constant 0 : i32
      %dma_wait3A_60 = tpu.memref_slice %arg7[%rem3A_48, %dma_wait3A] : memref<2x128xi32, #tpu.memory_space<vmem>> -> memref<1x128xi32, #tpu.memory_space<vmem>>
      %dma_wait3A_61 = arith.constant 0 : i32
      %dma_wait3A_62 = tpu.memref_slice %arg3[%add3A_59, %dma_wait3A_61] : memref<2560x128xi32, #tpu.memory_space<hbm>> -> memref<1x128xi32, #tpu.memory_space<hbm>>
      %dma_wait3A_63 = arith.constant 0 : i32
      %dma_wait3A_64 = tpu.memref_slice %arg7[%rem3A_48, %dma_wait3A_63] : memref<2x128xi32, #tpu.memory_space<vmem>> -> memref<1x128xi32, #tpu.memory_space<vmem>>
      %dma_wait3A_65 = arith.constant 0 : i32
      %dma_wait3A_66 = tpu.memref_slice %arg3[%add3A_59, %dma_wait3A_65] : memref<2560x128xi32, #tpu.memory_space<hbm>> -> memref<1x128xi32, #tpu.memory_space<hbm>>
      tpu.wait_dma2 semaphore(%arg10 : memref<!tpu.dma_semaphore, #tpu.memory_space<semaphore_mem>>) src(%dma_wait3A_66 : memref<1x128xi32, #tpu.memory_space<hbm>>) dst(%dma_wait3A_64 : memref<1x128xi32, #tpu.memory_space<vmem>>)
      %mul3A_67 = arith.constant 32 : i32
      %mul3A_68 = arith.muli %add3A_47, %mul3A_67 : i32
      %add3A_69 = arith.addi %mul3A_68, %add3A : i32
      %dma_wait3A_70 = arith.constant 0 : i32
      %dma_wait3A_71 = arith.constant 0 : i32
      %dma_wait3A_72 = tpu.memref_slice %arg8[%rem3A_48, %dma_wait3A_70, %dma_wait3A_71] : memref<2x128x128xf32, #tpu.memory_space<vmem>> -> memref<1x128x128xf32, #tpu.memory_space<vmem>>
      %dma_wait3A_73 = arith.constant 0 : i32
      %dma_wait3A_74 = arith.constant 0 : i32
      %dma_wait3A_75 = tpu.memref_slice %arg2[%add3A_69, %dma_wait3A_73, %dma_wait3A_74] : memref<2560x128x128xf32, #tpu.memory_space<hbm>> -> memref<1x128x128xf32, #tpu.memory_space<hbm>>
      %dma_wait3A_76 = arith.constant 0 : i32
      %dma_wait3A_77 = arith.constant 0 : i32
      %dma_wait3A_78 = tpu.memref_slice %arg8[%rem3A_48, %dma_wait3A_76, %dma_wait3A_77] : memref<2x128x128xf32, #tpu.memory_space<vmem>> -> memref<1x128x128xf32, #tpu.memory_space<vmem>>
      %dma_wait3A_79 = arith.constant 0 : i32
      %dma_wait3A_80 = arith.constant 0 : i32
      %dma_wait3A_81 = tpu.memref_slice %arg2[%add3A_69, %dma_wait3A_79, %dma_wait3A_80] : memref<2560x128x128xf32, #tpu.memory_space<hbm>> -> memref<1x128x128xf32, #tpu.memory_space<hbm>>
      tpu.wait_dma2 semaphore(%arg11 : memref<!tpu.dma_semaphore, #tpu.memory_space<semaphore_mem>>) src(%dma_wait3A_81 : memref<1x128x128xf32, #tpu.memory_space<hbm>>) dst(%dma_wait3A_78 : memref<1x128x128xf32, #tpu.memory_space<vmem>>)
      %dma_start3A_82 = arith.constant 0 : i32
      %dma_start3A_83 = arith.constant 0 : i32
      %dma_start3A_84 = tpu.memref_slice %arg8[%rem3A_48, %dma_start3A_82, %dma_start3A_83] : memref<2x128x128xf32, #tpu.memory_space<vmem>> -> memref<1x128x128xf32, #tpu.memory_space<vmem>>
      %dma_start3A_85 = tpu.memref_squeeze %dma_start3A_84 : memref<1x128x128xf32, #tpu.memory_space<vmem>> -> memref<128x128xf32, #tpu.memory_space<vmem>>
      %dma_start3A_86 = arith.constant 0 : i32
      %dma_start3A_87 = tpu.memref_slice %arg7[%rem3A_48, %dma_start3A_86] : memref<2x128xi32, #tpu.memory_space<vmem>> -> memref<1x128xi32, #tpu.memory_space<vmem>>
      %dma_start3A_88 = tpu.memref_squeeze %dma_start3A_87 : memref<1x128xi32, #tpu.memory_space<vmem>> -> memref<128xi32, #tpu.memory_space<vmem>>
      %dma_start3A_89 = arith.constant 0 : i32
      %dma_start3A_90 = arith.constant 0 : i32
      %dma_start3A_91 = tpu.memref_slice %arg9[%dma_start3A_89, %dma_start3A_90] : memref<10112x128xf32, #tpu.memory_space<vmem_shared>> -> memref<10112x128xf32, #tpu.memory_space<vmem_shared>>
      tpu.enqueue_indirect_dma source(%dma_start3A_85 : memref<128x128xf32, #tpu.memory_space<vmem>>) target(%dma_start3A_91 : memref<10112x128xf32, #tpu.memory_space<vmem_shared>>) offsets(%dma_start3A_88 : memref<128xi32, #tpu.memory_space<vmem>>) semaphore(%arg12 : memref<!tpu.dma_semaphore, #tpu.memory_space<semaphore_mem>>) {add = true}
      %dma_wait3A_92 = arith.constant 0 : i32
      %dma_wait3A_93 = arith.constant 0 : i32
      %dma_wait3A_94 = tpu.memref_slice %arg8[%rem3A_48, %dma_wait3A_92, %dma_wait3A_93] : memref<2x128x128xf32, #tpu.memory_space<vmem>> -> memref<1x128x128xf32, #tpu.memory_space<vmem>>
      %dma_wait3A_95 = tpu.memref_squeeze %dma_wait3A_94 : memref<1x128x128xf32, #tpu.memory_space<vmem>> -> memref<128x128xf32, #tpu.memory_space<vmem>>
      %dma_wait3A_96 = arith.constant 0 : i32
      %dma_wait3A_97 = tpu.memref_slice %arg7[%rem3A_48, %dma_wait3A_96] : memref<2x128xi32, #tpu.memory_space<vmem>> -> memref<1x128xi32, #tpu.memory_space<vmem>>
      %dma_wait3A_98 = tpu.memref_squeeze %dma_wait3A_97 : memref<1x128xi32, #tpu.memory_space<vmem>> -> memref<128xi32, #tpu.memory_space<vmem>>
      %dma_wait3A_99 = arith.constant 0 : i32
      %dma_wait3A_100 = arith.constant 0 : i32
      %dma_wait3A_101 = tpu.memref_slice %arg9[%dma_wait3A_99, %dma_wait3A_100] : memref<10112x128xf32, #tpu.memory_space<vmem_shared>> -> memref<10112x128xf32, #tpu.memory_space<vmem_shared>>
      tpu.wait_indirect_dma semaphore(%arg12 : memref<!tpu.dma_semaphore, #tpu.memory_space<semaphore_mem>>) src(%dma_wait3A_95 : memref<128x128xf32, #tpu.memory_space<vmem>>) dst(%dma_wait3A_101 : memref<10112x128xf32, #tpu.memory_space<vmem_shared>>)
    }
    %scan3A_36 = arith.constant 80 : i32
    %barrier3A_37 = arith.constant 0 : index
    tpu.barrier barrier_id(%barrier3A_37)
    %scan3A_38 = arith.constant 0 : i32
    %scan3A_39 = arith.constant 8 : i32
    %scan3A_40 = arith.addi %scan3A_38, %scan3A_39 : i32
    %scan3A_41 = arith.constant 1 : i32
    scf.for %scan3A_43 = %scan3A_38 to %scan3A_40 step %scan3A_41  : i32 {
      %mul3A_44 = arith.constant 1 : i32
      %mul3A_45 = arith.muli %scan3A_43, %mul3A_44 : i32
      %add3A_46 = arith.constant 0 : i32
      %add3A_47 = arith.addi %add3A_46, %mul3A_45 : i32
      %mul3A_48 = arith.constant 16 : i32
      %mul3A_49 = arith.muli %mul3A_48, %add3A_47 : i32
      %add3A_50 = arith.addi %arg1, %mul3A_49 : i32
      %lt3A = arith.constant 125 : i32
      %lt3A_51 = arith.cmpi slt, %add3A_50, %lt3A : i32
      %convert_element_type3A = arith.extui %lt3A_51 : i1 to i32
      %cond3A = arith.constant 0 : i32
      %cond3A_52 = arith.cmpi ne, %convert_element_type3A, %cond3A : i32
      scf.if %cond3A_52 {
        %mul3A_53 = arith.constant 80 : i32
        %mul3A_54 = arith.muli %add3A_50, %mul3A_53 : i32
        %run_scoped3A_55 = arith.constant 0 : i32
        "tpu.region"() ({
          %run_scoped3A_67 = tpu.sem_alloc : memref<!tpu.dma_semaphore, #tpu.memory_space<semaphore_mem>>
          %dma_start3A_68 = arith.constant 0 : i32
          %dma_start3A_69 = arith.constant 0 : i32
          %dma_start3A_70 = tpu.memref_slice %arg8[%run_scoped3A_55, %dma_start3A_68, %dma_start3A_69] : memref<2x128x128xf32, #tpu.memory_space<vmem>> -> memref<1x128x128xf32, #tpu.memory_space<vmem>>
          %dma_start3A_71 = tpu.memref_squeeze %dma_start3A_70 : memref<1x128x128xf32, #tpu.memory_space<vmem>> -> memref<128x128xf32, #tpu.memory_space<vmem>>
          %dma_start3A_72 = arith.constant 0 : i32
          %dma_start3A_73 = arith.constant 0 : i32
          %dma_start3A_74 = tpu.memref_slice %dma_start3A_71[%dma_start3A_72, %dma_start3A_73] : memref<128x128xf32, #tpu.memory_space<vmem>> -> memref<80x128xf32, #tpu.memory_space<vmem>>
          %dma_start3A_75 = arith.constant 0 : i32
          %dma_start3A_76 = tpu.memref_slice %arg9[%mul3A_54, %dma_start3A_75] : memref<10112x128xf32, #tpu.memory_space<vmem_shared>> -> memref<80x128xf32, #tpu.memory_space<vmem_shared>>
          %dma_start3A_77 = arith.constant 0 : i32
          %dma_start3A_78 = arith.constant 0 : i32
          %dma_start3A_79 = tpu.memref_slice %arg8[%run_scoped3A_55, %dma_start3A_77, %dma_start3A_78] : memref<2x128x128xf32, #tpu.memory_space<vmem>> -> memref<1x128x128xf32, #tpu.memory_space<vmem>>
          %dma_start3A_80 = tpu.memref_squeeze %dma_start3A_79 : memref<1x128x128xf32, #tpu.memory_space<vmem>> -> memref<128x128xf32, #tpu.memory_space<vmem>>
          %dma_start3A_81 = arith.constant 0 : i32
          %dma_start3A_82 = arith.constant 0 : i32
          %dma_start3A_83 = tpu.memref_slice %dma_start3A_80[%dma_start3A_81, %dma_start3A_82] : memref<128x128xf32, #tpu.memory_space<vmem>> -> memref<80x128xf32, #tpu.memory_space<vmem>>
          %dma_start3A_84 = arith.constant 0 : i32
          %dma_start3A_85 = tpu.memref_slice %arg9[%mul3A_54, %dma_start3A_84] : memref<10112x128xf32, #tpu.memory_space<vmem_shared>> -> memref<80x128xf32, #tpu.memory_space<vmem_shared>>
          tpu.enqueue_dma source(%dma_start3A_85 : memref<80x128xf32, #tpu.memory_space<vmem_shared>>) target(%dma_start3A_83 : memref<80x128xf32, #tpu.memory_space<vmem>>) target_semaphore(%run_scoped3A_67 : memref<!tpu.dma_semaphore, #tpu.memory_space<semaphore_mem>>)
          %dma_wait3A = arith.constant 0 : i32
          %dma_wait3A_86 = arith.constant 0 : i32
          %dma_wait3A_87 = tpu.memref_slice %arg8[%run_scoped3A_55, %dma_wait3A, %dma_wait3A_86] : memref<2x128x128xf32, #tpu.memory_space<vmem>> -> memref<1x128x128xf32, #tpu.memory_space<vmem>>
          %dma_wait3A_88 = tpu.memref_squeeze %dma_wait3A_87 : memref<1x128x128xf32, #tpu.memory_space<vmem>> -> memref<128x128xf32, #tpu.memory_space<vmem>>
          %dma_wait3A_89 = arith.constant 0 : i32
          %dma_wait3A_90 = arith.constant 0 : i32
          %dma_wait3A_91 = tpu.memref_slice %dma_wait3A_88[%dma_wait3A_89, %dma_wait3A_90] : memref<128x128xf32, #tpu.memory_space<vmem>> -> memref<80x128xf32, #tpu.memory_space<vmem>>
          %dma_wait3A_92 = arith.constant 0 : i32
          %dma_wait3A_93 = tpu.memref_slice %arg9[%mul3A_54, %dma_wait3A_92] : memref<10112x128xf32, #tpu.memory_space<vmem_shared>> -> memref<80x128xf32, #tpu.memory_space<vmem_shared>>
          %dma_wait3A_94 = arith.constant 0 : i32
          %dma_wait3A_95 = arith.constant 0 : i32
          %dma_wait3A_96 = tpu.memref_slice %arg8[%run_scoped3A_55, %dma_wait3A_94, %dma_wait3A_95] : memref<2x128x128xf32, #tpu.memory_space<vmem>> -> memref<1x128x128xf32, #tpu.memory_space<vmem>>
          %dma_wait3A_97 = tpu.memref_squeeze %dma_wait3A_96 : memref<1x128x128xf32, #tpu.memory_space<vmem>> -> memref<128x128xf32, #tpu.memory_space<vmem>>
          %dma_wait3A_98 = arith.constant 0 : i32
          %dma_wait3A_99 = arith.constant 0 : i32
          %dma_wait3A_100 = tpu.memref_slice %dma_wait3A_97[%dma_wait3A_98, %dma_wait3A_99] : memref<128x128xf32, #tpu.memory_space<vmem>> -> memref<80x128xf32, #tpu.memory_space<vmem>>
          %dma_wait3A_101 = arith.constant 0 : i32
          %dma_wait3A_102 = tpu.memref_slice %arg9[%mul3A_54, %dma_wait3A_101] : memref<10112x128xf32, #tpu.memory_space<vmem_shared>> -> memref<80x128xf32, #tpu.memory_space<vmem_shared>>
          tpu.wait_dma2 semaphore(%run_scoped3A_67 : memref<!tpu.dma_semaphore, #tpu.memory_space<semaphore_mem>>) src(%dma_wait3A_102 : memref<80x128xf32, #tpu.memory_space<vmem_shared>>) dst(%dma_wait3A_100 : memref<80x128xf32, #tpu.memory_space<vmem>>)
          tpu.yield
        }) : () -> ()
        %eq3A = arith.constant 0 : i32
        %eq3A_56 = arith.cmpi eq, %arg0, %eq3A : i32
        %convert_element_type3A_57 = arith.extui %eq3A_56 : i1 to i32
        %cond3A_58 = arith.constant 0 : i32
        %cond3A_59 = arith.constant 0 : i32
        %cond3A_60 = arith.cmpi ne, %convert_element_type3A_57, %cond3A_59 : i32
        scf.if %cond3A_60 {
          "tpu.region"() ({
            %run_scoped3A_67 = tpu.sem_alloc : memref<!tpu.dma_semaphore, #tpu.memory_space<semaphore_mem>>
            %dma_start3A_68 = arith.constant 0 : i32
            %dma_start3A_69 = arith.constant 0 : i32
            %dma_start3A_70 = tpu.memref_slice %arg8[%cond3A_58, %dma_start3A_68, %dma_start3A_69] : memref<2x128x128xf32, #tpu.memory_space<vmem>> -> memref<1x128x128xf32, #tpu.memory_space<vmem>>
            %dma_start3A_71 = tpu.memref_squeeze %dma_start3A_70 : memref<1x128x128xf32, #tpu.memory_space<vmem>> -> memref<128x128xf32, #tpu.memory_space<vmem>>
            %dma_start3A_72 = arith.constant 0 : i32
            %dma_start3A_73 = arith.constant 0 : i32
            %dma_start3A_74 = tpu.memref_slice %dma_start3A_71[%dma_start3A_72, %dma_start3A_73] : memref<128x128xf32, #tpu.memory_space<vmem>> -> memref<80x128xf32, #tpu.memory_space<vmem>>
            %dma_start3A_75 = arith.constant 0 : i32
            %dma_start3A_76 = tpu.memref_slice %arg5[%mul3A_54, %dma_start3A_75] : memref<10000x128xf32, #tpu.memory_space<hbm>> -> memref<80x128xf32, #tpu.memory_space<hbm>>
            %dma_start3A_77 = arith.constant 0 : i32
            %dma_start3A_78 = tpu.memref_slice %arg5[%mul3A_54, %dma_start3A_77] : memref<10000x128xf32, #tpu.memory_space<hbm>> -> memref<80x128xf32, #tpu.memory_space<hbm>>
            %dma_start3A_79 = arith.constant 0 : i32
            %dma_start3A_80 = arith.constant 0 : i32
            %dma_start3A_81 = tpu.memref_slice %arg8[%cond3A_58, %dma_start3A_79, %dma_start3A_80] : memref<2x128x128xf32, #tpu.memory_space<vmem>> -> memref<1x128x128xf32, #tpu.memory_space<vmem>>
            %dma_start3A_82 = tpu.memref_squeeze %dma_start3A_81 : memref<1x128x128xf32, #tpu.memory_space<vmem>> -> memref<128x128xf32, #tpu.memory_space<vmem>>
            %dma_start3A_83 = arith.constant 0 : i32
            %dma_start3A_84 = arith.constant 0 : i32
            %dma_start3A_85 = tpu.memref_slice %dma_start3A_82[%dma_start3A_83, %dma_start3A_84] : memref<128x128xf32, #tpu.memory_space<vmem>> -> memref<80x128xf32, #tpu.memory_space<vmem>>
            tpu.enqueue_dma source(%dma_start3A_85 : memref<80x128xf32, #tpu.memory_space<vmem>>) target(%dma_start3A_78 : memref<80x128xf32, #tpu.memory_space<hbm>>) target_semaphore(%run_scoped3A_67 : memref<!tpu.dma_semaphore, #tpu.memory_space<semaphore_mem>>)
            %dma_wait3A = arith.constant 0 : i32
            %dma_wait3A_86 = arith.constant 0 : i32
            %dma_wait3A_87 = tpu.memref_slice %arg8[%cond3A_58, %dma_wait3A, %dma_wait3A_86] : memref<2x128x128xf32, #tpu.memory_space<vmem>> -> memref<1x128x128xf32, #tpu.memory_space<vmem>>
            %dma_wait3A_88 = tpu.memref_squeeze %dma_wait3A_87 : memref<1x128x128xf32, #tpu.memory_space<vmem>> -> memref<128x128xf32, #tpu.memory_space<vmem>>
            %dma_wait3A_89 = arith.constant 0 : i32
            %dma_wait3A_90 = arith.constant 0 : i32
            %dma_wait3A_91 = tpu.memref_slice %dma_wait3A_88[%dma_wait3A_89, %dma_wait3A_90] : memref<128x128xf32, #tpu.memory_space<vmem>> -> memref<80x128xf32, #tpu.memory_space<vmem>>
            %dma_wait3A_92 = arith.constant 0 : i32
            %dma_wait3A_93 = tpu.memref_slice %arg5[%mul3A_54, %dma_wait3A_92] : memref<10000x128xf32, #tpu.memory_space<hbm>> -> memref<80x128xf32, #tpu.memory_space<hbm>>
            %dma_wait3A_94 = arith.constant 0 : i32
            %dma_wait3A_95 = tpu.memref_slice %arg5[%mul3A_54, %dma_wait3A_94] : memref<10000x128xf32, #tpu.memory_space<hbm>> -> memref<80x128xf32, #tpu.memory_space<hbm>>
            %dma_wait3A_96 = arith.constant 0 : i32
            %dma_wait3A_97 = arith.constant 0 : i32
            %dma_wait3A_98 = tpu.memref_slice %arg8[%cond3A_58, %dma_wait3A_96, %dma_wait3A_97] : memref<2x128x128xf32, #tpu.memory_space<vmem>> -> memref<1x128x128xf32, #tpu.memory_space<vmem>>
            %dma_wait3A_99 = tpu.memref_squeeze %dma_wait3A_98 : memref<1x128x128xf32, #tpu.memory_space<vmem>> -> memref<128x128xf32, #tpu.memory_space<vmem>>
            %dma_wait3A_100 = arith.constant 0 : i32
            %dma_wait3A_101 = arith.constant 0 : i32
            %dma_wait3A_102 = tpu.memref_slice %dma_wait3A_99[%dma_wait3A_100, %dma_wait3A_101] : memref<128x128xf32, #tpu.memory_space<vmem>> -> memref<80x128xf32, #tpu.memory_space<vmem>>
            tpu.wait_dma2 semaphore(%run_scoped3A_67 : memref<!tpu.dma_semaphore, #tpu.memory_space<semaphore_mem>>) src(%dma_wait3A_102 : memref<80x128xf32, #tpu.memory_space<vmem>>) dst(%dma_wait3A_95 : memref<80x128xf32, #tpu.memory_space<hbm>>)
            tpu.yield
          }) : () -> ()
        } else {
        }
        %eq3A_61 = arith.constant 1 : i32
        %eq3A_62 = arith.cmpi eq, %arg0, %eq3A_61 : i32
        %convert_element_type3A_63 = arith.extui %eq3A_62 : i1 to i32
        %cond3A_64 = arith.constant 0 : i32
        %cond3A_65 = arith.constant 0 : i32
        %cond3A_66 = arith.cmpi ne, %convert_element_type3A_63, %cond3A_65 : i32
        scf.if %cond3A_66 {
          "tpu.region"() ({
            %run_scoped3A_67 = tpu.sem_alloc : memref<!tpu.dma_semaphore, #tpu.memory_space<semaphore_mem>>
            %dma_start3A_68 = arith.constant 0 : i32
            %dma_start3A_69 = arith.constant 0 : i32
            %dma_start3A_70 = tpu.memref_slice %arg8[%cond3A_64, %dma_start3A_68, %dma_start3A_69] : memref<2x128x128xf32, #tpu.memory_space<vmem>> -> memref<1x128x128xf32, #tpu.memory_space<vmem>>
            %dma_start3A_71 = tpu.memref_squeeze %dma_start3A_70 : memref<1x128x128xf32, #tpu.memory_space<vmem>> -> memref<128x128xf32, #tpu.memory_space<vmem>>
            %dma_start3A_72 = arith.constant 0 : i32
            %dma_start3A_73 = arith.constant 0 : i32
            %dma_start3A_74 = tpu.memref_slice %dma_start3A_71[%dma_start3A_72, %dma_start3A_73] : memref<128x128xf32, #tpu.memory_space<vmem>> -> memref<80x128xf32, #tpu.memory_space<vmem>>
            %dma_start3A_75 = arith.constant 0 : i32
            %dma_start3A_76 = tpu.memref_slice %arg6[%mul3A_54, %dma_start3A_75] : memref<10000x128xf32, #tpu.memory_space<hbm>> -> memref<80x128xf32, #tpu.memory_space<hbm>>
            %dma_start3A_77 = arith.constant 0 : i32
            %dma_start3A_78 = tpu.memref_slice %arg6[%mul3A_54, %dma_start3A_77] : memref<10000x128xf32, #tpu.memory_space<hbm>> -> memref<80x128xf32, #tpu.memory_space<hbm>>
            %dma_start3A_79 = arith.constant 0 : i32
            %dma_start3A_80 = arith.constant 0 : i32
            %dma_start3A_81 = tpu.memref_slice %arg8[%cond3A_64, %dma_start3A_79, %dma_start3A_80] : memref<2x128x128xf32, #tpu.memory_space<vmem>> -> memref<1x128x128xf32, #tpu.memory_space<vmem>>
            %dma_start3A_82 = tpu.memref_squeeze %dma_start3A_81 : memref<1x128x128xf32, #tpu.memory_space<vmem>> -> memref<128x128xf32, #tpu.memory_space<vmem>>
            %dma_start3A_83 = arith.constant 0 : i32
            %dma_start3A_84 = arith.constant 0 : i32
            %dma_start3A_85 = tpu.memref_slice %dma_start3A_82[%dma_start3A_83, %dma_start3A_84] : memref<128x128xf32, #tpu.memory_space<vmem>> -> memref<80x128xf32, #tpu.memory_space<vmem>>
            tpu.enqueue_dma source(%dma_start3A_85 : memref<80x128xf32, #tpu.memory_space<vmem>>) target(%dma_start3A_78 : memref<80x128xf32, #tpu.memory_space<hbm>>) target_semaphore(%run_scoped3A_67 : memref<!tpu.dma_semaphore, #tpu.memory_space<semaphore_mem>>)
            %dma_wait3A = arith.constant 0 : i32
            %dma_wait3A_86 = arith.constant 0 : i32
            %dma_wait3A_87 = tpu.memref_slice %arg8[%cond3A_64, %dma_wait3A, %dma_wait3A_86] : memref<2x128x128xf32, #tpu.memory_space<vmem>> -> memref<1x128x128xf32, #tpu.memory_space<vmem>>
            %dma_wait3A_88 = tpu.memref_squeeze %dma_wait3A_87 : memref<1x128x128xf32, #tpu.memory_space<vmem>> -> memref<128x128xf32, #tpu.memory_space<vmem>>
            %dma_wait3A_89 = arith.constant 0 : i32
            %dma_wait3A_90 = arith.constant 0 : i32
            %dma_wait3A_91 = tpu.memref_slice %dma_wait3A_88[%dma_wait3A_89, %dma_wait3A_90] : memref<128x128xf32, #tpu.memory_space<vmem>> -> memref<80x128xf32, #tpu.memory_space<vmem>>
            %dma_wait3A_92 = arith.constant 0 : i32
            %dma_wait3A_93 = tpu.memref_slice %arg6[%mul3A_54, %dma_wait3A_92] : memref<10000x128xf32, #tpu.memory_space<hbm>> -> memref<80x128xf32, #tpu.memory_space<hbm>>
            %dma_wait3A_94 = arith.constant 0 : i32
            %dma_wait3A_95 = tpu.memref_slice %arg6[%mul3A_54, %dma_wait3A_94] : memref<10000x128xf32, #tpu.memory_space<hbm>> -> memref<80x128xf32, #tpu.memory_space<hbm>>
            %dma_wait3A_96 = arith.constant 0 : i32
            %dma_wait3A_97 = arith.constant 0 : i32
            %dma_wait3A_98 = tpu.memref_slice %arg8[%cond3A_64, %dma_wait3A_96, %dma_wait3A_97] : memref<2x128x128xf32, #tpu.memory_space<vmem>> -> memref<1x128x128xf32, #tpu.memory_space<vmem>>
            %dma_wait3A_99 = tpu.memref_squeeze %dma_wait3A_98 : memref<1x128x128xf32, #tpu.memory_space<vmem>> -> memref<128x128xf32, #tpu.memory_space<vmem>>
            %dma_wait3A_100 = arith.constant 0 : i32
            %dma_wait3A_101 = arith.constant 0 : i32
            %dma_wait3A_102 = tpu.memref_slice %dma_wait3A_99[%dma_wait3A_100, %dma_wait3A_101] : memref<128x128xf32, #tpu.memory_space<vmem>> -> memref<80x128xf32, #tpu.memory_space<vmem>>
            tpu.wait_dma2 semaphore(%run_scoped3A_67 : memref<!tpu.dma_semaphore, #tpu.memory_space<semaphore_mem>>) src(%dma_wait3A_102 : memref<80x128xf32, #tpu.memory_space<vmem>>) dst(%dma_wait3A_95 : memref<80x128xf32, #tpu.memory_space<hbm>>)
            tpu.yield
          }) : () -> ()
        } else {
        }
      } else {
      }
    }
    %scan3A_42 = arith.constant 8 : i32
    return
  }
}

#map = affine_map<(d0, d1) -> (0, 0)>
#map1 = affine_map<(d0, d1) -> (0, 0, 0)>
module attributes {stable_mosaic.version = 14 : i64} {
  func.func @gath(%arg0: i32, %arg1: i32, %arg2: memref<10000x128xf32, #tpu.memory_space<hbm>>, %arg3: memref<2560x128xi32, #tpu.memory_space<hbm>>, %arg4: memref<2560x128x128xf32, #tpu.memory_space<hbm>>, %arg5: memref<2x128xi32, #tpu.memory_space<vmem>>, %arg6: memref<2x128x128xf32, #tpu.memory_space<vmem>>, %arg7: memref<10000x128xf32, #tpu.memory_space<vmem_shared>>, %arg8: memref<!tpu.dma_semaphore, #tpu.memory_space<semaphore_mem>>, %arg9: memref<!tpu.dma_semaphore, #tpu.memory_space<semaphore_mem>>, %arg10: memref<!tpu.dma_semaphore, #tpu.memory_space<semaphore_mem>>) attributes {dimension_semantics = [#tpu.dimension_semantics<core_parallel>, #tpu.dimension_semantics<subcore_parallel>], iteration_bounds = array<i64: 2, 16>, scalar_prefetch = 0 : i64, scratch_operands = 6 : i64, tpu.core_type = #tpu.core_type<sc_vector_subcore>, window_params = [{transform_indices = #map}, {transform_indices = #map}, {transform_indices = #map1}]} {
    %mul3A = arith.constant 16 : i32
    %mul3A_0 = arith.muli %arg0, %mul3A : i32
    %add3A = arith.addi %mul3A_0, %arg1 : i32
    %scan3A = arith.constant 0 : i32
    %scan3A_1 = arith.constant 8 : i32
    %scan3A_2 = arith.addi %scan3A, %scan3A_1 : i32
    %scan3A_3 = arith.constant 1 : i32
    scf.for %scan3A_52 = %scan3A to %scan3A_2 step %scan3A_3  : i32 {
      %mul3A_53 = arith.constant 1 : i32
      %mul3A_54 = arith.muli %scan3A_52, %mul3A_53 : i32
      %add3A_55 = arith.constant 0 : i32
      %add3A_56 = arith.addi %add3A_55, %mul3A_54 : i32
      %mul3A_57 = arith.constant 16 : i32
      %mul3A_58 = arith.muli %mul3A_57, %add3A_56 : i32
      %add3A_59 = arith.addi %arg1, %mul3A_58 : i32
      %lt3A = arith.constant 125 : i32
      %lt3A_60 = arith.cmpi slt, %add3A_59, %lt3A : i32
      %convert_element_type3A = arith.extui %lt3A_60 : i1 to i32
      %cond3A = arith.constant 0 : i32
      %cond3A_61 = arith.cmpi ne, %convert_element_type3A, %cond3A : i32
      scf.if %cond3A_61 {
        %mul3A_62 = arith.constant 80 : i32
        %mul3A_63 = arith.muli %add3A_59, %mul3A_62 : i32
        %mul3A_64 = arith.constant 80 : i32
        %mul3A_65 = arith.muli %add3A_59, %mul3A_64 : i32
        "tpu.region"() ({
          %run_scoped3A = tpu.sem_alloc : memref<!tpu.dma_semaphore, #tpu.memory_space<semaphore_mem>>
          %dma_start3A_66 = arith.constant 0 : i32
          %dma_start3A_67 = tpu.memref_slice %arg7[%mul3A_65, %dma_start3A_66] : memref<10000x128xf32, #tpu.memory_space<vmem_shared>> -> memref<80x128xf32, #tpu.memory_space<vmem_shared>>
          %dma_start3A_68 = arith.constant 0 : i32
          %dma_start3A_69 = tpu.memref_slice %arg2[%mul3A_63, %dma_start3A_68] : memref<10000x128xf32, #tpu.memory_space<hbm>> -> memref<80x128xf32, #tpu.memory_space<hbm>>
          tpu.enqueue_dma source(%dma_start3A_69 : memref<80x128xf32, #tpu.memory_space<hbm>>) target(%dma_start3A_67 : memref<80x128xf32, #tpu.memory_space<vmem_shared>>) target_semaphore(%run_scoped3A : memref<!tpu.dma_semaphore, #tpu.memory_space<semaphore_mem>>)
          %dma_wait3A_70 = arith.constant 0 : i32
          %dma_wait3A_71 = tpu.memref_slice %arg7[%mul3A_65, %dma_wait3A_70] : memref<10000x128xf32, #tpu.memory_space<vmem_shared>> -> memref<80x128xf32, #tpu.memory_space<vmem_shared>>
          %dma_wait3A_72 = arith.constant 0 : i32
          %dma_wait3A_73 = tpu.memref_slice %arg2[%mul3A_63, %dma_wait3A_72] : memref<10000x128xf32, #tpu.memory_space<hbm>> -> memref<80x128xf32, #tpu.memory_space<hbm>>
          tpu.wait_dma2 semaphore(%run_scoped3A : memref<!tpu.dma_semaphore, #tpu.memory_space<semaphore_mem>>) src(%dma_wait3A_73 : memref<80x128xf32, #tpu.memory_space<hbm>>) dst(%dma_wait3A_71 : memref<80x128xf32, #tpu.memory_space<vmem_shared>>)
          tpu.yield
        }) : () -> ()
      } else {
      }
    }
    %scan3A_4 = arith.constant 8 : i32
    %barrier3A = arith.constant 0 : index
    tpu.barrier barrier_id(%barrier3A)
    %add3A_5 = arith.constant 0 : i32
    %add3A_6 = arith.addi %add3A_5, %add3A : i32
    %dma_start3A = arith.constant 0 : i32
    %dma_start3A_7 = arith.constant 0 : i32
    %dma_start3A_8 = tpu.memref_slice %arg5[%dma_start3A, %dma_start3A_7] : memref<2x128xi32, #tpu.memory_space<vmem>> -> memref<1x128xi32, #tpu.memory_space<vmem>>
    %dma_start3A_9 = arith.constant 0 : i32
    %dma_start3A_10 = tpu.memref_slice %arg3[%add3A_6, %dma_start3A_9] : memref<2560x128xi32, #tpu.memory_space<hbm>> -> memref<1x128xi32, #tpu.memory_space<hbm>>
    %dma_start3A_11 = arith.constant 0 : i32
    %dma_start3A_12 = arith.constant 0 : i32
    %dma_start3A_13 = tpu.memref_slice %arg5[%dma_start3A_11, %dma_start3A_12] : memref<2x128xi32, #tpu.memory_space<vmem>> -> memref<1x128xi32, #tpu.memory_space<vmem>>
    %dma_start3A_14 = arith.constant 0 : i32
    %dma_start3A_15 = tpu.memref_slice %arg3[%add3A_6, %dma_start3A_14] : memref<2560x128xi32, #tpu.memory_space<hbm>> -> memref<1x128xi32, #tpu.memory_space<hbm>>
    tpu.enqueue_dma source(%dma_start3A_15 : memref<1x128xi32, #tpu.memory_space<hbm>>) target(%dma_start3A_13 : memref<1x128xi32, #tpu.memory_space<vmem>>) target_semaphore(%arg8 : memref<!tpu.dma_semaphore, #tpu.memory_space<semaphore_mem>>)
    %scan3A_16 = arith.constant 0 : i32
    %scan3A_17 = arith.constant 80 : i32
    %scan3A_18 = arith.addi %scan3A_16, %scan3A_17 : i32
    %scan3A_19 = arith.constant 1 : i32
    scf.for %scan3A_52 = %scan3A_16 to %scan3A_18 step %scan3A_19  : i32 {
      %mul3A_53 = arith.constant 1 : i32
      %mul3A_54 = arith.muli %scan3A_52, %mul3A_53 : i32
      %add3A_55 = arith.constant 0 : i32
      %add3A_56 = arith.addi %add3A_55, %mul3A_54 : i32
      %rem3A = arith.constant 2 : i32
      %rem3A_57 = arith.remsi %add3A_56, %rem3A : i32
      %add3A_58 = arith.constant 1 : i32
      %add3A_59 = arith.addi %add3A_56, %add3A_58 : i32
      %rem3A_60 = arith.constant 2 : i32
      %rem3A_61 = arith.remsi %add3A_59, %rem3A_60 : i32
      %add3A_62 = arith.constant 1 : i32
      %add3A_63 = arith.addi %add3A_56, %add3A_62 : i32
      %lt3A = arith.constant 80 : i32
      %lt3A_64 = arith.cmpi slt, %add3A_63, %lt3A : i32
      %convert_element_type3A = arith.extui %lt3A_64 : i1 to i32
      %cond3A = arith.constant 0 : i32
      %cond3A_65 = arith.cmpi ne, %convert_element_type3A, %cond3A : i32
      scf.if %cond3A_65 {
        %add3A_116 = arith.constant 1 : i32
        %add3A_117 = arith.addi %add3A_56, %add3A_116 : i32
        %mul3A_118 = arith.constant 32 : i32
        %mul3A_119 = arith.muli %add3A_117, %mul3A_118 : i32
        %add3A_120 = arith.addi %mul3A_119, %add3A : i32
        %dma_start3A_121 = arith.constant 0 : i32
        %dma_start3A_122 = tpu.memref_slice %arg5[%rem3A_61, %dma_start3A_121] : memref<2x128xi32, #tpu.memory_space<vmem>> -> memref<1x128xi32, #tpu.memory_space<vmem>>
        %dma_start3A_123 = arith.constant 0 : i32
        %dma_start3A_124 = tpu.memref_slice %arg3[%add3A_120, %dma_start3A_123] : memref<2560x128xi32, #tpu.memory_space<hbm>> -> memref<1x128xi32, #tpu.memory_space<hbm>>
        %dma_start3A_125 = arith.constant 0 : i32
        %dma_start3A_126 = tpu.memref_slice %arg5[%rem3A_61, %dma_start3A_125] : memref<2x128xi32, #tpu.memory_space<vmem>> -> memref<1x128xi32, #tpu.memory_space<vmem>>
        %dma_start3A_127 = arith.constant 0 : i32
        %dma_start3A_128 = tpu.memref_slice %arg3[%add3A_120, %dma_start3A_127] : memref<2560x128xi32, #tpu.memory_space<hbm>> -> memref<1x128xi32, #tpu.memory_space<hbm>>
        tpu.enqueue_dma source(%dma_start3A_128 : memref<1x128xi32, #tpu.memory_space<hbm>>) target(%dma_start3A_126 : memref<1x128xi32, #tpu.memory_space<vmem>>) target_semaphore(%arg8 : memref<!tpu.dma_semaphore, #tpu.memory_space<semaphore_mem>>)
      } else {
      }
      %mul3A_66 = arith.constant 32 : i32
      %mul3A_67 = arith.muli %add3A_56, %mul3A_66 : i32
      %add3A_68 = arith.addi %mul3A_67, %add3A : i32
      %dma_wait3A_69 = arith.constant 0 : i32
      %dma_wait3A_70 = tpu.memref_slice %arg5[%rem3A_57, %dma_wait3A_69] : memref<2x128xi32, #tpu.memory_space<vmem>> -> memref<1x128xi32, #tpu.memory_space<vmem>>
      %dma_wait3A_71 = arith.constant 0 : i32
      %dma_wait3A_72 = tpu.memref_slice %arg3[%add3A_68, %dma_wait3A_71] : memref<2560x128xi32, #tpu.memory_space<hbm>> -> memref<1x128xi32, #tpu.memory_space<hbm>>
      %dma_wait3A_73 = arith.constant 0 : i32
      %dma_wait3A_74 = tpu.memref_slice %arg5[%rem3A_57, %dma_wait3A_73] : memref<2x128xi32, #tpu.memory_space<vmem>> -> memref<1x128xi32, #tpu.memory_space<vmem>>
      %dma_wait3A_75 = arith.constant 0 : i32
      %dma_wait3A_76 = tpu.memref_slice %arg3[%add3A_68, %dma_wait3A_75] : memref<2560x128xi32, #tpu.memory_space<hbm>> -> memref<1x128xi32, #tpu.memory_space<hbm>>
      tpu.wait_dma2 semaphore(%arg8 : memref<!tpu.dma_semaphore, #tpu.memory_space<semaphore_mem>>) src(%dma_wait3A_76 : memref<1x128xi32, #tpu.memory_space<hbm>>) dst(%dma_wait3A_74 : memref<1x128xi32, #tpu.memory_space<vmem>>)
      %ge3A = arith.constant 2 : i32
      %ge3A_77 = arith.cmpi sge, %add3A_56, %ge3A : i32
      %convert_element_type3A_78 = arith.extui %ge3A_77 : i1 to i32
      %cond3A_79 = arith.constant 0 : i32
      %cond3A_80 = arith.cmpi ne, %convert_element_type3A_78, %cond3A_79 : i32
      scf.if %cond3A_80 {
        %sub3A = arith.constant 2 : i32
        %sub3A_116 = arith.subi %add3A_56, %sub3A : i32
        %mul3A_117 = arith.constant 32 : i32
        %mul3A_118 = arith.muli %sub3A_116, %mul3A_117 : i32
        %add3A_119 = arith.addi %mul3A_118, %add3A : i32
        %dma_wait3A_120 = arith.constant 0 : i32
        %dma_wait3A_121 = arith.constant 0 : i32
        %dma_wait3A_122 = tpu.memref_slice %arg6[%rem3A_57, %dma_wait3A_120, %dma_wait3A_121] : memref<2x128x128xf32, #tpu.memory_space<vmem>> -> memref<1x128x128xf32, #tpu.memory_space<vmem>>
        %dma_wait3A_123 = arith.constant 0 : i32
        %dma_wait3A_124 = arith.constant 0 : i32
        %dma_wait3A_125 = tpu.memref_slice %arg4[%add3A_119, %dma_wait3A_123, %dma_wait3A_124] : memref<2560x128x128xf32, #tpu.memory_space<hbm>> -> memref<1x128x128xf32, #tpu.memory_space<hbm>>
        %dma_wait3A_126 = arith.constant 0 : i32
        %dma_wait3A_127 = arith.constant 0 : i32
        %dma_wait3A_128 = tpu.memref_slice %arg4[%add3A_119, %dma_wait3A_126, %dma_wait3A_127] : memref<2560x128x128xf32, #tpu.memory_space<hbm>> -> memref<1x128x128xf32, #tpu.memory_space<hbm>>
        %dma_wait3A_129 = arith.constant 0 : i32
        %dma_wait3A_130 = arith.constant 0 : i32
        %dma_wait3A_131 = tpu.memref_slice %arg6[%rem3A_57, %dma_wait3A_129, %dma_wait3A_130] : memref<2x128x128xf32, #tpu.memory_space<vmem>> -> memref<1x128x128xf32, #tpu.memory_space<vmem>>
        tpu.wait_dma2 semaphore(%arg10 : memref<!tpu.dma_semaphore, #tpu.memory_space<semaphore_mem>>) src(%dma_wait3A_131 : memref<1x128x128xf32, #tpu.memory_space<vmem>>) dst(%dma_wait3A_128 : memref<1x128x128xf32, #tpu.memory_space<hbm>>)
      } else {
      }
      %dma_start3A_81 = arith.constant 0 : i32
      %dma_start3A_82 = arith.constant 0 : i32
      %dma_start3A_83 = tpu.memref_slice %arg6[%rem3A_57, %dma_start3A_81, %dma_start3A_82] : memref<2x128x128xf32, #tpu.memory_space<vmem>> -> memref<1x128x128xf32, #tpu.memory_space<vmem>>
      %dma_start3A_84 = tpu.memref_squeeze %dma_start3A_83 : memref<1x128x128xf32, #tpu.memory_space<vmem>> -> memref<128x128xf32, #tpu.memory_space<vmem>>
      %dma_start3A_85 = arith.constant 0 : i32
      %dma_start3A_86 = tpu.memref_slice %arg5[%rem3A_57, %dma_start3A_85] : memref<2x128xi32, #tpu.memory_space<vmem>> -> memref<1x128xi32, #tpu.memory_space<vmem>>
      %dma_start3A_87 = tpu.memref_squeeze %dma_start3A_86 : memref<1x128xi32, #tpu.memory_space<vmem>> -> memref<128xi32, #tpu.memory_space<vmem>>
      %dma_start3A_88 = arith.constant 0 : i32
      %dma_start3A_89 = arith.constant 0 : i32
      %dma_start3A_90 = tpu.memref_slice %arg7[%dma_start3A_88, %dma_start3A_89] : memref<10000x128xf32, #tpu.memory_space<vmem_shared>> -> memref<10000x128xf32, #tpu.memory_space<vmem_shared>>
      tpu.enqueue_indirect_dma source(%dma_start3A_90 : memref<10000x128xf32, #tpu.memory_space<vmem_shared>>) target(%dma_start3A_84 : memref<128x128xf32, #tpu.memory_space<vmem>>) offsets(%dma_start3A_87 : memref<128xi32, #tpu.memory_space<vmem>>) semaphore(%arg9 : memref<!tpu.dma_semaphore, #tpu.memory_space<semaphore_mem>>)
      %dma_wait3A_91 = arith.constant 0 : i32
      %dma_wait3A_92 = arith.constant 0 : i32
      %dma_wait3A_93 = tpu.memref_slice %arg6[%rem3A_57, %dma_wait3A_91, %dma_wait3A_92] : memref<2x128x128xf32, #tpu.memory_space<vmem>> -> memref<1x128x128xf32, #tpu.memory_space<vmem>>
      %dma_wait3A_94 = tpu.memref_squeeze %dma_wait3A_93 : memref<1x128x128xf32, #tpu.memory_space<vmem>> -> memref<128x128xf32, #tpu.memory_space<vmem>>
      %dma_wait3A_95 = arith.constant 0 : i32
      %dma_wait3A_96 = tpu.memref_slice %arg5[%rem3A_57, %dma_wait3A_95] : memref<2x128xi32, #tpu.memory_space<vmem>> -> memref<1x128xi32, #tpu.memory_space<vmem>>
      %dma_wait3A_97 = tpu.memref_squeeze %dma_wait3A_96 : memref<1x128xi32, #tpu.memory_space<vmem>> -> memref<128xi32, #tpu.memory_space<vmem>>
      %dma_wait3A_98 = arith.constant 0 : i32
      %dma_wait3A_99 = arith.constant 0 : i32
      %dma_wait3A_100 = tpu.memref_slice %arg7[%dma_wait3A_98, %dma_wait3A_99] : memref<10000x128xf32, #tpu.memory_space<vmem_shared>> -> memref<10000x128xf32, #tpu.memory_space<vmem_shared>>
      tpu.wait_indirect_dma semaphore(%arg9 : memref<!tpu.dma_semaphore, #tpu.memory_space<semaphore_mem>>) src(%dma_wait3A_100 : memref<10000x128xf32, #tpu.memory_space<vmem_shared>>) dst(%dma_wait3A_94 : memref<128x128xf32, #tpu.memory_space<vmem>>)
      %mul3A_101 = arith.constant 32 : i32
      %mul3A_102 = arith.muli %add3A_56, %mul3A_101 : i32
      %add3A_103 = arith.addi %mul3A_102, %add3A : i32
      %dma_start3A_104 = arith.constant 0 : i32
      %dma_start3A_105 = arith.constant 0 : i32
      %dma_start3A_106 = tpu.memref_slice %arg6[%rem3A_57, %dma_start3A_104, %dma_start3A_105] : memref<2x128x128xf32, #tpu.memory_space<vmem>> -> memref<1x128x128xf32, #tpu.memory_space<vmem>>
      %dma_start3A_107 = arith.constant 0 : i32
      %dma_start3A_108 = arith.constant 0 : i32
      %dma_start3A_109 = tpu.memref_slice %arg4[%add3A_103, %dma_start3A_107, %dma_start3A_108] : memref<2560x128x128xf32, #tpu.memory_space<hbm>> -> memref<1x128x128xf32, #tpu.memory_space<hbm>>
      %dma_start3A_110 = arith.constant 0 : i32
      %dma_start3A_111 = arith.constant 0 : i32
      %dma_start3A_112 = tpu.memref_slice %arg4[%add3A_103, %dma_start3A_110, %dma_start3A_111] : memref<2560x128x128xf32, #tpu.memory_space<hbm>> -> memref<1x128x128xf32, #tpu.memory_space<hbm>>
      %dma_start3A_113 = arith.constant 0 : i32
      %dma_start3A_114 = arith.constant 0 : i32
      %dma_start3A_115 = tpu.memref_slice %arg6[%rem3A_57, %dma_start3A_113, %dma_start3A_114] : memref<2x128x128xf32, #tpu.memory_space<vmem>> -> memref<1x128x128xf32, #tpu.memory_space<vmem>>
      tpu.enqueue_dma source(%dma_start3A_115 : memref<1x128x128xf32, #tpu.memory_space<vmem>>) target(%dma_start3A_112 : memref<1x128x128xf32, #tpu.memory_space<hbm>>) target_semaphore(%arg10 : memref<!tpu.dma_semaphore, #tpu.memory_space<semaphore_mem>>)
    }
    %scan3A_20 = arith.constant 80 : i32
    %add3A_21 = arith.constant 2496 : i32
    %add3A_22 = arith.addi %add3A_21, %add3A : i32
    %dma_wait3A = arith.constant 0 : i32
    %dma_wait3A_23 = arith.constant 0 : i32
    %dma_wait3A_24 = arith.constant 0 : i32
    %dma_wait3A_25 = tpu.memref_slice %arg6[%dma_wait3A, %dma_wait3A_23, %dma_wait3A_24] : memref<2x128x128xf32, #tpu.memory_space<vmem>> -> memref<1x128x128xf32, #tpu.memory_space<vmem>>
    %dma_wait3A_26 = arith.constant 0 : i32
    %dma_wait3A_27 = arith.constant 0 : i32
    %dma_wait3A_28 = tpu.memref_slice %arg4[%add3A_22, %dma_wait3A_26, %dma_wait3A_27] : memref<2560x128x128xf32, #tpu.memory_space<hbm>> -> memref<1x128x128xf32, #tpu.memory_space<hbm>>
    %dma_wait3A_29 = arith.constant 0 : i32
    %dma_wait3A_30 = arith.constant 0 : i32
    %dma_wait3A_31 = tpu.memref_slice %arg4[%add3A_22, %dma_wait3A_29, %dma_wait3A_30] : memref<2560x128x128xf32, #tpu.memory_space<hbm>> -> memref<1x128x128xf32, #tpu.memory_space<hbm>>
    %dma_wait3A_32 = arith.constant 0 : i32
    %dma_wait3A_33 = arith.constant 0 : i32
    %dma_wait3A_34 = arith.constant 0 : i32
    %dma_wait3A_35 = tpu.memref_slice %arg6[%dma_wait3A_32, %dma_wait3A_33, %dma_wait3A_34] : memref<2x128x128xf32, #tpu.memory_space<vmem>> -> memref<1x128x128xf32, #tpu.memory_space<vmem>>
    tpu.wait_dma2 semaphore(%arg10 : memref<!tpu.dma_semaphore, #tpu.memory_space<semaphore_mem>>) src(%dma_wait3A_35 : memref<1x128x128xf32, #tpu.memory_space<vmem>>) dst(%dma_wait3A_31 : memref<1x128x128xf32, #tpu.memory_space<hbm>>)
    %add3A_36 = arith.constant 2528 : i32
    %add3A_37 = arith.addi %add3A_36, %add3A : i32
    %dma_wait3A_38 = arith.constant 1 : i32
    %dma_wait3A_39 = arith.constant 0 : i32
    %dma_wait3A_40 = arith.constant 0 : i32
    %dma_wait3A_41 = tpu.memref_slice %arg6[%dma_wait3A_38, %dma_wait3A_39, %dma_wait3A_40] : memref<2x128x128xf32, #tpu.memory_space<vmem>> -> memref<1x128x128xf32, #tpu.memory_space<vmem>>
    %dma_wait3A_42 = arith.constant 0 : i32
    %dma_wait3A_43 = arith.constant 0 : i32
    %dma_wait3A_44 = tpu.memref_slice %arg4[%add3A_37, %dma_wait3A_42, %dma_wait3A_43] : memref<2560x128x128xf32, #tpu.memory_space<hbm>> -> memref<1x128x128xf32, #tpu.memory_space<hbm>>
    %dma_wait3A_45 = arith.constant 0 : i32
    %dma_wait3A_46 = arith.constant 0 : i32
    %dma_wait3A_47 = tpu.memref_slice %arg4[%add3A_37, %dma_wait3A_45, %dma_wait3A_46] : memref<2560x128x128xf32, #tpu.memory_space<hbm>> -> memref<1x128x128xf32, #tpu.memory_space<hbm>>
    %dma_wait3A_48 = arith.constant 1 : i32
    %dma_wait3A_49 = arith.constant 0 : i32
    %dma_wait3A_50 = arith.constant 0 : i32
    %dma_wait3A_51 = tpu.memref_slice %arg6[%dma_wait3A_48, %dma_wait3A_49, %dma_wait3A_50] : memref<2x128x128xf32, #tpu.memory_space<vmem>> -> memref<1x128x128xf32, #tpu.memory_space<vmem>>
    tpu.wait_dma2 semaphore(%arg10 : memref<!tpu.dma_semaphore, #tpu.memory_space<semaphore_mem>>) src(%dma_wait3A_51 : memref<1x128x128xf32, #tpu.memory_space<vmem>>) dst(%dma_wait3A_47 : memref<1x128x128xf32, #tpu.memory_space<hbm>>)
    return
  }
}

#map = affine_map<(d0, d1) -> (0, 0, 0)>
#map1 = affine_map<(d0, d1) -> (0, 0)>
module attributes {stable_mosaic.version = 14 : i64} {
  func.func @scat(%arg0: i32, %arg1: i32, %arg2: memref<2560x128x128xf32, #tpu.memory_space<hbm>>, %arg3: memref<2560x128xi32, #tpu.memory_space<hbm>>, %arg4: memref<128x128xf32, #tpu.memory_space<hbm>>, %arg5: memref<10000x128xf32, #tpu.memory_space<hbm>>, %arg6: memref<10000x128xf32, #tpu.memory_space<hbm>>, %arg7: memref<2x128xi32, #tpu.memory_space<vmem>>, %arg8: memref<2x128x128xf32, #tpu.memory_space<vmem>>, %arg9: memref<10112x128xf32, #tpu.memory_space<vmem_shared>>, %arg10: memref<!tpu.dma_semaphore, #tpu.memory_space<semaphore_mem>>, %arg11: memref<!tpu.dma_semaphore, #tpu.memory_space<semaphore_mem>>, %arg12: memref<!tpu.dma_semaphore, #tpu.memory_space<semaphore_mem>>) attributes {dimension_semantics = [#tpu.dimension_semantics<core_parallel>, #tpu.dimension_semantics<subcore_parallel>], iteration_bounds = array<i64: 2, 16>, scalar_prefetch = 0 : i64, scratch_operands = 6 : i64, tpu.core_type = #tpu.core_type<sc_vector_subcore>, window_params = [{transform_indices = #map}, {transform_indices = #map1}, {transform_indices = #map1}, {transform_indices = #map1}, {transform_indices = #map1}]} {
    %mul3A = arith.constant 16 : i32
    %mul3A_0 = arith.muli %arg0, %mul3A : i32
    %add3A = arith.addi %mul3A_0, %arg1 : i32
    %run_scoped3A = arith.constant 0 : i32
    "tpu.region"() ({
      %run_scoped3A_43 = tpu.sem_alloc : memref<!tpu.dma_semaphore, #tpu.memory_space<semaphore_mem>>
      %dma_start3A_44 = arith.constant 0 : i32
      %dma_start3A_45 = arith.constant 0 : i32
      %dma_start3A_46 = tpu.memref_slice %arg8[%run_scoped3A, %dma_start3A_44, %dma_start3A_45] : memref<2x128x128xf32, #tpu.memory_space<vmem>> -> memref<1x128x128xf32, #tpu.memory_space<vmem>>
      %dma_start3A_47 = tpu.memref_squeeze %dma_start3A_46 : memref<1x128x128xf32, #tpu.memory_space<vmem>> -> memref<128x128xf32, #tpu.memory_space<vmem>>
      %dma_start3A_48 = arith.constant 0 : i32
      %dma_start3A_49 = arith.constant 0 : i32
      %dma_start3A_50 = tpu.memref_slice %arg8[%run_scoped3A, %dma_start3A_48, %dma_start3A_49] : memref<2x128x128xf32, #tpu.memory_space<vmem>> -> memref<1x128x128xf32, #tpu.memory_space<vmem>>
      %dma_start3A_51 = tpu.memref_squeeze %dma_start3A_50 : memref<1x128x128xf32, #tpu.memory_space<vmem>> -> memref<128x128xf32, #tpu.memory_space<vmem>>
      tpu.enqueue_dma source(%arg4 : memref<128x128xf32, #tpu.memory_space<hbm>>) target(%dma_start3A_51 : memref<128x128xf32, #tpu.memory_space<vmem>>) target_semaphore(%run_scoped3A_43 : memref<!tpu.dma_semaphore, #tpu.memory_space<semaphore_mem>>)
      %dma_wait3A = arith.constant 0 : i32
      %dma_wait3A_52 = arith.constant 0 : i32
      %dma_wait3A_53 = tpu.memref_slice %arg8[%run_scoped3A, %dma_wait3A, %dma_wait3A_52] : memref<2x128x128xf32, #tpu.memory_space<vmem>> -> memref<1x128x128xf32, #tpu.memory_space<vmem>>
      %dma_wait3A_54 = tpu.memref_squeeze %dma_wait3A_53 : memref<1x128x128xf32, #tpu.memory_space<vmem>> -> memref<128x128xf32, #tpu.memory_space<vmem>>
      %dma_wait3A_55 = arith.constant 0 : i32
      %dma_wait3A_56 = arith.constant 0 : i32
      %dma_wait3A_57 = tpu.memref_slice %arg8[%run_scoped3A, %dma_wait3A_55, %dma_wait3A_56] : memref<2x128x128xf32, #tpu.memory_space<vmem>> -> memref<1x128x128xf32, #tpu.memory_space<vmem>>
      %dma_wait3A_58 = tpu.memref_squeeze %dma_wait3A_57 : memref<1x128x128xf32, #tpu.memory_space<vmem>> -> memref<128x128xf32, #tpu.memory_space<vmem>>
      tpu.wait_dma2 semaphore(%run_scoped3A_43 : memref<!tpu.dma_semaphore, #tpu.memory_space<semaphore_mem>>) src(%arg4 : memref<128x128xf32, #tpu.memory_space<hbm>>) dst(%dma_wait3A_58 : memref<128x128xf32, #tpu.memory_space<vmem>>)
      tpu.yield
    }) : () -> ()
    %scan3A = arith.constant 0 : i32
    %scan3A_1 = arith.constant 5 : i32
    %scan3A_2 = arith.addi %scan3A, %scan3A_1 : i32
    %scan3A_3 = arith.constant 1 : i32
    scf.for %scan3A_43 = %scan3A to %scan3A_2 step %scan3A_3  : i32 {
      %mul3A_44 = arith.constant 1 : i32
      %mul3A_45 = arith.muli %scan3A_43, %mul3A_44 : i32
      %add3A_46 = arith.constant 0 : i32
      %add3A_47 = arith.addi %add3A_46, %mul3A_45 : i32
      %mul3A_48 = arith.constant 16 : i32
      %mul3A_49 = arith.muli %mul3A_48, %add3A_47 : i32
      %add3A_50 = arith.addi %arg1, %mul3A_49 : i32
      %lt3A = arith.constant 79 : i32
      %lt3A_51 = arith.cmpi slt, %add3A_50, %lt3A : i32
      %convert_element_type3A = arith.extui %lt3A_51 : i1 to i32
      %cond3A = arith.constant 0 : i32
      %cond3A_52 = arith.cmpi ne, %convert_element_type3A, %cond3A : i32
      scf.if %cond3A_52 {
        %mul3A_53 = arith.constant 128 : i32
        %mul3A_54 = arith.muli %add3A_50, %mul3A_53 : i32
        %run_scoped3A_55 = arith.constant 0 : i32
        "tpu.region"() ({
          %run_scoped3A_56 = tpu.sem_alloc : memref<!tpu.dma_semaphore, #tpu.memory_space<semaphore_mem>>
          %dma_start3A_57 = arith.constant 0 : i32
          %dma_start3A_58 = arith.constant 0 : i32
          %dma_start3A_59 = tpu.memref_slice %arg8[%run_scoped3A_55, %dma_start3A_57, %dma_start3A_58] : memref<2x128x128xf32, #tpu.memory_space<vmem>> -> memref<1x128x128xf32, #tpu.memory_space<vmem>>
          %dma_start3A_60 = tpu.memref_squeeze %dma_start3A_59 : memref<1x128x128xf32, #tpu.memory_space<vmem>> -> memref<128x128xf32, #tpu.memory_space<vmem>>
          %dma_start3A_61 = arith.constant 0 : i32
          %dma_start3A_62 = tpu.memref_slice %arg9[%mul3A_54, %dma_start3A_61] : memref<10112x128xf32, #tpu.memory_space<vmem_shared>> -> memref<128x128xf32, #tpu.memory_space<vmem_shared>>
          %dma_start3A_63 = arith.constant 0 : i32
          %dma_start3A_64 = tpu.memref_slice %arg9[%mul3A_54, %dma_start3A_63] : memref<10112x128xf32, #tpu.memory_space<vmem_shared>> -> memref<128x128xf32, #tpu.memory_space<vmem_shared>>
          %dma_start3A_65 = arith.constant 0 : i32
          %dma_start3A_66 = arith.constant 0 : i32
          %dma_start3A_67 = tpu.memref_slice %arg8[%run_scoped3A_55, %dma_start3A_65, %dma_start3A_66] : memref<2x128x128xf32, #tpu.memory_space<vmem>> -> memref<1x128x128xf32, #tpu.memory_space<vmem>>
          %dma_start3A_68 = tpu.memref_squeeze %dma_start3A_67 : memref<1x128x128xf32, #tpu.memory_space<vmem>> -> memref<128x128xf32, #tpu.memory_space<vmem>>
          tpu.enqueue_dma source(%dma_start3A_68 : memref<128x128xf32, #tpu.memory_space<vmem>>) target(%dma_start3A_64 : memref<128x128xf32, #tpu.memory_space<vmem_shared>>) target_semaphore(%run_scoped3A_56 : memref<!tpu.dma_semaphore, #tpu.memory_space<semaphore_mem>>)
          %dma_wait3A = arith.constant 0 : i32
          %dma_wait3A_69 = arith.constant 0 : i32
          %dma_wait3A_70 = tpu.memref_slice %arg8[%run_scoped3A_55, %dma_wait3A, %dma_wait3A_69] : memref<2x128x128xf32, #tpu.memory_space<vmem>> -> memref<1x128x128xf32, #tpu.memory_space<vmem>>
          %dma_wait3A_71 = tpu.memref_squeeze %dma_wait3A_70 : memref<1x128x128xf32, #tpu.memory_space<vmem>> -> memref<128x128xf32, #tpu.memory_space<vmem>>
          %dma_wait3A_72 = arith.constant 0 : i32
          %dma_wait3A_73 = tpu.memref_slice %arg9[%mul3A_54, %dma_wait3A_72] : memref<10112x128xf32, #tpu.memory_space<vmem_shared>> -> memref<128x128xf32, #tpu.memory_space<vmem_shared>>
          %dma_wait3A_74 = arith.constant 0 : i32
          %dma_wait3A_75 = tpu.memref_slice %arg9[%mul3A_54, %dma_wait3A_74] : memref<10112x128xf32, #tpu.memory_space<vmem_shared>> -> memref<128x128xf32, #tpu.memory_space<vmem_shared>>
          %dma_wait3A_76 = arith.constant 0 : i32
          %dma_wait3A_77 = arith.constant 0 : i32
          %dma_wait3A_78 = tpu.memref_slice %arg8[%run_scoped3A_55, %dma_wait3A_76, %dma_wait3A_77] : memref<2x128x128xf32, #tpu.memory_space<vmem>> -> memref<1x128x128xf32, #tpu.memory_space<vmem>>
          %dma_wait3A_79 = tpu.memref_squeeze %dma_wait3A_78 : memref<1x128x128xf32, #tpu.memory_space<vmem>> -> memref<128x128xf32, #tpu.memory_space<vmem>>
          tpu.wait_dma2 semaphore(%run_scoped3A_56 : memref<!tpu.dma_semaphore, #tpu.memory_space<semaphore_mem>>) src(%dma_wait3A_79 : memref<128x128xf32, #tpu.memory_space<vmem>>) dst(%dma_wait3A_75 : memref<128x128xf32, #tpu.memory_space<vmem_shared>>)
          tpu.yield
        }) : () -> ()
      } else {
      }
    }
    %scan3A_4 = arith.constant 5 : i32
    %barrier3A = arith.constant 0 : index
    tpu.barrier barrier_id(%barrier3A)
    %add3A_5 = arith.constant 0 : i32
    %add3A_6 = arith.addi %add3A_5, %add3A : i32
    %dma_start3A = arith.constant 0 : i32
    %dma_start3A_7 = arith.constant 0 : i32
    %dma_start3A_8 = tpu.memref_slice %arg7[%dma_start3A, %dma_start3A_7] : memref<2x128xi32, #tpu.memory_space<vmem>> -> memref<1x128xi32, #tpu.memory_space<vmem>>
    %dma_start3A_9 = arith.constant 0 : i32
    %dma_start3A_10 = tpu.memref_slice %arg3[%add3A_6, %dma_start3A_9] : memref<2560x128xi32, #tpu.memory_space<hbm>> -> memref<1x128xi32, #tpu.memory_space<hbm>>
    %dma_start3A_11 = arith.constant 0 : i32
    %dma_start3A_12 = arith.constant 0 : i32
    %dma_start3A_13 = tpu.memref_slice %arg7[%dma_start3A_11, %dma_start3A_12] : memref<2x128xi32, #tpu.memory_space<vmem>> -> memref<1x128xi32, #tpu.memory_space<vmem>>
    %dma_start3A_14 = arith.constant 0 : i32
    %dma_start3A_15 = tpu.memref_slice %arg3[%add3A_6, %dma_start3A_14] : memref<2560x128xi32, #tpu.memory_space<hbm>> -> memref<1x128xi32, #tpu.memory_space<hbm>>
    tpu.enqueue_dma source(%dma_start3A_15 : memref<1x128xi32, #tpu.memory_space<hbm>>) target(%dma_start3A_13 : memref<1x128xi32, #tpu.memory_space<vmem>>) target_semaphore(%arg10 : memref<!tpu.dma_semaphore, #tpu.memory_space<semaphore_mem>>)
    %add3A_16 = arith.constant 0 : i32
    %add3A_17 = arith.addi %add3A_16, %add3A : i32
    %dma_start3A_18 = arith.constant 0 : i32
    %dma_start3A_19 = arith.constant 0 : i32
    %dma_start3A_20 = arith.constant 0 : i32
    %dma_start3A_21 = tpu.memref_slice %arg8[%dma_start3A_18, %dma_start3A_19, %dma_start3A_20] : memref<2x128x128xf32, #tpu.memory_space<vmem>> -> memref<1x128x128xf32, #tpu.memory_space<vmem>>
    %dma_start3A_22 = arith.constant 0 : i32
    %dma_start3A_23 = arith.constant 0 : i32
    %dma_start3A_24 = tpu.memref_slice %arg2[%add3A_17, %dma_start3A_22, %dma_start3A_23] : memref<2560x128x128xf32, #tpu.memory_space<hbm>> -> memref<1x128x128xf32, #tpu.memory_space<hbm>>
    %dma_start3A_25 = arith.constant 0 : i32
    %dma_start3A_26 = arith.constant 0 : i32
    %dma_start3A_27 = arith.constant 0 : i32
    %dma_start3A_28 = tpu.memref_slice %arg8[%dma_start3A_25, %dma_start3A_26, %dma_start3A_27] : memref<2x128x128xf32, #tpu.memory_space<vmem>> -> memref<1x128x128xf32, #tpu.memory_space<vmem>>
    %dma_start3A_29 = arith.constant 0 : i32
    %dma_start3A_30 = arith.constant 0 : i32
    %dma_start3A_31 = tpu.memref_slice %arg2[%add3A_17, %dma_start3A_29, %dma_start3A_30] : memref<2560x128x128xf32, #tpu.memory_space<hbm>> -> memref<1x128x128xf32, #tpu.memory_space<hbm>>
    tpu.enqueue_dma source(%dma_start3A_31 : memref<1x128x128xf32, #tpu.memory_space<hbm>>) target(%dma_start3A_28 : memref<1x128x128xf32, #tpu.memory_space<vmem>>) target_semaphore(%arg11 : memref<!tpu.dma_semaphore, #tpu.memory_space<semaphore_mem>>)
    %scan3A_32 = arith.constant 0 : i32
    %scan3A_33 = arith.constant 80 : i32
    %scan3A_34 = arith.addi %scan3A_32, %scan3A_33 : i32
    %scan3A_35 = arith.constant 1 : i32
    scf.for %scan3A_43 = %scan3A_32 to %scan3A_34 step %scan3A_35  : i32 {
      %mul3A_44 = arith.constant 1 : i32
      %mul3A_45 = arith.muli %scan3A_43, %mul3A_44 : i32
      %add3A_46 = arith.constant 0 : i32
      %add3A_47 = arith.addi %add3A_46, %mul3A_45 : i32
      %rem3A = arith.constant 2 : i32
      %rem3A_48 = arith.remsi %add3A_47, %rem3A : i32
      %add3A_49 = arith.constant 1 : i32
      %add3A_50 = arith.addi %add3A_47, %add3A_49 : i32
      %rem3A_51 = arith.constant 2 : i32
      %rem3A_52 = arith.remsi %add3A_50, %rem3A_51 : i32
      %add3A_53 = arith.constant 1 : i32
      %add3A_54 = arith.addi %add3A_47, %add3A_53 : i32
      %lt3A = arith.constant 80 : i32
      %lt3A_55 = arith.cmpi slt, %add3A_54, %lt3A : i32
      %convert_element_type3A = arith.extui %lt3A_55 : i1 to i32
      %cond3A = arith.constant 0 : i32
      %cond3A_56 = arith.cmpi ne, %convert_element_type3A, %cond3A : i32
      scf.if %cond3A_56 {
        %add3A_102 = arith.constant 1 : i32
        %add3A_103 = arith.addi %add3A_47, %add3A_102 : i32
        %mul3A_104 = arith.constant 32 : i32
        %mul3A_105 = arith.muli %add3A_103, %mul3A_104 : i32
        %add3A_106 = arith.addi %mul3A_105, %add3A : i32
        %dma_start3A_107 = arith.constant 0 : i32
        %dma_start3A_108 = tpu.memref_slice %arg7[%rem3A_52, %dma_start3A_107] : memref<2x128xi32, #tpu.memory_space<vmem>> -> memref<1x128xi32, #tpu.memory_space<vmem>>
        %dma_start3A_109 = arith.constant 0 : i32
        %dma_start3A_110 = tpu.memref_slice %arg3[%add3A_106, %dma_start3A_109] : memref<2560x128xi32, #tpu.memory_space<hbm>> -> memref<1x128xi32, #tpu.memory_space<hbm>>
        %dma_start3A_111 = arith.constant 0 : i32
        %dma_start3A_112 = tpu.memref_slice %arg7[%rem3A_52, %dma_start3A_111] : memref<2x128xi32, #tpu.memory_space<vmem>> -> memref<1x128xi32, #tpu.memory_space<vmem>>
        %dma_start3A_113 = arith.constant 0 : i32
        %dma_start3A_114 = tpu.memref_slice %arg3[%add3A_106, %dma_start3A_113] : memref<2560x128xi32, #tpu.memory_space<hbm>> -> memref<1x128xi32, #tpu.memory_space<hbm>>
        tpu.enqueue_dma source(%dma_start3A_114 : memref<1x128xi32, #tpu.memory_space<hbm>>) target(%dma_start3A_112 : memref<1x128xi32, #tpu.memory_space<vmem>>) target_semaphore(%arg10 : memref<!tpu.dma_semaphore, #tpu.memory_space<semaphore_mem>>)
        %add3A_115 = arith.constant 1 : i32
        %add3A_116 = arith.addi %add3A_47, %add3A_115 : i32
        %mul3A_117 = arith.constant 32 : i32
        %mul3A_118 = arith.muli %add3A_116, %mul3A_117 : i32
        %add3A_119 = arith.addi %mul3A_118, %add3A : i32
        %dma_start3A_120 = arith.constant 0 : i32
        %dma_start3A_121 = arith.constant 0 : i32
        %dma_start3A_122 = tpu.memref_slice %arg8[%rem3A_52, %dma_start3A_120, %dma_start3A_121] : memref<2x128x128xf32, #tpu.memory_space<vmem>> -> memref<1x128x128xf32, #tpu.memory_space<vmem>>
        %dma_start3A_123 = arith.constant 0 : i32
        %dma_start3A_124 = arith.constant 0 : i32
        %dma_start3A_125 = tpu.memref_slice %arg2[%add3A_119, %dma_start3A_123, %dma_start3A_124] : memref<2560x128x128xf32, #tpu.memory_space<hbm>> -> memref<1x128x128xf32, #tpu.memory_space<hbm>>
        %dma_start3A_126 = arith.constant 0 : i32
        %dma_start3A_127 = arith.constant 0 : i32
        %dma_start3A_128 = tpu.memref_slice %arg8[%rem3A_52, %dma_start3A_126, %dma_start3A_127] : memref<2x128x128xf32, #tpu.memory_space<vmem>> -> memref<1x128x128xf32, #tpu.memory_space<vmem>>
        %dma_start3A_129 = arith.constant 0 : i32
        %dma_start3A_130 = arith.constant 0 : i32
        %dma_start3A_131 = tpu.memref_slice %arg2[%add3A_119, %dma_start3A_129, %dma_start3A_130] : memref<2560x128x128xf32, #tpu.memory_space<hbm>> -> memref<1x128x128xf32, #tpu.memory_space<hbm>>
        tpu.enqueue_dma source(%dma_start3A_131 : memref<1x128x128xf32, #tpu.memory_space<hbm>>) target(%dma_start3A_128 : memref<1x128x128xf32, #tpu.memory_space<vmem>>) target_semaphore(%arg11 : memref<!tpu.dma_semaphore, #tpu.memory_space<semaphore_mem>>)
      } else {
      }
      %mul3A_57 = arith.constant 32 : i32
      %mul3A_58 = arith.muli %add3A_47, %mul3A_57 : i32
      %add3A_59 = arith.addi %mul3A_58, %add3A : i32
      %dma_wait3A = arith.constant 0 : i32
      %dma_wait3A_60 = tpu.memref_slice %arg7[%rem3A_48, %dma_wait3A] : memref<2x128xi32, #tpu.memory_space<vmem>> -> memref<1x128xi32, #tpu.memory_space<vmem>>
      %dma_wait3A_61 = arith.constant 0 : i32
      %dma_wait3A_62 = tpu.memref_slice %arg3[%add3A_59, %dma_wait3A_61] : memref<2560x128xi32, #tpu.memory_space<hbm>> -> memref<1x128xi32, #tpu.memory_space<hbm>>
      %dma_wait3A_63 = arith.constant 0 : i32
      %dma_wait3A_64 = tpu.memref_slice %arg7[%rem3A_48, %dma_wait3A_63] : memref<2x128xi32, #tpu.memory_space<vmem>> -> memref<1x128xi32, #tpu.memory_space<vmem>>
      %dma_wait3A_65 = arith.constant 0 : i32
      %dma_wait3A_66 = tpu.memref_slice %arg3[%add3A_59, %dma_wait3A_65] : memref<2560x128xi32, #tpu.memory_space<hbm>> -> memref<1x128xi32, #tpu.memory_space<hbm>>
      tpu.wait_dma2 semaphore(%arg10 : memref<!tpu.dma_semaphore, #tpu.memory_space<semaphore_mem>>) src(%dma_wait3A_66 : memref<1x128xi32, #tpu.memory_space<hbm>>) dst(%dma_wait3A_64 : memref<1x128xi32, #tpu.memory_space<vmem>>)
      %mul3A_67 = arith.constant 32 : i32
      %mul3A_68 = arith.muli %add3A_47, %mul3A_67 : i32
      %add3A_69 = arith.addi %mul3A_68, %add3A : i32
      %dma_wait3A_70 = arith.constant 0 : i32
      %dma_wait3A_71 = arith.constant 0 : i32
      %dma_wait3A_72 = tpu.memref_slice %arg8[%rem3A_48, %dma_wait3A_70, %dma_wait3A_71] : memref<2x128x128xf32, #tpu.memory_space<vmem>> -> memref<1x128x128xf32, #tpu.memory_space<vmem>>
      %dma_wait3A_73 = arith.constant 0 : i32
      %dma_wait3A_74 = arith.constant 0 : i32
      %dma_wait3A_75 = tpu.memref_slice %arg2[%add3A_69, %dma_wait3A_73, %dma_wait3A_74] : memref<2560x128x128xf32, #tpu.memory_space<hbm>> -> memref<1x128x128xf32, #tpu.memory_space<hbm>>
      %dma_wait3A_76 = arith.constant 0 : i32
      %dma_wait3A_77 = arith.constant 0 : i32
      %dma_wait3A_78 = tpu.memref_slice %arg8[%rem3A_48, %dma_wait3A_76, %dma_wait3A_77] : memref<2x128x128xf32, #tpu.memory_space<vmem>> -> memref<1x128x128xf32, #tpu.memory_space<vmem>>
      %dma_wait3A_79 = arith.constant 0 : i32
      %dma_wait3A_80 = arith.constant 0 : i32
      %dma_wait3A_81 = tpu.memref_slice %arg2[%add3A_69, %dma_wait3A_79, %dma_wait3A_80] : memref<2560x128x128xf32, #tpu.memory_space<hbm>> -> memref<1x128x128xf32, #tpu.memory_space<hbm>>
      tpu.wait_dma2 semaphore(%arg11 : memref<!tpu.dma_semaphore, #tpu.memory_space<semaphore_mem>>) src(%dma_wait3A_81 : memref<1x128x128xf32, #tpu.memory_space<hbm>>) dst(%dma_wait3A_78 : memref<1x128x128xf32, #tpu.memory_space<vmem>>)
      %dma_start3A_82 = arith.constant 0 : i32
      %dma_start3A_83 = arith.constant 0 : i32
      %dma_start3A_84 = tpu.memref_slice %arg8[%rem3A_48, %dma_start3A_82, %dma_start3A_83] : memref<2x128x128xf32, #tpu.memory_space<vmem>> -> memref<1x128x128xf32, #tpu.memory_space<vmem>>
      %dma_start3A_85 = tpu.memref_squeeze %dma_start3A_84 : memref<1x128x128xf32, #tpu.memory_space<vmem>> -> memref<128x128xf32, #tpu.memory_space<vmem>>
      %dma_start3A_86 = arith.constant 0 : i32
      %dma_start3A_87 = tpu.memref_slice %arg7[%rem3A_48, %dma_start3A_86] : memref<2x128xi32, #tpu.memory_space<vmem>> -> memref<1x128xi32, #tpu.memory_space<vmem>>
      %dma_start3A_88 = tpu.memref_squeeze %dma_start3A_87 : memref<1x128xi32, #tpu.memory_space<vmem>> -> memref<128xi32, #tpu.memory_space<vmem>>
      %dma_start3A_89 = arith.constant 0 : i32
      %dma_start3A_90 = arith.constant 0 : i32
      %dma_start3A_91 = tpu.memref_slice %arg9[%dma_start3A_89, %dma_start3A_90] : memref<10112x128xf32, #tpu.memory_space<vmem_shared>> -> memref<10112x128xf32, #tpu.memory_space<vmem_shared>>
      tpu.enqueue_indirect_dma source(%dma_start3A_85 : memref<128x128xf32, #tpu.memory_space<vmem>>) target(%dma_start3A_91 : memref<10112x128xf32, #tpu.memory_space<vmem_shared>>) offsets(%dma_start3A_88 : memref<128xi32, #tpu.memory_space<vmem>>) semaphore(%arg12 : memref<!tpu.dma_semaphore, #tpu.memory_space<semaphore_mem>>) {add = true}
      %dma_wait3A_92 = arith.constant 0 : i32
      %dma_wait3A_93 = arith.constant 0 : i32
      %dma_wait3A_94 = tpu.memref_slice %arg8[%rem3A_48, %dma_wait3A_92, %dma_wait3A_93] : memref<2x128x128xf32, #tpu.memory_space<vmem>> -> memref<1x128x128xf32, #tpu.memory_space<vmem>>
      %dma_wait3A_95 = tpu.memref_squeeze %dma_wait3A_94 : memref<1x128x128xf32, #tpu.memory_space<vmem>> -> memref<128x128xf32, #tpu.memory_space<vmem>>
      %dma_wait3A_96 = arith.constant 0 : i32
      %dma_wait3A_97 = tpu.memref_slice %arg7[%rem3A_48, %dma_wait3A_96] : memref<2x128xi32, #tpu.memory_space<vmem>> -> memref<1x128xi32, #tpu.memory_space<vmem>>
      %dma_wait3A_98 = tpu.memref_squeeze %dma_wait3A_97 : memref<1x128xi32, #tpu.memory_space<vmem>> -> memref<128xi32, #tpu.memory_space<vmem>>
      %dma_wait3A_99 = arith.constant 0 : i32
      %dma_wait3A_100 = arith.constant 0 : i32
      %dma_wait3A_101 = tpu.memref_slice %arg9[%dma_wait3A_99, %dma_wait3A_100] : memref<10112x128xf32, #tpu.memory_space<vmem_shared>> -> memref<10112x128xf32, #tpu.memory_space<vmem_shared>>
      tpu.wait_indirect_dma semaphore(%arg12 : memref<!tpu.dma_semaphore, #tpu.memory_space<semaphore_mem>>) src(%dma_wait3A_95 : memref<128x128xf32, #tpu.memory_space<vmem>>) dst(%dma_wait3A_101 : memref<10112x128xf32, #tpu.memory_space<vmem_shared>>)
    }
    %scan3A_36 = arith.constant 80 : i32
    %barrier3A_37 = arith.constant 0 : index
    tpu.barrier barrier_id(%barrier3A_37)
    %scan3A_38 = arith.constant 0 : i32
    %scan3A_39 = arith.constant 8 : i32
    %scan3A_40 = arith.addi %scan3A_38, %scan3A_39 : i32
    %scan3A_41 = arith.constant 1 : i32
    scf.for %scan3A_43 = %scan3A_38 to %scan3A_40 step %scan3A_41  : i32 {
      %mul3A_44 = arith.constant 1 : i32
      %mul3A_45 = arith.muli %scan3A_43, %mul3A_44 : i32
      %add3A_46 = arith.constant 0 : i32
      %add3A_47 = arith.addi %add3A_46, %mul3A_45 : i32
      %mul3A_48 = arith.constant 16 : i32
      %mul3A_49 = arith.muli %mul3A_48, %add3A_47 : i32
      %add3A_50 = arith.addi %arg1, %mul3A_49 : i32
      %lt3A = arith.constant 125 : i32
      %lt3A_51 = arith.cmpi slt, %add3A_50, %lt3A : i32
      %convert_element_type3A = arith.extui %lt3A_51 : i1 to i32
      %cond3A = arith.constant 0 : i32
      %cond3A_52 = arith.cmpi ne, %convert_element_type3A, %cond3A : i32
      scf.if %cond3A_52 {
        %mul3A_53 = arith.constant 80 : i32
        %mul3A_54 = arith.muli %add3A_50, %mul3A_53 : i32
        %run_scoped3A_55 = arith.constant 0 : i32
        "tpu.region"() ({
          %run_scoped3A_67 = tpu.sem_alloc : memref<!tpu.dma_semaphore, #tpu.memory_space<semaphore_mem>>
          %dma_start3A_68 = arith.constant 0 : i32
          %dma_start3A_69 = arith.constant 0 : i32
          %dma_start3A_70 = tpu.memref_slice %arg8[%run_scoped3A_55, %dma_start3A_68, %dma_start3A_69] : memref<2x128x128xf32, #tpu.memory_space<vmem>> -> memref<1x128x128xf32, #tpu.memory_space<vmem>>
          %dma_start3A_71 = tpu.memref_squeeze %dma_start3A_70 : memref<1x128x128xf32, #tpu.memory_space<vmem>> -> memref<128x128xf32, #tpu.memory_space<vmem>>
          %dma_start3A_72 = arith.constant 0 : i32
          %dma_start3A_73 = arith.constant 0 : i32
          %dma_start3A_74 = tpu.memref_slice %dma_start3A_71[%dma_start3A_72, %dma_start3A_73] : memref<128x128xf32, #tpu.memory_space<vmem>> -> memref<80x128xf32, #tpu.memory_space<vmem>>
          %dma_start3A_75 = arith.constant 0 : i32
          %dma_start3A_76 = tpu.memref_slice %arg9[%mul3A_54, %dma_start3A_75] : memref<10112x128xf32, #tpu.memory_space<vmem_shared>> -> memref<80x128xf32, #tpu.memory_space<vmem_shared>>
          %dma_start3A_77 = arith.constant 0 : i32
          %dma_start3A_78 = arith.constant 0 : i32
          %dma_start3A_79 = tpu.memref_slice %arg8[%run_scoped3A_55, %dma_start3A_77, %dma_start3A_78] : memref<2x128x128xf32, #tpu.memory_space<vmem>> -> memref<1x128x128xf32, #tpu.memory_space<vmem>>
          %dma_start3A_80 = tpu.memref_squeeze %dma_start3A_79 : memref<1x128x128xf32, #tpu.memory_space<vmem>> -> memref<128x128xf32, #tpu.memory_space<vmem>>
          %dma_start3A_81 = arith.constant 0 : i32
          %dma_start3A_82 = arith.constant 0 : i32
          %dma_start3A_83 = tpu.memref_slice %dma_start3A_80[%dma_start3A_81, %dma_start3A_82] : memref<128x128xf32, #tpu.memory_space<vmem>> -> memref<80x128xf32, #tpu.memory_space<vmem>>
          %dma_start3A_84 = arith.constant 0 : i32
          %dma_start3A_85 = tpu.memref_slice %arg9[%mul3A_54, %dma_start3A_84] : memref<10112x128xf32, #tpu.memory_space<vmem_shared>> -> memref<80x128xf32, #tpu.memory_space<vmem_shared>>
          tpu.enqueue_dma source(%dma_start3A_85 : memref<80x128xf32, #tpu.memory_space<vmem_shared>>) target(%dma_start3A_83 : memref<80x128xf32, #tpu.memory_space<vmem>>) target_semaphore(%run_scoped3A_67 : memref<!tpu.dma_semaphore, #tpu.memory_space<semaphore_mem>>)
          %dma_wait3A = arith.constant 0 : i32
          %dma_wait3A_86 = arith.constant 0 : i32
          %dma_wait3A_87 = tpu.memref_slice %arg8[%run_scoped3A_55, %dma_wait3A, %dma_wait3A_86] : memref<2x128x128xf32, #tpu.memory_space<vmem>> -> memref<1x128x128xf32, #tpu.memory_space<vmem>>
          %dma_wait3A_88 = tpu.memref_squeeze %dma_wait3A_87 : memref<1x128x128xf32, #tpu.memory_space<vmem>> -> memref<128x128xf32, #tpu.memory_space<vmem>>
          %dma_wait3A_89 = arith.constant 0 : i32
          %dma_wait3A_90 = arith.constant 0 : i32
          %dma_wait3A_91 = tpu.memref_slice %dma_wait3A_88[%dma_wait3A_89, %dma_wait3A_90] : memref<128x128xf32, #tpu.memory_space<vmem>> -> memref<80x128xf32, #tpu.memory_space<vmem>>
          %dma_wait3A_92 = arith.constant 0 : i32
          %dma_wait3A_93 = tpu.memref_slice %arg9[%mul3A_54, %dma_wait3A_92] : memref<10112x128xf32, #tpu.memory_space<vmem_shared>> -> memref<80x128xf32, #tpu.memory_space<vmem_shared>>
          %dma_wait3A_94 = arith.constant 0 : i32
          %dma_wait3A_95 = arith.constant 0 : i32
          %dma_wait3A_96 = tpu.memref_slice %arg8[%run_scoped3A_55, %dma_wait3A_94, %dma_wait3A_95] : memref<2x128x128xf32, #tpu.memory_space<vmem>> -> memref<1x128x128xf32, #tpu.memory_space<vmem>>
          %dma_wait3A_97 = tpu.memref_squeeze %dma_wait3A_96 : memref<1x128x128xf32, #tpu.memory_space<vmem>> -> memref<128x128xf32, #tpu.memory_space<vmem>>
          %dma_wait3A_98 = arith.constant 0 : i32
          %dma_wait3A_99 = arith.constant 0 : i32
          %dma_wait3A_100 = tpu.memref_slice %dma_wait3A_97[%dma_wait3A_98, %dma_wait3A_99] : memref<128x128xf32, #tpu.memory_space<vmem>> -> memref<80x128xf32, #tpu.memory_space<vmem>>
          %dma_wait3A_101 = arith.constant 0 : i32
          %dma_wait3A_102 = tpu.memref_slice %arg9[%mul3A_54, %dma_wait3A_101] : memref<10112x128xf32, #tpu.memory_space<vmem_shared>> -> memref<80x128xf32, #tpu.memory_space<vmem_shared>>
          tpu.wait_dma2 semaphore(%run_scoped3A_67 : memref<!tpu.dma_semaphore, #tpu.memory_space<semaphore_mem>>) src(%dma_wait3A_102 : memref<80x128xf32, #tpu.memory_space<vmem_shared>>) dst(%dma_wait3A_100 : memref<80x128xf32, #tpu.memory_space<vmem>>)
          tpu.yield
        }) : () -> ()
        %eq3A = arith.constant 0 : i32
        %eq3A_56 = arith.cmpi eq, %arg0, %eq3A : i32
        %convert_element_type3A_57 = arith.extui %eq3A_56 : i1 to i32
        %cond3A_58 = arith.constant 0 : i32
        %cond3A_59 = arith.constant 0 : i32
        %cond3A_60 = arith.cmpi ne, %convert_element_type3A_57, %cond3A_59 : i32
        scf.if %cond3A_60 {
          "tpu.region"() ({
            %run_scoped3A_67 = tpu.sem_alloc : memref<!tpu.dma_semaphore, #tpu.memory_space<semaphore_mem>>
            %dma_start3A_68 = arith.constant 0 : i32
            %dma_start3A_69 = arith.constant 0 : i32
            %dma_start3A_70 = tpu.memref_slice %arg8[%cond3A_58, %dma_start3A_68, %dma_start3A_69] : memref<2x128x128xf32, #tpu.memory_space<vmem>> -> memref<1x128x128xf32, #tpu.memory_space<vmem>>
            %dma_start3A_71 = tpu.memref_squeeze %dma_start3A_70 : memref<1x128x128xf32, #tpu.memory_space<vmem>> -> memref<128x128xf32, #tpu.memory_space<vmem>>
            %dma_start3A_72 = arith.constant 0 : i32
            %dma_start3A_73 = arith.constant 0 : i32
            %dma_start3A_74 = tpu.memref_slice %dma_start3A_71[%dma_start3A_72, %dma_start3A_73] : memref<128x128xf32, #tpu.memory_space<vmem>> -> memref<80x128xf32, #tpu.memory_space<vmem>>
            %dma_start3A_75 = arith.constant 0 : i32
            %dma_start3A_76 = tpu.memref_slice %arg5[%mul3A_54, %dma_start3A_75] : memref<10000x128xf32, #tpu.memory_space<hbm>> -> memref<80x128xf32, #tpu.memory_space<hbm>>
            %dma_start3A_77 = arith.constant 0 : i32
            %dma_start3A_78 = tpu.memref_slice %arg5[%mul3A_54, %dma_start3A_77] : memref<10000x128xf32, #tpu.memory_space<hbm>> -> memref<80x128xf32, #tpu.memory_space<hbm>>
            %dma_start3A_79 = arith.constant 0 : i32
            %dma_start3A_80 = arith.constant 0 : i32
            %dma_start3A_81 = tpu.memref_slice %arg8[%cond3A_58, %dma_start3A_79, %dma_start3A_80] : memref<2x128x128xf32, #tpu.memory_space<vmem>> -> memref<1x128x128xf32, #tpu.memory_space<vmem>>
            %dma_start3A_82 = tpu.memref_squeeze %dma_start3A_81 : memref<1x128x128xf32, #tpu.memory_space<vmem>> -> memref<128x128xf32, #tpu.memory_space<vmem>>
            %dma_start3A_83 = arith.constant 0 : i32
            %dma_start3A_84 = arith.constant 0 : i32
            %dma_start3A_85 = tpu.memref_slice %dma_start3A_82[%dma_start3A_83, %dma_start3A_84] : memref<128x128xf32, #tpu.memory_space<vmem>> -> memref<80x128xf32, #tpu.memory_space<vmem>>
            tpu.enqueue_dma source(%dma_start3A_85 : memref<80x128xf32, #tpu.memory_space<vmem>>) target(%dma_start3A_78 : memref<80x128xf32, #tpu.memory_space<hbm>>) target_semaphore(%run_scoped3A_67 : memref<!tpu.dma_semaphore, #tpu.memory_space<semaphore_mem>>)
            %dma_wait3A = arith.constant 0 : i32
            %dma_wait3A_86 = arith.constant 0 : i32
            %dma_wait3A_87 = tpu.memref_slice %arg8[%cond3A_58, %dma_wait3A, %dma_wait3A_86] : memref<2x128x128xf32, #tpu.memory_space<vmem>> -> memref<1x128x128xf32, #tpu.memory_space<vmem>>
            %dma_wait3A_88 = tpu.memref_squeeze %dma_wait3A_87 : memref<1x128x128xf32, #tpu.memory_space<vmem>> -> memref<128x128xf32, #tpu.memory_space<vmem>>
            %dma_wait3A_89 = arith.constant 0 : i32
            %dma_wait3A_90 = arith.constant 0 : i32
            %dma_wait3A_91 = tpu.memref_slice %dma_wait3A_88[%dma_wait3A_89, %dma_wait3A_90] : memref<128x128xf32, #tpu.memory_space<vmem>> -> memref<80x128xf32, #tpu.memory_space<vmem>>
            %dma_wait3A_92 = arith.constant 0 : i32
            %dma_wait3A_93 = tpu.memref_slice %arg5[%mul3A_54, %dma_wait3A_92] : memref<10000x128xf32, #tpu.memory_space<hbm>> -> memref<80x128xf32, #tpu.memory_space<hbm>>
            %dma_wait3A_94 = arith.constant 0 : i32
            %dma_wait3A_95 = tpu.memref_slice %arg5[%mul3A_54, %dma_wait3A_94] : memref<10000x128xf32, #tpu.memory_space<hbm>> -> memref<80x128xf32, #tpu.memory_space<hbm>>
            %dma_wait3A_96 = arith.constant 0 : i32
            %dma_wait3A_97 = arith.constant 0 : i32
            %dma_wait3A_98 = tpu.memref_slice %arg8[%cond3A_58, %dma_wait3A_96, %dma_wait3A_97] : memref<2x128x128xf32, #tpu.memory_space<vmem>> -> memref<1x128x128xf32, #tpu.memory_space<vmem>>
            %dma_wait3A_99 = tpu.memref_squeeze %dma_wait3A_98 : memref<1x128x128xf32, #tpu.memory_space<vmem>> -> memref<128x128xf32, #tpu.memory_space<vmem>>
            %dma_wait3A_100 = arith.constant 0 : i32
            %dma_wait3A_101 = arith.constant 0 : i32
            %dma_wait3A_102 = tpu.memref_slice %dma_wait3A_99[%dma_wait3A_100, %dma_wait3A_101] : memref<128x128xf32, #tpu.memory_space<vmem>> -> memref<80x128xf32, #tpu.memory_space<vmem>>
            tpu.wait_dma2 semaphore(%run_scoped3A_67 : memref<!tpu.dma_semaphore, #tpu.memory_space<semaphore_mem>>) src(%dma_wait3A_102 : memref<80x128xf32, #tpu.memory_space<vmem>>) dst(%dma_wait3A_95 : memref<80x128xf32, #tpu.memory_space<hbm>>)
            tpu.yield
          }) : () -> ()
        } else {
        }
        %eq3A_61 = arith.constant 1 : i32
        %eq3A_62 = arith.cmpi eq, %arg0, %eq3A_61 : i32
        %convert_element_type3A_63 = arith.extui %eq3A_62 : i1 to i32
        %cond3A_64 = arith.constant 0 : i32
        %cond3A_65 = arith.constant 0 : i32
        %cond3A_66 = arith.cmpi ne, %convert_element_type3A_63, %cond3A_65 : i32
        scf.if %cond3A_66 {
          "tpu.region"() ({
            %run_scoped3A_67 = tpu.sem_alloc : memref<!tpu.dma_semaphore, #tpu.memory_space<semaphore_mem>>
            %dma_start3A_68 = arith.constant 0 : i32
            %dma_start3A_69 = arith.constant 0 : i32
            %dma_start3A_70 = tpu.memref_slice %arg8[%cond3A_64, %dma_start3A_68, %dma_start3A_69] : memref<2x128x128xf32, #tpu.memory_space<vmem>> -> memref<1x128x128xf32, #tpu.memory_space<vmem>>
            %dma_start3A_71 = tpu.memref_squeeze %dma_start3A_70 : memref<1x128x128xf32, #tpu.memory_space<vmem>> -> memref<128x128xf32, #tpu.memory_space<vmem>>
            %dma_start3A_72 = arith.constant 0 : i32
            %dma_start3A_73 = arith.constant 0 : i32
            %dma_start3A_74 = tpu.memref_slice %dma_start3A_71[%dma_start3A_72, %dma_start3A_73] : memref<128x128xf32, #tpu.memory_space<vmem>> -> memref<80x128xf32, #tpu.memory_space<vmem>>
            %dma_start3A_75 = arith.constant 0 : i32
            %dma_start3A_76 = tpu.memref_slice %arg6[%mul3A_54, %dma_start3A_75] : memref<10000x128xf32, #tpu.memory_space<hbm>> -> memref<80x128xf32, #tpu.memory_space<hbm>>
            %dma_start3A_77 = arith.constant 0 : i32
            %dma_start3A_78 = tpu.memref_slice %arg6[%mul3A_54, %dma_start3A_77] : memref<10000x128xf32, #tpu.memory_space<hbm>> -> memref<80x128xf32, #tpu.memory_space<hbm>>
            %dma_start3A_79 = arith.constant 0 : i32
            %dma_start3A_80 = arith.constant 0 : i32
            %dma_start3A_81 = tpu.memref_slice %arg8[%cond3A_64, %dma_start3A_79, %dma_start3A_80] : memref<2x128x128xf32, #tpu.memory_space<vmem>> -> memref<1x128x128xf32, #tpu.memory_space<vmem>>
            %dma_start3A_82 = tpu.memref_squeeze %dma_start3A_81 : memref<1x128x128xf32, #tpu.memory_space<vmem>> -> memref<128x128xf32, #tpu.memory_space<vmem>>
            %dma_start3A_83 = arith.constant 0 : i32
            %dma_start3A_84 = arith.constant 0 : i32
            %dma_start3A_85 = tpu.memref_slice %dma_start3A_82[%dma_start3A_83, %dma_start3A_84] : memref<128x128xf32, #tpu.memory_space<vmem>> -> memref<80x128xf32, #tpu.memory_space<vmem>>
            tpu.enqueue_dma source(%dma_start3A_85 : memref<80x128xf32, #tpu.memory_space<vmem>>) target(%dma_start3A_78 : memref<80x128xf32, #tpu.memory_space<hbm>>) target_semaphore(%run_scoped3A_67 : memref<!tpu.dma_semaphore, #tpu.memory_space<semaphore_mem>>)
            %dma_wait3A = arith.constant 0 : i32
            %dma_wait3A_86 = arith.constant 0 : i32
            %dma_wait3A_87 = tpu.memref_slice %arg8[%cond3A_64, %dma_wait3A, %dma_wait3A_86] : memref<2x128x128xf32, #tpu.memory_space<vmem>> -> memref<1x128x128xf32, #tpu.memory_space<vmem>>
            %dma_wait3A_88 = tpu.memref_squeeze %dma_wait3A_87 : memref<1x128x128xf32, #tpu.memory_space<vmem>> -> memref<128x128xf32, #tpu.memory_space<vmem>>
            %dma_wait3A_89 = arith.constant 0 : i32
            %dma_wait3A_90 = arith.constant 0 : i32
            %dma_wait3A_91 = tpu.memref_slice %dma_wait3A_88[%dma_wait3A_89, %dma_wait3A_90] : memref<128x128xf32, #tpu.memory_space<vmem>> -> memref<80x128xf32, #tpu.memory_space<vmem>>
            %dma_wait3A_92 = arith.constant 0 : i32
            %dma_wait3A_93 = tpu.memref_slice %arg6[%mul3A_54, %dma_wait3A_92] : memref<10000x128xf32, #tpu.memory_space<hbm>> -> memref<80x128xf32, #tpu.memory_space<hbm>>
            %dma_wait3A_94 = arith.constant 0 : i32
            %dma_wait3A_95 = tpu.memref_slice %arg6[%mul3A_54, %dma_wait3A_94] : memref<10000x128xf32, #tpu.memory_space<hbm>> -> memref<80x128xf32, #tpu.memory_space<hbm>>
            %dma_wait3A_96 = arith.constant 0 : i32
            %dma_wait3A_97 = arith.constant 0 : i32
            %dma_wait3A_98 = tpu.memref_slice %arg8[%cond3A_64, %dma_wait3A_96, %dma_wait3A_97] : memref<2x128x128xf32, #tpu.memory_space<vmem>> -> memref<1x128x128xf32, #tpu.memory_space<vmem>>
            %dma_wait3A_99 = tpu.memref_squeeze %dma_wait3A_98 : memref<1x128x128xf32, #tpu.memory_space<vmem>> -> memref<128x128xf32, #tpu.memory_space<vmem>>
            %dma_wait3A_100 = arith.constant 0 : i32
            %dma_wait3A_101 = arith.constant 0 : i32
            %dma_wait3A_102 = tpu.memref_slice %dma_wait3A_99[%dma_wait3A_100, %dma_wait3A_101] : memref<128x128xf32, #tpu.memory_space<vmem>> -> memref<80x128xf32, #tpu.memory_space<vmem>>
            tpu.wait_dma2 semaphore(%run_scoped3A_67 : memref<!tpu.dma_semaphore, #tpu.memory_space<semaphore_mem>>) src(%dma_wait3A_102 : memref<80x128xf32, #tpu.memory_space<vmem>>) dst(%dma_wait3A_95 : memref<80x128xf32, #tpu.memory_space<hbm>>)
            tpu.yield
          }) : () -> ()
        } else {
        }
      } else {
      }
    }
    %scan3A_42 = arith.constant 8 : i32
    return
  }
}

module attributes {stable_mosaic.version = 14 : i64} {
  func.func @body(%arg0: i32, %arg1: memref<1000x128xf32, #tpu.memory_space<vmem>>, %arg2: memref<128x128xf32, #tpu.memory_space<vmem>>, %arg3: memref<1x128xf32, #tpu.memory_space<vmem>>, %arg4: memref<1000x128xf32, #tpu.memory_space<vmem>>, %arg5: memref<1000x128xf32, #tpu.memory_space<vmem>>, %arg6: memref<1000x128xf32, #tpu.memory_space<vmem>>) attributes {dimension_semantics = [#tpu.dimension_semantics<arbitrary>], iteration_bounds = array<i64: 10>, scalar_prefetch = 0 : i64, scratch_operands = 0 : i64, tpu.core_type = #tpu.core_type<tc>, window_params = [{transform_indices = @transform_0, window_bounds = array<i64: 1000, 128>}, {pipeline_mode = #tpu.pipeline_mode<synchronous>, transform_indices = @transform_1, window_bounds = array<i64: 128, 128>}, {pipeline_mode = #tpu.pipeline_mode<synchronous>, transform_indices = @transform_2, window_bounds = array<i64: 1, 128>}, {transform_indices = @transform_3, window_bounds = array<i64: 1000, 128>}, {transform_indices = @transform_4, window_bounds = array<i64: 1000, 128>}, {transform_indices = @transform_5, window_bounds = array<i64: 1000, 128>}]} {
    %get3A = arith.constant 0 : index
    %get3A_0 = arith.constant 0 : index
    %get3A_1 = vector.load %arg4[%get3A, %get3A_0] : memref<1000x128xf32, #tpu.memory_space<vmem>>, vector<1000x1xf32>
    %get3A_2 = arith.constant 0 : index
    %get3A_3 = arith.constant 0 : index
    %get3A_4 = vector.load %arg5[%get3A_2, %get3A_3] : memref<1000x128xf32, #tpu.memory_space<vmem>>, vector<1000x1xf32>
    %add3A = arith.addf %get3A_1, %get3A_4 : vector<1000x1xf32>
    %add3A_5 = arith.constant 1.000000e+00 : f32
    %add3A_6 = vector.broadcast %add3A_5 : f32 to vector<1000x1xf32>
    %add3A_7 = arith.addf %add3A, %add3A_6 : vector<1000x1xf32>
    %rsqrt3A = math.rsqrt %add3A_7 : vector<1000x1xf32>
    %get3A_8 = arith.constant 0 : index
    %get3A_9 = arith.constant 0 : index
    %get3A_10 = vector.load %arg1[%get3A_8, %get3A_9] : memref<1000x128xf32, #tpu.memory_space<vmem>>, vector<1000x128xf32>
    %get3A_11 = arith.constant 0 : index
    %get3A_12 = arith.constant 0 : index
    %get3A_13 = vector.load %arg2[%get3A_11, %get3A_12] : memref<128x128xf32, #tpu.memory_space<vmem>>, vector<128x128xf32>
    %dot_general3A = arith.constant dense<0.000000e+00> : vector<1000x128xf32>
    %dot_general3A_14 = tpu.matmul %get3A_10, %get3A_13, %dot_general3A {dimension_numbers = #tpu.dot_dimension_numbers<[1], [0], [0], [1], [0, 0, 1, 1], [], []>, transpose_lhs_hint = false} : vector<1000x128xf32>, vector<128x128xf32>, vector<1000x128xf32> -> vector<1000x128xf32>
    %get3A_15 = arith.constant 0 : index
    %get3A_16 = arith.constant 0 : index
    %get3A_17 = vector.load %arg3[%get3A_15, %get3A_16] : memref<1x128xf32, #tpu.memory_space<vmem>>, vector<1x128xf32>
    %add3A_18 = vector.broadcast %get3A_17 : vector<1x128xf32> to vector<1000x128xf32>
    %add3A_19 = arith.addf %dot_general3A_14, %add3A_18 : vector<1000x128xf32>
    %mul3A = vector.broadcast %rsqrt3A : vector<1000x1xf32> to vector<1000x128xf32>
    %mul3A_20 = arith.mulf %add3A_19, %mul3A : vector<1000x128xf32>
    %swap3A = arith.constant 0 : index
    %swap3A_21 = arith.constant 0 : index
    %swap3A_22 = vector.load %arg6[%swap3A, %swap3A_21] : memref<1000x128xf32, #tpu.memory_space<vmem>>, vector<1000x128xf32>
    tpu.vector_store %arg6[%swap3A, %swap3A_21], %mul3A_20 {strides = array<i32>} : memref<1000x128xf32, #tpu.memory_space<vmem>>, vector<1000x128xf32>,
    return
  }
  func.func @transform_0(%arg0: i32) -> (i32, i32) {
    %c0_i32 = arith.constant 0 : i32
    %c0_i32_0 = arith.constant 0 : i32
    return %arg0, %c0_i32 : i32, i32
  }
  func.func @transform_1(%arg0: i32) -> (i32, i32) {
    %c0_i32 = arith.constant 0 : i32
    %c0_i32_0 = arith.constant 0 : i32
    %c0_i32_1 = arith.constant 0 : i32
    return %c0_i32, %c0_i32_0 : i32, i32
  }
  func.func @transform_2(%arg0: i32) -> (i32, i32) {
    %c0_i32 = arith.constant 0 : i32
    %c0_i32_0 = arith.constant 0 : i32
    %c0_i32_1 = arith.constant 0 : i32
    return %c0_i32, %c0_i32_0 : i32, i32
  }
  func.func @transform_3(%arg0: i32) -> (i32, i32) {
    %c0_i32 = arith.constant 0 : i32
    %c0_i32_0 = arith.constant 0 : i32
    return %arg0, %c0_i32 : i32, i32
  }
  func.func @transform_4(%arg0: i32) -> (i32, i32) {
    %c0_i32 = arith.constant 0 : i32
    %c0_i32_0 = arith.constant 0 : i32
    return %arg0, %c0_i32 : i32, i32
  }
  func.func @transform_5(%arg0: i32) -> (i32, i32) {
    %c0_i32 = arith.constant 0 : i32
    %c0_i32_0 = arith.constant 0 : i32
    return %arg0, %c0_i32 : i32, i32
  }
}

module attributes {stable_mosaic.version = 14 : i64} {
  func.func @body(%arg0: i32, %arg1: memref<1000x128xf32, #tpu.memory_space<vmem>>, %arg2: memref<1000x128xf32, #tpu.memory_space<vmem>>, %arg3: memref<1000x128xf32, #tpu.memory_space<vmem>>, %arg4: memref<128x128xf32, #tpu.memory_space<vmem>>, %arg5: memref<1x128xf32, #tpu.memory_space<vmem>>, %arg6: memref<1000x128xf32, #tpu.memory_space<vmem>>, %arg7: memref<1000x128xf32, #tpu.memory_space<vmem>>, %arg8: memref<1000x128xf32, #tpu.memory_space<vmem>>) attributes {dimension_semantics = [#tpu.dimension_semantics<arbitrary>], iteration_bounds = array<i64: 10>, scalar_prefetch = 0 : i64, scratch_operands = 0 : i64, tpu.core_type = #tpu.core_type<tc>, window_params = [{transform_indices = @transform_0, window_bounds = array<i64: 1000, 128>}, {transform_indices = @transform_1, window_bounds = array<i64: 1000, 128>}, {transform_indices = @transform_2, window_bounds = array<i64: 1000, 128>}, {pipeline_mode = #tpu.pipeline_mode<synchronous>, transform_indices = @transform_3, window_bounds = array<i64: 128, 128>}, {pipeline_mode = #tpu.pipeline_mode<synchronous>, transform_indices = @transform_4, window_bounds = array<i64: 1, 128>}, {transform_indices = @transform_5, window_bounds = array<i64: 1000, 128>}, {transform_indices = @transform_6, window_bounds = array<i64: 1000, 128>}, {transform_indices = @transform_7, window_bounds = array<i64: 1000, 128>}]} {
    %get3A = arith.constant 0 : index
    %get3A_0 = arith.constant 0 : index
    %get3A_1 = vector.load %arg6[%get3A, %get3A_0] : memref<1000x128xf32, #tpu.memory_space<vmem>>, vector<1000x1xf32>
    %get3A_2 = arith.constant 0 : index
    %get3A_3 = arith.constant 0 : index
    %get3A_4 = vector.load %arg7[%get3A_2, %get3A_3] : memref<1000x128xf32, #tpu.memory_space<vmem>>, vector<1000x1xf32>
    %add3A = arith.addf %get3A_1, %get3A_4 : vector<1000x1xf32>
    %add3A_5 = arith.constant 1.000000e+00 : f32
    %add3A_6 = vector.broadcast %add3A_5 : f32 to vector<1000x1xf32>
    %add3A_7 = arith.addf %add3A, %add3A_6 : vector<1000x1xf32>
    %rsqrt3A = math.rsqrt %add3A_7 : vector<1000x1xf32>
    %get3A_8 = arith.constant 0 : index
    %get3A_9 = arith.constant 0 : index
    %get3A_10 = vector.load %arg1[%get3A_8, %get3A_9] : memref<1000x128xf32, #tpu.memory_space<vmem>>, vector<1000x128xf32>
    %get3A_11 = arith.constant 0 : index
    %get3A_12 = arith.constant 0 : index
    %get3A_13 = vector.load %arg2[%get3A_11, %get3A_12] : memref<1000x128xf32, #tpu.memory_space<vmem>>, vector<1000x128xf32>
    %add3A_14 = arith.addf %get3A_10, %get3A_13 : vector<1000x128xf32>
    %get3A_15 = arith.constant 0 : index
    %get3A_16 = arith.constant 0 : index
    %get3A_17 = vector.load %arg3[%get3A_15, %get3A_16] : memref<1000x128xf32, #tpu.memory_space<vmem>>, vector<1000x128xf32>
    %add3A_18 = arith.addf %add3A_14, %get3A_17 : vector<1000x128xf32>
    %mul3A = vector.broadcast %rsqrt3A : vector<1000x1xf32> to vector<1000x128xf32>
    %mul3A_19 = arith.mulf %add3A_18, %mul3A : vector<1000x128xf32>
    %max3A = arith.constant 0.000000e+00 : f32
    %max3A_20 = vector.broadcast %max3A : f32 to vector<1000x128xf32>
    %max3A_21 = arith.maximumf %mul3A_19, %max3A_20 : vector<1000x128xf32>
    %get3A_22 = arith.constant 0 : index
    %get3A_23 = arith.constant 0 : index
    %get3A_24 = vector.load %arg4[%get3A_22, %get3A_23] : memref<128x128xf32, #tpu.memory_space<vmem>>, vector<128x128xf32>
    %dot_general3A = arith.constant dense<0.000000e+00> : vector<1000x128xf32>
    %dot_general3A_25 = tpu.matmul %max3A_21, %get3A_24, %dot_general3A {dimension_numbers = #tpu.dot_dimension_numbers<[1], [0], [0], [1], [0, 0, 1, 1], [], []>, transpose_lhs_hint = false} : vector<1000x128xf32>, vector<128x128xf32>, vector<1000x128xf32> -> vector<1000x128xf32>
    %get3A_26 = arith.constant 0 : index
    %get3A_27 = arith.constant 0 : index
    %get3A_28 = vector.load %arg5[%get3A_26, %get3A_27] : memref<1x128xf32, #tpu.memory_space<vmem>>, vector<1x128xf32>
    %add3A_29 = vector.broadcast %get3A_28 : vector<1x128xf32> to vector<1000x128xf32>
    %add3A_30 = arith.addf %dot_general3A_25, %add3A_29 : vector<1000x128xf32>
    %mul3A_31 = vector.broadcast %rsqrt3A : vector<1000x1xf32> to vector<1000x128xf32>
    %mul3A_32 = arith.mulf %add3A_30, %mul3A_31 : vector<1000x128xf32>
    %swap3A = arith.constant 0 : index
    %swap3A_33 = arith.constant 0 : index
    %swap3A_34 = vector.load %arg8[%swap3A, %swap3A_33] : memref<1000x128xf32, #tpu.memory_space<vmem>>, vector<1000x128xf32>
    tpu.vector_store %arg8[%swap3A, %swap3A_33], %mul3A_32 {strides = array<i32>} : memref<1000x128xf32, #tpu.memory_space<vmem>>, vector<1000x128xf32>,
    return
  }
  func.func @transform_0(%arg0: i32) -> (i32, i32) {
    %c0_i32 = arith.constant 0 : i32
    %c0_i32_0 = arith.constant 0 : i32
    return %arg0, %c0_i32 : i32, i32
  }
  func.func @transform_1(%arg0: i32) -> (i32, i32) {
    %c0_i32 = arith.constant 0 : i32
    %c0_i32_0 = arith.constant 0 : i32
    return %arg0, %c0_i32 : i32, i32
  }
  func.func @transform_2(%arg0: i32) -> (i32, i32) {
    %c0_i32 = arith.constant 0 : i32
    %c0_i32_0 = arith.constant 0 : i32
    return %arg0, %c0_i32 : i32, i32
  }
  func.func @transform_3(%arg0: i32) -> (i32, i32) {
    %c0_i32 = arith.constant 0 : i32
    %c0_i32_0 = arith.constant 0 : i32
    %c0_i32_1 = arith.constant 0 : i32
    return %c0_i32, %c0_i32_0 : i32, i32
  }
  func.func @transform_4(%arg0: i32) -> (i32, i32) {
    %c0_i32 = arith.constant 0 : i32
    %c0_i32_0 = arith.constant 0 : i32
    %c0_i32_1 = arith.constant 0 : i32
    return %c0_i32, %c0_i32_0 : i32, i32
  }
  func.func @transform_5(%arg0: i32) -> (i32, i32) {
    %c0_i32 = arith.constant 0 : i32
    %c0_i32_0 = arith.constant 0 : i32
    return %arg0, %c0_i32 : i32, i32
  }
  func.func @transform_6(%arg0: i32) -> (i32, i32) {
    %c0_i32 = arith.constant 0 : i32
    %c0_i32_0 = arith.constant 0 : i32
    return %arg0, %c0_i32 : i32, i32
  }
  func.func @transform_7(%arg0: i32) -> (i32, i32) {
    %c0_i32 = arith.constant 0 : i32
    %c0_i32_0 = arith.constant 0 : i32
    return %arg0, %c0_i32 : i32, i32
  }
}

module attributes {stable_mosaic.version = 14 : i64} {
  func.func @body(%arg0: i32, %arg1: memref<1000x128xf32, #tpu.memory_space<vmem>>, %arg2: memref<1000x128xf32, #tpu.memory_space<vmem>>, %arg3: memref<1000x128xf32, #tpu.memory_space<vmem>>, %arg4: memref<1000x128xf32, #tpu.memory_space<vmem>>, %arg5: memref<1000x128xf32, #tpu.memory_space<vmem>>, %arg6: memref<1x1x1000xi32, #tpu.memory_space<vmem>>, %arg7: memref<128x128xf32, #tpu.memory_space<vmem>>, %arg8: memref<1x128xf32, #tpu.memory_space<vmem>>, %arg9: memref<128x128xf32, #tpu.memory_space<vmem>>, %arg10: memref<1x128xf32, #tpu.memory_space<vmem>>, %arg11: memref<128x128xf32, #tpu.memory_space<vmem>>, %arg12: memref<128x128xf32, #tpu.memory_space<vmem>>, %arg13: memref<128x128xf32, #tpu.memory_space<vmem>>) attributes {dimension_semantics = [#tpu.dimension_semantics<arbitrary>], iteration_bounds = array<i64: 10>, scalar_prefetch = 0 : i64, scratch_operands = 2 : i64, tpu.core_type = #tpu.core_type<tc>, window_params = [{transform_indices = @transform_0, window_bounds = array<i64: 1000, 128>}, {transform_indices = @transform_1, window_bounds = array<i64: 1000, 128>}, {transform_indices = @transform_2, window_bounds = array<i64: 1000, 128>}, {transform_indices = @transform_3, window_bounds = array<i64: 1000, 128>}, {transform_indices = @transform_4, window_bounds = array<i64: 1000, 128>}, {transform_indices = @transform_5, window_bounds = array<i64: 1, 1, 1000>}, {pipeline_mode = #tpu.pipeline_mode<synchronous>, transform_indices = @transform_6, window_bounds = array<i64: 128, 128>}, {pipeline_mode = #tpu.pipeline_mode<synchronous>, transform_indices = @transform_7, window_bounds = array<i64: 1, 128>}, {pipeline_mode = #tpu.pipeline_mode<synchronous>, transform_indices = @transform_8, window_bounds = array<i64: 128, 128>}, {pipeline_mode = #tpu.pipeline_mode<synchronous>, transform_indices = @transform_9, window_bounds = array<i64: 1, 128>}, {pipeline_mode = #tpu.pipeline_mode<synchronous>, transform_indices = @transform_10, window_bounds = array<i64: 128, 128>}]} {
    %eq3A = arith.constant 0 : i32
    %eq3A_0 = arith.cmpi eq, %arg0, %eq3A : i32
    %convert_element_type3A = arith.extui %eq3A_0 : i1 to i32
    %cond3A = arith.constant 0 : i32
    %cond3A_1 = arith.cmpi ne, %convert_element_type3A, %cond3A : i32
    scf.if %cond3A_1 {
      %broadcast_in_dim3A_57 = arith.constant 0.000000e+00 : f32
      %broadcast_in_dim3A_58 = vector.broadcast %broadcast_in_dim3A_57 : f32 to vector<128x128xf32>
      %swap3A_59 = arith.constant 0 : index
      %swap3A_60 = arith.constant 0 : index
      %swap3A_61 = vector.load %arg12[%swap3A_59, %swap3A_60] : memref<128x128xf32, #tpu.memory_space<vmem>>, vector<128x128xf32>
      tpu.vector_store %arg12[%swap3A_59, %swap3A_60], %broadcast_in_dim3A_58 {strides = array<i32>} : memref<128x128xf32, #tpu.memory_space<vmem>>, vector<128x128xf32>,
      %broadcast_in_dim3A_62 = arith.constant 0.000000e+00 : f32
      %broadcast_in_dim3A_63 = vector.broadcast %broadcast_in_dim3A_62 : f32 to vector<128x128xf32>
      %swap3A_64 = arith.constant 0 : index
      %swap3A_65 = arith.constant 0 : index
      %swap3A_66 = vector.load %arg13[%swap3A_64, %swap3A_65] : memref<128x128xf32, #tpu.memory_space<vmem>>, vector<128x128xf32>
      tpu.vector_store %arg13[%swap3A_64, %swap3A_65], %broadcast_in_dim3A_63 {strides = array<i32>} : memref<128x128xf32, #tpu.memory_space<vmem>>, vector<128x128xf32>,
    } else {
    }
    %get3A = arith.constant 0 : index
    %get3A_2 = arith.constant 0 : index
    %get3A_3 = vector.load %arg4[%get3A, %get3A_2] : memref<1000x128xf32, #tpu.memory_space<vmem>>, vector<1000x1xf32>
    %get3A_4 = arith.constant 0 : index
    %get3A_5 = arith.constant 0 : index
    %get3A_6 = vector.load %arg5[%get3A_4, %get3A_5] : memref<1000x128xf32, #tpu.memory_space<vmem>>, vector<1000x1xf32>
    %add3A = arith.addf %get3A_3, %get3A_6 : vector<1000x1xf32>
    %add3A_7 = arith.constant 1.000000e+00 : f32
    %add3A_8 = vector.broadcast %add3A_7 : f32 to vector<1000x1xf32>
    %add3A_9 = arith.addf %add3A, %add3A_8 : vector<1000x1xf32>
    %rsqrt3A = math.rsqrt %add3A_9 : vector<1000x1xf32>
    %get3A_10 = arith.constant 0 : index
    %get3A_11 = arith.constant 0 : index
    %get3A_12 = vector.load %arg1[%get3A_10, %get3A_11] : memref<1000x128xf32, #tpu.memory_space<vmem>>, vector<1000x128xf32>
    %get3A_13 = arith.constant 0 : index
    %get3A_14 = arith.constant 0 : index
    %get3A_15 = vector.load %arg2[%get3A_13, %get3A_14] : memref<1000x128xf32, #tpu.memory_space<vmem>>, vector<1000x128xf32>
    %add3A_16 = arith.addf %get3A_12, %get3A_15 : vector<1000x128xf32>
    %get3A_17 = arith.constant 0 : index
    %get3A_18 = arith.constant 0 : index
    %get3A_19 = vector.load %arg3[%get3A_17, %get3A_18] : memref<1000x128xf32, #tpu.memory_space<vmem>>, vector<1000x128xf32>
    %add3A_20 = arith.addf %add3A_16, %get3A_19 : vector<1000x128xf32>
    %mul3A = vector.broadcast %rsqrt3A : vector<1000x1xf32> to vector<1000x128xf32>
    %mul3A_21 = arith.mulf %add3A_20, %mul3A : vector<1000x128xf32>
    %max3A = arith.constant 0.000000e+00 : f32
    %max3A_22 = vector.broadcast %max3A : f32 to vector<1000x128xf32>
    %max3A_23 = arith.maximumf %mul3A_21, %max3A_22 : vector<1000x128xf32>
    %get3A_24 = arith.constant 0 : index
    %get3A_25 = arith.constant 0 : index
    %get3A_26 = arith.constant 0 : index
    %get3A_27 = vector.load %arg6[%get3A_24, %get3A_25, %get3A_26] : memref<1x1x1000xi32, #tpu.memory_space<vmem>>, vector<1x1x1000xi32>
    %get3A_28 = vector.shape_cast %get3A_27 : vector<1x1x1000xi32> to vector<1x1000xi32>
    %broadcast_in_dim3A = vector.shape_cast %get3A_28 : vector<1x1000xi32> to vector<1x1000xi32>
    %broadcast_in_dim3A_29 = vector.broadcast %broadcast_in_dim3A : vector<1x1000xi32> to vector<128x1000xi32>
    %iota3A = tpu.iota {dimensions = array<i32: 0>} : vector<128x1000xi32>
    %eq3A_30 = arith.cmpi eq, %broadcast_in_dim3A_29, %iota3A : vector<128x1000xi32>
    %jit3A = arith.constant 1.000000e+00 : f32
    %jit3A_31 = arith.constant 0.000000e+00 : f32
    %broadcast_in_dim3A_32 = vector.broadcast %jit3A : f32 to vector<128x1000xf32>
    %broadcast_in_dim3A_33 = vector.broadcast %jit3A_31 : f32 to vector<128x1000xf32>
    %select_n3A = arith.select %eq3A_30, %broadcast_in_dim3A_32, %broadcast_in_dim3A_33 : vector<128x1000xi1>, vector<128x1000xf32>
    %get3A_34 = arith.constant 0 : index
    %get3A_35 = arith.constant 0 : index
    %get3A_36 = vector.load %arg12[%get3A_34, %get3A_35] : memref<128x128xf32, #tpu.memory_space<vmem>>, vector<128x128xf32>
    %dot_general3A = arith.constant dense<0.000000e+00> : vector<128x128xf32>
    %dot_general3A_37 = tpu.matmul %select_n3A, %max3A_23, %dot_general3A {dimension_numbers = #tpu.dot_dimension_numbers<[1], [0], [0], [1], [0, 0, 1, 1], [], []>, transpose_lhs_hint = false} : vector<128x1000xf32>, vector<1000x128xf32>, vector<128x128xf32> -> vector<128x128xf32>
    %add3A_38 = arith.addf %get3A_36, %dot_general3A_37 : vector<128x128xf32>
    %swap3A = arith.constant 0 : index
    %swap3A_39 = arith.constant 0 : index
    %swap3A_40 = vector.load %arg12[%swap3A, %swap3A_39] : memref<128x128xf32, #tpu.memory_space<vmem>>, vector<128x128xf32>
    tpu.vector_store %arg12[%swap3A, %swap3A_39], %add3A_38 {strides = array<i32>} : memref<128x128xf32, #tpu.memory_space<vmem>>, vector<128x128xf32>,
    %get3A_41 = arith.constant 0 : index
    %get3A_42 = arith.constant 0 : index
    %get3A_43 = vector.load %arg13[%get3A_41, %get3A_42] : memref<128x128xf32, #tpu.memory_space<vmem>>, vector<128x128xf32>
    %broadcast_in_dim3A_44 = arith.constant 1.000000e+00 : f32
    %broadcast_in_dim3A_45 = vector.broadcast %broadcast_in_dim3A_44 : f32 to vector<1000x128xf32>
    %dot_general3A_46 = arith.constant dense<0.000000e+00> : vector<128x128xf32>
    %dot_general3A_47 = tpu.matmul %select_n3A, %broadcast_in_dim3A_45, %dot_general3A_46 {dimension_numbers = #tpu.dot_dimension_numbers<[1], [0], [0], [1], [0, 0, 1, 1], [], []>, transpose_lhs_hint = false} : vector<128x1000xf32>, vector<1000x128xf32>, vector<128x128xf32> -> vector<128x128xf32>
    %add3A_48 = arith.addf %get3A_43, %dot_general3A_47 : vector<128x128xf32>
    %swap3A_49 = arith.constant 0 : index
    %swap3A_50 = arith.constant 0 : index
    %swap3A_51 = vector.load %arg13[%swap3A_49, %swap3A_50] : memref<128x128xf32, #tpu.memory_space<vmem>>, vector<128x128xf32>
    tpu.vector_store %arg13[%swap3A_49, %swap3A_50], %add3A_48 {strides = array<i32>} : memref<128x128xf32, #tpu.memory_space<vmem>>, vector<128x128xf32>,
    %eq3A_52 = arith.constant 9 : i32
    %eq3A_53 = arith.cmpi eq, %arg0, %eq3A_52 : i32
    %convert_element_type3A_54 = arith.extui %eq3A_53 : i1 to i32
    %cond3A_55 = arith.constant 0 : i32
    %cond3A_56 = arith.cmpi ne, %convert_element_type3A_54, %cond3A_55 : i32
    scf.if %cond3A_56 {
      %get3A_57 = arith.constant 0 : index
      %get3A_58 = arith.constant 0 : index
      %get3A_59 = vector.load %arg12[%get3A_57, %get3A_58] : memref<128x128xf32, #tpu.memory_space<vmem>>, vector<128x128xf32>
      %get3A_60 = arith.constant 0 : index
      %get3A_61 = arith.constant 0 : index
      %get3A_62 = vector.load %arg13[%get3A_60, %get3A_61] : memref<128x128xf32, #tpu.memory_space<vmem>>, vector<128x128xf32>
      %max3A_63 = arith.constant 1.000000e+00 : f32
      %max3A_64 = vector.broadcast %max3A_63 : f32 to vector<128x128xf32>
      %max3A_65 = arith.maximumf %get3A_62, %max3A_64 : vector<128x128xf32>
      %div3A = arith.divf %get3A_59, %max3A_65 : vector<128x128xf32>
      %get3A_66 = arith.constant 0 : index
      %get3A_67 = arith.constant 0 : index
      %get3A_68 = vector.load %arg7[%get3A_66, %get3A_67] : memref<128x128xf32, #tpu.memory_space<vmem>>, vector<128x128xf32>
      %dot_general3A_69 = arith.constant dense<0.000000e+00> : vector<128x128xf32>
      %dot_general3A_70 = tpu.matmul %div3A, %get3A_68, %dot_general3A_69 {dimension_numbers = #tpu.dot_dimension_numbers<[1], [0], [0], [1], [0, 0, 1, 1], [], []>, transpose_lhs_hint = false} : vector<128x128xf32>, vector<128x128xf32>, vector<128x128xf32> -> vector<128x128xf32>
      %get3A_71 = arith.constant 0 : index
      %get3A_72 = arith.constant 0 : index
      %get3A_73 = vector.load %arg8[%get3A_71, %get3A_72] : memref<1x128xf32, #tpu.memory_space<vmem>>, vector<1x128xf32>
      %add3A_74 = vector.broadcast %get3A_73 : vector<1x128xf32> to vector<128x128xf32>
      %add3A_75 = arith.addf %dot_general3A_70, %add3A_74 : vector<128x128xf32>
      %max3A_76 = arith.constant 0.000000e+00 : f32
      %max3A_77 = vector.broadcast %max3A_76 : f32 to vector<128x128xf32>
      %max3A_78 = arith.maximumf %add3A_75, %max3A_77 : vector<128x128xf32>
      %get3A_79 = arith.constant 0 : index
      %get3A_80 = arith.constant 0 : index
      %get3A_81 = vector.load %arg9[%get3A_79, %get3A_80] : memref<128x128xf32, #tpu.memory_space<vmem>>, vector<128x128xf32>
      %dot_general3A_82 = arith.constant dense<0.000000e+00> : vector<128x128xf32>
      %dot_general3A_83 = tpu.matmul %max3A_78, %get3A_81, %dot_general3A_82 {dimension_numbers = #tpu.dot_dimension_numbers<[1], [0], [0], [1], [0, 0, 1, 1], [], []>, transpose_lhs_hint = false} : vector<128x128xf32>, vector<128x128xf32>, vector<128x128xf32> -> vector<128x128xf32>
      %get3A_84 = arith.constant 0 : index
      %get3A_85 = arith.constant 0 : index
      %get3A_86 = vector.load %arg10[%get3A_84, %get3A_85] : memref<1x128xf32, #tpu.memory_space<vmem>>, vector<1x128xf32>
      %add3A_87 = vector.broadcast %get3A_86 : vector<1x128xf32> to vector<128x128xf32>
      %add3A_88 = arith.addf %dot_general3A_83, %add3A_87 : vector<128x128xf32>
      %swap3A_89 = arith.constant 0 : index
      %swap3A_90 = arith.constant 0 : index
      %swap3A_91 = vector.load %arg11[%swap3A_89, %swap3A_90] : memref<128x128xf32, #tpu.memory_space<vmem>>, vector<128x128xf32>
      tpu.vector_store %arg11[%swap3A_89, %swap3A_90], %add3A_88 {strides = array<i32>} : memref<128x128xf32, #tpu.memory_space<vmem>>, vector<128x128xf32>,
    } else {
    }
    return
  }
  func.func @transform_0(%arg0: i32) -> (i32, i32) {
    %c0_i32 = arith.constant 0 : i32
    %c0_i32_0 = arith.constant 0 : i32
    return %arg0, %c0_i32 : i32, i32
  }
  func.func @transform_1(%arg0: i32) -> (i32, i32) {
    %c0_i32 = arith.constant 0 : i32
    %c0_i32_0 = arith.constant 0 : i32
    return %arg0, %c0_i32 : i32, i32
  }
  func.func @transform_2(%arg0: i32) -> (i32, i32) {
    %c0_i32 = arith.constant 0 : i32
    %c0_i32_0 = arith.constant 0 : i32
    return %arg0, %c0_i32 : i32, i32
  }
  func.func @transform_3(%arg0: i32) -> (i32, i32) {
    %c0_i32 = arith.constant 0 : i32
    %c0_i32_0 = arith.constant 0 : i32
    return %arg0, %c0_i32 : i32, i32
  }
  func.func @transform_4(%arg0: i32) -> (i32, i32) {
    %c0_i32 = arith.constant 0 : i32
    %c0_i32_0 = arith.constant 0 : i32
    return %arg0, %c0_i32 : i32, i32
  }
  func.func @transform_5(%arg0: i32) -> (i32, i32, i32) {
    %c0_i32 = arith.constant 0 : i32
    %c0_i32_0 = arith.constant 0 : i32
    %c0_i32_1 = arith.constant 0 : i32
    return %arg0, %c0_i32, %c0_i32_0 : i32, i32, i32
  }
  func.func @transform_6(%arg0: i32) -> (i32, i32) {
    %c0_i32 = arith.constant 0 : i32
    %c0_i32_0 = arith.constant 0 : i32
    %c0_i32_1 = arith.constant 0 : i32
    return %c0_i32, %c0_i32_0 : i32, i32
  }
  func.func @transform_7(%arg0: i32) -> (i32, i32) {
    %c0_i32 = arith.constant 0 : i32
    %c0_i32_0 = arith.constant 0 : i32
    %c0_i32_1 = arith.constant 0 : i32
    return %c0_i32, %c0_i32_0 : i32, i32
  }
  func.func @transform_8(%arg0: i32) -> (i32, i32) {
    %c0_i32 = arith.constant 0 : i32
    %c0_i32_0 = arith.constant 0 : i32
    %c0_i32_1 = arith.constant 0 : i32
    return %c0_i32, %c0_i32_0 : i32, i32
  }
  func.func @transform_9(%arg0: i32) -> (i32, i32) {
    %c0_i32 = arith.constant 0 : i32
    %c0_i32_0 = arith.constant 0 : i32
    %c0_i32_1 = arith.constant 0 : i32
    return %c0_i32, %c0_i32_0 : i32, i32
  }
  func.func @transform_10(%arg0: i32) -> (i32, i32) {
    %c0_i32 = arith.constant 0 : i32
    %c0_i32_0 = arith.constant 0 : i32
    %c0_i32_1 = arith.constant 0 : i32
    return %c0_i32, %c0_i32_0 : i32, i32
  }
}

</mosaic_0001>

<sc_bundles>
// kernel: kernel.13.cloned.1.call-start
scs
__scs_entry_jumppad:
0x0: {  	(pc) =	sbr.rel $0x88, $3  }
0x1: {  	(tag) =	ssettag $0x0;
	lr =	simm.s32 $0x1  }
0x2: {  	[smem:$0x3F94] =	sst lr;
	_ =	strace $0xD0000000  }
0x3: {  	_ = 	snop  }
0x4: {  	_ = 	snop  }
0x5: {  	_ = 	snop  }
0x6: {  	_ = 	snop  }
0x7: {  	_ = 	snop  }
__scs_overlays_trampoline_lowered:
0x8: {  	[smem:$0x3FA3] =	sst s0  }
0x9: {  	[smem:$0x3FA4] =	sst s1  }
0xa: {  	[smem:$0x3FA5] =	sst s2  }
0xb: {  	[smem:$0x3FA6] =	sst s3  }
0xc: {  	[smem:$0x3FA7] =	sst s4  }
0xd: {  	[smem:$0x3FA8] =	sst s5  }
0xe: {  	[smem:$0x3FA9] =	sst s6  }
0xf: {  	[smem:$0x3FAA] =	sst s7  }
0x10: {  	[smem:$0x3FAB] =	sst s8  }
0x11: {  	[smem:$0x3FAC] =	sst s9;
	s0 =	simm.s32 @!p0 $0x0  }
0x12: {  	s1 =	sld [smem:$0x3F92];
	s0 =	simm.s32 @p0 $0x1  }
0x13: {  	[smem:$0x3FAD] =	sst s0;
	s0 =	simm.s32 @!p1 $0x0  }
0x14: {  	s2 =	sld [smem:$0x3F91];
	s0 =	simm.s32 @p1 $0x1  }
0x15: {  	[smem:$0x3FAE] =	sst s0;
	s0 =	simm.s32 @!p2 $0x0  }
0x16: {  	s3 =	sld [smem:$0x3FDB];
	s0 =	simm.s32 @p2 $0x1  }
0x17: {  	s4 =	simm.s32 $0x1BF5;
	[smem:$0x3FB0] =	sst s0  }
0x18: {  	s0 =	sld [smem:$0x3F93];
	_ =	swait.ge [sflag:s4], $0x0  }
0x19: {  	s7 =	sld [smem:$0x3F94]  }
0x1a: {  	s8 =	sadd.s32 $0xFFFFE003, lr  }
0x1b: {  	s9 =	sadd.s32 $0xFFFFFEF7, lr;
	s5 =	simm.s32 $0xFFFFFFFF;
	p2 =	slt.u32 s8, $0xFFFFF086  }
0x1c: {  	p1 =	slt.u32 s9, $0xF7A;
	s5 =	simm.s32 @!p2 $0x0  }
0x1d: {  	s5 =	simm.s32 @p1 $0x1;
	p0 =	seq.s32 s7, s2  }
0x1e: {  	s7 =	smul.u32 @!p0 $0xF7A, s2;
	p2 =	seq.s32 @!p0 s5, $0x0  }
0x1f: {  	s9 =	smul.u32 $0xF7A, s1;
	s8 =	simm.s32 @!p0 $0x1BF5;
	p2 =	por !p2, p0  }
0x20: {  	[sflag:s8] =	ssyncset.s32 @!p0 $0xFFFFF086;
	s6 =	sadd.s32 @!p0 s3, s7;
	s7 =	simm.s32 @!p0 $0x108  }
0x21: {  	s3 =	sadd.s32 s3, s9;
	s6 =	sadd.s32 @!p0 $0x88, s6;
	s7 =	simm.s32 @p2 $0x1082  }
0x22: {  	[simem:s7], [sflag:s8] =	dma.local @!p0 [hbm:s6], $0xF7A  }
0x23: {  	s9 =	sor.u32 $0xD0000000, s2;
	s6 =	simm.s32 $0x108;
	_ =	swait.ge @!p0 [sflag:s8], $0x0  }
0x24: {  	s3 =	sadd.s32 $0x88, s3;
	s6 =	simm.s32 @!p1 $0x1082;
	[sflag:s4] =	ssyncset.s32 $0xFFFFF086  }
0x25: {  	[simem:s6], [sflag:s4] =	dma.local [hbm:s3], $0xF7A  }
0x26: {  	[smem:$0x3F94] =	sst s1;
	(tag) =	ssettag s2;
	_ =	strace s9  }
0x27: {  	s1 =	sld [smem:$0x3FA4]  }
0x28: {  	s2 =	sld [smem:$0x3FA5]  }
0x29: {  	s4 =	sld [smem:$0x3FA7]  }
0x2a: {  	p0 =	seq.s32 s5, $0x0;
	s5 =	sld [smem:$0x3FA8]  }
0x2b: {  	s6 =	sld [smem:$0x3FA9]  }
0x2c: {  	s7 =	sld [smem:$0x3FAA]  }
0x2d: {  	s3 =	simm.s32 $0x108;
	s8 =	sld [smem:$0x3FAB]  }
0x2e: {  	s3 =	simm.s32 @!p0 $0x1082;
	s9 =	sld [smem:$0x3FAC]  }
0x2f: {  	lr =	sadd.s32 s0, s3;
	s0 =	sld [smem:$0x3FA3]  }
0x30: {  	s3 =	sld [smem:$0x3FA6]  }
0x31: {  	[smem:$0x3FAF] =	sst s10  }
0x32: {  	s10 =	sld [smem:$0x3FAD];
	_ =	sdelay $0x3  }
0x33: {  	p0 =	seq.s32 s10, $0x1;
	s10 =	sld [smem:$0x3FAF];
	_ =	sdelay $0x3  }
0x34: {  	[smem:$0x3FAF] =	sst s10  }
0x35: {  	s10 =	sld [smem:$0x3FAE];
	_ =	sdelay $0x3  }
0x36: {  	p1 =	seq.s32 s10, $0x1;
	s10 =	sld [smem:$0x3FAF];
	_ =	sdelay $0x3  }
0x37: {  	[smem:$0x3FAF] =	sst s10  }
0x38: {  	s10 =	sld [smem:$0x3FB0]  }
0x39: {  	_ = 	snop;
	(pc) =	sbr.ind lr, $3  }
0x3a: {  	_ = 	snop  }
0x3b: {  	_ = 	snop  }
0x3c: {  	p2 =	seq.s32 s10, $0x1;
	s10 =	sld [smem:$0x3FAF]  }
0x3d: {  	_ =	shalt  }
0x3e: {  	_ =	shalt  }
0x3f: {  	_ =	shalt  }
0x40: {  	_ =	shalt  }
0x41: {  	_ =	shalt  }
0x42: {  	_ =	shalt  }
0x43: {  	_ =	shalt  }
0x44: {  	_ =	shalt  }
0x45: {  	_ =	shalt  }
0x46: {  	_ =	shalt  }
0x47: {  	_ =	shalt  }
0x48: {  	_ =	shalt  }
0x49: {  	_ =	shalt  }
0x4a: {  	_ =	shalt  }
0x4b: {  	_ =	shalt  }
0x4c: {  	_ =	shalt  }
0x4d: {  	_ =	shalt  }
0x4e: {  	_ =	shalt  }
0x4f: {  	_ =	shalt  }
0x50: {  	_ =	shalt  }
0x51: {  	_ =	shalt  }
0x52: {  	_ =	shalt  }
0x53: {  	_ =	shalt  }
0x54: {  	_ =	shalt  }
0x55: {  	_ =	shalt  }
0x56: {  	_ =	shalt  }
0x57: {  	_ =	shalt  }
0x58: {  	_ =	shalt  }
0x59: {  	_ =	shalt  }
0x5a: {  	_ =	shalt  }
0x5b: {  	_ =	shalt  }
0x5c: {  	_ =	shalt  }
0x5d: {  	_ =	shalt  }
0x5e: {  	_ =	shalt  }
0x5f: {  	_ =	shalt  }
0x60: {  	_ =	shalt  }
0x61: {  	_ =	shalt  }
0x62: {  	_ =	shalt  }
0x63: {  	_ =	shalt  }
0x64: {  	_ =	shalt  }
0x65: {  	_ =	shalt  }
0x66: {  	_ =	shalt  }
0x67: {  	_ =	shalt  }
0x68: {  	_ =	shalt  }
0x69: {  	_ =	shalt  }
0x6a: {  	_ =	shalt  }
0x6b: {  	_ =	shalt  }
0x6c: {  	_ =	shalt  }
0x6d: {  	_ =	shalt  }
0x6e: {  	_ =	shalt  }
0x6f: {  	_ =	shalt  }
0x70: {  	_ =	shalt  }
0x71: {  	_ =	shalt  }
0x72: {  	_ =	shalt  }
0x73: {  	_ =	shalt  }
0x74: {  	_ =	shalt  }
0x75: {  	_ =	shalt  }
0x76: {  	_ =	shalt  }
0x77: {  	_ =	shalt  }
0x78: {  	_ =	shalt  }
0x79: {  	_ =	shalt  }
0x7a: {  	_ =	shalt  }
0x7b: {  	_ =	shalt  }
0x7c: {  	_ =	shalt  }
0x7d: {  	_ =	shalt  }
0x7e: {  	_ =	shalt  }
0x7f: {  	_ =	shalt  }
0x80: {  	_ =	shalt  }
0x81: {  	_ =	shalt  }
0x82: {  	_ =	shalt  }
0x83: {  	_ =	shalt  }
0x84: {  	_ =	shalt  }
0x85: {  	_ =	shalt  }
0x86: {  	_ =	shalt  }
0x87: {  	_ =	shalt  }
.Lfunc_end0:
.L_simem_size_0:
called_computation_lowered:
.L_overlay_start_0:
0x88: {  	s2 =	sld [smem:$0x3FD9]  }
0x89: {  	s3 =	sld [smem:$0x3FFE];
	_ =	sdelay $0x1  }
0x8a: {  	s1 =	srdreg.scid  }
0x8b: {  	s0 =	sand.u32 $0x1, s1  }
0x8c: {  	s16 =	sshll.u32 s0, $0xA;
	s2 =	sadd.s32 s3, s2  }
0x8d: {  	s2 =	sadd.s32 s2, s16  }
0x8e: {  	[smem:$0x3FBB] =	sst s2  }
0x8f: {  	_ = 	snop  }
0x90: {  	(tm) =	ssettm $0x1  }
0x91: {  	s17 =	sld [smem:$0x3FFB];
	_ =	sdelay $0x3  }
0x92: {  	_ =	strace s17  }
0x93: {  	s2 =	sld [smem:$0x3FFC];
	_ =	sdelay $0x3  }
0x94: {  	_ =	strace s2  }
0x95: {  	s2 =	sld [smem:$0x3FFD];
	_ =	sdelay $0x3  }
0x96: {  	_ =	strace s2  }
0x97: {  	_ =	strace $0x8FFFFFFF  }
0x98: {  	s18 =	sld [smem:$0x3FDB];
	_ =	sdelay $0x1  }
0x99: {  	s19 =	simm.s32 $_scs_section_size  }
0x9a: {  	s4 =	simm.s32 $_size__tile_overlayer_lowered;
	s5 =	simm.s32 $_tile_overlayer_lowered  }
0x9b: {  	s22 =	simm.s32 $0x1BFF;
	s21 =	sshll.u32 s5, $0x1;
	s2 =	sadd.s32 s19, s18  }
0x9c: {  	s6 =	simm.s32 $0x0;
	s20 =	sshll.u32 s4, $0x1;
	s4 =	sadd.s32 s21, s2  }
0x9d: {  	[timem:s6], [sflag:s22] =	dma.local [hbm:s4], s20  }
0x9e: {  	_ =	swait.ge [sflag:s22], s20  }
0x9f: {  	s3 =	ssub.s32 $0x0, s20;
	[sflag:s22] =	ssyncset.done $0x0  }
0xa0: {  	[sflag:s22] =	ssyncadd.s32 s3;
	_ =	sdelay $0x1  }
0xa1: {  	s23 =	simm.s32 $0x1B8B  }
0xa2: {  	_ =	swait.ge [sflag:s23], $0x1  }
0xa3: {  	[sflag:s23] =	ssyncset.done $0x0  }
0xa4: {  	s25 =	simm.s32 $0x1B8E;
	s24 =	sld [smem:$0x3FFE];
	[sflag:s23] =	ssyncadd.s32 $0xFFFFFFFF  }
0xa5: {  	s26 =	simm.s32 $execute0_lowered;
	[smem:$0x3FD2] =	sst s25  }
0xa6: {  	s4 =	sshll.u32 s26, $0x1;
	_ =	strace $0x80000046;
	[dreg:$0x1] =	wrdreg $0xFFFFFFFF  }
0xa7: {  	s28 =	simm.s32 $_size_execute0_lowered;
	s2 =	sadd.s32 s2, s4;
	[dreg:$0x0] =	wrdreg $0x0  }
0xa8: {  	s4 =	sshll.u32 s28, $0x1;
	[dreg:$0x2] =	wrdreg s2  }
0xa9: {  	[dreg:$0x3] =	wrdreg s4  }
0xaa: {  	[dreg:$0x4] =	wrdreg $0xC0  }
0xab: {  	_ =	task [dreg:s6], $0x5FFFF  }
0xac: {  	[dreg:$0x1] =	wrdreg $0xFFFFFFFF  }
0xad: {  	[dreg:$0x0] =	wrdreg $0x60  }
0xae: {  	[dreg:$0x2] =	wrdreg s24  }
0xaf: {  	[dreg:$0x3] =	wrdreg $0x42000  }
0xb0: {  	[dreg:$0x4] =	wrdreg $0x9  }
0xb1: {  	_ =	task.clear_ibuf [dreg:s6], $0x5FFFF;
	_ =	strace $0x90000046  }
0xb2: {  	s29 =	simm.s32 $0x9;
	_ =	strace $0x80000048  }
0xb3: {  	_ =	swait.ge [sflag:s29], $0x1  }
0xb4: {  	[sflag:s29] =	ssyncadd.s32 $0xFFFFFFFF  }
0xb5: {  	_ =	strace $0x90000048  }
0xb6: {  	_ =	sfence  }
0xb7: {  	s30 =	sld [smem:$0x0];
	_ =	sdelay $0x2  }
0xb8: {  	s31 =	sshll.u32 s1, $0xD;
	s1 =	sshrl.u32 s1, $0x2  }
0xb9: {  	s3 =	sand.u32 $0x4000, s31;
	s1 =	sadd.s32 s1, s30  }
0xba: {  	s0 =	sor.u32 s3, s0;
	s1 =	sshll.u32 s1, $0x11  }
0xbb: {  	s0 =	sor.u32 s1, s0  }
0xbc: {  	s0 =	sadd.s32 $0x8F2B, s0  }
0xbd: {  	[sflag:s0] =	ssyncadd.remote.s32 $0x1  }
0xbe: {  	_ =	sfence.sel $0xFFFF  }
0xbf: {  	[dreg:$0x0] =	wrdreg $0xFFFFFFFF;
	(pc) =	sbr.abs _section_cstart, $3  }
0xc0: {  	[dreg:$0x1] =	wrdreg $0xFFFFFFFF  }
0xc1: {  	_ =	task.clear_ibuf [dreg:s6], $0x2FFFF;
	_ =	strace $0x9FFFFFFF  }
0xc2: {  	(tm) =	ssettm $0x7FFFFFFF  }
0xc3: {  	_ =	shalt  }
tec
execute0_lowered:
.L_overlay_start_1:
0x0: {  	(tag) =	ssettag $0x1  }
0x1: {  	s0 =	rddreg [dreg:$0x0]  }
0x2: {  	s1 =	rddreg [dreg:$0x1];
	s3 =	srdreg.scid  }
0x3: {  	s2 =	simm.s32 $0x0;
	s26 =	stileid.u32;
	s30 =	simm.s32 $0x200  }
0x4: {  	s31 =	simm.s32 $0x3;
	s3 =	sand.u32 $0x1, s3;
	[smem:$0x7FF] =	sst s2  }
0x5: {  	s5 =	sadd.s32 $0x1A200, s0;
	s23 =	sadd.s32 $0x19A00, s0;
	s8 =	smul.u32 $0x500, s26  }
0x6: {  	s9 =	sor.u32 $0x10, s26;
	s10 =	sor.u32 $0x20, s26;
	s11 =	sshll.u32 s26, $0x6  }
0x7: {  	s17 =	sor.u32 $0x30, s26;
	s19 =	sor.u32 $0x40, s26;
	s20 =	sor.u32 $0x50, s26  }
0x8: {  	s21 =	sor.u32 $0x60, s26;
	s22 =	sor.u32 $0x70, s26;
	s24 =	smul.u32 $0x500, s9  }
0x9: {  	p2 =	seq.s32 s26, $0xF;
	s4 =	sshll.u32 s3, $0xA;
	s12 =	smul.u32 $0x500, s10  }
0xa: {  	_ =	strace $0x80000047;
	[dreg:$0x3] =	wrdreg s5;
	s13 =	smul.u32 $0x500, s17  }
0xb: {  	[dreg:$0x4] =	wrdreg s23;
	s5 =	sadd.s32 $0x1AA00, s0;
	s25 =	smul.u32 $0x500, s19  }
0xc: {  	s6 =	ssub.s32 $0x2, s3;
	p0 =	seq.s32 s3, $0x1;
	s3 =	smul.u32 $0x500, s20  }
0xd: {  	s14 =	sand.u32 $0x380, s11;
	s16 =	sand.u32 $0x40, s11;
	s15 =	smul.u32 $0x500, s21  }
0xe: {  	s18 =	smul.u32 $0x500, s22;
	s4 =	sadd.s32 s4, s0;
	s0 =	sadd.s32 $0x41C00, s0  }
0xf: {  	s11 =	sshll.u32 s26, $0xE;
	s7 =	sshrl.u32 s6, $0x1;
	s5 =	smov.u32 @p0 s0  }
0x10: {  	p1 =	sgt.u32 s22, $0x7C;
	s6 =	ssub.s32 s6, s7;
	s8 =	sadd.s32 s5, s8  }
0x11: {  	s7 =	sadd.s32 s5, s24;
	s23 =	sadd.s32 s5, s12;
	s24 =	sadd.s32 s5, s13  }
0x12: {  	s25 =	sadd.s32 s5, s25;
	s3 =	sadd.s32 s5, s3;
	s0 =	sadd.s32 s5, s15  }
0x13: {  	s13 =	sadd.s32 s5, s18;
	s18 =	smul.u32 $0xA000, s26;
	[dreg:$0x5] =	wrdreg s8  }
0x14: {  	s15 =	sadd.s32 s11, s1;
	s11 =	smul.u32 $0xA000, s21;
	[dreg:$0x6] =	wrdreg s7  }
0x15: {  	s12 =	sadd.s32 s14, s4;
	[dreg:$0x7] =	wrdreg s23;
	s23 =	smul.u32 $0xA000, s9  }
0x16: {  	s14 =	smax.u32 s6, $0x1;
	[dreg:$0x8] =	wrdreg s24;
	s24 =	smul.u32 $0xA000, s10  }
0x17: {  	s5 =	simm.s32 $0x180;
	[dreg:$0x9] =	wrdreg s25;
	s25 =	smul.u32 $0xA000, s17  }
0x18: {  	s6 =	simm.s32 $0x2;
	[dreg:$0xa] =	wrdreg s3;
	s7 =	smul.u32 $0xA000, s19  }
0x19: {  	[dreg:$0xb] =	wrdreg s0;
	s3 =	sadd.s32 s16, s12;
	s10 =	smul.u32 $0xA000, s20  }
0x1a: {  	s16 =	sadd.s32 $0x40000, s15;
	s12 =	smul.u32 $0xA000, s22;
	s26 =	sadd.s32 $0x80000, s15  }
0x1b: {  	s28 =	sadd.s32 $0xC0000, s15;
	s29 =	sadd.s32 $0x100000, s15;
	s4 =	sshrl.u32 s18, $0x2  }
0x1c: {  	s0 =	sshrl.u32 s23, $0x2;
	s17 =	sadd.s32 s4, s1;
	s8 =	sshrl.u32 s24, $0x2  }
0x1d: {  	s9 =	sshrl.u32 s25, $0x2;
	s24 =	sshrl.u32 s10, $0x2;
	s4 =	sshrl.u32 s11, $0x2  }
0x1e: {  	s25 =	sshrl.u32 s12, $0x2;
	s18 =	sadd.s32 s0, s1;
	s19 =	sadd.s32 s8, s1  }
0x1f: {  	s20 =	sadd.s32 s9, s1;
	s0 =	sshrl.u32 s7, $0x2;
	s22 =	sadd.s32 s24, s1  }
0x20: {  	s23 =	sadd.s32 s4, s1;
	s24 =	sadd.s32 s25, s1;
	s25 =	sadd.s32 $0xFA00, s3  }
0x21: {  	s3 =	simm.s32 $0x80;
	s4 =	simm.s32 $0x100;
	s7 =	simm.s32 $0x4  }
0x22: {  	s8 =	simm.s32 $0x0;
	s21 =	sadd.s32 s0, s1;
	s0 =	simm.s32 $0x1  }
.LBB2_1:
0x23: {  	s9 =	rddreg [dreg:$0x4]  }
0x24: {  	[tilespmem:s30], [sflag:$0x3] =	stream.linear.gather [hbm4b:s9+s2], $0x4000, $0x38;
	[tilespmem:$0x17E00] =	vst v63  }
0x25: {  	_ =	swait.ge [sflag:s31], $0x4000  }
0x26: {  	[sflag:s31] =	ssyncset.done $0x0  }
0x27: {  	[sflag:s31] =	ssyncadd.s32 $0xFFFFC000  }
0x28: {  	[spmem:s15] =	stream.linear.scatter [tilespmem:s30], [sflag:$0x3], $0x4000, $0x38;
	[tilespmem:$0x17E00] =	vst v63  }
0x29: {  	_ =	swait.ge [sflag:s31], $0x4000  }
0x2a: {  	[sflag:s31] =	ssyncset.done $0x0  }
0x2b: {  	[sflag:s31] =	ssyncadd.s32 $0xFFFFC000  }
0x2c: {  	[spmem:s16] =	stream.linear.scatter [tilespmem:s30], [sflag:$0x3], $0x4000, $0x38;
	[tilespmem:$0x17E00] =	vst v63  }
0x2d: {  	_ =	swait.ge [sflag:s31], $0x4000  }
0x2e: {  	[sflag:s31] =	ssyncset.done $0x0  }
0x2f: {  	[sflag:s31] =	ssyncadd.s32 $0xFFFFC000  }
0x30: {  	[spmem:s26] =	stream.linear.scatter [tilespmem:s30], [sflag:$0x3], $0x4000, $0x38;
	[tilespmem:$0x17E00] =	vst v63  }
0x31: {  	_ =	swait.ge [sflag:s31], $0x4000  }
0x32: {  	[sflag:s31] =	ssyncset.done $0x0  }
0x33: {  	[sflag:s31] =	ssyncadd.s32 $0xFFFFC000  }
0x34: {  	[spmem:s28] =	stream.linear.scatter [tilespmem:s30], [sflag:$0x3], $0x4000, $0x38;
	[tilespmem:$0x17E00] =	vst v63  }
0x35: {  	_ =	swait.ge [sflag:s31], $0x4000  }
0x36: {  	[sflag:s31] =	ssyncset.done $0x0  }
0x37: {  	s9 =	simm.s32 @!p2 $0x200;
	[sflag:s31] =	ssyncadd.s32 $0xFFFFC000  }
0x38: {  	[spmem:s29] =	stream.linear.scatter @!p2 [tilespmem:s9], [sflag:$0x3], $0x4000, $0x38;
	[tilespmem:$0x17E00] =	vst v63  }
0x39: {  	s9 =	simm.s32 @!p2 $0x3  }
0x3a: {  	_ =	swait.ge @!p2 [sflag:s9], $0x4000  }
0x3b: {  	[sflag:s9] =	ssyncset.done @!p2 $0x0  }
0x3c: {  	[sflag:s9] =	ssyncadd.s32 @!p2 $0xFFFFC000  }
0x3d: {  	[bflag:$0x0] =	sbarrier.arrive $0xFFFF  }
0x3e: {  	s11 =	rddreg [dreg:$0x3]  }
0x3f: {  	[tilespmem:s30], [sflag:$0x3] =	stream.linear.gather [hbm4b:s11+s2], $0x4000, $0x38;
	[tilespmem:$0x17E00] =	vst v63  }
0x40: {  	_ =	swait.ge [sflag:s31], $0x4000  }
0x41: {  	[sflag:s31] =	ssyncset.done $0x0  }
0x42: {  	s12 =	sadd.s32 $0x0, s25;
	[sflag:s31] =	ssyncadd.s32 $0xFFFFC000  }
0x43: {  	[tilespmem:s2], [sflag:$0x1] =	stream.linear.gather [hbm4b:s12+s2], $0x200, $0x38;
	[tilespmem:$0x17E00] =	vst v63  }
0x44: {  	_ =	swait.ge [sflag:s0], $0x200  }
0x45: {  	[sflag:s0] =	ssyncset.done $0x0  }
0x46: {  	[sflag:s0] =	ssyncadd.s32 $0xFFFFFE00  }
0x47: {  	[spmem:s1] =	stream.indirect.scatter.add.f32 [tilespmem:s30], [sflag:$0x2], $0x80, s2, s3, $0xb8;
	[tilespmem:$0x17E00] =	vst v63  }
0x48: {  	_ = 	snop  }
0x49: {  	[spmem:s1] =	stream.indirect.scatter.add.f32 [tilespmem:s30], [sflag:$0x2], $0x80, s3, s3, $0xb8;
	[tilespmem:$0x17E00] =	vst v63  }
0x4a: {  	_ = 	snop  }
0x4b: {  	[spmem:s1] =	stream.indirect.scatter.add.f32 [tilespmem:s30], [sflag:$0x2], $0x80, s4, s3, $0xb8;
	[tilespmem:$0x17E00] =	vst v63  }
0x4c: {  	_ = 	snop  }
0x4d: {  	[spmem:s1] =	stream.indirect.scatter.add.f32 [tilespmem:s30], [sflag:$0x2], $0x80, s5, s3, $0xb8;
	[tilespmem:$0x17E00] =	vst v63  }
0x4e: {  	_ =	swait.ge [sflag:s6], $0x4000  }
0x4f: {  	[sflag:s6] =	ssyncset.done $0x0  }
0x50: {  	[sflag:s6] =	ssyncadd.s32 $0xFFFFC000  }
0x51: {  	_ =	swait.ge [sflag:s6], $0x4000  }
0x52: {  	[sflag:s6] =	ssyncset.done $0x0  }
0x53: {  	[sflag:s6] =	ssyncadd.s32 $0xFFFFC000  }
0x54: {  	_ =	swait.ge [sflag:s6], $0x4000  }
0x55: {  	[sflag:s6] =	ssyncset.done $0x0  }
0x56: {  	[sflag:s6] =	ssyncadd.s32 $0xFFFFC000  }
0x57: {  	_ =	swait.ge [sflag:s6], $0x4000  }
0x58: {  	s10 =	simm.s32 $0x1000;
	s9 =	simm.s32 $0x800;
	[sflag:s6] =	ssyncset.done $0x0  }
.LBB2_2:
0x59: {  	s11 =	sadd.s32 s9, s25  }
0x5a: {  	[sflag:s6] =	ssyncadd.s32 $0xFFFFC000;
	s9 =	smov.u32 s10;
	s12 =	sadd.s32 $0x800, s10  }
0x5b: {  	[tilespmem:s2], [sflag:$0x1] =	stream.linear.gather [hbm4b:s11+s2], $0x200, $0x38;
	[tilespmem:$0x17E00] =	vst v63  }
0x5c: {  	p3 =	sne.s32 s10, $0x9800;
	_ =	swait.ge [sflag:s0], $0x200  }
0x5d: {  	[sflag:s0] =	ssyncset.done $0x0  }
0x5e: {  	[sflag:s0] =	ssyncadd.s32 $0xFFFFFE00  }
0x5f: {  	[spmem:s1] =	stream.indirect.scatter.add.f32 [tilespmem:s30], [sflag:$0x2], $0x80, s2, s3, $0xb8;
	[tilespmem:$0x17E00] =	vst v63  }
0x60: {  	_ = 	snop  }
0x61: {  	[spmem:s1] =	stream.indirect.scatter.add.f32 [tilespmem:s30], [sflag:$0x2], $0x80, s3, s3, $0xb8;
	[tilespmem:$0x17E00] =	vst v63  }
0x62: {  	_ = 	snop  }
0x63: {  	[spmem:s1] =	stream.indirect.scatter.add.f32 [tilespmem:s30], [sflag:$0x2], $0x80, s4, s3, $0xb8;
	[tilespmem:$0x17E00] =	vst v63  }
0x64: {  	_ = 	snop  }
0x65: {  	[spmem:s1] =	stream.indirect.scatter.add.f32 [tilespmem:s30], [sflag:$0x2], $0x80, s5, s3, $0xb8;
	[tilespmem:$0x17E00] =	vst v63  }
0x66: {  	_ =	swait.ge [sflag:s6], $0x4000  }
0x67: {  	[sflag:s6] =	ssyncset.done $0x0  }
0x68: {  	[sflag:s6] =	ssyncadd.s32 $0xFFFFC000  }
0x69: {  	_ =	swait.ge [sflag:s6], $0x4000  }
0x6a: {  	[sflag:s6] =	ssyncset.done $0x0  }
0x6b: {  	[sflag:s6] =	ssyncadd.s32 $0xFFFFC000  }
.Ltmp0:
0x6c: {  	_ =	swait.ge [sflag:s6], $0x4000;
	(pc) =	sbr.rel @p3 .LBB2_2-.Ltmp0, $4  }
0x6d: {  	[sflag:s6] =	ssyncset.done $0x0  }
0x6e: {  	[sflag:s6] =	ssyncadd.s32 $0xFFFFC000  }
0x6f: {  	_ =	swait.ge [sflag:s6], $0x4000  }
0x70: {  	s10 =	smov.u32 s12;
	[sflag:s6] =	ssyncset.done $0x0  }
0x71: {  	s9 =	sadd.s32 s9, s25;
	[sflag:s6] =	ssyncadd.s32 $0xFFFFC000  }
0x72: {  	[tilespmem:s2], [sflag:$0x1] =	stream.linear.gather [hbm4b:s9+s2], $0x200, $0x38;
	[tilespmem:$0x17E00] =	vst v63  }
0x73: {  	_ =	swait.ge [sflag:s0], $0x200  }
0x74: {  	[sflag:s0] =	ssyncset.done $0x0  }
0x75: {  	[sflag:s0] =	ssyncadd.s32 $0xFFFFFE00  }
0x76: {  	[spmem:s1] =	stream.indirect.scatter.add.f32 [tilespmem:s30], [sflag:$0x2], $0x80, s2, s3, $0xb8;
	[tilespmem:$0x17E00] =	vst v63  }
0x77: {  	_ = 	snop  }
0x78: {  	[spmem:s1] =	stream.indirect.scatter.add.f32 [tilespmem:s30], [sflag:$0x2], $0x80, s3, s3, $0xb8;
	[tilespmem:$0x17E00] =	vst v63  }
0x79: {  	_ = 	snop  }
0x7a: {  	[spmem:s1] =	stream.indirect.scatter.add.f32 [tilespmem:s30], [sflag:$0x2], $0x80, s4, s3, $0xb8;
	[tilespmem:$0x17E00] =	vst v63  }
0x7b: {  	_ = 	snop  }
0x7c: {  	[spmem:s1] =	stream.indirect.scatter.add.f32 [tilespmem:s30], [sflag:$0x2], $0x80, s5, s3, $0xb8;
	[tilespmem:$0x17E00] =	vst v63  }
0x7d: {  	_ =	swait.ge [sflag:s6], $0x4000  }
0x7e: {  	[sflag:s6] =	ssyncset.done $0x0  }
0x7f: {  	[sflag:s6] =	ssyncadd.s32 $0xFFFFC000  }
0x80: {  	_ =	swait.ge [sflag:s6], $0x4000  }
0x81: {  	[sflag:s6] =	ssyncset.done $0x0  }
0x82: {  	[sflag:s6] =	ssyncadd.s32 $0xFFFFC000  }
0x83: {  	_ =	swait.ge [sflag:s6], $0x4000  }
0x84: {  	[sflag:s6] =	ssyncset.done $0x0  }
0x85: {  	[sflag:s6] =	ssyncadd.s32 $0xFFFFC000  }
0x86: {  	_ =	swait.ge [sflag:s6], $0x4000  }
0x87: {  	[sflag:s6] =	ssyncset.done $0x0  }
0x88: {  	[sflag:s6] =	ssyncadd.s32 $0xFFFFC000  }
0x89: {  	[bflag:$0x0] =	sbarrier.arrive $0xFFFF  }
0x8a: {  	[tilespmem:s30], [sflag:$0x4] =	stream.linear.gather [spmem:s17], $0x2800, $0x38;
	[tilespmem:$0x17E00] =	vst v63  }
0x8b: {  	_ =	swait.ge [sflag:s7], $0x2800  }
0x8c: {  	s9 =	simm.s32 $0x3;
	[sflag:s7] =	ssyncset.done $0x0  }
0x8d: {  	s9 =	simm.s32 @!p0 $0x4;
	s10 =	rddreg [dreg:$0x5];
	[sflag:s7] =	ssyncadd.s32 $0xFFFFD800  }
0x8e: {  	[hbm4b:s10+s2] =	stream.linear.scatter [tilespmem:s30], [sflag:s9], $0x2800, $0x38;
	[tilespmem:$0x17E00] =	vst v63  }
0x8f: {  	_ =	swait.ge [sflag:s9], $0x2800  }
0x90: {  	[sflag:s9] =	ssyncset.done $0x0  }
0x91: {  	[sflag:s9] =	ssyncadd.s32 $0xFFFFD800  }
0x92: {  	[tilespmem:s30], [sflag:$0x4] =	stream.linear.gather [spmem:s18], $0x2800, $0x38;
	[tilespmem:$0x17E00] =	vst v63  }
0x93: {  	_ =	swait.ge [sflag:s7], $0x2800  }
0x94: {  	[sflag:s7] =	ssyncset.done $0x0  }
0x95: {  	s11 =	rddreg [dreg:$0x6];
	[sflag:s7] =	ssyncadd.s32 $0xFFFFD800  }
0x96: {  	[hbm4b:s11+s2] =	stream.linear.scatter [tilespmem:s30], [sflag:s9], $0x2800, $0x38;
	[tilespmem:$0x17E00] =	vst v63  }
0x97: {  	_ =	swait.ge [sflag:s9], $0x2800  }
0x98: {  	[sflag:s9] =	ssyncset.done $0x0  }
0x99: {  	[sflag:s9] =	ssyncadd.s32 $0xFFFFD800  }
0x9a: {  	[tilespmem:s30], [sflag:$0x4] =	stream.linear.gather [spmem:s19], $0x2800, $0x38;
	[tilespmem:$0x17E00] =	vst v63  }
0x9b: {  	_ =	swait.ge [sflag:s7], $0x2800  }
0x9c: {  	[sflag:s7] =	ssyncset.done $0x0  }
0x9d: {  	s12 =	rddreg [dreg:$0x7];
	[sflag:s7] =	ssyncadd.s32 $0xFFFFD800  }
0x9e: {  	[hbm4b:s12+s2] =	stream.linear.scatter [tilespmem:s30], [sflag:s9], $0x2800, $0x38;
	[tilespmem:$0x17E00] =	vst v63  }
0x9f: {  	_ =	swait.ge [sflag:s9], $0x2800  }
0xa0: {  	[sflag:s9] =	ssyncset.done $0x0  }
0xa1: {  	[sflag:s9] =	ssyncadd.s32 $0xFFFFD800  }
0xa2: {  	[tilespmem:s30], [sflag:$0x4] =	stream.linear.gather [spmem:s20], $0x2800, $0x38;
	[tilespmem:$0x17E00] =	vst v63  }
0xa3: {  	_ =	swait.ge [sflag:s7], $0x2800  }
0xa4: {  	[sflag:s7] =	ssyncset.done $0x0  }
0xa5: {  	s11 =	rddreg [dreg:$0x8];
	[sflag:s7] =	ssyncadd.s32 $0xFFFFD800  }
0xa6: {  	[hbm4b:s11+s2] =	stream.linear.scatter [tilespmem:s30], [sflag:s9], $0x2800, $0x38;
	[tilespmem:$0x17E00] =	vst v63  }
0xa7: {  	_ =	swait.ge [sflag:s9], $0x2800  }
0xa8: {  	[sflag:s9] =	ssyncset.done $0x0  }
0xa9: {  	[sflag:s9] =	ssyncadd.s32 $0xFFFFD800  }
0xaa: {  	[tilespmem:s30], [sflag:$0x4] =	stream.linear.gather [spmem:s21], $0x2800, $0x38;
	[tilespmem:$0x17E00] =	vst v63  }
0xab: {  	_ =	swait.ge [sflag:s7], $0x2800  }
0xac: {  	[sflag:s7] =	ssyncset.done $0x0  }
0xad: {  	s12 =	rddreg [dreg:$0x9];
	[sflag:s7] =	ssyncadd.s32 $0xFFFFD800  }
0xae: {  	[hbm4b:s12+s2] =	stream.linear.scatter [tilespmem:s30], [sflag:s9], $0x2800, $0x38;
	[tilespmem:$0x17E00] =	vst v63  }
0xaf: {  	_ =	swait.ge [sflag:s9], $0x2800  }
0xb0: {  	[sflag:s9] =	ssyncset.done $0x0  }
0xb1: {  	[sflag:s9] =	ssyncadd.s32 $0xFFFFD800  }
0xb2: {  	[tilespmem:s30], [sflag:$0x4] =	stream.linear.gather [spmem:s22], $0x2800, $0x38;
	[tilespmem:$0x17E00] =	vst v63  }
0xb3: {  	_ =	swait.ge [sflag:s7], $0x2800  }
0xb4: {  	[sflag:s7] =	ssyncset.done $0x0  }
0xb5: {  	s11 =	rddreg [dreg:$0xa];
	[sflag:s7] =	ssyncadd.s32 $0xFFFFD800  }
0xb6: {  	[hbm4b:s11+s2] =	stream.linear.scatter [tilespmem:s30], [sflag:s9], $0x2800, $0x38;
	[tilespmem:$0x17E00] =	vst v63  }
0xb7: {  	_ =	swait.ge [sflag:s9], $0x2800  }
0xb8: {  	[sflag:s9] =	ssyncset.done $0x0  }
0xb9: {  	[sflag:s9] =	ssyncadd.s32 $0xFFFFD800  }
0xba: {  	[tilespmem:s30], [sflag:$0x4] =	stream.linear.gather [spmem:s23], $0x2800, $0x38;
	[tilespmem:$0x17E00] =	vst v63  }
0xbb: {  	_ =	swait.ge [sflag:s7], $0x2800  }
0xbc: {  	[sflag:s7] =	ssyncset.done $0x0  }
0xbd: {  	s12 =	rddreg [dreg:$0xb];
	[sflag:s7] =	ssyncadd.s32 $0xFFFFD800  }
0xbe: {  	[hbm4b:s12+s2] =	stream.linear.scatter [tilespmem:s30], [sflag:s9], $0x2800, $0x38;
	[tilespmem:$0x17E00] =	vst v63  }
0xbf: {  	_ =	swait.ge [sflag:s9], $0x2800  }
0xc0: {  	[sflag:s9] =	ssyncset.done $0x0  }
0xc1: {  	s10 =	simm.s32 @!p1 $0x200;
	s11 =	simm.s32 @!p1 $0x4;
	[sflag:s9] =	ssyncadd.s32 $0xFFFFD800  }
0xc2: {  	[tilespmem:s10], [sflag:$0x4] =	stream.linear.gather @!p1 [spmem:s24], $0x2800, $0x38;
	[tilespmem:$0x17E00] =	vst v63  }
0xc3: {  	s8 =	sadd.s32 $0x1, s8;
	_ =	swait.ge @!p1 [sflag:s11], $0x2800  }
0xc4: {  	p3 =	sne.s32 s8, s14;
	[sflag:s11] =	ssyncset.done @!p1 $0x0  }
.Ltmp1:
0xc5: {  	[sflag:s11] =	ssyncadd.s32 @!p1 $0xFFFFD800;
	s11 =	simm.s32 @!p1 $0x0;
	(pc) =	sbr.rel @p3 .LBB2_1-.Ltmp1, $4  }
0xc6: {  	[hbm4b:s13+s11] =	stream.linear.scatter @!p1 [tilespmem:s10], [sflag:s9], $0x2800, $0x38;
	[tilespmem:$0x17E00] =	vst v63  }
0xc7: {  	_ =	swait.ge @!p1 [sflag:s9], $0x2800  }
0xc8: {  	[sflag:s9] =	ssyncset.done @!p1 $0x0  }
0xc9: {  	[sflag:s9] =	ssyncadd.s32 @!p1 $0xFFFFD800  }
0xca: {  	_ =	sfence.sel $0x180000  }
0xcb: {  	[bflag:$0x0] =	sbarrier.arrive $0xFFFF  }
0xcc: {  	_ =	strace $0x90000047  }
0xcd: {  	s0 =	stileid.u32;
	[bflag:$0x2] =	sbarrier.arrive $0xFFFF  }
0xce: {  	p0 =	sne.s32 s0, $0x0;
	s0 =	rddreg [dreg:$0x2]  }
0xcf: {  	s0 =	sadd.s32 @!p0 $0x100000, s0  }
0xd0: {  	[sflag:s0] =	ssyncadd.tile.s32 @!p0 $0x1;
	_ =	shalt  }
.Lfunc_end2:
_tile_overlayer_lowered:
.L_overlay_start_2:
0xd1: {  	(tag) =	ssettag $0x2  }
0xd2: {  	s0 =	rddreg [dreg:$0x0];
	s2 =	stileid.u32  }
0xd3: {  	s1 =	rddreg [dreg:$0x1];
	p0 =	sne.s32 s2, $0x0  }
0xd4: {  	s3 =	rddreg [dreg:$0x2];
	[bflag:$0x3] =	sbarrier.arrive $0xFFFF;
	s2 =	simm.s32 @!p0 $0x1C03  }
0xd5: {  	[timem:s3], [sflag:s2] =	dma.local @!p0 [hbm:s0], s1  }
0xd6: {  	s0 =	simm.s32 @!p0 $0x3  }
0xd7: {  	_ =	swait.ge @!p0 [sflag:s0], s1  }
0xd8: {  	s1 =	ssub.s32 @!p0 $0x0, s1;
	[sflag:s0] =	ssyncset.done @!p0 $0x0  }
0xd9: {  	[sflag:s0] =	ssyncadd.s32 @!p0 s1  }
0xda: {  	[bflag:$0x3] =	sbarrier.arrive $0xFFFF  }
0xdb: {  	_ =	shalt  }

// kernel: kernel.16.cloned.1.call-start
scs
__scs_entry_jumppad:
0x0: {  	(pc) =	sbr.rel $0x88, $3  }
0x1: {  	(tag) =	ssettag $0x0;
	lr =	simm.s32 $0x1  }
0x2: {  	[smem:$0x3F94] =	sst lr;
	_ =	strace $0xD0000000  }
0x3: {  	_ = 	snop  }
0x4: {  	_ = 	snop  }
0x5: {  	_ = 	snop  }
0x6: {  	_ = 	snop  }
0x7: {  	_ = 	snop  }
__scs_overlays_trampoline_lowered:
0x8: {  	[smem:$0x3FA3] =	sst s0  }
0x9: {  	[smem:$0x3FA4] =	sst s1  }
0xa: {  	[smem:$0x3FA5] =	sst s2  }
0xb: {  	[smem:$0x3FA6] =	sst s3  }
0xc: {  	[smem:$0x3FA7] =	sst s4  }
0xd: {  	[smem:$0x3FA8] =	sst s5  }
0xe: {  	[smem:$0x3FA9] =	sst s6  }
0xf: {  	[smem:$0x3FAA] =	sst s7  }
0x10: {  	[smem:$0x3FAB] =	sst s8  }
0x11: {  	[smem:$0x3FAC] =	sst s9;
	s0 =	simm.s32 @!p0 $0x0  }
0x12: {  	s1 =	sld [smem:$0x3F92];
	s0 =	simm.s32 @p0 $0x1  }
0x13: {  	[smem:$0x3FAD] =	sst s0;
	s0 =	simm.s32 @!p1 $0x0  }
0x14: {  	s2 =	sld [smem:$0x3F91];
	s0 =	simm.s32 @p1 $0x1  }
0x15: {  	[smem:$0x3FAE] =	sst s0;
	s0 =	simm.s32 @!p2 $0x0  }
0x16: {  	s3 =	sld [smem:$0x3FDB];
	s0 =	simm.s32 @p2 $0x1  }
0x17: {  	s4 =	simm.s32 $0x1BF5;
	[smem:$0x3FB0] =	sst s0  }
0x18: {  	s0 =	sld [smem:$0x3F93];
	_ =	swait.ge [sflag:s4], $0x0  }
0x19: {  	s7 =	sld [smem:$0x3F94]  }
0x1a: {  	s8 =	sadd.s32 $0xFFFFE003, lr  }
0x1b: {  	s9 =	sadd.s32 $0xFFFFFEF7, lr;
	s5 =	simm.s32 $0xFFFFFFFF;
	p2 =	slt.u32 s8, $0xFFFFF086  }
0x1c: {  	p1 =	slt.u32 s9, $0xF7A;
	s5 =	simm.s32 @!p2 $0x0  }
0x1d: {  	s5 =	simm.s32 @p1 $0x1;
	p0 =	seq.s32 s7, s2  }
0x1e: {  	s7 =	smul.u32 @!p0 $0xF7A, s2;
	p2 =	seq.s32 @!p0 s5, $0x0  }
0x1f: {  	s9 =	smul.u32 $0xF7A, s1;
	s8 =	simm.s32 @!p0 $0x1BF5;
	p2 =	por !p2, p0  }
0x20: {  	[sflag:s8] =	ssyncset.s32 @!p0 $0xFFFFF086;
	s6 =	sadd.s32 @!p0 s3, s7;
	s7 =	simm.s32 @!p0 $0x108  }
0x21: {  	s3 =	sadd.s32 s3, s9;
	s6 =	sadd.s32 @!p0 $0x88, s6;
	s7 =	simm.s32 @p2 $0x1082  }
0x22: {  	[simem:s7], [sflag:s8] =	dma.local @!p0 [hbm:s6], $0xF7A  }
0x23: {  	s9 =	sor.u32 $0xD0000000, s2;
	s6 =	simm.s32 $0x108;
	_ =	swait.ge @!p0 [sflag:s8], $0x0  }
0x24: {  	s3 =	sadd.s32 $0x88, s3;
	s6 =	simm.s32 @!p1 $0x1082;
	[sflag:s4] =	ssyncset.s32 $0xFFFFF086  }
0x25: {  	[simem:s6], [sflag:s4] =	dma.local [hbm:s3], $0xF7A  }
0x26: {  	[smem:$0x3F94] =	sst s1;
	(tag) =	ssettag s2;
	_ =	strace s9  }
0x27: {  	s1 =	sld [smem:$0x3FA4]  }
0x28: {  	s2 =	sld [smem:$0x3FA5]  }
0x29: {  	s4 =	sld [smem:$0x3FA7]  }
0x2a: {  	p0 =	seq.s32 s5, $0x0;
	s5 =	sld [smem:$0x3FA8]  }
0x2b: {  	s6 =	sld [smem:$0x3FA9]  }
0x2c: {  	s7 =	sld [smem:$0x3FAA]  }
0x2d: {  	s3 =	simm.s32 $0x108;
	s8 =	sld [smem:$0x3FAB]  }
0x2e: {  	s3 =	simm.s32 @!p0 $0x1082;
	s9 =	sld [smem:$0x3FAC]  }
0x2f: {  	lr =	sadd.s32 s0, s3;
	s0 =	sld [smem:$0x3FA3]  }
0x30: {  	s3 =	sld [smem:$0x3FA6]  }
0x31: {  	[smem:$0x3FAF] =	sst s10  }
0x32: {  	s10 =	sld [smem:$0x3FAD];
	_ =	sdelay $0x3  }
0x33: {  	p0 =	seq.s32 s10, $0x1;
	s10 =	sld [smem:$0x3FAF];
	_ =	sdelay $0x3  }
0x34: {  	[smem:$0x3FAF] =	sst s10  }
0x35: {  	s10 =	sld [smem:$0x3FAE];
	_ =	sdelay $0x3  }
0x36: {  	p1 =	seq.s32 s10, $0x1;
	s10 =	sld [smem:$0x3FAF];
	_ =	sdelay $0x3  }
0x37: {  	[smem:$0x3FAF] =	sst s10  }
0x38: {  	s10 =	sld [smem:$0x3FB0]  }
0x39: {  	_ = 	snop;
	(pc) =	sbr.ind lr, $3  }
0x3a: {  	_ = 	snop  }
0x3b: {  	_ = 	snop  }
0x3c: {  	p2 =	seq.s32 s10, $0x1;
	s10 =	sld [smem:$0x3FAF]  }
0x3d: {  	_ =	shalt  }
0x3e: {  	_ =	shalt  }
0x3f: {  	_ =	shalt  }
0x40: {  	_ =	shalt  }
0x41: {  	_ =	shalt  }
0x42: {  	_ =	shalt  }
0x43: {  	_ =	shalt  }
0x44: {  	_ =	shalt  }
0x45: {  	_ =	shalt  }
0x46: {  	_ =	shalt  }
0x47: {  	_ =	shalt  }
0x48: {  	_ =	shalt  }
0x49: {  	_ =	shalt  }
0x4a: {  	_ =	shalt  }
0x4b: {  	_ =	shalt  }
0x4c: {  	_ =	shalt  }
0x4d: {  	_ =	shalt  }
0x4e: {  	_ =	shalt  }
0x4f: {  	_ =	shalt  }
0x50: {  	_ =	shalt  }
0x51: {  	_ =	shalt  }
0x52: {  	_ =	shalt  }
0x53: {  	_ =	shalt  }
0x54: {  	_ =	shalt  }
0x55: {  	_ =	shalt  }
0x56: {  	_ =	shalt  }
0x57: {  	_ =	shalt  }
0x58: {  	_ =	shalt  }
0x59: {  	_ =	shalt  }
0x5a: {  	_ =	shalt  }
0x5b: {  	_ =	shalt  }
0x5c: {  	_ =	shalt  }
0x5d: {  	_ =	shalt  }
0x5e: {  	_ =	shalt  }
0x5f: {  	_ =	shalt  }
0x60: {  	_ =	shalt  }
0x61: {  	_ =	shalt  }
0x62: {  	_ =	shalt  }
0x63: {  	_ =	shalt  }
0x64: {  	_ =	shalt  }
0x65: {  	_ =	shalt  }
0x66: {  	_ =	shalt  }
0x67: {  	_ =	shalt  }
0x68: {  	_ =	shalt  }
0x69: {  	_ =	shalt  }
0x6a: {  	_ =	shalt  }
0x6b: {  	_ =	shalt  }
0x6c: {  	_ =	shalt  }
0x6d: {  	_ =	shalt  }
0x6e: {  	_ =	shalt  }
0x6f: {  	_ =	shalt  }
0x70: {  	_ =	shalt  }
0x71: {  	_ =	shalt  }
0x72: {  	_ =	shalt  }
0x73: {  	_ =	shalt  }
0x74: {  	_ =	shalt  }
0x75: {  	_ =	shalt  }
0x76: {  	_ =	shalt  }
0x77: {  	_ =	shalt  }
0x78: {  	_ =	shalt  }
0x79: {  	_ =	shalt  }
0x7a: {  	_ =	shalt  }
0x7b: {  	_ =	shalt  }
0x7c: {  	_ =	shalt  }
0x7d: {  	_ =	shalt  }
0x7e: {  	_ =	shalt  }
0x7f: {  	_ =	shalt  }
0x80: {  	_ =	shalt  }
0x81: {  	_ =	shalt  }
0x82: {  	_ =	shalt  }
0x83: {  	_ =	shalt  }
0x84: {  	_ =	shalt  }
0x85: {  	_ =	shalt  }
0x86: {  	_ =	shalt  }
0x87: {  	_ =	shalt  }
.Lfunc_end0:
.L_simem_size_0:
called_computation.1_lowered:
.L_overlay_start_0:
0x88: {  	s2 =	sld [smem:$0x3FD9]  }
0x89: {  	s3 =	sld [smem:$0x3FFE];
	_ =	sdelay $0x1  }
0x8a: {  	s1 =	srdreg.scid  }
0x8b: {  	s0 =	sand.u32 $0x1, s1  }
0x8c: {  	s16 =	sshll.u32 s0, $0xA;
	s2 =	sadd.s32 s3, s2  }
0x8d: {  	s2 =	sadd.s32 s2, s16  }
0x8e: {  	[smem:$0x3FBB] =	sst s2  }
0x8f: {  	_ = 	snop  }
0x90: {  	(tm) =	ssettm $0x1  }
0x91: {  	s17 =	sld [smem:$0x3FFB];
	_ =	sdelay $0x3  }
0x92: {  	_ =	strace s17  }
0x93: {  	s2 =	sld [smem:$0x3FFC];
	_ =	sdelay $0x3  }
0x94: {  	_ =	strace s2  }
0x95: {  	s2 =	sld [smem:$0x3FFD];
	_ =	sdelay $0x3  }
0x96: {  	_ =	strace s2  }
0x97: {  	_ =	strace $0x8FFFFFFF  }
0x98: {  	s18 =	sld [smem:$0x3FDB];
	_ =	sdelay $0x1  }
0x99: {  	s19 =	simm.s32 $_scs_section_size  }
0x9a: {  	s4 =	simm.s32 $_size__tile_overlayer_lowered;
	s5 =	simm.s32 $_tile_overlayer_lowered  }
0x9b: {  	s22 =	simm.s32 $0x1BFF;
	s21 =	sshll.u32 s5, $0x1;
	s2 =	sadd.s32 s19, s18  }
0x9c: {  	s6 =	simm.s32 $0x0;
	s20 =	sshll.u32 s4, $0x1;
	s4 =	sadd.s32 s21, s2  }
0x9d: {  	[timem:s6], [sflag:s22] =	dma.local [hbm:s4], s20  }
0x9e: {  	_ =	swait.ge [sflag:s22], s20  }
0x9f: {  	s3 =	ssub.s32 $0x0, s20;
	[sflag:s22] =	ssyncset.done $0x0  }
0xa0: {  	[sflag:s22] =	ssyncadd.s32 s3;
	_ =	sdelay $0x1  }
0xa1: {  	s23 =	simm.s32 $0x1B8B  }
0xa2: {  	_ =	swait.ge [sflag:s23], $0x1  }
0xa3: {  	[sflag:s23] =	ssyncset.done $0x0  }
0xa4: {  	s25 =	simm.s32 $0x1B8E;
	s24 =	sld [smem:$0x3FFE];
	[sflag:s23] =	ssyncadd.s32 $0xFFFFFFFF  }
0xa5: {  	s26 =	simm.s32 $execute0_lowered;
	[smem:$0x3FD2] =	sst s25  }
0xa6: {  	s4 =	sshll.u32 s26, $0x1;
	_ =	strace $0x80000049;
	[dreg:$0x1] =	wrdreg $0xFFFFFFFF  }
0xa7: {  	s28 =	simm.s32 $_size_execute0_lowered;
	s2 =	sadd.s32 s2, s4;
	[dreg:$0x0] =	wrdreg $0x0  }
0xa8: {  	s4 =	sshll.u32 s28, $0x1;
	[dreg:$0x2] =	wrdreg s2  }
0xa9: {  	[dreg:$0x3] =	wrdreg s4  }
0xaa: {  	[dreg:$0x4] =	wrdreg $0xC0  }
0xab: {  	_ =	task [dreg:s6], $0x5FFFF  }
0xac: {  	[dreg:$0x1] =	wrdreg $0xFFFFFFFF  }
0xad: {  	[dreg:$0x0] =	wrdreg $0x60  }
0xae: {  	[dreg:$0x2] =	wrdreg s24  }
0xaf: {  	[dreg:$0x3] =	wrdreg $0x81000  }
0xb0: {  	[dreg:$0x4] =	wrdreg $0x9  }
0xb1: {  	_ =	task.clear_ibuf [dreg:s6], $0x5FFFF;
	_ =	strace $0x90000049  }
0xb2: {  	s29 =	simm.s32 $0x9;
	_ =	strace $0x8000004B  }
0xb3: {  	_ =	swait.ge [sflag:s29], $0x1  }
0xb4: {  	[sflag:s29] =	ssyncadd.s32 $0xFFFFFFFF  }
0xb5: {  	_ =	strace $0x9000004B  }
0xb6: {  	_ =	sfence  }
0xb7: {  	s30 =	sld [smem:$0x0];
	_ =	sdelay $0x2  }
0xb8: {  	s31 =	sshll.u32 s1, $0xD;
	s1 =	sshrl.u32 s1, $0x2  }
0xb9: {  	s3 =	sand.u32 $0x4000, s31;
	s1 =	sadd.s32 s1, s30  }
0xba: {  	s0 =	sor.u32 s3, s0;
	s1 =	sshll.u32 s1, $0x11  }
0xbb: {  	s0 =	sor.u32 s1, s0  }
0xbc: {  	s0 =	sadd.s32 $0x8F2B, s0  }
0xbd: {  	[sflag:s0] =	ssyncadd.remote.s32 $0x1  }
0xbe: {  	_ =	sfence.sel $0xFFFF  }
0xbf: {  	[dreg:$0x0] =	wrdreg $0xFFFFFFFF;
	(pc) =	sbr.abs _section_cstart, $3  }
0xc0: {  	[dreg:$0x1] =	wrdreg $0xFFFFFFFF  }
0xc1: {  	_ =	task.clear_ibuf [dreg:s6], $0x2FFFF;
	_ =	strace $0x9FFFFFFF  }
0xc2: {  	(tm) =	ssettm $0x7FFFFFFF  }
0xc3: {  	_ =	shalt  }
tec
execute0_lowered:
.L_overlay_start_1:
0x0: {  	(tag) =	ssettag $0x1  }
0x1: {  	s1 =	rddreg [dreg:$0x0]  }
0x2: {  	s0 =	rddreg [dreg:$0x1];
	s2 =	srdreg.scid  }
0x3: {  	s24 =	stileid.u32;
	s31 =	simm.s32 $0x4;
	s3 =	sadd.s32 $0x68E00, s1  }
0x4: {  	s4 =	sadd.s32 $0x5A00, s1;
	s8 =	smul.u32 $0x500, s24;
	s9 =	sor.u32 $0x10, s24  }
0x5: {  	s5 =	sand.u32 $0x1, s2;
	s10 =	sor.u32 $0x20, s24;
	s26 =	smul.u32 $0x500, s9  }
0x6: {  	s1 =	sadd.s32 $0x90000, s1;
	s16 =	sor.u32 $0x30, s24;
	s12 =	smul.u32 $0x500, s10  }
0x7: {  	s17 =	sor.u32 $0x40, s24;
	s18 =	sor.u32 $0x50, s24;
	s13 =	smul.u32 $0x500, s16  }
0x8: {  	s20 =	sor.u32 $0x60, s24;
	s21 =	sshll.u32 s24, $0x4;
	s15 =	smul.u32 $0x500, s17  }
0x9: {  	s23 =	sor.u32 $0x70, s24;
	s2 =	sshll.u32 s2, $0x8;
	s19 =	smul.u32 $0x500, s18  }
0xa: {  	s6 =	ssub.s32 $0x2, s5;
	s11 =	sshll.u32 s5, $0x4;
	s22 =	smul.u32 $0x500, s20  }
0xb: {  	s5 =	sshll.u32 s5, $0xF;
	s2 =	sor.u32 s21, s2;
	p0 =	sgt.u32 s23, $0x7C  }
0xc: {  	s7 =	sshrl.u32 s6, $0x1;
	s11 =	sor.u32 s24, s11;
	s8 =	sadd.s32 s3, s8  }
0xd: {  	s2 =	sand.u32 $0x180, s2;
	s6 =	ssub.s32 s6, s7;
	s14 =	sshll.u32 s11, $0x4  }
0xe: {  	[dreg:$0x3] =	wrdreg s8;
	s7 =	sadd.s32 s3, s26;
	s12 =	sadd.s32 s3, s12  }
0xf: {  	s25 =	sadd.s32 s3, s13;
	s26 =	sadd.s32 s3, s15;
	s13 =	sadd.s32 s3, s22  }
0x10: {  	s15 =	sand.u32 $0x70, s21;
	s22 =	sshll.u32 s24, $0xB;
	[dreg:$0x4] =	wrdreg s7  }
0x11: {  	s2 =	sadd.s32 s2, s4;
	s8 =	smul.u32 $0xA000, s9;
	[dreg:$0x5] =	wrdreg s12  }
0x12: {  	s21 =	sshll.u32 s24, $0x6;
	s14 =	sand.u32 $0x180, s14;
	[dreg:$0x6] =	wrdreg s25  }
0x13: {  	s7 =	smul.u32 $0x500, s23;
	[dreg:$0x7] =	wrdreg s26;
	s12 =	sadd.s32 s3, s19  }
0x14: {  	[dreg:$0x9] =	wrdreg s13;
	s19 =	sshll.u32 s11, $0xB;
	s25 =	sadd.s32 s4, s15  }
0x15: {  	s13 =	simm.s32 $0x0;
	[dreg:$0x8] =	wrdreg s12;
	s11 =	sadd.s32 s1, s19  }
0x16: {  	s1 =	sadd.s32 s5, s1;
	s5 =	sadd.s32 s14, s25;
	s12 =	smul.u32 $0xA000, s10  }
0x17: {  	s26 =	sor.u32 s14, s15;
	s14 =	sadd.s32 s15, s2;
	s15 =	smul.u32 $0xA000, s16  }
0x18: {  	s6 =	smax.u32 s6, $0x1;
	[smem:$0x7FF] =	sst s13;
	s19 =	smul.u32 $0xA000, s17  }
0x19: {  	s2 =	sshrl.u32 s8, $0x2;
	s16 =	sor.u32 $0x1C04, s21;
	s25 =	smul.u32 $0xA000, s23  }
0x1a: {  	s3 =	sadd.s32 s3, s7;
	s1 =	sadd.s32 s22, s1;
	s7 =	smul.u32 $0xA000, s24  }
0x1b: {  	[dreg:$0xb] =	wrdreg s5;
	s5 =	sadd.s32 s4, s26;
	s22 =	smul.u32 $0xA000, s18  }
0x1c: {  	s2 =	sadd.s32 s2, s0;
	s24 =	smul.u32 $0xA000, s20;
	s29 =	sadd.s32 $0x10000, s11  }
0x1d: {  	s18 =	smov.u32 s11;
	s30 =	sadd.s32 $0x4F0000, s11;
	s11 =	simm.s32 $0x80  }
0x1e: {  	[dreg:$0xa] =	wrdreg s3;
	s4 =	sshrl.u32 s12, $0x2;
	s10 =	sshrl.u32 s25, $0x2  }
0x1f: {  	s26 =	sadd.s32 $0x200, s5;
	s5 =	sadd.s32 $0x400, s5;
	s12 =	sadd.s32 $0x20000, s1  }
0x20: {  	s21 =	sshrl.u32 s2, $0x3;
	s1 =	simm.s32 $0x1;
	s2 =	simm.s32 $0x100  }
0x21: {  	_ =	strace $0x8000004A;
	s9 =	sshrl.u32 s7, $0x2;
	[dreg:$0xc] =	wrdreg s6  }
0x22: {  	s6 =	sshrl.u32 s15, $0x2;
	s7 =	sshrl.u32 s19, $0x2;
	s4 =	sadd.s32 s4, s0  }
0x23: {  	s8 =	sshrl.u32 s22, $0x2;
	s10 =	sadd.s32 s10, s0;
	[dreg:$0xd] =	wrdreg s26  }
0x24: {  	[dreg:$0xe] =	wrdreg s5;
	s5 =	simm.s32 $0x2;
	s3 =	sadd.s32 s9, s0  }
0x25: {  	s6 =	sadd.s32 s6, s0;
	s7 =	sadd.s32 s7, s0;
	s9 =	sshrl.u32 s24, $0x2  }
0x26: {  	s8 =	sadd.s32 s8, s0;
	s22 =	sshrl.u32 s4, $0x3;
	s28 =	sshrl.u32 @!p0 s10, $0x3  }
0x27: {  	s4 =	simm.s32 $0x3;
	s9 =	sadd.s32 s9, s0;
	s20 =	sshrl.u32 s3, $0x3  }
0x28: {  	s23 =	sshrl.u32 s6, $0x3;
	s24 =	sshrl.u32 s7, $0x3;
	s25 =	sshrl.u32 s8, $0x3  }
0x29: {  	s3 =	simm.s32 $0x4100;
	s6 =	simm.s32 $0x0;
	s26 =	sshrl.u32 s9, $0x3  }
.LBB2_1:
0x2a: {  	s7 =	rddreg [dreg:$0x3]  }
0x2b: {  	[spmem:s20], [sflag:s16] =	dma.local [hbm:s7], $0x500  }
0x2c: {  	_ =	swait.ge [sflag:s31], $0x500  }
0x2d: {  	[sflag:s31] =	ssyncset.done $0x0  }
0x2e: {  	s8 =	rddreg [dreg:$0x4];
	[sflag:s31] =	ssyncadd.s32 $0xFFFFFB00  }
0x2f: {  	[spmem:s21], [sflag:s16] =	dma.local [hbm:s8], $0x500  }
0x30: {  	_ =	swait.ge [sflag:s31], $0x500  }
0x31: {  	[sflag:s31] =	ssyncset.done $0x0  }
0x32: {  	s9 =	rddreg [dreg:$0x5];
	[sflag:s31] =	ssyncadd.s32 $0xFFFFFB00  }
0x33: {  	[spmem:s22], [sflag:s16] =	dma.local [hbm:s9], $0x500  }
0x34: {  	_ =	swait.ge [sflag:s31], $0x500  }
0x35: {  	[sflag:s31] =	ssyncset.done $0x0  }
0x36: {  	s10 =	rddreg [dreg:$0x6];
	[sflag:s31] =	ssyncadd.s32 $0xFFFFFB00  }
0x37: {  	[spmem:s23], [sflag:s16] =	dma.local [hbm:s10], $0x500  }
0x38: {  	_ =	swait.ge [sflag:s31], $0x500  }
0x39: {  	[sflag:s31] =	ssyncset.done $0x0  }
0x3a: {  	s15 =	rddreg [dreg:$0x7];
	[sflag:s31] =	ssyncadd.s32 $0xFFFFFB00  }
0x3b: {  	[spmem:s24], [sflag:s16] =	dma.local [hbm:s15], $0x500  }
0x3c: {  	_ =	swait.ge [sflag:s31], $0x500  }
0x3d: {  	[sflag:s31] =	ssyncset.done $0x0  }
0x3e: {  	s17 =	rddreg [dreg:$0x8];
	[sflag:s31] =	ssyncadd.s32 $0xFFFFFB00  }
0x3f: {  	[spmem:s25], [sflag:s16] =	dma.local [hbm:s17], $0x500  }
0x40: {  	_ =	swait.ge [sflag:s31], $0x500  }
0x41: {  	[sflag:s31] =	ssyncset.done $0x0  }
0x42: {  	s19 =	rddreg [dreg:$0x9];
	[sflag:s31] =	ssyncadd.s32 $0xFFFFFB00  }
0x43: {  	[spmem:s26], [sflag:s16] =	dma.local [hbm:s19], $0x500  }
0x44: {  	_ =	swait.ge [sflag:s31], $0x500  }
0x45: {  	[sflag:s31] =	ssyncset.done $0x0  }
0x46: {  	s7 =	rddreg [dreg:$0xa];
	[sflag:s31] =	ssyncadd.s32 $0xFFFFFB00  }
0x47: {  	[spmem:s28], [sflag:s16] =	dma.local @!p0 [hbm:s7], $0x500  }
0x48: {  	s7 =	simm.s32 @!p0 $0x4  }
0x49: {  	_ =	swait.ge @!p0 [sflag:s7], $0x500  }
0x4a: {  	[sflag:s7] =	ssyncset.done @!p0 $0x0  }
0x4b: {  	[sflag:s7] =	ssyncadd.s32 @!p0 $0xFFFFFB00  }
0x4c: {  	[bflag:$0x0] =	sbarrier.arrive $0xFFFF  }
0x4d: {  	s8 =	rddreg [dreg:$0xb]  }
0x4e: {  	[tilespmem:s13], [sflag:$0x1] =	stream.linear.gather [hbm4b:s8+s13], $0x80, $0x38;
	[tilespmem:$0x1B980] =	vst v63  }
0x4f: {  	s9 =	rddreg [dreg:$0xd]  }
0x50: {  	[tilespmem:s11], [sflag:$0x1] =	stream.linear.gather [hbm4b:s9+s13], $0x80, $0x38;
	[tilespmem:$0x1B980] =	vst v63  }
0x51: {  	_ =	swait.ge [sflag:s1], $0x80  }
0x52: {  	[sflag:s1] =	ssyncset.done $0x0  }
0x53: {  	[sflag:s1] =	ssyncadd.s32 $0xFFFFFF80  }
0x54: {  	[tilespmem:s2], [sflag:$0x2] =	stream.indirect.gather [spmem:s0], $0x80, s13, s11, $0xb8;
	[tilespmem:$0x1B980] =	vst v63  }
0x55: {  	_ =	swait.ge [sflag:s5], $0x4000  }
0x56: {  	[sflag:s5] =	ssyncset.done $0x0  }
0x57: {  	[sflag:s5] =	ssyncadd.s32 $0xFFFFC000  }
0x58: {  	[hbm4b:s18+s13] =	stream.linear.scatter [tilespmem:s2], [sflag:$0x3], $0x4000, $0x38;
	[tilespmem:$0x1B980] =	vst v63  }
0x59: {  	s10 =	rddreg [dreg:$0xe]  }
0x5a: {  	[tilespmem:s13], [sflag:$0x1] =	stream.linear.gather [hbm4b:s10+s13], $0x80, $0x38;
	[tilespmem:$0x1B980] =	vst v63  }
0x5b: {  	_ =	swait.ge [sflag:s1], $0x80  }
0x5c: {  	[sflag:s1] =	ssyncset.done $0x0  }
0x5d: {  	[sflag:s1] =	ssyncadd.s32 $0xFFFFFF80  }
0x5e: {  	[tilespmem:s3], [sflag:$0x2] =	stream.indirect.gather [spmem:s0], $0x80, s11, s11, $0xb8;
	[tilespmem:$0x1B980] =	vst v63  }
0x5f: {  	_ =	swait.ge [sflag:s5], $0x4000  }
0x60: {  	s15 =	simm.s32 $0x600;
	[sflag:s5] =	ssyncset.done $0x0  }
0x61: {  	s7 =	sand.u32 $0x200, s15;
	[sflag:s5] =	ssyncadd.s32 $0xFFFFC000  }
0x62: {  	[hbm4b:s29+s13] =	stream.linear.scatter [tilespmem:s3], [sflag:$0x3], $0x4000, $0x38;
	[tilespmem:$0x1B980] =	vst v63  }
0x63: {  	s7 =	sshrl.u32 s7, $0x2;
	s8 =	sadd.s32 $0x600, s14  }
0x64: {  	[tilespmem:s7], [sflag:$0x1] =	stream.linear.gather [hbm4b:s8+s13], $0x80, $0x38;
	[tilespmem:$0x1B980] =	vst v63  }
0x65: {  	_ =	swait.ge [sflag:s1], $0x80  }
0x66: {  	[sflag:s1] =	ssyncset.done $0x0  }
0x67: {  	[sflag:s1] =	ssyncadd.s32 $0xFFFFFF80  }
0x68: {  	s17 =	sand.u32 $0x1, s5;
	_ =	swait.ge [sflag:s4], $0x4000  }
0x69: {  	s19 =	sshll.u32 s17, $0xE;
	[sflag:s4] =	ssyncset.done $0x0  }
0x6a: {  	s10 =	sor.u32 $0x100, s19;
	s7 =	sshll.u32 s17, $0x7;
	[sflag:s4] =	ssyncadd.s32 $0xFFFFC000  }
0x6b: {  	[tilespmem:s10], [sflag:$0x2] =	stream.indirect.gather [spmem:s0], $0x80, s7, s11, $0xb8;
	[tilespmem:$0x1B980] =	vst v63  }
0x6c: {  	_ =	swait.ge [sflag:s5], $0x4000  }
0x6d: {  	s9 =	simm.s32 $0x800;
	s19 =	smov.u32 s12;
	[sflag:s5] =	ssyncset.done $0x0  }
0x6e: {  	s8 =	sadd.s32 $0x10000, s12;
	s7 =	simm.s32 $0x3;
	[sflag:s5] =	ssyncadd.s32 $0xFFFFC000  }
.LBB2_2:
0x6f: {  	[hbm4b:s19+s13] =	stream.linear.scatter [tilespmem:s10], [sflag:$0x3], $0x4000, $0x38;
	[tilespmem:$0x1B980] =	vst v63  }
0x70: {  	s10 =	smov.u32 s7;
	s19 =	smov.u32 s8  }
0x71: {  	s15 =	sand.u32 $0x200, s9;
	p1 =	sne.s32 s7, $0x4E;
	s7 =	sadd.s32 $0x1, s7  }
0x72: {  	s17 =	sadd.s32 s9, s14;
	s15 =	sshrl.u32 s15, $0x2  }
0x73: {  	[tilespmem:s15], [sflag:$0x1] =	stream.linear.gather [hbm4b:s17+s13], $0x80, $0x38;
	[tilespmem:$0x1B980] =	vst v63  }
0x74: {  	_ =	swait.ge [sflag:s1], $0x80  }
0x75: {  	[sflag:s1] =	ssyncset.done $0x0  }
0x76: {  	[sflag:s1] =	ssyncadd.s32 $0xFFFFFF80  }
0x77: {  	s10 =	sand.u32 $0x1, s10;
	_ =	swait.ge [sflag:s4], $0x4000  }
0x78: {  	s15 =	sshll.u32 s10, $0xE;
	s17 =	sshll.u32 s10, $0x7;
	[sflag:s4] =	ssyncset.done $0x0  }
.Ltmp0:
0x79: {  	s10 =	sor.u32 $0x100, s15;
	[sflag:s4] =	ssyncadd.s32 $0xFFFFC000;
	(pc) =	sbr.rel @p1 .LBB2_2-.Ltmp0, $4  }
0x7a: {  	[tilespmem:s10], [sflag:$0x2] =	stream.indirect.gather [spmem:s0], $0x80, s17, s11, $0xb8;
	[tilespmem:$0x1B980] =	vst v63  }
0x7b: {  	_ =	swait.ge [sflag:s5], $0x4000  }
0x7c: {  	[sflag:s5] =	ssyncset.done $0x0  }
0x7d: {  	s8 =	sadd.s32 $0x10000, s8;
	s9 =	sadd.s32 $0x200, s9;
	[sflag:s5] =	ssyncadd.s32 $0xFFFFC000  }
0x7e: {  	[hbm4b:s19+s13] =	stream.linear.scatter [tilespmem:s10], [sflag:$0x3], $0x4000, $0x38;
	[tilespmem:$0x1B980] =	vst v63  }
0x7f: {  	_ =	swait.ge [sflag:s1], $0x80  }
0x80: {  	[sflag:s1] =	ssyncset.done $0x0  }
0x81: {  	[sflag:s1] =	ssyncadd.s32 $0xFFFFFF80  }
0x82: {  	_ =	swait.ge [sflag:s4], $0x4000  }
0x83: {  	[sflag:s4] =	ssyncset.done $0x0  }
0x84: {  	[sflag:s4] =	ssyncadd.s32 $0xFFFFC000  }
0x85: {  	[tilespmem:s3], [sflag:$0x2] =	stream.indirect.gather [spmem:s0], $0x80, s11, s11, $0xb8;
	[tilespmem:$0x1B980] =	vst v63  }
0x86: {  	_ =	swait.ge [sflag:s5], $0x4000  }
0x87: {  	[sflag:s5] =	ssyncset.done $0x0  }
0x88: {  	[sflag:s5] =	ssyncadd.s32 $0xFFFFC000  }
0x89: {  	[hbm4b:s30+s13] =	stream.linear.scatter [tilespmem:s3], [sflag:$0x3], $0x4000, $0x38;
	[tilespmem:$0x1B980] =	vst v63  }
0x8a: {  	_ =	swait.ge [sflag:s4], $0x4000  }
0x8b: {  	[sflag:s4] =	ssyncset.done $0x0  }
0x8c: {  	[sflag:s4] =	ssyncadd.s32 $0xFFFFC000  }
0x8d: {  	_ =	swait.ge [sflag:s4], $0x4000  }
0x8e: {  	s6 =	sadd.s32 $0x1, s6;
	s7 =	rddreg [dreg:$0xc]  }
0x8f: {  	p1 =	sne.s32 s6, s7  }
.Ltmp1:
0x90: {  	_ = 	snop;
	(pc) =	sbr.rel @p1 .LBB2_1-.Ltmp1, $3  }
0x91: {  	_ =	sdelay $0x1  }
0x92: {  	[sflag:s4] =	ssyncset.done $0x0  }
0x93: {  	[sflag:s4] =	ssyncadd.s32 $0xFFFFC000  }
0x94: {  	_ =	sfence.sel $0x180000  }
0x95: {  	[bflag:$0x0] =	sbarrier.arrive $0xFFFF  }
0x96: {  	_ =	strace $0x9000004A  }
0x97: {  	s0 =	stileid.u32;
	[bflag:$0x2] =	sbarrier.arrive $0xFFFF  }
0x98: {  	p0 =	sne.s32 s0, $0x0;
	s0 =	rddreg [dreg:$0x2]  }
0x99: {  	s0 =	sadd.s32 @!p0 $0x100000, s0  }
0x9a: {  	[sflag:s0] =	ssyncadd.tile.s32 @!p0 $0x1;
	_ =	shalt  }
.Lfunc_end2:
_tile_overlayer_lowered:
.L_overlay_start_2:
0x9b: {  	(tag) =	ssettag $0x2  }
0x9c: {  	s0 =	rddreg [dreg:$0x0];
	s2 =	stileid.u32  }
0x9d: {  	s1 =	rddreg [dreg:$0x1];
	p0 =	sne.s32 s2, $0x0  }
0x9e: {  	s3 =	rddreg [dreg:$0x2];
	[bflag:$0x3] =	sbarrier.arrive $0xFFFF;
	s2 =	simm.s32 @!p0 $0x1C04  }
0x9f: {  	[timem:s3], [sflag:s2] =	dma.local @!p0 [hbm:s0], s1  }
0xa0: {  	s0 =	simm.s32 @!p0 $0x4  }
0xa1: {  	_ =	swait.ge @!p0 [sflag:s0], s1  }
0xa2: {  	s1 =	ssub.s32 @!p0 $0x0, s1;
	[sflag:s0] =	ssyncset.done @!p0 $0x0  }
0xa3: {  	[sflag:s0] =	ssyncadd.s32 @!p0 s1  }
0xa4: {  	[bflag:$0x3] =	sbarrier.arrive $0xFFFF  }
0xa5: {  	_ =	shalt  }

// kernel: kernel.19.cloned.1.call-start
scs
__scs_entry_jumppad:
0x0: {  	(pc) =	sbr.rel $0x88, $3  }
0x1: {  	(tag) =	ssettag $0x0;
	lr =	simm.s32 $0x1  }
0x2: {  	[smem:$0x3F94] =	sst lr;
	_ =	strace $0xD0000000  }
0x3: {  	_ = 	snop  }
0x4: {  	_ = 	snop  }
0x5: {  	_ = 	snop  }
0x6: {  	_ = 	snop  }
0x7: {  	_ = 	snop  }
__scs_overlays_trampoline_lowered:
0x8: {  	[smem:$0x3FA3] =	sst s0  }
0x9: {  	[smem:$0x3FA4] =	sst s1  }
0xa: {  	[smem:$0x3FA5] =	sst s2  }
0xb: {  	[smem:$0x3FA6] =	sst s3  }
0xc: {  	[smem:$0x3FA7] =	sst s4  }
0xd: {  	[smem:$0x3FA8] =	sst s5  }
0xe: {  	[smem:$0x3FA9] =	sst s6  }
0xf: {  	[smem:$0x3FAA] =	sst s7  }
0x10: {  	[smem:$0x3FAB] =	sst s8  }
0x11: {  	[smem:$0x3FAC] =	sst s9;
	s0 =	simm.s32 @!p0 $0x0  }
0x12: {  	s1 =	sld [smem:$0x3F92];
	s0 =	simm.s32 @p0 $0x1  }
0x13: {  	[smem:$0x3FAD] =	sst s0;
	s0 =	simm.s32 @!p1 $0x0  }
0x14: {  	s2 =	sld [smem:$0x3F91];
	s0 =	simm.s32 @p1 $0x1  }
0x15: {  	[smem:$0x3FAE] =	sst s0;
	s0 =	simm.s32 @!p2 $0x0  }
0x16: {  	s3 =	sld [smem:$0x3FDB];
	s0 =	simm.s32 @p2 $0x1  }
0x17: {  	s4 =	simm.s32 $0x1BF5;
	[smem:$0x3FB0] =	sst s0  }
0x18: {  	s0 =	sld [smem:$0x3F93];
	_ =	swait.ge [sflag:s4], $0x0  }
0x19: {  	s7 =	sld [smem:$0x3F94]  }
0x1a: {  	s8 =	sadd.s32 $0xFFFFE003, lr  }
0x1b: {  	s9 =	sadd.s32 $0xFFFFFEF7, lr;
	s5 =	simm.s32 $0xFFFFFFFF;
	p2 =	slt.u32 s8, $0xFFFFF086  }
0x1c: {  	p1 =	slt.u32 s9, $0xF7A;
	s5 =	simm.s32 @!p2 $0x0  }
0x1d: {  	s5 =	simm.s32 @p1 $0x1;
	p0 =	seq.s32 s7, s2  }
0x1e: {  	s7 =	smul.u32 @!p0 $0xF7A, s2;
	p2 =	seq.s32 @!p0 s5, $0x0  }
0x1f: {  	s9 =	smul.u32 $0xF7A, s1;
	s8 =	simm.s32 @!p0 $0x1BF5;
	p2 =	por !p2, p0  }
0x20: {  	[sflag:s8] =	ssyncset.s32 @!p0 $0xFFFFF086;
	s6 =	sadd.s32 @!p0 s3, s7;
	s7 =	simm.s32 @!p0 $0x108  }
0x21: {  	s3 =	sadd.s32 s3, s9;
	s6 =	sadd.s32 @!p0 $0x88, s6;
	s7 =	simm.s32 @p2 $0x1082  }
0x22: {  	[simem:s7], [sflag:s8] =	dma.local @!p0 [hbm:s6], $0xF7A  }
0x23: {  	s9 =	sor.u32 $0xD0000000, s2;
	s6 =	simm.s32 $0x108;
	_ =	swait.ge @!p0 [sflag:s8], $0x0  }
0x24: {  	s3 =	sadd.s32 $0x88, s3;
	s6 =	simm.s32 @!p1 $0x1082;
	[sflag:s4] =	ssyncset.s32 $0xFFFFF086  }
0x25: {  	[simem:s6], [sflag:s4] =	dma.local [hbm:s3], $0xF7A  }
0x26: {  	[smem:$0x3F94] =	sst s1;
	(tag) =	ssettag s2;
	_ =	strace s9  }
0x27: {  	s1 =	sld [smem:$0x3FA4]  }
0x28: {  	s2 =	sld [smem:$0x3FA5]  }
0x29: {  	s4 =	sld [smem:$0x3FA7]  }
0x2a: {  	p0 =	seq.s32 s5, $0x0;
	s5 =	sld [smem:$0x3FA8]  }
0x2b: {  	s6 =	sld [smem:$0x3FA9]  }
0x2c: {  	s7 =	sld [smem:$0x3FAA]  }
0x2d: {  	s3 =	simm.s32 $0x108;
	s8 =	sld [smem:$0x3FAB]  }
0x2e: {  	s3 =	simm.s32 @!p0 $0x1082;
	s9 =	sld [smem:$0x3FAC]  }
0x2f: {  	lr =	sadd.s32 s0, s3;
	s0 =	sld [smem:$0x3FA3]  }
0x30: {  	s3 =	sld [smem:$0x3FA6]  }
0x31: {  	[smem:$0x3FAF] =	sst s10  }
0x32: {  	s10 =	sld [smem:$0x3FAD];
	_ =	sdelay $0x3  }
0x33: {  	p0 =	seq.s32 s10, $0x1;
	s10 =	sld [smem:$0x3FAF];
	_ =	sdelay $0x3  }
0x34: {  	[smem:$0x3FAF] =	sst s10  }
0x35: {  	s10 =	sld [smem:$0x3FAE];
	_ =	sdelay $0x3  }
0x36: {  	p1 =	seq.s32 s10, $0x1;
	s10 =	sld [smem:$0x3FAF];
	_ =	sdelay $0x3  }
0x37: {  	[smem:$0x3FAF] =	sst s10  }
0x38: {  	s10 =	sld [smem:$0x3FB0]  }
0x39: {  	_ = 	snop;
	(pc) =	sbr.ind lr, $3  }
0x3a: {  	_ = 	snop  }
0x3b: {  	_ = 	snop  }
0x3c: {  	p2 =	seq.s32 s10, $0x1;
	s10 =	sld [smem:$0x3FAF]  }
0x3d: {  	_ =	shalt  }
0x3e: {  	_ =	shalt  }
0x3f: {  	_ =	shalt  }
0x40: {  	_ =	shalt  }
0x41: {  	_ =	shalt  }
0x42: {  	_ =	shalt  }
0x43: {  	_ =	shalt  }
0x44: {  	_ =	shalt  }
0x45: {  	_ =	shalt  }
0x46: {  	_ =	shalt  }
0x47: {  	_ =	shalt  }
0x48: {  	_ =	shalt  }
0x49: {  	_ =	shalt  }
0x4a: {  	_ =	shalt  }
0x4b: {  	_ =	shalt  }
0x4c: {  	_ =	shalt  }
0x4d: {  	_ =	shalt  }
0x4e: {  	_ =	shalt  }
0x4f: {  	_ =	shalt  }
0x50: {  	_ =	shalt  }
0x51: {  	_ =	shalt  }
0x52: {  	_ =	shalt  }
0x53: {  	_ =	shalt  }
0x54: {  	_ =	shalt  }
0x55: {  	_ =	shalt  }
0x56: {  	_ =	shalt  }
0x57: {  	_ =	shalt  }
0x58: {  	_ =	shalt  }
0x59: {  	_ =	shalt  }
0x5a: {  	_ =	shalt  }
0x5b: {  	_ =	shalt  }
0x5c: {  	_ =	shalt  }
0x5d: {  	_ =	shalt  }
0x5e: {  	_ =	shalt  }
0x5f: {  	_ =	shalt  }
0x60: {  	_ =	shalt  }
0x61: {  	_ =	shalt  }
0x62: {  	_ =	shalt  }
0x63: {  	_ =	shalt  }
0x64: {  	_ =	shalt  }
0x65: {  	_ =	shalt  }
0x66: {  	_ =	shalt  }
0x67: {  	_ =	shalt  }
0x68: {  	_ =	shalt  }
0x69: {  	_ =	shalt  }
0x6a: {  	_ =	shalt  }
0x6b: {  	_ =	shalt  }
0x6c: {  	_ =	shalt  }
0x6d: {  	_ =	shalt  }
0x6e: {  	_ =	shalt  }
0x6f: {  	_ =	shalt  }
0x70: {  	_ =	shalt  }
0x71: {  	_ =	shalt  }
0x72: {  	_ =	shalt  }
0x73: {  	_ =	shalt  }
0x74: {  	_ =	shalt  }
0x75: {  	_ =	shalt  }
0x76: {  	_ =	shalt  }
0x77: {  	_ =	shalt  }
0x78: {  	_ =	shalt  }
0x79: {  	_ =	shalt  }
0x7a: {  	_ =	shalt  }
0x7b: {  	_ =	shalt  }
0x7c: {  	_ =	shalt  }
0x7d: {  	_ =	shalt  }
0x7e: {  	_ =	shalt  }
0x7f: {  	_ =	shalt  }
0x80: {  	_ =	shalt  }
0x81: {  	_ =	shalt  }
0x82: {  	_ =	shalt  }
0x83: {  	_ =	shalt  }
0x84: {  	_ =	shalt  }
0x85: {  	_ =	shalt  }
0x86: {  	_ =	shalt  }
0x87: {  	_ =	shalt  }
.Lfunc_end0:
.L_simem_size_0:
called_computation.2_lowered:
.L_overlay_start_0:
0x88: {  	s2 =	sld [smem:$0x3FD9]  }
0x89: {  	s3 =	sld [smem:$0x3FFE];
	_ =	sdelay $0x1  }
0x8a: {  	s1 =	srdreg.scid  }
0x8b: {  	s0 =	sand.u32 $0x1, s1  }
0x8c: {  	s16 =	sshll.u32 s0, $0xA;
	s2 =	sadd.s32 s3, s2  }
0x8d: {  	s2 =	sadd.s32 s2, s16  }
0x8e: {  	[smem:$0x3FBB] =	sst s2  }
0x8f: {  	_ = 	snop  }
0x90: {  	(tm) =	ssettm $0x1  }
0x91: {  	s17 =	sld [smem:$0x3FFB];
	_ =	sdelay $0x3  }
0x92: {  	_ =	strace s17  }
0x93: {  	s2 =	sld [smem:$0x3FFC];
	_ =	sdelay $0x3  }
0x94: {  	_ =	strace s2  }
0x95: {  	s2 =	sld [smem:$0x3FFD];
	_ =	sdelay $0x3  }
0x96: {  	_ =	strace s2  }
0x97: {  	_ =	strace $0x8FFFFFFF  }
0x98: {  	s18 =	sld [smem:$0x3FDB];
	_ =	sdelay $0x1  }
0x99: {  	s19 =	simm.s32 $_scs_section_size  }
0x9a: {  	s4 =	simm.s32 $_size__tile_overlayer_lowered;
	s5 =	simm.s32 $_tile_overlayer_lowered  }
0x9b: {  	s22 =	simm.s32 $0x1BFF;
	s21 =	sshll.u32 s5, $0x1;
	s2 =	sadd.s32 s19, s18  }
0x9c: {  	s6 =	simm.s32 $0x0;
	s20 =	sshll.u32 s4, $0x1;
	s4 =	sadd.s32 s21, s2  }
0x9d: {  	[timem:s6], [sflag:s22] =	dma.local [hbm:s4], s20  }
0x9e: {  	_ =	swait.ge [sflag:s22], s20  }
0x9f: {  	s3 =	ssub.s32 $0x0, s20;
	[sflag:s22] =	ssyncset.done $0x0  }
0xa0: {  	[sflag:s22] =	ssyncadd.s32 s3;
	_ =	sdelay $0x1  }
0xa1: {  	s23 =	simm.s32 $0x1B8B  }
0xa2: {  	_ =	swait.ge [sflag:s23], $0x1  }
0xa3: {  	[sflag:s23] =	ssyncset.done $0x0  }
0xa4: {  	s25 =	simm.s32 $0x1B8E;
	s24 =	sld [smem:$0x3FFE];
	[sflag:s23] =	ssyncadd.s32 $0xFFFFFFFF  }
0xa5: {  	s26 =	simm.s32 $execute0_lowered;
	[smem:$0x3FD2] =	sst s25  }
0xa6: {  	s4 =	sshll.u32 s26, $0x1;
	_ =	strace $0x8000004C;
	[dreg:$0x1] =	wrdreg $0xFFFFFFFF  }
0xa7: {  	s28 =	simm.s32 $_size_execute0_lowered;
	s2 =	sadd.s32 s2, s4;
	[dreg:$0x0] =	wrdreg $0x0  }
0xa8: {  	s4 =	sshll.u32 s28, $0x1;
	[dreg:$0x2] =	wrdreg s2  }
0xa9: {  	[dreg:$0x3] =	wrdreg s4  }
0xaa: {  	[dreg:$0x4] =	wrdreg $0xC0  }
0xab: {  	_ =	task [dreg:s6], $0x5FFFF  }
0xac: {  	[dreg:$0x1] =	wrdreg $0xFFFFFFFF  }
0xad: {  	[dreg:$0x0] =	wrdreg $0x60  }
0xae: {  	[dreg:$0x2] =	wrdreg s24  }
0xaf: {  	[dreg:$0x3] =	wrdreg $0x81000  }
0xb0: {  	[dreg:$0x4] =	wrdreg $0x9  }
0xb1: {  	_ =	task.clear_ibuf [dreg:s6], $0x5FFFF;
	_ =	strace $0x9000004C  }
0xb2: {  	s29 =	simm.s32 $0x9;
	_ =	strace $0x8000004E  }
0xb3: {  	_ =	swait.ge [sflag:s29], $0x1  }
0xb4: {  	[sflag:s29] =	ssyncadd.s32 $0xFFFFFFFF  }
0xb5: {  	_ =	strace $0x9000004E  }
0xb6: {  	_ =	sfence  }
0xb7: {  	s30 =	sld [smem:$0x0];
	_ =	sdelay $0x2  }
0xb8: {  	s31 =	sshll.u32 s1, $0xD;
	s1 =	sshrl.u32 s1, $0x2  }
0xb9: {  	s3 =	sand.u32 $0x4000, s31;
	s1 =	sadd.s32 s1, s30  }
0xba: {  	s0 =	sor.u32 s3, s0;
	s1 =	sshll.u32 s1, $0x11  }
0xbb: {  	s0 =	sor.u32 s1, s0  }
0xbc: {  	s0 =	sadd.s32 $0x8F2B, s0  }
0xbd: {  	[sflag:s0] =	ssyncadd.remote.s32 $0x1  }
0xbe: {  	_ =	sfence.sel $0xFFFF  }
0xbf: {  	[dreg:$0x0] =	wrdreg $0xFFFFFFFF;
	(pc) =	sbr.abs _section_cstart, $3  }
0xc0: {  	[dreg:$0x1] =	wrdreg $0xFFFFFFFF  }
0xc1: {  	_ =	task.clear_ibuf [dreg:s6], $0x2FFFF;
	_ =	strace $0x9FFFFFFF  }
0xc2: {  	(tm) =	ssettm $0x7FFFFFFF  }
0xc3: {  	_ =	shalt  }
tec
execute0_lowered:
.L_overlay_start_1:
0x0: {  	(tag) =	ssettag $0x1  }
0x1: {  	s0 =	rddreg [dreg:$0x0]  }
0x2: {  	s1 =	srdreg.scid;
	s16 =	stileid.u32  }
0x3: {  	s2 =	sadd.s32 $0x90000, s0;
	s1 =	sand.u32 $0x1, s1;
	s3 =	sadd.s32 $0xFA00, s0  }
0x4: {  	s5 =	sadd.s32 $0x590000, s0;
	s6 =	sshll.u32 s16, $0x4;
	s12 =	sadd.s32 $0x5B7200, s0  }
0x5: {  	s21 =	smul.u32 $0x500, s16;
	s14 =	sor.u32 $0x30, s16;
	s18 =	sor.u32 $0x40, s16  }
0x6: {  	s0 =	sadd.s32 $0x19A00, s0;
	p2 =	seq.s32 s16, $0xF;
	s4 =	sshll.u32 s1, $0x4  }
0x7: {  	s7 =	ssub.s32 $0x2, s1;
	s6 =	sand.u32 $0x70, s6;
	s23 =	smul.u32 $0x500, s14  }
0x8: {  	p0 =	seq.s32 s1, $0x1;
	s24 =	smul.u32 $0x500, s18;
	s1 =	sshll.u32 s1, $0xF  }
0x9: {  	s4 =	sor.u32 s16, s4;
	s9 =	sshrl.u32 s7, $0x1;
	s11 =	sadd.s32 s3, s6  }
0xa: {  	s5 =	smov.u32 @p0 s12;
	s1 =	sadd.s32 s1, s2;
	s8 =	sshll.u32 s4, $0x4  }
0xb: {  	s7 =	ssub.s32 s7, s9;
	s4 =	sshll.u32 s4, $0xB;
	s9 =	sadd.s32 s5, s21  }
0xc: {  	s21 =	sor.u32 $0x60, s16;
	s12 =	sadd.s32 s5, s23;
	s23 =	sshll.u32 s16, $0xB  }
0xd: {  	s10 =	sand.u32 $0x180, s8;
	s4 =	sadd.s32 s2, s4;
	[dreg:$0x5] =	wrdreg s9  }
0xe: {  	s26 =	smul.u32 $0x500, s21;
	s9 =	sadd.s32 s5, s24;
	s24 =	sor.u32 $0x200, s8  }
0xf: {  	s8 =	smul.u32 $0xA000, s16;
	s20 =	sadd.s32 s10, s11;
	s10 =	sor.u32 $0x10, s16  }
0x10: {  	[dreg:$0x8] =	wrdreg s12;
	s11 =	sor.u32 $0x20, s16;
	s22 =	smul.u32 $0x500, s10  }
0x11: {  	s12 =	rddreg [dreg:$0x1];
	s1 =	sadd.s32 s23, s1;
	s13 =	smul.u32 $0x500, s11  }
0x12: {  	[dreg:$0x4] =	wrdreg s4;
	s17 =	sadd.s32 s5, s26;
	s26 =	smul.u32 $0xA000, s11  }
0x13: {  	[dreg:$0x9] =	wrdreg s9;
	s2 =	sand.u32 $0x380, s24;
	s11 =	smul.u32 $0xA000, s18  }
0x14: {  	[dreg:$0x3] =	wrdreg s20;
	s20 =	sor.u32 $0x50, s16;
	s18 =	smul.u32 $0xA000, s21  }
0x15: {  	s25 =	smul.u32 $0x500, s20;
	s4 =	sadd.s32 s5, s22;
	s22 =	sor.u32 $0x70, s16  }
0x16: {  	s9 =	smax.u32 s7, $0x1;
	s2 =	sadd.s32 s2, s3;
	s15 =	smul.u32 $0x500, s22  }
0x17: {  	[dreg:$0x6] =	wrdreg s4;
	s4 =	sadd.s32 s5, s25;
	s25 =	smul.u32 $0xA000, s10  }
0x18: {  	[dreg:$0xb] =	wrdreg s17;
	s13 =	sadd.s32 s5, s13;
	s10 =	smul.u32 $0xA000, s14  }
0x19: {  	[dreg:$0x7] =	wrdreg s13;
	s13 =	simm.s32 $0x0;
	s14 =	smul.u32 $0xA000, s20  }
0x1a: {  	p1 =	sgt.u32 s22, $0x7C;
	s23 =	smul.u32 $0xA000, s22;
	[dreg:$0xa] =	wrdreg s4  }
0x1b: {  	[smem:$0x7FF] =	sst s13;
	s4 =	sshrl.u32 s8, $0x2;
	s19 =	sadd.s32 s5, s15  }
0x1c: {  	s15 =	sadd.s32 s6, s2;
	s6 =	sshll.u32 s16, $0xE;
	s3 =	sshrl.u32 s25, $0x2  }
0x1d: {  	s4 =	sadd.s32 s4, s12;
	s2 =	sshrl.u32 s10, $0x2;
	s5 =	sshrl.u32 s11, $0x2  }
0x1e: {  	s24 =	sshrl.u32 s14, $0x2;
	s25 =	sshrl.u32 s18, $0x2;
	s10 =	simm.s32 $0x100  }
0x1f: {  	[dreg:$0xc] =	wrdreg s19;
	s17 =	sadd.s32 s6, s12;
	s19 =	sadd.s32 s3, s12  }
0x20: {  	s21 =	sadd.s32 s2, s12;
	s22 =	sadd.s32 s5, s12;
	s2 =	simm.s32 $0x2  }
0x21: {  	s3 =	simm.s32 $0x80;
	_ =	strace $0x8000004D;
	[dreg:$0xd] =	wrdreg s0  }
0x22: {  	s5 =	simm.s32 $0x5;
	s6 =	simm.s32 $0x0;
	[dreg:$0xe] =	wrdreg s9  }
0x23: {  	[dreg:$0xf] =	wrdreg s4;
	s0 =	sshrl.u32 s26, $0x2;
	s26 =	sshrl.u32 s23, $0x2  }
0x24: {  	s23 =	sadd.s32 s24, s12;
	s24 =	sadd.s32 s25, s12;
	s28 =	sadd.s32 $0x40000, s17  }
0x25: {  	s29 =	sadd.s32 $0x80000, s17;
	s30 =	sadd.s32 $0xC0000, s17;
	s31 =	sadd.s32 $0x100000, s17  }
0x26: {  	s4 =	simm.s32 $0x3;
	s20 =	sadd.s32 s0, s12;
	s25 =	sadd.s32 s26, s12  }
0x27: {  	s26 =	sadd.s32 $0x10000, s1;
	s0 =	simm.s32 $0x4;
	s1 =	simm.s32 $0x1  }
.LBB2_1:
0x28: {  	s7 =	rddreg [dreg:$0xd]  }
0x29: {  	[tilespmem:s10], [sflag:$0x4] =	stream.linear.gather [hbm4b:s7+s13], $0x4000, $0x38;
	[tilespmem:$0x1BD00] =	vst v63  }
0x2a: {  	_ =	swait.ge [sflag:s0], $0x4000  }
0x2b: {  	[sflag:s0] =	ssyncset.done $0x0  }
0x2c: {  	[sflag:s0] =	ssyncadd.s32 $0xFFFFC000  }
0x2d: {  	[spmem:s17] =	stream.linear.scatter [tilespmem:s10], [sflag:$0x4], $0x4000, $0x38;
	[tilespmem:$0x1BD00] =	vst v63  }
0x2e: {  	_ =	swait.ge [sflag:s0], $0x4000  }
0x2f: {  	[sflag:s0] =	ssyncset.done $0x0  }
0x30: {  	[sflag:s0] =	ssyncadd.s32 $0xFFFFC000  }
0x31: {  	[spmem:s28] =	stream.linear.scatter [tilespmem:s10], [sflag:$0x4], $0x4000, $0x38;
	[tilespmem:$0x1BD00] =	vst v63  }
0x32: {  	_ =	swait.ge [sflag:s0], $0x4000  }
0x33: {  	[sflag:s0] =	ssyncset.done $0x0  }
0x34: {  	[sflag:s0] =	ssyncadd.s32 $0xFFFFC000  }
0x35: {  	[spmem:s29] =	stream.linear.scatter [tilespmem:s10], [sflag:$0x4], $0x4000, $0x38;
	[tilespmem:$0x1BD00] =	vst v63  }
0x36: {  	_ =	swait.ge [sflag:s0], $0x4000  }
0x37: {  	[sflag:s0] =	ssyncset.done $0x0  }
0x38: {  	[sflag:s0] =	ssyncadd.s32 $0xFFFFC000  }
0x39: {  	[spmem:s30] =	stream.linear.scatter [tilespmem:s10], [sflag:$0x4], $0x4000, $0x38;
	[tilespmem:$0x1BD00] =	vst v63  }
0x3a: {  	_ =	swait.ge [sflag:s0], $0x4000  }
0x3b: {  	[sflag:s0] =	ssyncset.done $0x0  }
0x3c: {  	s7 =	simm.s32 @!p2 $0x100;
	[sflag:s0] =	ssyncadd.s32 $0xFFFFC000  }
0x3d: {  	[spmem:s31] =	stream.linear.scatter @!p2 [tilespmem:s7], [sflag:$0x4], $0x4000, $0x38;
	[tilespmem:$0x1BD00] =	vst v63  }
0x3e: {  	s7 =	simm.s32 @!p2 $0x4  }
0x3f: {  	_ =	swait.ge @!p2 [sflag:s7], $0x4000  }
0x40: {  	[sflag:s7] =	ssyncset.done @!p2 $0x0  }
0x41: {  	[sflag:s7] =	ssyncadd.s32 @!p2 $0xFFFFC000  }
0x42: {  	[bflag:$0x0] =	sbarrier.arrive $0xFFFF  }
0x43: {  	s9 =	rddreg [dreg:$0x3]  }
0x44: {  	[tilespmem:s13], [sflag:$0x1] =	stream.linear.gather [hbm4b:s9+s13], $0x80, $0x38;
	[tilespmem:$0x1BD00] =	vst v63  }
0x45: {  	s14 =	sand.u32 $0x1, s1;
	s11 =	rddreg [dreg:$0x4]  }
0x46: {  	[tilespmem:s10], [sflag:$0x2] =	stream.linear.gather [hbm4b:s11+s13], $0x4000, $0x38;
	[tilespmem:$0x1BD00] =	vst v63  }
0x47: {  	s8 =	sshll.u32 s14, $0x7;
	s7 =	sshll.u32 s14, $0xE  }
0x48: {  	[tilespmem:s8], [sflag:$0x1] =	stream.linear.gather [hbm4b:s15+s13], $0x80, $0x38;
	[tilespmem:$0x1BD00] =	vst v63  }
0x49: {  	s7 =	sor.u32 $0x100, s7  }
0x4a: {  	[tilespmem:s7], [sflag:$0x2] =	stream.linear.gather [hbm4b:s26+s13], $0x4000, $0x38;
	[tilespmem:$0x1BD00] =	vst v63  }
0x4b: {  	_ =	swait.ge [sflag:s1], $0x80  }
0x4c: {  	s16 =	simm.s32 $0x0;
	[sflag:s1] =	ssyncset.done $0x0  }
0x4d: {  	s18 =	sand.u32 $0x1, s16;
	[sflag:s1] =	ssyncadd.s32 $0xFFFFFF80  }
0x4e: {  	s9 =	sshll.u32 s18, $0xE;
	_ =	swait.ge [sflag:s2], $0x4000  }
0x4f: {  	s9 =	sor.u32 $0x100, s9;
	[sflag:s2] =	ssyncset.done $0x0  }
0x50: {  	s8 =	sshll.u32 s18, $0x7;
	s7 =	simm.s32 $0x2;
	[sflag:s2] =	ssyncadd.s32 $0xFFFFC000  }
0x51: {  	[spmem:s12] =	stream.indirect.scatter.add.f32 [tilespmem:s9], [sflag:$0x3], $0x80, s8, s3, $0xb8;
	[tilespmem:$0x1BD00] =	vst v63  }
0x52: {  	s11 =	simm.s32 $0x3;
	s14 =	sand.u32 $0x1, s7;
	_ =	swait.ge [sflag:s4], $0x4000  }
0x53: {  	s8 =	sadd.s32 $0x200, s15;
	s9 =	sadd.s32 $0x10000, s26;
	[sflag:s4] =	ssyncset.done $0x0  }
.LBB2_2:
0x54: {  	s16 =	sshll.u32 s14, $0x7  }
0x55: {  	s14 =	sshll.u32 s14, $0xE;
	[sflag:s4] =	ssyncadd.s32 $0xFFFFC000;
	s18 =	smov.u32 s11  }
0x56: {  	[tilespmem:s16], [sflag:$0x1] =	stream.linear.gather [hbm4b:s8+s13], $0x80, $0x38;
	[tilespmem:$0x1BD00] =	vst v63  }
0x57: {  	p3 =	sne.s32 s11, $0x4F;
	s11 =	sadd.s32 $0x1, s11;
	s14 =	sor.u32 $0x100, s14  }
0x58: {  	[tilespmem:s14], [sflag:$0x2] =	stream.linear.gather [hbm4b:s9+s13], $0x4000, $0x38;
	[tilespmem:$0x1BD00] =	vst v63  }
0x59: {  	_ =	swait.ge [sflag:s1], $0x80  }
0x5a: {  	[sflag:s1] =	ssyncset.done $0x0  }
0x5b: {  	s14 =	sadd.s32 $0xFFFFFFFF, s7;
	s7 =	smov.u32 s18;
	[sflag:s1] =	ssyncadd.s32 $0xFFFFFF80  }
0x5c: {  	s14 =	sand.u32 $0x1, s14;
	_ =	swait.ge [sflag:s2], $0x4000  }
.Ltmp0:
0x5d: {  	s16 =	sshll.u32 s14, $0xE;
	[sflag:s2] =	ssyncset.done $0x0;
	(pc) =	sbr.rel @p3 .LBB2_2-.Ltmp0, $4  }
0x5e: {  	s14 =	sshll.u32 s14, $0x7;
	s16 =	sor.u32 $0x100, s16;
	[sflag:s2] =	ssyncadd.s32 $0xFFFFC000  }
0x5f: {  	[spmem:s12] =	stream.indirect.scatter.add.f32 [tilespmem:s16], [sflag:$0x3], $0x80, s14, s3, $0xb8;
	[tilespmem:$0x1BD00] =	vst v63  }
0x60: {  	s8 =	sadd.s32 $0x200, s8;
	_ =	swait.ge [sflag:s4], $0x4000  }
0x61: {  	s9 =	sadd.s32 $0x10000, s9;
	s14 =	sand.u32 $0x1, s7;
	[sflag:s4] =	ssyncset.done $0x0  }
0x62: {  	s11 =	sshll.u32 s14, $0x7;
	[sflag:s4] =	ssyncadd.s32 $0xFFFFC000;
	s16 =	sshll.u32 s14, $0xE  }
0x63: {  	[tilespmem:s11], [sflag:$0x1] =	stream.linear.gather [hbm4b:s8+s13], $0x80, $0x38;
	[tilespmem:$0x1BD00] =	vst v63  }
0x64: {  	s8 =	sor.u32 $0x100, s16  }
0x65: {  	[tilespmem:s8], [sflag:$0x2] =	stream.linear.gather [hbm4b:s9+s13], $0x4000, $0x38;
	[tilespmem:$0x1BD00] =	vst v63  }
0x66: {  	_ =	swait.ge [sflag:s1], $0x80  }
0x67: {  	[sflag:s1] =	ssyncset.done $0x0  }
0x68: {  	s7 =	sadd.s32 $0xFFFFFFFF, s7;
	[sflag:s1] =	ssyncadd.s32 $0xFFFFFF80  }
0x69: {  	s7 =	sand.u32 $0x1, s7;
	_ =	swait.ge [sflag:s2], $0x4000  }
0x6a: {  	s18 =	sshll.u32 s7, $0xE;
	[sflag:s2] =	ssyncset.done $0x0  }
0x6b: {  	s7 =	sshll.u32 s7, $0x7;
	s8 =	sor.u32 $0x100, s18;
	[sflag:s2] =	ssyncadd.s32 $0xFFFFC000  }
0x6c: {  	[spmem:s12] =	stream.indirect.scatter.add.f32 [tilespmem:s8], [sflag:$0x3], $0x80, s7, s3, $0xb8;
	[tilespmem:$0x1BD00] =	vst v63  }
0x6d: {  	_ =	swait.ge [sflag:s4], $0x4000  }
0x6e: {  	[sflag:s4] =	ssyncset.done $0x0  }
0x6f: {  	[sflag:s4] =	ssyncadd.s32 $0xFFFFC000  }
0x70: {  	_ =	swait.ge [sflag:s1], $0x80  }
0x71: {  	[sflag:s1] =	ssyncset.done $0x0  }
0x72: {  	[sflag:s1] =	ssyncadd.s32 $0xFFFFFF80  }
0x73: {  	_ =	swait.ge [sflag:s2], $0x4000  }
0x74: {  	[sflag:s2] =	ssyncset.done $0x0  }
0x75: {  	s9 =	simm.s32 $0x4100;
	[sflag:s2] =	ssyncadd.s32 $0xFFFFC000  }
0x76: {  	[spmem:s12] =	stream.indirect.scatter.add.f32 [tilespmem:s9], [sflag:$0x3], $0x80, s3, s3, $0xb8;
	[tilespmem:$0x1BD00] =	vst v63  }
0x77: {  	_ =	swait.ge [sflag:s4], $0x4000  }
0x78: {  	[sflag:s4] =	ssyncset.done $0x0  }
0x79: {  	[sflag:s4] =	ssyncadd.s32 $0xFFFFC000  }
0x7a: {  	[bflag:$0x0] =	sbarrier.arrive $0xFFFF  }
0x7b: {  	s11 =	rddreg [dreg:$0xf]  }
0x7c: {  	[tilespmem:s10], [sflag:$0x5] =	stream.linear.gather [spmem:s11], $0x2800, $0x38;
	[tilespmem:$0x1BD00] =	vst v63  }
0x7d: {  	_ =	swait.ge [sflag:s5], $0x2800  }
0x7e: {  	s7 =	simm.s32 $0x4;
	[sflag:s5] =	ssyncset.done $0x0  }
0x7f: {  	s7 =	simm.s32 @!p0 $0x5;
	s14 =	rddreg [dreg:$0x5];
	[sflag:s5] =	ssyncadd.s32 $0xFFFFD800  }
0x80: {  	[hbm4b:s14+s13] =	stream.linear.scatter [tilespmem:s10], [sflag:s7], $0x2800, $0x38;
	[tilespmem:$0x1BD00] =	vst v63  }
0x81: {  	_ =	swait.ge [sflag:s7], $0x2800  }
0x82: {  	[sflag:s7] =	ssyncset.done $0x0  }
0x83: {  	[sflag:s7] =	ssyncadd.s32 $0xFFFFD800  }
0x84: {  	[tilespmem:s10], [sflag:$0x5] =	stream.linear.gather [spmem:s19], $0x2800, $0x38;
	[tilespmem:$0x1BD00] =	vst v63  }
0x85: {  	_ =	swait.ge [sflag:s5], $0x2800  }
0x86: {  	[sflag:s5] =	ssyncset.done $0x0  }
0x87: {  	s16 =	rddreg [dreg:$0x6];
	[sflag:s5] =	ssyncadd.s32 $0xFFFFD800  }
0x88: {  	[hbm4b:s16+s13] =	stream.linear.scatter [tilespmem:s10], [sflag:s7], $0x2800, $0x38;
	[tilespmem:$0x1BD00] =	vst v63  }
0x89: {  	_ =	swait.ge [sflag:s7], $0x2800  }
0x8a: {  	[sflag:s7] =	ssyncset.done $0x0  }
0x8b: {  	[sflag:s7] =	ssyncadd.s32 $0xFFFFD800  }
0x8c: {  	[tilespmem:s10], [sflag:$0x5] =	stream.linear.gather [spmem:s20], $0x2800, $0x38;
	[tilespmem:$0x1BD00] =	vst v63  }
0x8d: {  	_ =	swait.ge [sflag:s5], $0x2800  }
0x8e: {  	[sflag:s5] =	ssyncset.done $0x0  }
0x8f: {  	s18 =	rddreg [dreg:$0x7];
	[sflag:s5] =	ssyncadd.s32 $0xFFFFD800  }
0x90: {  	[hbm4b:s18+s13] =	stream.linear.scatter [tilespmem:s10], [sflag:s7], $0x2800, $0x38;
	[tilespmem:$0x1BD00] =	vst v63  }
0x91: {  	_ =	swait.ge [sflag:s7], $0x2800  }
0x92: {  	[sflag:s7] =	ssyncset.done $0x0  }
0x93: {  	[sflag:s7] =	ssyncadd.s32 $0xFFFFD800  }
0x94: {  	[tilespmem:s10], [sflag:$0x5] =	stream.linear.gather [spmem:s21], $0x2800, $0x38;
	[tilespmem:$0x1BD00] =	vst v63  }
0x95: {  	_ =	swait.ge [sflag:s5], $0x2800  }
0x96: {  	[sflag:s5] =	ssyncset.done $0x0  }
0x97: {  	s9 =	rddreg [dreg:$0x8];
	[sflag:s5] =	ssyncadd.s32 $0xFFFFD800  }
0x98: {  	[hbm4b:s9+s13] =	stream.linear.scatter [tilespmem:s10], [sflag:s7], $0x2800, $0x38;
	[tilespmem:$0x1BD00] =	vst v63  }
0x99: {  	_ =	swait.ge [sflag:s7], $0x2800  }
0x9a: {  	[sflag:s7] =	ssyncset.done $0x0  }
0x9b: {  	[sflag:s7] =	ssyncadd.s32 $0xFFFFD800  }
0x9c: {  	[tilespmem:s10], [sflag:$0x5] =	stream.linear.gather [spmem:s22], $0x2800, $0x38;
	[tilespmem:$0x1BD00] =	vst v63  }
0x9d: {  	_ =	swait.ge [sflag:s5], $0x2800  }
0x9e: {  	[sflag:s5] =	ssyncset.done $0x0  }
0x9f: {  	s11 =	rddreg [dreg:$0x9];
	[sflag:s5] =	ssyncadd.s32 $0xFFFFD800  }
0xa0: {  	[hbm4b:s11+s13] =	stream.linear.scatter [tilespmem:s10], [sflag:s7], $0x2800, $0x38;
	[tilespmem:$0x1BD00] =	vst v63  }
0xa1: {  	_ =	swait.ge [sflag:s7], $0x2800  }
0xa2: {  	[sflag:s7] =	ssyncset.done $0x0  }
0xa3: {  	[sflag:s7] =	ssyncadd.s32 $0xFFFFD800  }
0xa4: {  	[tilespmem:s10], [sflag:$0x5] =	stream.linear.gather [spmem:s23], $0x2800, $0x38;
	[tilespmem:$0x1BD00] =	vst v63  }
0xa5: {  	_ =	swait.ge [sflag:s5], $0x2800  }
0xa6: {  	[sflag:s5] =	ssyncset.done $0x0  }
0xa7: {  	s14 =	rddreg [dreg:$0xa];
	[sflag:s5] =	ssyncadd.s32 $0xFFFFD800  }
0xa8: {  	[hbm4b:s14+s13] =	stream.linear.scatter [tilespmem:s10], [sflag:s7], $0x2800, $0x38;
	[tilespmem:$0x1BD00] =	vst v63  }
0xa9: {  	_ =	swait.ge [sflag:s7], $0x2800  }
0xaa: {  	[sflag:s7] =	ssyncset.done $0x0  }
0xab: {  	[sflag:s7] =	ssyncadd.s32 $0xFFFFD800  }
0xac: {  	[tilespmem:s10], [sflag:$0x5] =	stream.linear.gather [spmem:s24], $0x2800, $0x38;
	[tilespmem:$0x1BD00] =	vst v63  }
0xad: {  	_ =	swait.ge [sflag:s5], $0x2800  }
0xae: {  	[sflag:s5] =	ssyncset.done $0x0  }
0xaf: {  	s16 =	rddreg [dreg:$0xb];
	[sflag:s5] =	ssyncadd.s32 $0xFFFFD800  }
0xb0: {  	[hbm4b:s16+s13] =	stream.linear.scatter [tilespmem:s10], [sflag:s7], $0x2800, $0x38;
	[tilespmem:$0x1BD00] =	vst v63  }
0xb1: {  	_ =	swait.ge [sflag:s7], $0x2800  }
0xb2: {  	[sflag:s7] =	ssyncset.done $0x0  }
0xb3: {  	s8 =	simm.s32 @!p1 $0x100;
	s9 =	simm.s32 @!p1 $0x5;
	[sflag:s7] =	ssyncadd.s32 $0xFFFFD800  }
0xb4: {  	[tilespmem:s8], [sflag:$0x5] =	stream.linear.gather @!p1 [spmem:s25], $0x2800, $0x38;
	[tilespmem:$0x1BD00] =	vst v63  }
0xb5: {  	_ =	swait.ge @!p1 [sflag:s9], $0x2800  }
0xb6: {  	[sflag:s9] =	ssyncset.done @!p1 $0x0  }
0xb7: {  	s11 =	rddreg [dreg:$0xc];
	[sflag:s9] =	ssyncadd.s32 @!p1 $0xFFFFD800;
	s9 =	simm.s32 @!p1 $0x0  }
0xb8: {  	[hbm4b:s11+s9] =	stream.linear.scatter @!p1 [tilespmem:s8], [sflag:s7], $0x2800, $0x38;
	[tilespmem:$0x1BD00] =	vst v63  }
0xb9: {  	_ =	swait.ge @!p1 [sflag:s7], $0x2800  }
0xba: {  	s6 =	sadd.s32 $0x1, s6;
	s18 =	rddreg [dreg:$0xe]  }
0xbb: {  	p3 =	sne.s32 s6, s18  }
.Ltmp1:
0xbc: {  	_ = 	snop;
	(pc) =	sbr.rel @p3 .LBB2_1-.Ltmp1, $3  }
0xbd: {  	_ =	sdelay $0x1  }
0xbe: {  	[sflag:s7] =	ssyncset.done @!p1 $0x0  }
0xbf: {  	[sflag:s7] =	ssyncadd.s32 @!p1 $0xFFFFD800  }
0xc0: {  	_ =	sfence.sel $0x180000  }
0xc1: {  	[bflag:$0x0] =	sbarrier.arrive $0xFFFF  }
0xc2: {  	_ =	strace $0x9000004D  }
0xc3: {  	s0 =	stileid.u32;
	[bflag:$0x2] =	sbarrier.arrive $0xFFFF  }
0xc4: {  	p0 =	sne.s32 s0, $0x0;
	s0 =	rddreg [dreg:$0x2]  }
0xc5: {  	s0 =	sadd.s32 @!p0 $0x100000, s0  }
0xc6: {  	[sflag:s0] =	ssyncadd.tile.s32 @!p0 $0x1;
	_ =	shalt  }
.Lfunc_end2:
_tile_overlayer_lowered:
.L_overlay_start_2:
0xc7: {  	(tag) =	ssettag $0x2  }
0xc8: {  	s0 =	rddreg [dreg:$0x0];
	s2 =	stileid.u32  }
0xc9: {  	s1 =	rddreg [dreg:$0x1];
	p0 =	sne.s32 s2, $0x0  }
0xca: {  	s3 =	rddreg [dreg:$0x2];
	[bflag:$0x3] =	sbarrier.arrive $0xFFFF;
	s2 =	simm.s32 @!p0 $0x1C04  }
0xcb: {  	[timem:s3], [sflag:s2] =	dma.local @!p0 [hbm:s0], s1  }
0xcc: {  	s0 =	simm.s32 @!p0 $0x4  }
0xcd: {  	_ =	swait.ge @!p0 [sflag:s0], s1  }
0xce: {  	s1 =	ssub.s32 @!p0 $0x0, s1;
	[sflag:s0] =	ssyncset.done @!p0 $0x0  }
0xcf: {  	[sflag:s0] =	ssyncadd.s32 @!p0 s1  }
0xd0: {  	[bflag:$0x3] =	sbarrier.arrive $0xFFFF  }
0xd1: {  	_ =	shalt  }

// kernel: kernel.22.cloned.1.call-start
scs
__scs_entry_jumppad:
0x0: {  	(pc) =	sbr.rel $0x88, $3  }
0x1: {  	(tag) =	ssettag $0x0;
	lr =	simm.s32 $0x1  }
0x2: {  	[smem:$0x3F94] =	sst lr;
	_ =	strace $0xD0000000  }
0x3: {  	_ = 	snop  }
0x4: {  	_ = 	snop  }
0x5: {  	_ = 	snop  }
0x6: {  	_ = 	snop  }
0x7: {  	_ = 	snop  }
__scs_overlays_trampoline_lowered:
0x8: {  	[smem:$0x3FA3] =	sst s0  }
0x9: {  	[smem:$0x3FA4] =	sst s1  }
0xa: {  	[smem:$0x3FA5] =	sst s2  }
0xb: {  	[smem:$0x3FA6] =	sst s3  }
0xc: {  	[smem:$0x3FA7] =	sst s4  }
0xd: {  	[smem:$0x3FA8] =	sst s5  }
0xe: {  	[smem:$0x3FA9] =	sst s6  }
0xf: {  	[smem:$0x3FAA] =	sst s7  }
0x10: {  	[smem:$0x3FAB] =	sst s8  }
0x11: {  	[smem:$0x3FAC] =	sst s9;
	s0 =	simm.s32 @!p0 $0x0  }
0x12: {  	s1 =	sld [smem:$0x3F92];
	s0 =	simm.s32 @p0 $0x1  }
0x13: {  	[smem:$0x3FAD] =	sst s0;
	s0 =	simm.s32 @!p1 $0x0  }
0x14: {  	s2 =	sld [smem:$0x3F91];
	s0 =	simm.s32 @p1 $0x1  }
0x15: {  	[smem:$0x3FAE] =	sst s0;
	s0 =	simm.s32 @!p2 $0x0  }
0x16: {  	s3 =	sld [smem:$0x3FDB];
	s0 =	simm.s32 @p2 $0x1  }
0x17: {  	s4 =	simm.s32 $0x1BF5;
	[smem:$0x3FB0] =	sst s0  }
0x18: {  	s0 =	sld [smem:$0x3F93];
	_ =	swait.ge [sflag:s4], $0x0  }
0x19: {  	s7 =	sld [smem:$0x3F94]  }
0x1a: {  	s8 =	sadd.s32 $0xFFFFE003, lr  }
0x1b: {  	s9 =	sadd.s32 $0xFFFFFEF7, lr;
	s5 =	simm.s32 $0xFFFFFFFF;
	p2 =	slt.u32 s8, $0xFFFFF086  }
0x1c: {  	p1 =	slt.u32 s9, $0xF7A;
	s5 =	simm.s32 @!p2 $0x0  }
0x1d: {  	s5 =	simm.s32 @p1 $0x1;
	p0 =	seq.s32 s7, s2  }
0x1e: {  	s7 =	smul.u32 @!p0 $0xF7A, s2;
	p2 =	seq.s32 @!p0 s5, $0x0  }
0x1f: {  	s9 =	smul.u32 $0xF7A, s1;
	s8 =	simm.s32 @!p0 $0x1BF5;
	p2 =	por !p2, p0  }
0x20: {  	[sflag:s8] =	ssyncset.s32 @!p0 $0xFFFFF086;
	s6 =	sadd.s32 @!p0 s3, s7;
	s7 =	simm.s32 @!p0 $0x108  }
0x21: {  	s3 =	sadd.s32 s3, s9;
	s6 =	sadd.s32 @!p0 $0x88, s6;
	s7 =	simm.s32 @p2 $0x1082  }
0x22: {  	[simem:s7], [sflag:s8] =	dma.local @!p0 [hbm:s6], $0xF7A  }
0x23: {  	s9 =	sor.u32 $0xD0000000, s2;
	s6 =	simm.s32 $0x108;
	_ =	swait.ge @!p0 [sflag:s8], $0x0  }
0x24: {  	s3 =	sadd.s32 $0x88, s3;
	s6 =	simm.s32 @!p1 $0x1082;
	[sflag:s4] =	ssyncset.s32 $0xFFFFF086  }
0x25: {  	[simem:s6], [sflag:s4] =	dma.local [hbm:s3], $0xF7A  }
0x26: {  	[smem:$0x3F94] =	sst s1;
	(tag) =	ssettag s2;
	_ =	strace s9  }
0x27: {  	s1 =	sld [smem:$0x3FA4]  }
0x28: {  	s2 =	sld [smem:$0x3FA5]  }
0x29: {  	s4 =	sld [smem:$0x3FA7]  }
0x2a: {  	p0 =	seq.s32 s5, $0x0;
	s5 =	sld [smem:$0x3FA8]  }
0x2b: {  	s6 =	sld [smem:$0x3FA9]  }
0x2c: {  	s7 =	sld [smem:$0x3FAA]  }
0x2d: {  	s3 =	simm.s32 $0x108;
	s8 =	sld [smem:$0x3FAB]  }
0x2e: {  	s3 =	simm.s32 @!p0 $0x1082;
	s9 =	sld [smem:$0x3FAC]  }
0x2f: {  	lr =	sadd.s32 s0, s3;
	s0 =	sld [smem:$0x3FA3]  }
0x30: {  	s3 =	sld [smem:$0x3FA6]  }
0x31: {  	[smem:$0x3FAF] =	sst s10  }
0x32: {  	s10 =	sld [smem:$0x3FAD];
	_ =	sdelay $0x3  }
0x33: {  	p0 =	seq.s32 s10, $0x1;
	s10 =	sld [smem:$0x3FAF];
	_ =	sdelay $0x3  }
0x34: {  	[smem:$0x3FAF] =	sst s10  }
0x35: {  	s10 =	sld [smem:$0x3FAE];
	_ =	sdelay $0x3  }
0x36: {  	p1 =	seq.s32 s10, $0x1;
	s10 =	sld [smem:$0x3FAF];
	_ =	sdelay $0x3  }
0x37: {  	[smem:$0x3FAF] =	sst s10  }
0x38: {  	s10 =	sld [smem:$0x3FB0]  }
0x39: {  	_ = 	snop;
	(pc) =	sbr.ind lr, $3  }
0x3a: {  	_ = 	snop  }
0x3b: {  	_ = 	snop  }
0x3c: {  	p2 =	seq.s32 s10, $0x1;
	s10 =	sld [smem:$0x3FAF]  }
0x3d: {  	_ =	shalt  }
0x3e: {  	_ =	shalt  }
0x3f: {  	_ =	shalt  }
0x40: {  	_ =	shalt  }
0x41: {  	_ =	shalt  }
0x42: {  	_ =	shalt  }
0x43: {  	_ =	shalt  }
0x44: {  	_ =	shalt  }
0x45: {  	_ =	shalt  }
0x46: {  	_ =	shalt  }
0x47: {  	_ =	shalt  }
0x48: {  	_ =	shalt  }
0x49: {  	_ =	shalt  }
0x4a: {  	_ =	shalt  }
0x4b: {  	_ =	shalt  }
0x4c: {  	_ =	shalt  }
0x4d: {  	_ =	shalt  }
0x4e: {  	_ =	shalt  }
0x4f: {  	_ =	shalt  }
0x50: {  	_ =	shalt  }
0x51: {  	_ =	shalt  }
0x52: {  	_ =	shalt  }
0x53: {  	_ =	shalt  }
0x54: {  	_ =	shalt  }
0x55: {  	_ =	shalt  }
0x56: {  	_ =	shalt  }
0x57: {  	_ =	shalt  }
0x58: {  	_ =	shalt  }
0x59: {  	_ =	shalt  }
0x5a: {  	_ =	shalt  }
0x5b: {  	_ =	shalt  }
0x5c: {  	_ =	shalt  }
0x5d: {  	_ =	shalt  }
0x5e: {  	_ =	shalt  }
0x5f: {  	_ =	shalt  }
0x60: {  	_ =	shalt  }
0x61: {  	_ =	shalt  }
0x62: {  	_ =	shalt  }
0x63: {  	_ =	shalt  }
0x64: {  	_ =	shalt  }
0x65: {  	_ =	shalt  }
0x66: {  	_ =	shalt  }
0x67: {  	_ =	shalt  }
0x68: {  	_ =	shalt  }
0x69: {  	_ =	shalt  }
0x6a: {  	_ =	shalt  }
0x6b: {  	_ =	shalt  }
0x6c: {  	_ =	shalt  }
0x6d: {  	_ =	shalt  }
0x6e: {  	_ =	shalt  }
0x6f: {  	_ =	shalt  }
0x70: {  	_ =	shalt  }
0x71: {  	_ =	shalt  }
0x72: {  	_ =	shalt  }
0x73: {  	_ =	shalt  }
0x74: {  	_ =	shalt  }
0x75: {  	_ =	shalt  }
0x76: {  	_ =	shalt  }
0x77: {  	_ =	shalt  }
0x78: {  	_ =	shalt  }
0x79: {  	_ =	shalt  }
0x7a: {  	_ =	shalt  }
0x7b: {  	_ =	shalt  }
0x7c: {  	_ =	shalt  }
0x7d: {  	_ =	shalt  }
0x7e: {  	_ =	shalt  }
0x7f: {  	_ =	shalt  }
0x80: {  	_ =	shalt  }
0x81: {  	_ =	shalt  }
0x82: {  	_ =	shalt  }
0x83: {  	_ =	shalt  }
0x84: {  	_ =	shalt  }
0x85: {  	_ =	shalt  }
0x86: {  	_ =	shalt  }
0x87: {  	_ =	shalt  }
.Lfunc_end0:
.L_simem_size_0:
called_computation.3_lowered:
.L_overlay_start_0:
0x88: {  	s2 =	sld [smem:$0x3FD9]  }
0x89: {  	s3 =	sld [smem:$0x3FFE];
	_ =	sdelay $0x1  }
0x8a: {  	s1 =	srdreg.scid  }
0x8b: {  	s0 =	sand.u32 $0x1, s1  }
0x8c: {  	s16 =	sshll.u32 s0, $0xA;
	s2 =	sadd.s32 s3, s2  }
0x8d: {  	s2 =	sadd.s32 s2, s16  }
0x8e: {  	[smem:$0x3FBB] =	sst s2  }
0x8f: {  	_ = 	snop  }
0x90: {  	(tm) =	ssettm $0x1  }
0x91: {  	s17 =	sld [smem:$0x3FFB];
	_ =	sdelay $0x3  }
0x92: {  	_ =	strace s17  }
0x93: {  	s2 =	sld [smem:$0x3FFC];
	_ =	sdelay $0x3  }
0x94: {  	_ =	strace s2  }
0x95: {  	s2 =	sld [smem:$0x3FFD];
	_ =	sdelay $0x3  }
0x96: {  	_ =	strace s2  }
0x97: {  	_ =	strace $0x8FFFFFFF  }
0x98: {  	s18 =	sld [smem:$0x3FDB];
	_ =	sdelay $0x1  }
0x99: {  	s19 =	simm.s32 $_scs_section_size  }
0x9a: {  	s4 =	simm.s32 $_size__tile_overlayer_lowered;
	s5 =	simm.s32 $_tile_overlayer_lowered  }
0x9b: {  	s22 =	simm.s32 $0x1BFF;
	s21 =	sshll.u32 s5, $0x1;
	s2 =	sadd.s32 s19, s18  }
0x9c: {  	s6 =	simm.s32 $0x0;
	s20 =	sshll.u32 s4, $0x1;
	s4 =	sadd.s32 s21, s2  }
0x9d: {  	[timem:s6], [sflag:s22] =	dma.local [hbm:s4], s20  }
0x9e: {  	_ =	swait.ge [sflag:s22], s20  }
0x9f: {  	s3 =	ssub.s32 $0x0, s20;
	[sflag:s22] =	ssyncset.done $0x0  }
0xa0: {  	[sflag:s22] =	ssyncadd.s32 s3;
	_ =	sdelay $0x1  }
0xa1: {  	s23 =	simm.s32 $0x1B8B  }
0xa2: {  	_ =	swait.ge [sflag:s23], $0x1  }
0xa3: {  	[sflag:s23] =	ssyncset.done $0x0  }
0xa4: {  	s25 =	simm.s32 $0x1B8E;
	s24 =	sld [smem:$0x3FFE];
	[sflag:s23] =	ssyncadd.s32 $0xFFFFFFFF  }
0xa5: {  	s26 =	simm.s32 $execute0_lowered;
	[smem:$0x3FD2] =	sst s25  }
0xa6: {  	s4 =	sshll.u32 s26, $0x1;
	_ =	strace $0x8000004F;
	[dreg:$0x1] =	wrdreg $0xFFFFFFFF  }
0xa7: {  	s28 =	simm.s32 $_size_execute0_lowered;
	s2 =	sadd.s32 s2, s4;
	[dreg:$0x0] =	wrdreg $0x0  }
0xa8: {  	s4 =	sshll.u32 s28, $0x1;
	[dreg:$0x2] =	wrdreg s2  }
0xa9: {  	[dreg:$0x3] =	wrdreg s4  }
0xaa: {  	[dreg:$0x4] =	wrdreg $0xC0  }
0xab: {  	_ =	task [dreg:s6], $0x5FFFF  }
0xac: {  	[dreg:$0x1] =	wrdreg $0xFFFFFFFF  }
0xad: {  	[dreg:$0x0] =	wrdreg $0x60  }
0xae: {  	[dreg:$0x2] =	wrdreg s24  }
0xaf: {  	[dreg:$0x3] =	wrdreg $0x81000  }
0xb0: {  	[dreg:$0x4] =	wrdreg $0x9  }
0xb1: {  	_ =	task.clear_ibuf [dreg:s6], $0x5FFFF;
	_ =	strace $0x9000004F  }
0xb2: {  	s29 =	simm.s32 $0x9;
	_ =	strace $0x80000051  }
0xb3: {  	_ =	swait.ge [sflag:s29], $0x1  }
0xb4: {  	[sflag:s29] =	ssyncadd.s32 $0xFFFFFFFF  }
0xb5: {  	_ =	strace $0x90000051  }
0xb6: {  	_ =	sfence  }
0xb7: {  	s30 =	sld [smem:$0x0];
	_ =	sdelay $0x2  }
0xb8: {  	s31 =	sshll.u32 s1, $0xD;
	s1 =	sshrl.u32 s1, $0x2  }
0xb9: {  	s3 =	sand.u32 $0x4000, s31;
	s1 =	sadd.s32 s1, s30  }
0xba: {  	s0 =	sor.u32 s3, s0;
	s1 =	sshll.u32 s1, $0x11  }
0xbb: {  	s0 =	sor.u32 s1, s0  }
0xbc: {  	s0 =	sadd.s32 $0x8F2B, s0  }
0xbd: {  	[sflag:s0] =	ssyncadd.remote.s32 $0x1  }
0xbe: {  	_ =	sfence.sel $0xFFFF  }
0xbf: {  	[dreg:$0x0] =	wrdreg $0xFFFFFFFF;
	(pc) =	sbr.abs _section_cstart, $3  }
0xc0: {  	[dreg:$0x1] =	wrdreg $0xFFFFFFFF  }
0xc1: {  	_ =	task.clear_ibuf [dreg:s6], $0x2FFFF;
	_ =	strace $0x9FFFFFFF  }
0xc2: {  	(tm) =	ssettm $0x7FFFFFFF  }
0xc3: {  	_ =	shalt  }
tec
execute0_lowered:
.L_overlay_start_1:
0x0: {  	(tag) =	ssettag $0x1  }
0x1: {  	s1 =	rddreg [dreg:$0x0]  }
0x2: {  	s0 =	rddreg [dreg:$0x1];
	s2 =	srdreg.scid  }
0x3: {  	s24 =	stileid.u32;
	s31 =	simm.s32 $0x4;
	s3 =	sadd.s32 $0x68E00, s1  }
0x4: {  	s4 =	sadd.s32 $0x5A00, s1;
	s8 =	smul.u32 $0x500, s24;
	s9 =	sor.u32 $0x10, s24  }
0x5: {  	s5 =	sand.u32 $0x1, s2;
	s10 =	sor.u32 $0x20, s24;
	s26 =	smul.u32 $0x500, s9  }
0x6: {  	s1 =	sadd.s32 $0x90000, s1;
	s16 =	sor.u32 $0x30, s24;
	s12 =	smul.u32 $0x500, s10  }
0x7: {  	s17 =	sor.u32 $0x40, s24;
	s18 =	sor.u32 $0x50, s24;
	s13 =	smul.u32 $0x500, s16  }
0x8: {  	s20 =	sor.u32 $0x60, s24;
	s21 =	sshll.u32 s24, $0x4;
	s15 =	smul.u32 $0x500, s17  }
0x9: {  	s23 =	sor.u32 $0x70, s24;
	s2 =	sshll.u32 s2, $0x8;
	s19 =	smul.u32 $0x500, s18  }
0xa: {  	s6 =	ssub.s32 $0x2, s5;
	s11 =	sshll.u32 s5, $0x4;
	s22 =	smul.u32 $0x500, s20  }
0xb: {  	s5 =	sshll.u32 s5, $0xF;
	s2 =	sor.u32 s21, s2;
	p0 =	sgt.u32 s23, $0x7C  }
0xc: {  	s7 =	sshrl.u32 s6, $0x1;
	s11 =	sor.u32 s24, s11;
	s8 =	sadd.s32 s3, s8  }
0xd: {  	s2 =	sand.u32 $0x180, s2;
	s6 =	ssub.s32 s6, s7;
	s14 =	sshll.u32 s11, $0x4  }
0xe: {  	[dreg:$0x3] =	wrdreg s8;
	s7 =	sadd.s32 s3, s26;
	s12 =	sadd.s32 s3, s12  }
0xf: {  	s25 =	sadd.s32 s3, s13;
	s26 =	sadd.s32 s3, s15;
	s13 =	sadd.s32 s3, s22  }
0x10: {  	s15 =	sand.u32 $0x70, s21;
	s22 =	sshll.u32 s24, $0xB;
	[dreg:$0x4] =	wrdreg s7  }
0x11: {  	s2 =	sadd.s32 s2, s4;
	s8 =	smul.u32 $0xA000, s9;
	[dreg:$0x5] =	wrdreg s12  }
0x12: {  	s21 =	sshll.u32 s24, $0x6;
	s14 =	sand.u32 $0x180, s14;
	[dreg:$0x6] =	wrdreg s25  }
0x13: {  	s7 =	smul.u32 $0x500, s23;
	[dreg:$0x7] =	wrdreg s26;
	s12 =	sadd.s32 s3, s19  }
0x14: {  	[dreg:$0x9] =	wrdreg s13;
	s19 =	sshll.u32 s11, $0xB;
	s25 =	sadd.s32 s4, s15  }
0x15: {  	s13 =	simm.s32 $0x0;
	[dreg:$0x8] =	wrdreg s12;
	s11 =	sadd.s32 s1, s19  }
0x16: {  	s1 =	sadd.s32 s5, s1;
	s5 =	sadd.s32 s14, s25;
	s12 =	smul.u32 $0xA000, s10  }
0x17: {  	s26 =	sor.u32 s14, s15;
	s14 =	sadd.s32 s15, s2;
	s15 =	smul.u32 $0xA000, s16  }
0x18: {  	s6 =	smax.u32 s6, $0x1;
	[smem:$0x7FF] =	sst s13;
	s19 =	smul.u32 $0xA000, s17  }
0x19: {  	s2 =	sshrl.u32 s8, $0x2;
	s16 =	sor.u32 $0x1C04, s21;
	s25 =	smul.u32 $0xA000, s23  }
0x1a: {  	s3 =	sadd.s32 s3, s7;
	s1 =	sadd.s32 s22, s1;
	s7 =	smul.u32 $0xA000, s24  }
0x1b: {  	[dreg:$0xb] =	wrdreg s5;
	s5 =	sadd.s32 s4, s26;
	s22 =	smul.u32 $0xA000, s18  }
0x1c: {  	s2 =	sadd.s32 s2, s0;
	s24 =	smul.u32 $0xA000, s20;
	s29 =	sadd.s32 $0x10000, s11  }
0x1d: {  	s18 =	smov.u32 s11;
	s30 =	sadd.s32 $0x4F0000, s11;
	s11 =	simm.s32 $0x80  }
0x1e: {  	[dreg:$0xa] =	wrdreg s3;
	s4 =	sshrl.u32 s12, $0x2;
	s10 =	sshrl.u32 s25, $0x2  }
0x1f: {  	s26 =	sadd.s32 $0x200, s5;
	s5 =	sadd.s32 $0x400, s5;
	s12 =	sadd.s32 $0x20000, s1  }
0x20: {  	s21 =	sshrl.u32 s2, $0x3;
	s1 =	simm.s32 $0x1;
	s2 =	simm.s32 $0x100  }
0x21: {  	_ =	strace $0x80000050;
	s9 =	sshrl.u32 s7, $0x2;
	[dreg:$0xc] =	wrdreg s6  }
0x22: {  	s6 =	sshrl.u32 s15, $0x2;
	s7 =	sshrl.u32 s19, $0x2;
	s4 =	sadd.s32 s4, s0  }
0x23: {  	s8 =	sshrl.u32 s22, $0x2;
	s10 =	sadd.s32 s10, s0;
	[dreg:$0xd] =	wrdreg s26  }
0x24: {  	[dreg:$0xe] =	wrdreg s5;
	s5 =	simm.s32 $0x2;
	s3 =	sadd.s32 s9, s0  }
0x25: {  	s6 =	sadd.s32 s6, s0;
	s7 =	sadd.s32 s7, s0;
	s9 =	sshrl.u32 s24, $0x2  }
0x26: {  	s8 =	sadd.s32 s8, s0;
	s22 =	sshrl.u32 s4, $0x3;
	s28 =	sshrl.u32 @!p0 s10, $0x3  }
0x27: {  	s4 =	simm.s32 $0x3;
	s9 =	sadd.s32 s9, s0;
	s20 =	sshrl.u32 s3, $0x3  }
0x28: {  	s23 =	sshrl.u32 s6, $0x3;
	s24 =	sshrl.u32 s7, $0x3;
	s25 =	sshrl.u32 s8, $0x3  }
0x29: {  	s3 =	simm.s32 $0x4100;
	s6 =	simm.s32 $0x0;
	s26 =	sshrl.u32 s9, $0x3  }
.LBB2_1:
0x2a: {  	s7 =	rddreg [dreg:$0x3]  }
0x2b: {  	[spmem:s20], [sflag:s16] =	dma.local [hbm:s7], $0x500  }
0x2c: {  	_ =	swait.ge [sflag:s31], $0x500  }
0x2d: {  	[sflag:s31] =	ssyncset.done $0x0  }
0x2e: {  	s8 =	rddreg [dreg:$0x4];
	[sflag:s31] =	ssyncadd.s32 $0xFFFFFB00  }
0x2f: {  	[spmem:s21], [sflag:s16] =	dma.local [hbm:s8], $0x500  }
0x30: {  	_ =	swait.ge [sflag:s31], $0x500  }
0x31: {  	[sflag:s31] =	ssyncset.done $0x0  }
0x32: {  	s9 =	rddreg [dreg:$0x5];
	[sflag:s31] =	ssyncadd.s32 $0xFFFFFB00  }
0x33: {  	[spmem:s22], [sflag:s16] =	dma.local [hbm:s9], $0x500  }
0x34: {  	_ =	swait.ge [sflag:s31], $0x500  }
0x35: {  	[sflag:s31] =	ssyncset.done $0x0  }
0x36: {  	s10 =	rddreg [dreg:$0x6];
	[sflag:s31] =	ssyncadd.s32 $0xFFFFFB00  }
0x37: {  	[spmem:s23], [sflag:s16] =	dma.local [hbm:s10], $0x500  }
0x38: {  	_ =	swait.ge [sflag:s31], $0x500  }
0x39: {  	[sflag:s31] =	ssyncset.done $0x0  }
0x3a: {  	s15 =	rddreg [dreg:$0x7];
	[sflag:s31] =	ssyncadd.s32 $0xFFFFFB00  }
0x3b: {  	[spmem:s24], [sflag:s16] =	dma.local [hbm:s15], $0x500  }
0x3c: {  	_ =	swait.ge [sflag:s31], $0x500  }
0x3d: {  	[sflag:s31] =	ssyncset.done $0x0  }
0x3e: {  	s17 =	rddreg [dreg:$0x8];
	[sflag:s31] =	ssyncadd.s32 $0xFFFFFB00  }
0x3f: {  	[spmem:s25], [sflag:s16] =	dma.local [hbm:s17], $0x500  }
0x40: {  	_ =	swait.ge [sflag:s31], $0x500  }
0x41: {  	[sflag:s31] =	ssyncset.done $0x0  }
0x42: {  	s19 =	rddreg [dreg:$0x9];
	[sflag:s31] =	ssyncadd.s32 $0xFFFFFB00  }
0x43: {  	[spmem:s26], [sflag:s16] =	dma.local [hbm:s19], $0x500  }
0x44: {  	_ =	swait.ge [sflag:s31], $0x500  }
0x45: {  	[sflag:s31] =	ssyncset.done $0x0  }
0x46: {  	s7 =	rddreg [dreg:$0xa];
	[sflag:s31] =	ssyncadd.s32 $0xFFFFFB00  }
0x47: {  	[spmem:s28], [sflag:s16] =	dma.local @!p0 [hbm:s7], $0x500  }
0x48: {  	s7 =	simm.s32 @!p0 $0x4  }
0x49: {  	_ =	swait.ge @!p0 [sflag:s7], $0x500  }
0x4a: {  	[sflag:s7] =	ssyncset.done @!p0 $0x0  }
0x4b: {  	[sflag:s7] =	ssyncadd.s32 @!p0 $0xFFFFFB00  }
0x4c: {  	[bflag:$0x0] =	sbarrier.arrive $0xFFFF  }
0x4d: {  	s8 =	rddreg [dreg:$0xb]  }
0x4e: {  	[tilespmem:s13], [sflag:$0x1] =	stream.linear.gather [hbm4b:s8+s13], $0x80, $0x38;
	[tilespmem:$0x1B980] =	vst v63  }
0x4f: {  	s9 =	rddreg [dreg:$0xd]  }
0x50: {  	[tilespmem:s11], [sflag:$0x1] =	stream.linear.gather [hbm4b:s9+s13], $0x80, $0x38;
	[tilespmem:$0x1B980] =	vst v63  }
0x51: {  	_ =	swait.ge [sflag:s1], $0x80  }
0x52: {  	[sflag:s1] =	ssyncset.done $0x0  }
0x53: {  	[sflag:s1] =	ssyncadd.s32 $0xFFFFFF80  }
0x54: {  	[tilespmem:s2], [sflag:$0x2] =	stream.indirect.gather [spmem:s0], $0x80, s13, s11, $0xb8;
	[tilespmem:$0x1B980] =	vst v63  }
0x55: {  	_ =	swait.ge [sflag:s5], $0x4000  }
0x56: {  	[sflag:s5] =	ssyncset.done $0x0  }
0x57: {  	[sflag:s5] =	ssyncadd.s32 $0xFFFFC000  }
0x58: {  	[hbm4b:s18+s13] =	stream.linear.scatter [tilespmem:s2], [sflag:$0x3], $0x4000, $0x38;
	[tilespmem:$0x1B980] =	vst v63  }
0x59: {  	s10 =	rddreg [dreg:$0xe]  }
0x5a: {  	[tilespmem:s13], [sflag:$0x1] =	stream.linear.gather [hbm4b:s10+s13], $0x80, $0x38;
	[tilespmem:$0x1B980] =	vst v63  }
0x5b: {  	_ =	swait.ge [sflag:s1], $0x80  }
0x5c: {  	[sflag:s1] =	ssyncset.done $0x0  }
0x5d: {  	[sflag:s1] =	ssyncadd.s32 $0xFFFFFF80  }
0x5e: {  	[tilespmem:s3], [sflag:$0x2] =	stream.indirect.gather [spmem:s0], $0x80, s11, s11, $0xb8;
	[tilespmem:$0x1B980] =	vst v63  }
0x5f: {  	_ =	swait.ge [sflag:s5], $0x4000  }
0x60: {  	s15 =	simm.s32 $0x600;
	[sflag:s5] =	ssyncset.done $0x0  }
0x61: {  	s7 =	sand.u32 $0x200, s15;
	[sflag:s5] =	ssyncadd.s32 $0xFFFFC000  }
0x62: {  	[hbm4b:s29+s13] =	stream.linear.scatter [tilespmem:s3], [sflag:$0x3], $0x4000, $0x38;
	[tilespmem:$0x1B980] =	vst v63  }
0x63: {  	s7 =	sshrl.u32 s7, $0x2;
	s8 =	sadd.s32 $0x600, s14  }
0x64: {  	[tilespmem:s7], [sflag:$0x1] =	stream.linear.gather [hbm4b:s8+s13], $0x80, $0x38;
	[tilespmem:$0x1B980] =	vst v63  }
0x65: {  	_ =	swait.ge [sflag:s1], $0x80  }
0x66: {  	[sflag:s1] =	ssyncset.done $0x0  }
0x67: {  	[sflag:s1] =	ssyncadd.s32 $0xFFFFFF80  }
0x68: {  	s17 =	sand.u32 $0x1, s5;
	_ =	swait.ge [sflag:s4], $0x4000  }
0x69: {  	s19 =	sshll.u32 s17, $0xE;
	[sflag:s4] =	ssyncset.done $0x0  }
0x6a: {  	s10 =	sor.u32 $0x100, s19;
	s7 =	sshll.u32 s17, $0x7;
	[sflag:s4] =	ssyncadd.s32 $0xFFFFC000  }
0x6b: {  	[tilespmem:s10], [sflag:$0x2] =	stream.indirect.gather [spmem:s0], $0x80, s7, s11, $0xb8;
	[tilespmem:$0x1B980] =	vst v63  }
0x6c: {  	_ =	swait.ge [sflag:s5], $0x4000  }
0x6d: {  	s9 =	simm.s32 $0x800;
	s19 =	smov.u32 s12;
	[sflag:s5] =	ssyncset.done $0x0  }
0x6e: {  	s8 =	sadd.s32 $0x10000, s12;
	s7 =	simm.s32 $0x3;
	[sflag:s5] =	ssyncadd.s32 $0xFFFFC000  }
.LBB2_2:
0x6f: {  	[hbm4b:s19+s13] =	stream.linear.scatter [tilespmem:s10], [sflag:$0x3], $0x4000, $0x38;
	[tilespmem:$0x1B980] =	vst v63  }
0x70: {  	s10 =	smov.u32 s7;
	s19 =	smov.u32 s8  }
0x71: {  	s15 =	sand.u32 $0x200, s9;
	p1 =	sne.s32 s7, $0x4E;
	s7 =	sadd.s32 $0x1, s7  }
0x72: {  	s17 =	sadd.s32 s9, s14;
	s15 =	sshrl.u32 s15, $0x2  }
0x73: {  	[tilespmem:s15], [sflag:$0x1] =	stream.linear.gather [hbm4b:s17+s13], $0x80, $0x38;
	[tilespmem:$0x1B980] =	vst v63  }
0x74: {  	_ =	swait.ge [sflag:s1], $0x80  }
0x75: {  	[sflag:s1] =	ssyncset.done $0x0  }
0x76: {  	[sflag:s1] =	ssyncadd.s32 $0xFFFFFF80  }
0x77: {  	s10 =	sand.u32 $0x1, s10;
	_ =	swait.ge [sflag:s4], $0x4000  }
0x78: {  	s15 =	sshll.u32 s10, $0xE;
	s17 =	sshll.u32 s10, $0x7;
	[sflag:s4] =	ssyncset.done $0x0  }
.Ltmp0:
0x79: {  	s10 =	sor.u32 $0x100, s15;
	[sflag:s4] =	ssyncadd.s32 $0xFFFFC000;
	(pc) =	sbr.rel @p1 .LBB2_2-.Ltmp0, $4  }
0x7a: {  	[tilespmem:s10], [sflag:$0x2] =	stream.indirect.gather [spmem:s0], $0x80, s17, s11, $0xb8;
	[tilespmem:$0x1B980] =	vst v63  }
0x7b: {  	_ =	swait.ge [sflag:s5], $0x4000  }
0x7c: {  	[sflag:s5] =	ssyncset.done $0x0  }
0x7d: {  	s8 =	sadd.s32 $0x10000, s8;
	s9 =	sadd.s32 $0x200, s9;
	[sflag:s5] =	ssyncadd.s32 $0xFFFFC000  }
0x7e: {  	[hbm4b:s19+s13] =	stream.linear.scatter [tilespmem:s10], [sflag:$0x3], $0x4000, $0x38;
	[tilespmem:$0x1B980] =	vst v63  }
0x7f: {  	_ =	swait.ge [sflag:s1], $0x80  }
0x80: {  	[sflag:s1] =	ssyncset.done $0x0  }
0x81: {  	[sflag:s1] =	ssyncadd.s32 $0xFFFFFF80  }
0x82: {  	_ =	swait.ge [sflag:s4], $0x4000  }
0x83: {  	[sflag:s4] =	ssyncset.done $0x0  }
0x84: {  	[sflag:s4] =	ssyncadd.s32 $0xFFFFC000  }
0x85: {  	[tilespmem:s3], [sflag:$0x2] =	stream.indirect.gather [spmem:s0], $0x80, s11, s11, $0xb8;
	[tilespmem:$0x1B980] =	vst v63  }
0x86: {  	_ =	swait.ge [sflag:s5], $0x4000  }
0x87: {  	[sflag:s5] =	ssyncset.done $0x0  }
0x88: {  	[sflag:s5] =	ssyncadd.s32 $0xFFFFC000  }
0x89: {  	[hbm4b:s30+s13] =	stream.linear.scatter [tilespmem:s3], [sflag:$0x3], $0x4000, $0x38;
	[tilespmem:$0x1B980] =	vst v63  }
0x8a: {  	_ =	swait.ge [sflag:s4], $0x4000  }
0x8b: {  	[sflag:s4] =	ssyncset.done $0x0  }
0x8c: {  	[sflag:s4] =	ssyncadd.s32 $0xFFFFC000  }
0x8d: {  	_ =	swait.ge [sflag:s4], $0x4000  }
0x8e: {  	s6 =	sadd.s32 $0x1, s6;
	s7 =	rddreg [dreg:$0xc]  }
0x8f: {  	p1 =	sne.s32 s6, s7  }
.Ltmp1:
0x90: {  	_ = 	snop;
	(pc) =	sbr.rel @p1 .LBB2_1-.Ltmp1, $3  }
0x91: {  	_ =	sdelay $0x1  }
0x92: {  	[sflag:s4] =	ssyncset.done $0x0  }
0x93: {  	[sflag:s4] =	ssyncadd.s32 $0xFFFFC000  }
0x94: {  	_ =	sfence.sel $0x180000  }
0x95: {  	[bflag:$0x0] =	sbarrier.arrive $0xFFFF  }
0x96: {  	_ =	strace $0x90000050  }
0x97: {  	s0 =	stileid.u32;
	[bflag:$0x2] =	sbarrier.arrive $0xFFFF  }
0x98: {  	p0 =	sne.s32 s0, $0x0;
	s0 =	rddreg [dreg:$0x2]  }
0x99: {  	s0 =	sadd.s32 @!p0 $0x100000, s0  }
0x9a: {  	[sflag:s0] =	ssyncadd.tile.s32 @!p0 $0x1;
	_ =	shalt  }
.Lfunc_end2:
_tile_overlayer_lowered:
.L_overlay_start_2:
0x9b: {  	(tag) =	ssettag $0x2  }
0x9c: {  	s0 =	rddreg [dreg:$0x0];
	s2 =	stileid.u32  }
0x9d: {  	s1 =	rddreg [dreg:$0x1];
	p0 =	sne.s32 s2, $0x0  }
0x9e: {  	s3 =	rddreg [dreg:$0x2];
	[bflag:$0x3] =	sbarrier.arrive $0xFFFF;
	s2 =	simm.s32 @!p0 $0x1C04  }
0x9f: {  	[timem:s3], [sflag:s2] =	dma.local @!p0 [hbm:s0], s1  }
0xa0: {  	s0 =	simm.s32 @!p0 $0x4  }
0xa1: {  	_ =	swait.ge @!p0 [sflag:s0], s1  }
0xa2: {  	s1 =	ssub.s32 @!p0 $0x0, s1;
	[sflag:s0] =	ssyncset.done @!p0 $0x0  }
0xa3: {  	[sflag:s0] =	ssyncadd.s32 @!p0 s1  }
0xa4: {  	[bflag:$0x3] =	sbarrier.arrive $0xFFFF  }
0xa5: {  	_ =	shalt  }

// kernel: kernel.25.cloned.1.call-start
scs
__scs_entry_jumppad:
0x0: {  	(pc) =	sbr.rel $0x88, $3  }
0x1: {  	(tag) =	ssettag $0x0;
	lr =	simm.s32 $0x1  }
0x2: {  	[smem:$0x3F94] =	sst lr;
	_ =	strace $0xD0000000  }
0x3: {  	_ = 	snop  }
0x4: {  	_ = 	snop  }
0x5: {  	_ = 	snop  }
0x6: {  	_ = 	snop  }
0x7: {  	_ = 	snop  }
__scs_overlays_trampoline_lowered:
0x8: {  	[smem:$0x3FA3] =	sst s0  }
0x9: {  	[smem:$0x3FA4] =	sst s1  }
0xa: {  	[smem:$0x3FA5] =	sst s2  }
0xb: {  	[smem:$0x3FA6] =	sst s3  }
0xc: {  	[smem:$0x3FA7] =	sst s4  }
0xd: {  	[smem:$0x3FA8] =	sst s5  }
0xe: {  	[smem:$0x3FA9] =	sst s6  }
0xf: {  	[smem:$0x3FAA] =	sst s7  }
0x10: {  	[smem:$0x3FAB] =	sst s8  }
0x11: {  	[smem:$0x3FAC] =	sst s9;
	s0 =	simm.s32 @!p0 $0x0  }
0x12: {  	s1 =	sld [smem:$0x3F92];
	s0 =	simm.s32 @p0 $0x1  }
0x13: {  	[smem:$0x3FAD] =	sst s0;
	s0 =	simm.s32 @!p1 $0x0  }
0x14: {  	s2 =	sld [smem:$0x3F91];
	s0 =	simm.s32 @p1 $0x1  }
0x15: {  	[smem:$0x3FAE] =	sst s0;
	s0 =	simm.s32 @!p2 $0x0  }
0x16: {  	s3 =	sld [smem:$0x3FDB];
	s0 =	simm.s32 @p2 $0x1  }
0x17: {  	s4 =	simm.s32 $0x1BF5;
	[smem:$0x3FB0] =	sst s0  }
0x18: {  	s0 =	sld [smem:$0x3F93];
	_ =	swait.ge [sflag:s4], $0x0  }
0x19: {  	s7 =	sld [smem:$0x3F94]  }
0x1a: {  	s8 =	sadd.s32 $0xFFFFE003, lr  }
0x1b: {  	s9 =	sadd.s32 $0xFFFFFEF7, lr;
	s5 =	simm.s32 $0xFFFFFFFF;
	p2 =	slt.u32 s8, $0xFFFFF086  }
0x1c: {  	p1 =	slt.u32 s9, $0xF7A;
	s5 =	simm.s32 @!p2 $0x0  }
0x1d: {  	s5 =	simm.s32 @p1 $0x1;
	p0 =	seq.s32 s7, s2  }
0x1e: {  	s7 =	smul.u32 @!p0 $0xF7A, s2;
	p2 =	seq.s32 @!p0 s5, $0x0  }
0x1f: {  	s9 =	smul.u32 $0xF7A, s1;
	s8 =	simm.s32 @!p0 $0x1BF5;
	p2 =	por !p2, p0  }
0x20: {  	[sflag:s8] =	ssyncset.s32 @!p0 $0xFFFFF086;
	s6 =	sadd.s32 @!p0 s3, s7;
	s7 =	simm.s32 @!p0 $0x108  }
0x21: {  	s3 =	sadd.s32 s3, s9;
	s6 =	sadd.s32 @!p0 $0x88, s6;
	s7 =	simm.s32 @p2 $0x1082  }
0x22: {  	[simem:s7], [sflag:s8] =	dma.local @!p0 [hbm:s6], $0xF7A  }
0x23: {  	s9 =	sor.u32 $0xD0000000, s2;
	s6 =	simm.s32 $0x108;
	_ =	swait.ge @!p0 [sflag:s8], $0x0  }
0x24: {  	s3 =	sadd.s32 $0x88, s3;
	s6 =	simm.s32 @!p1 $0x1082;
	[sflag:s4] =	ssyncset.s32 $0xFFFFF086  }
0x25: {  	[simem:s6], [sflag:s4] =	dma.local [hbm:s3], $0xF7A  }
0x26: {  	[smem:$0x3F94] =	sst s1;
	(tag) =	ssettag s2;
	_ =	strace s9  }
0x27: {  	s1 =	sld [smem:$0x3FA4]  }
0x28: {  	s2 =	sld [smem:$0x3FA5]  }
0x29: {  	s4 =	sld [smem:$0x3FA7]  }
0x2a: {  	p0 =	seq.s32 s5, $0x0;
	s5 =	sld [smem:$0x3FA8]  }
0x2b: {  	s6 =	sld [smem:$0x3FA9]  }
0x2c: {  	s7 =	sld [smem:$0x3FAA]  }
0x2d: {  	s3 =	simm.s32 $0x108;
	s8 =	sld [smem:$0x3FAB]  }
0x2e: {  	s3 =	simm.s32 @!p0 $0x1082;
	s9 =	sld [smem:$0x3FAC]  }
0x2f: {  	lr =	sadd.s32 s0, s3;
	s0 =	sld [smem:$0x3FA3]  }
0x30: {  	s3 =	sld [smem:$0x3FA6]  }
0x31: {  	[smem:$0x3FAF] =	sst s10  }
0x32: {  	s10 =	sld [smem:$0x3FAD];
	_ =	sdelay $0x3  }
0x33: {  	p0 =	seq.s32 s10, $0x1;
	s10 =	sld [smem:$0x3FAF];
	_ =	sdelay $0x3  }
0x34: {  	[smem:$0x3FAF] =	sst s10  }
0x35: {  	s10 =	sld [smem:$0x3FAE];
	_ =	sdelay $0x3  }
0x36: {  	p1 =	seq.s32 s10, $0x1;
	s10 =	sld [smem:$0x3FAF];
	_ =	sdelay $0x3  }
0x37: {  	[smem:$0x3FAF] =	sst s10  }
0x38: {  	s10 =	sld [smem:$0x3FB0]  }
0x39: {  	_ = 	snop;
	(pc) =	sbr.ind lr, $3  }
0x3a: {  	_ = 	snop  }
0x3b: {  	_ = 	snop  }
0x3c: {  	p2 =	seq.s32 s10, $0x1;
	s10 =	sld [smem:$0x3FAF]  }
0x3d: {  	_ =	shalt  }
0x3e: {  	_ =	shalt  }
0x3f: {  	_ =	shalt  }
0x40: {  	_ =	shalt  }
0x41: {  	_ =	shalt  }
0x42: {  	_ =	shalt  }
0x43: {  	_ =	shalt  }
0x44: {  	_ =	shalt  }
0x45: {  	_ =	shalt  }
0x46: {  	_ =	shalt  }
0x47: {  	_ =	shalt  }
0x48: {  	_ =	shalt  }
0x49: {  	_ =	shalt  }
0x4a: {  	_ =	shalt  }
0x4b: {  	_ =	shalt  }
0x4c: {  	_ =	shalt  }
0x4d: {  	_ =	shalt  }
0x4e: {  	_ =	shalt  }
0x4f: {  	_ =	shalt  }
0x50: {  	_ =	shalt  }
0x51: {  	_ =	shalt  }
0x52: {  	_ =	shalt  }
0x53: {  	_ =	shalt  }
0x54: {  	_ =	shalt  }
0x55: {  	_ =	shalt  }
0x56: {  	_ =	shalt  }
0x57: {  	_ =	shalt  }
0x58: {  	_ =	shalt  }
0x59: {  	_ =	shalt  }
0x5a: {  	_ =	shalt  }
0x5b: {  	_ =	shalt  }
0x5c: {  	_ =	shalt  }
0x5d: {  	_ =	shalt  }
0x5e: {  	_ =	shalt  }
0x5f: {  	_ =	shalt  }
0x60: {  	_ =	shalt  }
0x61: {  	_ =	shalt  }
0x62: {  	_ =	shalt  }
0x63: {  	_ =	shalt  }
0x64: {  	_ =	shalt  }
0x65: {  	_ =	shalt  }
0x66: {  	_ =	shalt  }
0x67: {  	_ =	shalt  }
0x68: {  	_ =	shalt  }
0x69: {  	_ =	shalt  }
0x6a: {  	_ =	shalt  }
0x6b: {  	_ =	shalt  }
0x6c: {  	_ =	shalt  }
0x6d: {  	_ =	shalt  }
0x6e: {  	_ =	shalt  }
0x6f: {  	_ =	shalt  }
0x70: {  	_ =	shalt  }
0x71: {  	_ =	shalt  }
0x72: {  	_ =	shalt  }
0x73: {  	_ =	shalt  }
0x74: {  	_ =	shalt  }
0x75: {  	_ =	shalt  }
0x76: {  	_ =	shalt  }
0x77: {  	_ =	shalt  }
0x78: {  	_ =	shalt  }
0x79: {  	_ =	shalt  }
0x7a: {  	_ =	shalt  }
0x7b: {  	_ =	shalt  }
0x7c: {  	_ =	shalt  }
0x7d: {  	_ =	shalt  }
0x7e: {  	_ =	shalt  }
0x7f: {  	_ =	shalt  }
0x80: {  	_ =	shalt  }
0x81: {  	_ =	shalt  }
0x82: {  	_ =	shalt  }
0x83: {  	_ =	shalt  }
0x84: {  	_ =	shalt  }
0x85: {  	_ =	shalt  }
0x86: {  	_ =	shalt  }
0x87: {  	_ =	shalt  }
.Lfunc_end0:
.L_simem_size_0:
called_computation.4_lowered:
.L_overlay_start_0:
0x88: {  	s2 =	sld [smem:$0x3FD9]  }
0x89: {  	s3 =	sld [smem:$0x3FFE];
	_ =	sdelay $0x1  }
0x8a: {  	s1 =	srdreg.scid  }
0x8b: {  	s0 =	sand.u32 $0x1, s1  }
0x8c: {  	s16 =	sshll.u32 s0, $0xA;
	s2 =	sadd.s32 s3, s2  }
0x8d: {  	s2 =	sadd.s32 s2, s16  }
0x8e: {  	[smem:$0x3FBB] =	sst s2  }
0x8f: {  	_ = 	snop  }
0x90: {  	(tm) =	ssettm $0x1  }
0x91: {  	s17 =	sld [smem:$0x3FFB];
	_ =	sdelay $0x3  }
0x92: {  	_ =	strace s17  }
0x93: {  	s2 =	sld [smem:$0x3FFC];
	_ =	sdelay $0x3  }
0x94: {  	_ =	strace s2  }
0x95: {  	s2 =	sld [smem:$0x3FFD];
	_ =	sdelay $0x3  }
0x96: {  	_ =	strace s2  }
0x97: {  	_ =	strace $0x8FFFFFFF  }
0x98: {  	s18 =	sld [smem:$0x3FDB];
	_ =	sdelay $0x1  }
0x99: {  	s19 =	simm.s32 $_scs_section_size  }
0x9a: {  	s4 =	simm.s32 $_size__tile_overlayer_lowered;
	s5 =	simm.s32 $_tile_overlayer_lowered  }
0x9b: {  	s22 =	simm.s32 $0x1BFF;
	s21 =	sshll.u32 s5, $0x1;
	s2 =	sadd.s32 s19, s18  }
0x9c: {  	s6 =	simm.s32 $0x0;
	s20 =	sshll.u32 s4, $0x1;
	s4 =	sadd.s32 s21, s2  }
0x9d: {  	[timem:s6], [sflag:s22] =	dma.local [hbm:s4], s20  }
0x9e: {  	_ =	swait.ge [sflag:s22], s20  }
0x9f: {  	s3 =	ssub.s32 $0x0, s20;
	[sflag:s22] =	ssyncset.done $0x0  }
0xa0: {  	[sflag:s22] =	ssyncadd.s32 s3;
	_ =	sdelay $0x1  }
0xa1: {  	s23 =	simm.s32 $0x1B8B  }
0xa2: {  	_ =	swait.ge [sflag:s23], $0x1  }
0xa3: {  	[sflag:s23] =	ssyncset.done $0x0  }
0xa4: {  	s25 =	simm.s32 $0x1B8E;
	s24 =	sld [smem:$0x3FFE];
	[sflag:s23] =	ssyncadd.s32 $0xFFFFFFFF  }
0xa5: {  	s26 =	simm.s32 $execute0_lowered;
	[smem:$0x3FD2] =	sst s25  }
0xa6: {  	s4 =	sshll.u32 s26, $0x1;
	_ =	strace $0x80000052;
	[dreg:$0x1] =	wrdreg $0xFFFFFFFF  }
0xa7: {  	s28 =	simm.s32 $_size_execute0_lowered;
	s2 =	sadd.s32 s2, s4;
	[dreg:$0x0] =	wrdreg $0x0  }
0xa8: {  	s4 =	sshll.u32 s28, $0x1;
	[dreg:$0x2] =	wrdreg s2  }
0xa9: {  	[dreg:$0x3] =	wrdreg s4  }
0xaa: {  	[dreg:$0x4] =	wrdreg $0xC0  }
0xab: {  	_ =	task [dreg:s6], $0x5FFFF  }
0xac: {  	[dreg:$0x1] =	wrdreg $0xFFFFFFFF  }
0xad: {  	[dreg:$0x0] =	wrdreg $0x60  }
0xae: {  	[dreg:$0x2] =	wrdreg s24  }
0xaf: {  	[dreg:$0x3] =	wrdreg $0x81000  }
0xb0: {  	[dreg:$0x4] =	wrdreg $0x9  }
0xb1: {  	_ =	task.clear_ibuf [dreg:s6], $0x5FFFF;
	_ =	strace $0x90000052  }
0xb2: {  	s29 =	simm.s32 $0x9;
	_ =	strace $0x80000054  }
0xb3: {  	_ =	swait.ge [sflag:s29], $0x1  }
0xb4: {  	[sflag:s29] =	ssyncadd.s32 $0xFFFFFFFF  }
0xb5: {  	_ =	strace $0x90000054  }
0xb6: {  	_ =	sfence  }
0xb7: {  	s30 =	sld [smem:$0x0];
	_ =	sdelay $0x2  }
0xb8: {  	s31 =	sshll.u32 s1, $0xD;
	s1 =	sshrl.u32 s1, $0x2  }
0xb9: {  	s3 =	sand.u32 $0x4000, s31;
	s1 =	sadd.s32 s1, s30  }
0xba: {  	s0 =	sor.u32 s3, s0;
	s1 =	sshll.u32 s1, $0x11  }
0xbb: {  	s0 =	sor.u32 s1, s0  }
0xbc: {  	s0 =	sadd.s32 $0x8F2B, s0  }
0xbd: {  	[sflag:s0] =	ssyncadd.remote.s32 $0x1  }
0xbe: {  	_ =	sfence.sel $0xFFFF  }
0xbf: {  	[dreg:$0x0] =	wrdreg $0xFFFFFFFF;
	(pc) =	sbr.abs _section_cstart, $3  }
0xc0: {  	[dreg:$0x1] =	wrdreg $0xFFFFFFFF  }
0xc1: {  	_ =	task.clear_ibuf [dreg:s6], $0x2FFFF;
	_ =	strace $0x9FFFFFFF  }
0xc2: {  	(tm) =	ssettm $0x7FFFFFFF  }
0xc3: {  	_ =	shalt  }
tec
execute0_lowered:
.L_overlay_start_1:
0x0: {  	(tag) =	ssettag $0x1  }
0x1: {  	s0 =	rddreg [dreg:$0x0]  }
0x2: {  	s1 =	srdreg.scid;
	s16 =	stileid.u32  }
0x3: {  	s2 =	sadd.s32 $0x90000, s0;
	s1 =	sand.u32 $0x1, s1;
	s3 =	sadd.s32 $0xFA00, s0  }
0x4: {  	s5 =	sadd.s32 $0x590000, s0;
	s6 =	sshll.u32 s16, $0x4;
	s12 =	sadd.s32 $0x5B7200, s0  }
0x5: {  	s21 =	smul.u32 $0x500, s16;
	s14 =	sor.u32 $0x30, s16;
	s18 =	sor.u32 $0x40, s16  }
0x6: {  	s0 =	sadd.s32 $0x19A00, s0;
	p2 =	seq.s32 s16, $0xF;
	s4 =	sshll.u32 s1, $0x4  }
0x7: {  	s7 =	ssub.s32 $0x2, s1;
	s6 =	sand.u32 $0x70, s6;
	s23 =	smul.u32 $0x500, s14  }
0x8: {  	p0 =	seq.s32 s1, $0x1;
	s24 =	smul.u32 $0x500, s18;
	s1 =	sshll.u32 s1, $0xF  }
0x9: {  	s4 =	sor.u32 s16, s4;
	s9 =	sshrl.u32 s7, $0x1;
	s11 =	sadd.s32 s3, s6  }
0xa: {  	s5 =	smov.u32 @p0 s12;
	s1 =	sadd.s32 s1, s2;
	s8 =	sshll.u32 s4, $0x4  }
0xb: {  	s7 =	ssub.s32 s7, s9;
	s4 =	sshll.u32 s4, $0xB;
	s9 =	sadd.s32 s5, s21  }
0xc: {  	s21 =	sor.u32 $0x60, s16;
	s12 =	sadd.s32 s5, s23;
	s23 =	sshll.u32 s16, $0xB  }
0xd: {  	s10 =	sand.u32 $0x180, s8;
	s4 =	sadd.s32 s2, s4;
	[dreg:$0x5] =	wrdreg s9  }
0xe: {  	s26 =	smul.u32 $0x500, s21;
	s9 =	sadd.s32 s5, s24;
	s24 =	sor.u32 $0x200, s8  }
0xf: {  	s8 =	smul.u32 $0xA000, s16;
	s20 =	sadd.s32 s10, s11;
	s10 =	sor.u32 $0x10, s16  }
0x10: {  	[dreg:$0x8] =	wrdreg s12;
	s11 =	sor.u32 $0x20, s16;
	s22 =	smul.u32 $0x500, s10  }
0x11: {  	s12 =	rddreg [dreg:$0x1];
	s1 =	sadd.s32 s23, s1;
	s13 =	smul.u32 $0x500, s11  }
0x12: {  	[dreg:$0x4] =	wrdreg s4;
	s17 =	sadd.s32 s5, s26;
	s26 =	smul.u32 $0xA000, s11  }
0x13: {  	[dreg:$0x9] =	wrdreg s9;
	s2 =	sand.u32 $0x380, s24;
	s11 =	smul.u32 $0xA000, s18  }
0x14: {  	[dreg:$0x3] =	wrdreg s20;
	s20 =	sor.u32 $0x50, s16;
	s18 =	smul.u32 $0xA000, s21  }
0x15: {  	s25 =	smul.u32 $0x500, s20;
	s4 =	sadd.s32 s5, s22;
	s22 =	sor.u32 $0x70, s16  }
0x16: {  	s9 =	smax.u32 s7, $0x1;
	s2 =	sadd.s32 s2, s3;
	s15 =	smul.u32 $0x500, s22  }
0x17: {  	[dreg:$0x6] =	wrdreg s4;
	s4 =	sadd.s32 s5, s25;
	s25 =	smul.u32 $0xA000, s10  }
0x18: {  	[dreg:$0xb] =	wrdreg s17;
	s13 =	sadd.s32 s5, s13;
	s10 =	smul.u32 $0xA000, s14  }
0x19: {  	[dreg:$0x7] =	wrdreg s13;
	s13 =	simm.s32 $0x0;
	s14 =	smul.u32 $0xA000, s20  }
0x1a: {  	p1 =	sgt.u32 s22, $0x7C;
	s23 =	smul.u32 $0xA000, s22;
	[dreg:$0xa] =	wrdreg s4  }
0x1b: {  	[smem:$0x7FF] =	sst s13;
	s4 =	sshrl.u32 s8, $0x2;
	s19 =	sadd.s32 s5, s15  }
0x1c: {  	s15 =	sadd.s32 s6, s2;
	s6 =	sshll.u32 s16, $0xE;
	s3 =	sshrl.u32 s25, $0x2  }
0x1d: {  	s4 =	sadd.s32 s4, s12;
	s2 =	sshrl.u32 s10, $0x2;
	s5 =	sshrl.u32 s11, $0x2  }
0x1e: {  	s24 =	sshrl.u32 s14, $0x2;
	s25 =	sshrl.u32 s18, $0x2;
	s10 =	simm.s32 $0x100  }
0x1f: {  	[dreg:$0xc] =	wrdreg s19;
	s17 =	sadd.s32 s6, s12;
	s19 =	sadd.s32 s3, s12  }
0x20: {  	s21 =	sadd.s32 s2, s12;
	s22 =	sadd.s32 s5, s12;
	s2 =	simm.s32 $0x2  }
0x21: {  	s3 =	simm.s32 $0x80;
	_ =	strace $0x80000053;
	[dreg:$0xd] =	wrdreg s0  }
0x22: {  	s5 =	simm.s32 $0x5;
	s6 =	simm.s32 $0x0;
	[dreg:$0xe] =	wrdreg s9  }
0x23: {  	[dreg:$0xf] =	wrdreg s4;
	s0 =	sshrl.u32 s26, $0x2;
	s26 =	sshrl.u32 s23, $0x2  }
0x24: {  	s23 =	sadd.s32 s24, s12;
	s24 =	sadd.s32 s25, s12;
	s28 =	sadd.s32 $0x40000, s17  }
0x25: {  	s29 =	sadd.s32 $0x80000, s17;
	s30 =	sadd.s32 $0xC0000, s17;
	s31 =	sadd.s32 $0x100000, s17  }
0x26: {  	s4 =	simm.s32 $0x3;
	s20 =	sadd.s32 s0, s12;
	s25 =	sadd.s32 s26, s12  }
0x27: {  	s26 =	sadd.s32 $0x10000, s1;
	s0 =	simm.s32 $0x4;
	s1 =	simm.s32 $0x1  }
.LBB2_1:
0x28: {  	s7 =	rddreg [dreg:$0xd]  }
0x29: {  	[tilespmem:s10], [sflag:$0x4] =	stream.linear.gather [hbm4b:s7+s13], $0x4000, $0x38;
	[tilespmem:$0x1BD00] =	vst v63  }
0x2a: {  	_ =	swait.ge [sflag:s0], $0x4000  }
0x2b: {  	[sflag:s0] =	ssyncset.done $0x0  }
0x2c: {  	[sflag:s0] =	ssyncadd.s32 $0xFFFFC000  }
0x2d: {  	[spmem:s17] =	stream.linear.scatter [tilespmem:s10], [sflag:$0x4], $0x4000, $0x38;
	[tilespmem:$0x1BD00] =	vst v63  }
0x2e: {  	_ =	swait.ge [sflag:s0], $0x4000  }
0x2f: {  	[sflag:s0] =	ssyncset.done $0x0  }
0x30: {  	[sflag:s0] =	ssyncadd.s32 $0xFFFFC000  }
0x31: {  	[spmem:s28] =	stream.linear.scatter [tilespmem:s10], [sflag:$0x4], $0x4000, $0x38;
	[tilespmem:$0x1BD00] =	vst v63  }
0x32: {  	_ =	swait.ge [sflag:s0], $0x4000  }
0x33: {  	[sflag:s0] =	ssyncset.done $0x0  }
0x34: {  	[sflag:s0] =	ssyncadd.s32 $0xFFFFC000  }
0x35: {  	[spmem:s29] =	stream.linear.scatter [tilespmem:s10], [sflag:$0x4], $0x4000, $0x38;
	[tilespmem:$0x1BD00] =	vst v63  }
0x36: {  	_ =	swait.ge [sflag:s0], $0x4000  }
0x37: {  	[sflag:s0] =	ssyncset.done $0x0  }
0x38: {  	[sflag:s0] =	ssyncadd.s32 $0xFFFFC000  }
0x39: {  	[spmem:s30] =	stream.linear.scatter [tilespmem:s10], [sflag:$0x4], $0x4000, $0x38;
	[tilespmem:$0x1BD00] =	vst v63  }
0x3a: {  	_ =	swait.ge [sflag:s0], $0x4000  }
0x3b: {  	[sflag:s0] =	ssyncset.done $0x0  }
0x3c: {  	s7 =	simm.s32 @!p2 $0x100;
	[sflag:s0] =	ssyncadd.s32 $0xFFFFC000  }
0x3d: {  	[spmem:s31] =	stream.linear.scatter @!p2 [tilespmem:s7], [sflag:$0x4], $0x4000, $0x38;
	[tilespmem:$0x1BD00] =	vst v63  }
0x3e: {  	s7 =	simm.s32 @!p2 $0x4  }
0x3f: {  	_ =	swait.ge @!p2 [sflag:s7], $0x4000  }
0x40: {  	[sflag:s7] =	ssyncset.done @!p2 $0x0  }
0x41: {  	[sflag:s7] =	ssyncadd.s32 @!p2 $0xFFFFC000  }
0x42: {  	[bflag:$0x0] =	sbarrier.arrive $0xFFFF  }
0x43: {  	s9 =	rddreg [dreg:$0x3]  }
0x44: {  	[tilespmem:s13], [sflag:$0x1] =	stream.linear.gather [hbm4b:s9+s13], $0x80, $0x38;
	[tilespmem:$0x1BD00] =	vst v63  }
0x45: {  	s14 =	sand.u32 $0x1, s1;
	s11 =	rddreg [dreg:$0x4]  }
0x46: {  	[tilespmem:s10], [sflag:$0x2] =	stream.linear.gather [hbm4b:s11+s13], $0x4000, $0x38;
	[tilespmem:$0x1BD00] =	vst v63  }
0x47: {  	s8 =	sshll.u32 s14, $0x7;
	s7 =	sshll.u32 s14, $0xE  }
0x48: {  	[tilespmem:s8], [sflag:$0x1] =	stream.linear.gather [hbm4b:s15+s13], $0x80, $0x38;
	[tilespmem:$0x1BD00] =	vst v63  }
0x49: {  	s7 =	sor.u32 $0x100, s7  }
0x4a: {  	[tilespmem:s7], [sflag:$0x2] =	stream.linear.gather [hbm4b:s26+s13], $0x4000, $0x38;
	[tilespmem:$0x1BD00] =	vst v63  }
0x4b: {  	_ =	swait.ge [sflag:s1], $0x80  }
0x4c: {  	s16 =	simm.s32 $0x0;
	[sflag:s1] =	ssyncset.done $0x0  }
0x4d: {  	s18 =	sand.u32 $0x1, s16;
	[sflag:s1] =	ssyncadd.s32 $0xFFFFFF80  }
0x4e: {  	s9 =	sshll.u32 s18, $0xE;
	_ =	swait.ge [sflag:s2], $0x4000  }
0x4f: {  	s9 =	sor.u32 $0x100, s9;
	[sflag:s2] =	ssyncset.done $0x0  }
0x50: {  	s8 =	sshll.u32 s18, $0x7;
	s7 =	simm.s32 $0x2;
	[sflag:s2] =	ssyncadd.s32 $0xFFFFC000  }
0x51: {  	[spmem:s12] =	stream.indirect.scatter.add.f32 [tilespmem:s9], [sflag:$0x3], $0x80, s8, s3, $0xb8;
	[tilespmem:$0x1BD00] =	vst v63  }
0x52: {  	s11 =	simm.s32 $0x3;
	s14 =	sand.u32 $0x1, s7;
	_ =	swait.ge [sflag:s4], $0x4000  }
0x53: {  	s8 =	sadd.s32 $0x200, s15;
	s9 =	sadd.s32 $0x10000, s26;
	[sflag:s4] =	ssyncset.done $0x0  }
.LBB2_2:
0x54: {  	s16 =	sshll.u32 s14, $0x7  }
0x55: {  	s14 =	sshll.u32 s14, $0xE;
	[sflag:s4] =	ssyncadd.s32 $0xFFFFC000;
	s18 =	smov.u32 s11  }
0x56: {  	[tilespmem:s16], [sflag:$0x1] =	stream.linear.gather [hbm4b:s8+s13], $0x80, $0x38;
	[tilespmem:$0x1BD00] =	vst v63  }
0x57: {  	p3 =	sne.s32 s11, $0x4F;
	s11 =	sadd.s32 $0x1, s11;
	s14 =	sor.u32 $0x100, s14  }
0x58: {  	[tilespmem:s14], [sflag:$0x2] =	stream.linear.gather [hbm4b:s9+s13], $0x4000, $0x38;
	[tilespmem:$0x1BD00] =	vst v63  }
0x59: {  	_ =	swait.ge [sflag:s1], $0x80  }
0x5a: {  	[sflag:s1] =	ssyncset.done $0x0  }
0x5b: {  	s14 =	sadd.s32 $0xFFFFFFFF, s7;
	s7 =	smov.u32 s18;
	[sflag:s1] =	ssyncadd.s32 $0xFFFFFF80  }
0x5c: {  	s14 =	sand.u32 $0x1, s14;
	_ =	swait.ge [sflag:s2], $0x4000  }
.Ltmp0:
0x5d: {  	s16 =	sshll.u32 s14, $0xE;
	[sflag:s2] =	ssyncset.done $0x0;
	(pc) =	sbr.rel @p3 .LBB2_2-.Ltmp0, $4  }
0x5e: {  	s14 =	sshll.u32 s14, $0x7;
	s16 =	sor.u32 $0x100, s16;
	[sflag:s2] =	ssyncadd.s32 $0xFFFFC000  }
0x5f: {  	[spmem:s12] =	stream.indirect.scatter.add.f32 [tilespmem:s16], [sflag:$0x3], $0x80, s14, s3, $0xb8;
	[tilespmem:$0x1BD00] =	vst v63  }
0x60: {  	s8 =	sadd.s32 $0x200, s8;
	_ =	swait.ge [sflag:s4], $0x4000  }
0x61: {  	s9 =	sadd.s32 $0x10000, s9;
	s14 =	sand.u32 $0x1, s7;
	[sflag:s4] =	ssyncset.done $0x0  }
0x62: {  	s11 =	sshll.u32 s14, $0x7;
	[sflag:s4] =	ssyncadd.s32 $0xFFFFC000;
	s16 =	sshll.u32 s14, $0xE  }
0x63: {  	[tilespmem:s11], [sflag:$0x1] =	stream.linear.gather [hbm4b:s8+s13], $0x80, $0x38;
	[tilespmem:$0x1BD00] =	vst v63  }
0x64: {  	s8 =	sor.u32 $0x100, s16  }
0x65: {  	[tilespmem:s8], [sflag:$0x2] =	stream.linear.gather [hbm4b:s9+s13], $0x4000, $0x38;
	[tilespmem:$0x1BD00] =	vst v63  }
0x66: {  	_ =	swait.ge [sflag:s1], $0x80  }
0x67: {  	[sflag:s1] =	ssyncset.done $0x0  }
0x68: {  	s7 =	sadd.s32 $0xFFFFFFFF, s7;
	[sflag:s1] =	ssyncadd.s32 $0xFFFFFF80  }
0x69: {  	s7 =	sand.u32 $0x1, s7;
	_ =	swait.ge [sflag:s2], $0x4000  }
0x6a: {  	s18 =	sshll.u32 s7, $0xE;
	[sflag:s2] =	ssyncset.done $0x0  }
0x6b: {  	s7 =	sshll.u32 s7, $0x7;
	s8 =	sor.u32 $0x100, s18;
	[sflag:s2] =	ssyncadd.s32 $0xFFFFC000  }
0x6c: {  	[spmem:s12] =	stream.indirect.scatter.add.f32 [tilespmem:s8], [sflag:$0x3], $0x80, s7, s3, $0xb8;
	[tilespmem:$0x1BD00] =	vst v63  }
0x6d: {  	_ =	swait.ge [sflag:s4], $0x4000  }
0x6e: {  	[sflag:s4] =	ssyncset.done $0x0  }
0x6f: {  	[sflag:s4] =	ssyncadd.s32 $0xFFFFC000  }
0x70: {  	_ =	swait.ge [sflag:s1], $0x80  }
0x71: {  	[sflag:s1] =	ssyncset.done $0x0  }
0x72: {  	[sflag:s1] =	ssyncadd.s32 $0xFFFFFF80  }
0x73: {  	_ =	swait.ge [sflag:s2], $0x4000  }
0x74: {  	[sflag:s2] =	ssyncset.done $0x0  }
0x75: {  	s9 =	simm.s32 $0x4100;
	[sflag:s2] =	ssyncadd.s32 $0xFFFFC000  }
0x76: {  	[spmem:s12] =	stream.indirect.scatter.add.f32 [tilespmem:s9], [sflag:$0x3], $0x80, s3, s3, $0xb8;
	[tilespmem:$0x1BD00] =	vst v63  }
0x77: {  	_ =	swait.ge [sflag:s4], $0x4000  }
0x78: {  	[sflag:s4] =	ssyncset.done $0x0  }
0x79: {  	[sflag:s4] =	ssyncadd.s32 $0xFFFFC000  }
0x7a: {  	[bflag:$0x0] =	sbarrier.arrive $0xFFFF  }
0x7b: {  	s11 =	rddreg [dreg:$0xf]  }
0x7c: {  	[tilespmem:s10], [sflag:$0x5] =	stream.linear.gather [spmem:s11], $0x2800, $0x38;
	[tilespmem:$0x1BD00] =	vst v63  }
0x7d: {  	_ =	swait.ge [sflag:s5], $0x2800  }
0x7e: {  	s7 =	simm.s32 $0x4;
	[sflag:s5] =	ssyncset.done $0x0  }
0x7f: {  	s7 =	simm.s32 @!p0 $0x5;
	s14 =	rddreg [dreg:$0x5];
	[sflag:s5] =	ssyncadd.s32 $0xFFFFD800  }
0x80: {  	[hbm4b:s14+s13] =	stream.linear.scatter [tilespmem:s10], [sflag:s7], $0x2800, $0x38;
	[tilespmem:$0x1BD00] =	vst v63  }
0x81: {  	_ =	swait.ge [sflag:s7], $0x2800  }
0x82: {  	[sflag:s7] =	ssyncset.done $0x0  }
0x83: {  	[sflag:s7] =	ssyncadd.s32 $0xFFFFD800  }
0x84: {  	[tilespmem:s10], [sflag:$0x5] =	stream.linear.gather [spmem:s19], $0x2800, $0x38;
	[tilespmem:$0x1BD00] =	vst v63  }
0x85: {  	_ =	swait.ge [sflag:s5], $0x2800  }
0x86: {  	[sflag:s5] =	ssyncset.done $0x0  }
0x87: {  	s16 =	rddreg [dreg:$0x6];
	[sflag:s5] =	ssyncadd.s32 $0xFFFFD800  }
0x88: {  	[hbm4b:s16+s13] =	stream.linear.scatter [tilespmem:s10], [sflag:s7], $0x2800, $0x38;
	[tilespmem:$0x1BD00] =	vst v63  }
0x89: {  	_ =	swait.ge [sflag:s7], $0x2800  }
0x8a: {  	[sflag:s7] =	ssyncset.done $0x0  }
0x8b: {  	[sflag:s7] =	ssyncadd.s32 $0xFFFFD800  }
0x8c: {  	[tilespmem:s10], [sflag:$0x5] =	stream.linear.gather [spmem:s20], $0x2800, $0x38;
	[tilespmem:$0x1BD00] =	vst v63  }
0x8d: {  	_ =	swait.ge [sflag:s5], $0x2800  }
0x8e: {  	[sflag:s5] =	ssyncset.done $0x0  }
0x8f: {  	s18 =	rddreg [dreg:$0x7];
	[sflag:s5] =	ssyncadd.s32 $0xFFFFD800  }
0x90: {  	[hbm4b:s18+s13] =	stream.linear.scatter [tilespmem:s10], [sflag:s7], $0x2800, $0x38;
	[tilespmem:$0x1BD00] =	vst v63  }
0x91: {  	_ =	swait.ge [sflag:s7], $0x2800  }
0x92: {  	[sflag:s7] =	ssyncset.done $0x0  }
0x93: {  	[sflag:s7] =	ssyncadd.s32 $0xFFFFD800  }
0x94: {  	[tilespmem:s10], [sflag:$0x5] =	stream.linear.gather [spmem:s21], $0x2800, $0x38;
	[tilespmem:$0x1BD00] =	vst v63  }
0x95: {  	_ =	swait.ge [sflag:s5], $0x2800  }
0x96: {  	[sflag:s5] =	ssyncset.done $0x0  }
0x97: {  	s9 =	rddreg [dreg:$0x8];
	[sflag:s5] =	ssyncadd.s32 $0xFFFFD800  }
0x98: {  	[hbm4b:s9+s13] =	stream.linear.scatter [tilespmem:s10], [sflag:s7], $0x2800, $0x38;
	[tilespmem:$0x1BD00] =	vst v63  }
0x99: {  	_ =	swait.ge [sflag:s7], $0x2800  }
0x9a: {  	[sflag:s7] =	ssyncset.done $0x0  }
0x9b: {  	[sflag:s7] =	ssyncadd.s32 $0xFFFFD800  }
0x9c: {  	[tilespmem:s10], [sflag:$0x5] =	stream.linear.gather [spmem:s22], $0x2800, $0x38;
	[tilespmem:$0x1BD00] =	vst v63  }
0x9d: {  	_ =	swait.ge [sflag:s5], $0x2800  }
0x9e: {  	[sflag:s5] =	ssyncset.done $0x0  }
0x9f: {  	s11 =	rddreg [dreg:$0x9];
	[sflag:s5] =	ssyncadd.s32 $0xFFFFD800  }
0xa0: {  	[hbm4b:s11+s13] =	stream.linear.scatter [tilespmem:s10], [sflag:s7], $0x2800, $0x38;
	[tilespmem:$0x1BD00] =	vst v63  }
0xa1: {  	_ =	swait.ge [sflag:s7], $0x2800  }
0xa2: {  	[sflag:s7] =	ssyncset.done $0x0  }
0xa3: {  	[sflag:s7] =	ssyncadd.s32 $0xFFFFD800  }
0xa4: {  	[tilespmem:s10], [sflag:$0x5] =	stream.linear.gather [spmem:s23], $0x2800, $0x38;
	[tilespmem:$0x1BD00] =	vst v63  }
0xa5: {  	_ =	swait.ge [sflag:s5], $0x2800  }
0xa6: {  	[sflag:s5] =	ssyncset.done $0x0  }
0xa7: {  	s14 =	rddreg [dreg:$0xa];
	[sflag:s5] =	ssyncadd.s32 $0xFFFFD800  }
0xa8: {  	[hbm4b:s14+s13] =	stream.linear.scatter [tilespmem:s10], [sflag:s7], $0x2800, $0x38;
	[tilespmem:$0x1BD00] =	vst v63  }
0xa9: {  	_ =	swait.ge [sflag:s7], $0x2800  }
0xaa: {  	[sflag:s7] =	ssyncset.done $0x0  }
0xab: {  	[sflag:s7] =	ssyncadd.s32 $0xFFFFD800  }
0xac: {  	[tilespmem:s10], [sflag:$0x5] =	stream.linear.gather [spmem:s24], $0x2800, $0x38;
	[tilespmem:$0x1BD00] =	vst v63  }
0xad: {  	_ =	swait.ge [sflag:s5], $0x2800  }
0xae: {  	[sflag:s5] =	ssyncset.done $0x0  }
0xaf: {  	s16 =	rddreg [dreg:$0xb];
	[sflag:s5] =	ssyncadd.s32 $0xFFFFD800  }
0xb0: {  	[hbm4b:s16+s13] =	stream.linear.scatter [tilespmem:s10], [sflag:s7], $0x2800, $0x38;
	[tilespmem:$0x1BD00] =	vst v63  }
0xb1: {  	_ =	swait.ge [sflag:s7], $0x2800  }
0xb2: {  	[sflag:s7] =	ssyncset.done $0x0  }
0xb3: {  	s8 =	simm.s32 @!p1 $0x100;
	s9 =	simm.s32 @!p1 $0x5;
	[sflag:s7] =	ssyncadd.s32 $0xFFFFD800  }
0xb4: {  	[tilespmem:s8], [sflag:$0x5] =	stream.linear.gather @!p1 [spmem:s25], $0x2800, $0x38;
	[tilespmem:$0x1BD00] =	vst v63  }
0xb5: {  	_ =	swait.ge @!p1 [sflag:s9], $0x2800  }
0xb6: {  	[sflag:s9] =	ssyncset.done @!p1 $0x0  }
0xb7: {  	s11 =	rddreg [dreg:$0xc];
	[sflag:s9] =	ssyncadd.s32 @!p1 $0xFFFFD800;
	s9 =	simm.s32 @!p1 $0x0  }
0xb8: {  	[hbm4b:s11+s9] =	stream.linear.scatter @!p1 [tilespmem:s8], [sflag:s7], $0x2800, $0x38;
	[tilespmem:$0x1BD00] =	vst v63  }
0xb9: {  	_ =	swait.ge @!p1 [sflag:s7], $0x2800  }
0xba: {  	s6 =	sadd.s32 $0x1, s6;
	s18 =	rddreg [dreg:$0xe]  }
0xbb: {  	p3 =	sne.s32 s6, s18  }
.Ltmp1:
0xbc: {  	_ = 	snop;
	(pc) =	sbr.rel @p3 .LBB2_1-.Ltmp1, $3  }
0xbd: {  	_ =	sdelay $0x1  }
0xbe: {  	[sflag:s7] =	ssyncset.done @!p1 $0x0  }
0xbf: {  	[sflag:s7] =	ssyncadd.s32 @!p1 $0xFFFFD800  }
0xc0: {  	_ =	sfence.sel $0x180000  }
0xc1: {  	[bflag:$0x0] =	sbarrier.arrive $0xFFFF  }
0xc2: {  	_ =	strace $0x90000053  }
0xc3: {  	s0 =	stileid.u32;
	[bflag:$0x2] =	sbarrier.arrive $0xFFFF  }
0xc4: {  	p0 =	sne.s32 s0, $0x0;
	s0 =	rddreg [dreg:$0x2]  }
0xc5: {  	s0 =	sadd.s32 @!p0 $0x100000, s0  }
0xc6: {  	[sflag:s0] =	ssyncadd.tile.s32 @!p0 $0x1;
	_ =	shalt  }
.Lfunc_end2:
_tile_overlayer_lowered:
.L_overlay_start_2:
0xc7: {  	(tag) =	ssettag $0x2  }
0xc8: {  	s0 =	rddreg [dreg:$0x0];
	s2 =	stileid.u32  }
0xc9: {  	s1 =	rddreg [dreg:$0x1];
	p0 =	sne.s32 s2, $0x0  }
0xca: {  	s3 =	rddreg [dreg:$0x2];
	[bflag:$0x3] =	sbarrier.arrive $0xFFFF;
	s2 =	simm.s32 @!p0 $0x1C04  }
0xcb: {  	[timem:s3], [sflag:s2] =	dma.local @!p0 [hbm:s0], s1  }
0xcc: {  	s0 =	simm.s32 @!p0 $0x4  }
0xcd: {  	_ =	swait.ge @!p0 [sflag:s0], s1  }
0xce: {  	s1 =	ssub.s32 @!p0 $0x0, s1;
	[sflag:s0] =	ssyncset.done @!p0 $0x0  }
0xcf: {  	[sflag:s0] =	ssyncadd.s32 @!p0 s1  }
0xd0: {  	[bflag:$0x3] =	sbarrier.arrive $0xFFFF  }
0xd1: {  	_ =	shalt  }

// kernel: kernel.28.cloned.1.call-start
scs
__scs_entry_jumppad:
0x0: {  	(pc) =	sbr.rel $0x88, $3  }
0x1: {  	(tag) =	ssettag $0x0;
	lr =	simm.s32 $0x1  }
0x2: {  	[smem:$0x3F94] =	sst lr;
	_ =	strace $0xD0000000  }
0x3: {  	_ = 	snop  }
0x4: {  	_ = 	snop  }
0x5: {  	_ = 	snop  }
0x6: {  	_ = 	snop  }
0x7: {  	_ = 	snop  }
__scs_overlays_trampoline_lowered:
0x8: {  	[smem:$0x3FA3] =	sst s0  }
0x9: {  	[smem:$0x3FA4] =	sst s1  }
0xa: {  	[smem:$0x3FA5] =	sst s2  }
0xb: {  	[smem:$0x3FA6] =	sst s3  }
0xc: {  	[smem:$0x3FA7] =	sst s4  }
0xd: {  	[smem:$0x3FA8] =	sst s5  }
0xe: {  	[smem:$0x3FA9] =	sst s6  }
0xf: {  	[smem:$0x3FAA] =	sst s7  }
0x10: {  	[smem:$0x3FAB] =	sst s8  }
0x11: {  	[smem:$0x3FAC] =	sst s9;
	s0 =	simm.s32 @!p0 $0x0  }
0x12: {  	s1 =	sld [smem:$0x3F92];
	s0 =	simm.s32 @p0 $0x1  }
0x13: {  	[smem:$0x3FAD] =	sst s0;
	s0 =	simm.s32 @!p1 $0x0  }
0x14: {  	s2 =	sld [smem:$0x3F91];
	s0 =	simm.s32 @p1 $0x1  }
0x15: {  	[smem:$0x3FAE] =	sst s0;
	s0 =	simm.s32 @!p2 $0x0  }
0x16: {  	s3 =	sld [smem:$0x3FDB];
	s0 =	simm.s32 @p2 $0x1  }
0x17: {  	s4 =	simm.s32 $0x1BF5;
	[smem:$0x3FB0] =	sst s0  }
0x18: {  	s0 =	sld [smem:$0x3F93];
	_ =	swait.ge [sflag:s4], $0x0  }
0x19: {  	s7 =	sld [smem:$0x3F94]  }
0x1a: {  	s8 =	sadd.s32 $0xFFFFE003, lr  }
0x1b: {  	s9 =	sadd.s32 $0xFFFFFEF7, lr;
	s5 =	simm.s32 $0xFFFFFFFF;
	p2 =	slt.u32 s8, $0xFFFFF086  }
0x1c: {  	p1 =	slt.u32 s9, $0xF7A;
	s5 =	simm.s32 @!p2 $0x0  }
0x1d: {  	s5 =	simm.s32 @p1 $0x1;
	p0 =	seq.s32 s7, s2  }
0x1e: {  	s7 =	smul.u32 @!p0 $0xF7A, s2;
	p2 =	seq.s32 @!p0 s5, $0x0  }
0x1f: {  	s9 =	smul.u32 $0xF7A, s1;
	s8 =	simm.s32 @!p0 $0x1BF5;
	p2 =	por !p2, p0  }
0x20: {  	[sflag:s8] =	ssyncset.s32 @!p0 $0xFFFFF086;
	s6 =	sadd.s32 @!p0 s3, s7;
	s7 =	simm.s32 @!p0 $0x108  }
0x21: {  	s3 =	sadd.s32 s3, s9;
	s6 =	sadd.s32 @!p0 $0x88, s6;
	s7 =	simm.s32 @p2 $0x1082  }
0x22: {  	[simem:s7], [sflag:s8] =	dma.local @!p0 [hbm:s6], $0xF7A  }
0x23: {  	s9 =	sor.u32 $0xD0000000, s2;
	s6 =	simm.s32 $0x108;
	_ =	swait.ge @!p0 [sflag:s8], $0x0  }
0x24: {  	s3 =	sadd.s32 $0x88, s3;
	s6 =	simm.s32 @!p1 $0x1082;
	[sflag:s4] =	ssyncset.s32 $0xFFFFF086  }
0x25: {  	[simem:s6], [sflag:s4] =	dma.local [hbm:s3], $0xF7A  }
0x26: {  	[smem:$0x3F94] =	sst s1;
	(tag) =	ssettag s2;
	_ =	strace s9  }
0x27: {  	s1 =	sld [smem:$0x3FA4]  }
0x28: {  	s2 =	sld [smem:$0x3FA5]  }
0x29: {  	s4 =	sld [smem:$0x3FA7]  }
0x2a: {  	p0 =	seq.s32 s5, $0x0;
	s5 =	sld [smem:$0x3FA8]  }
0x2b: {  	s6 =	sld [smem:$0x3FA9]  }
0x2c: {  	s7 =	sld [smem:$0x3FAA]  }
0x2d: {  	s3 =	simm.s32 $0x108;
	s8 =	sld [smem:$0x3FAB]  }
0x2e: {  	s3 =	simm.s32 @!p0 $0x1082;
	s9 =	sld [smem:$0x3FAC]  }
0x2f: {  	lr =	sadd.s32 s0, s3;
	s0 =	sld [smem:$0x3FA3]  }
0x30: {  	s3 =	sld [smem:$0x3FA6]  }
0x31: {  	[smem:$0x3FAF] =	sst s10  }
0x32: {  	s10 =	sld [smem:$0x3FAD];
	_ =	sdelay $0x3  }
0x33: {  	p0 =	seq.s32 s10, $0x1;
	s10 =	sld [smem:$0x3FAF];
	_ =	sdelay $0x3  }
0x34: {  	[smem:$0x3FAF] =	sst s10  }
0x35: {  	s10 =	sld [smem:$0x3FAE];
	_ =	sdelay $0x3  }
0x36: {  	p1 =	seq.s32 s10, $0x1;
	s10 =	sld [smem:$0x3FAF];
	_ =	sdelay $0x3  }
0x37: {  	[smem:$0x3FAF] =	sst s10  }
0x38: {  	s10 =	sld [smem:$0x3FB0]  }
0x39: {  	_ = 	snop;
	(pc) =	sbr.ind lr, $3  }
0x3a: {  	_ = 	snop  }
0x3b: {  	_ = 	snop  }
0x3c: {  	p2 =	seq.s32 s10, $0x1;
	s10 =	sld [smem:$0x3FAF]  }
0x3d: {  	_ =	shalt  }
0x3e: {  	_ =	shalt  }
0x3f: {  	_ =	shalt  }
0x40: {  	_ =	shalt  }
0x41: {  	_ =	shalt  }
0x42: {  	_ =	shalt  }
0x43: {  	_ =	shalt  }
0x44: {  	_ =	shalt  }
0x45: {  	_ =	shalt  }
0x46: {  	_ =	shalt  }
0x47: {  	_ =	shalt  }
0x48: {  	_ =	shalt  }
0x49: {  	_ =	shalt  }
0x4a: {  	_ =	shalt  }
0x4b: {  	_ =	shalt  }
0x4c: {  	_ =	shalt  }
0x4d: {  	_ =	shalt  }
0x4e: {  	_ =	shalt  }
0x4f: {  	_ =	shalt  }
0x50: {  	_ =	shalt  }
0x51: {  	_ =	shalt  }
0x52: {  	_ =	shalt  }
0x53: {  	_ =	shalt  }
0x54: {  	_ =	shalt  }
0x55: {  	_ =	shalt  }
0x56: {  	_ =	shalt  }
0x57: {  	_ =	shalt  }
0x58: {  	_ =	shalt  }
0x59: {  	_ =	shalt  }
0x5a: {  	_ =	shalt  }
0x5b: {  	_ =	shalt  }
0x5c: {  	_ =	shalt  }
0x5d: {  	_ =	shalt  }
0x5e: {  	_ =	shalt  }
0x5f: {  	_ =	shalt  }
0x60: {  	_ =	shalt  }
0x61: {  	_ =	shalt  }
0x62: {  	_ =	shalt  }
0x63: {  	_ =	shalt  }
0x64: {  	_ =	shalt  }
0x65: {  	_ =	shalt  }
0x66: {  	_ =	shalt  }
0x67: {  	_ =	shalt  }
0x68: {  	_ =	shalt  }
0x69: {  	_ =	shalt  }
0x6a: {  	_ =	shalt  }
0x6b: {  	_ =	shalt  }
0x6c: {  	_ =	shalt  }
0x6d: {  	_ =	shalt  }
0x6e: {  	_ =	shalt  }
0x6f: {  	_ =	shalt  }
0x70: {  	_ =	shalt  }
0x71: {  	_ =	shalt  }
0x72: {  	_ =	shalt  }
0x73: {  	_ =	shalt  }
0x74: {  	_ =	shalt  }
0x75: {  	_ =	shalt  }
0x76: {  	_ =	shalt  }
0x77: {  	_ =	shalt  }
0x78: {  	_ =	shalt  }
0x79: {  	_ =	shalt  }
0x7a: {  	_ =	shalt  }
0x7b: {  	_ =	shalt  }
0x7c: {  	_ =	shalt  }
0x7d: {  	_ =	shalt  }
0x7e: {  	_ =	shalt  }
0x7f: {  	_ =	shalt  }
0x80: {  	_ =	shalt  }
0x81: {  	_ =	shalt  }
0x82: {  	_ =	shalt  }
0x83: {  	_ =	shalt  }
0x84: {  	_ =	shalt  }
0x85: {  	_ =	shalt  }
0x86: {  	_ =	shalt  }
0x87: {  	_ =	shalt  }
.Lfunc_end0:
.L_simem_size_0:
called_computation.5_lowered:
.L_overlay_start_0:
0x88: {  	s2 =	sld [smem:$0x3FD9]  }
0x89: {  	s3 =	sld [smem:$0x3FFE];
	_ =	sdelay $0x1  }
0x8a: {  	s1 =	srdreg.scid  }
0x8b: {  	s0 =	sand.u32 $0x1, s1  }
0x8c: {  	s16 =	sshll.u32 s0, $0xA;
	s2 =	sadd.s32 s3, s2  }
0x8d: {  	s2 =	sadd.s32 s2, s16  }
0x8e: {  	[smem:$0x3FBB] =	sst s2  }
0x8f: {  	_ = 	snop  }
0x90: {  	(tm) =	ssettm $0x1  }
0x91: {  	s17 =	sld [smem:$0x3FFB];
	_ =	sdelay $0x3  }
0x92: {  	_ =	strace s17  }
0x93: {  	s2 =	sld [smem:$0x3FFC];
	_ =	sdelay $0x3  }
0x94: {  	_ =	strace s2  }
0x95: {  	s2 =	sld [smem:$0x3FFD];
	_ =	sdelay $0x3  }
0x96: {  	_ =	strace s2  }
0x97: {  	_ =	strace $0x8FFFFFFF  }
0x98: {  	s18 =	sld [smem:$0x3FDB];
	_ =	sdelay $0x1  }
0x99: {  	s19 =	simm.s32 $_scs_section_size  }
0x9a: {  	s4 =	simm.s32 $_size__tile_overlayer_lowered;
	s5 =	simm.s32 $_tile_overlayer_lowered  }
0x9b: {  	s22 =	simm.s32 $0x1BFF;
	s21 =	sshll.u32 s5, $0x1;
	s2 =	sadd.s32 s19, s18  }
0x9c: {  	s6 =	simm.s32 $0x0;
	s20 =	sshll.u32 s4, $0x1;
	s4 =	sadd.s32 s21, s2  }
0x9d: {  	[timem:s6], [sflag:s22] =	dma.local [hbm:s4], s20  }
0x9e: {  	_ =	swait.ge [sflag:s22], s20  }
0x9f: {  	s3 =	ssub.s32 $0x0, s20;
	[sflag:s22] =	ssyncset.done $0x0  }
0xa0: {  	[sflag:s22] =	ssyncadd.s32 s3;
	_ =	sdelay $0x1  }
0xa1: {  	s23 =	simm.s32 $0x1B8B  }
0xa2: {  	_ =	swait.ge [sflag:s23], $0x1  }
0xa3: {  	[sflag:s23] =	ssyncset.done $0x0  }
0xa4: {  	s25 =	simm.s32 $0x1B8E;
	s24 =	sld [smem:$0x3FFE];
	[sflag:s23] =	ssyncadd.s32 $0xFFFFFFFF  }
0xa5: {  	s26 =	simm.s32 $execute0_lowered;
	[smem:$0x3FD2] =	sst s25  }
0xa6: {  	s4 =	sshll.u32 s26, $0x1;
	_ =	strace $0x80000055;
	[dreg:$0x1] =	wrdreg $0xFFFFFFFF  }
0xa7: {  	s28 =	simm.s32 $_size_execute0_lowered;
	s2 =	sadd.s32 s2, s4;
	[dreg:$0x0] =	wrdreg $0x0  }
0xa8: {  	s4 =	sshll.u32 s28, $0x1;
	[dreg:$0x2] =	wrdreg s2  }
0xa9: {  	[dreg:$0x3] =	wrdreg s4  }
0xaa: {  	[dreg:$0x4] =	wrdreg $0xC0  }
0xab: {  	_ =	task [dreg:s6], $0x5FFFF  }
0xac: {  	[dreg:$0x1] =	wrdreg $0xFFFFFFFF  }
0xad: {  	[dreg:$0x0] =	wrdreg $0x60  }
0xae: {  	[dreg:$0x2] =	wrdreg s24  }
0xaf: {  	[dreg:$0x3] =	wrdreg $0x81000  }
0xb0: {  	[dreg:$0x4] =	wrdreg $0x9  }
0xb1: {  	_ =	task.clear_ibuf [dreg:s6], $0x5FFFF;
	_ =	strace $0x90000055  }
0xb2: {  	s29 =	simm.s32 $0x9;
	_ =	strace $0x80000057  }
0xb3: {  	_ =	swait.ge [sflag:s29], $0x1  }
0xb4: {  	[sflag:s29] =	ssyncadd.s32 $0xFFFFFFFF  }
0xb5: {  	_ =	strace $0x90000057  }
0xb6: {  	_ =	sfence  }
0xb7: {  	s30 =	sld [smem:$0x0];
	_ =	sdelay $0x2  }
0xb8: {  	s31 =	sshll.u32 s1, $0xD;
	s1 =	sshrl.u32 s1, $0x2  }
0xb9: {  	s3 =	sand.u32 $0x4000, s31;
	s1 =	sadd.s32 s1, s30  }
0xba: {  	s0 =	sor.u32 s3, s0;
	s1 =	sshll.u32 s1, $0x11  }
0xbb: {  	s0 =	sor.u32 s1, s0  }
0xbc: {  	s0 =	sadd.s32 $0x8F2B, s0  }
0xbd: {  	[sflag:s0] =	ssyncadd.remote.s32 $0x1  }
0xbe: {  	_ =	sfence.sel $0xFFFF  }
0xbf: {  	[dreg:$0x0] =	wrdreg $0xFFFFFFFF;
	(pc) =	sbr.abs _section_cstart, $3  }
0xc0: {  	[dreg:$0x1] =	wrdreg $0xFFFFFFFF  }
0xc1: {  	_ =	task.clear_ibuf [dreg:s6], $0x2FFFF;
	_ =	strace $0x9FFFFFFF  }
0xc2: {  	(tm) =	ssettm $0x7FFFFFFF  }
0xc3: {  	_ =	shalt  }
tec
execute0_lowered:
.L_overlay_start_1:
0x0: {  	(tag) =	ssettag $0x1  }
0x1: {  	s1 =	rddreg [dreg:$0x0]  }
0x2: {  	s0 =	rddreg [dreg:$0x1];
	s2 =	srdreg.scid  }
0x3: {  	s24 =	stileid.u32;
	s31 =	simm.s32 $0x4;
	s3 =	sadd.s32 $0x68E00, s1  }
0x4: {  	s4 =	sadd.s32 $0x5A00, s1;
	s8 =	smul.u32 $0x500, s24;
	s9 =	sor.u32 $0x10, s24  }
0x5: {  	s5 =	sand.u32 $0x1, s2;
	s10 =	sor.u32 $0x20, s24;
	s26 =	smul.u32 $0x500, s9  }
0x6: {  	s1 =	sadd.s32 $0x90000, s1;
	s16 =	sor.u32 $0x30, s24;
	s12 =	smul.u32 $0x500, s10  }
0x7: {  	s17 =	sor.u32 $0x40, s24;
	s18 =	sor.u32 $0x50, s24;
	s13 =	smul.u32 $0x500, s16  }
0x8: {  	s20 =	sor.u32 $0x60, s24;
	s21 =	sshll.u32 s24, $0x4;
	s15 =	smul.u32 $0x500, s17  }
0x9: {  	s23 =	sor.u32 $0x70, s24;
	s2 =	sshll.u32 s2, $0x8;
	s19 =	smul.u32 $0x500, s18  }
0xa: {  	s6 =	ssub.s32 $0x2, s5;
	s11 =	sshll.u32 s5, $0x4;
	s22 =	smul.u32 $0x500, s20  }
0xb: {  	s5 =	sshll.u32 s5, $0xF;
	s2 =	sor.u32 s21, s2;
	p0 =	sgt.u32 s23, $0x7C  }
0xc: {  	s7 =	sshrl.u32 s6, $0x1;
	s11 =	sor.u32 s24, s11;
	s8 =	sadd.s32 s3, s8  }
0xd: {  	s2 =	sand.u32 $0x180, s2;
	s6 =	ssub.s32 s6, s7;
	s14 =	sshll.u32 s11, $0x4  }
0xe: {  	[dreg:$0x3] =	wrdreg s8;
	s7 =	sadd.s32 s3, s26;
	s12 =	sadd.s32 s3, s12  }
0xf: {  	s25 =	sadd.s32 s3, s13;
	s26 =	sadd.s32 s3, s15;
	s13 =	sadd.s32 s3, s22  }
0x10: {  	s15 =	sand.u32 $0x70, s21;
	s22 =	sshll.u32 s24, $0xB;
	[dreg:$0x4] =	wrdreg s7  }
0x11: {  	s2 =	sadd.s32 s2, s4;
	s8 =	smul.u32 $0xA000, s9;
	[dreg:$0x5] =	wrdreg s12  }
0x12: {  	s21 =	sshll.u32 s24, $0x6;
	s14 =	sand.u32 $0x180, s14;
	[dreg:$0x6] =	wrdreg s25  }
0x13: {  	s7 =	smul.u32 $0x500, s23;
	[dreg:$0x7] =	wrdreg s26;
	s12 =	sadd.s32 s3, s19  }
0x14: {  	[dreg:$0x9] =	wrdreg s13;
	s19 =	sshll.u32 s11, $0xB;
	s25 =	sadd.s32 s4, s15  }
0x15: {  	s13 =	simm.s32 $0x0;
	[dreg:$0x8] =	wrdreg s12;
	s11 =	sadd.s32 s1, s19  }
0x16: {  	s1 =	sadd.s32 s5, s1;
	s5 =	sadd.s32 s14, s25;
	s12 =	smul.u32 $0xA000, s10  }
0x17: {  	s26 =	sor.u32 s14, s15;
	s14 =	sadd.s32 s15, s2;
	s15 =	smul.u32 $0xA000, s16  }
0x18: {  	s6 =	smax.u32 s6, $0x1;
	[smem:$0x7FF] =	sst s13;
	s19 =	smul.u32 $0xA000, s17  }
0x19: {  	s2 =	sshrl.u32 s8, $0x2;
	s16 =	sor.u32 $0x1C04, s21;
	s25 =	smul.u32 $0xA000, s23  }
0x1a: {  	s3 =	sadd.s32 s3, s7;
	s1 =	sadd.s32 s22, s1;
	s7 =	smul.u32 $0xA000, s24  }
0x1b: {  	[dreg:$0xb] =	wrdreg s5;
	s5 =	sadd.s32 s4, s26;
	s22 =	smul.u32 $0xA000, s18  }
0x1c: {  	s2 =	sadd.s32 s2, s0;
	s24 =	smul.u32 $0xA000, s20;
	s29 =	sadd.s32 $0x10000, s11  }
0x1d: {  	s18 =	smov.u32 s11;
	s30 =	sadd.s32 $0x4F0000, s11;
	s11 =	simm.s32 $0x80  }
0x1e: {  	[dreg:$0xa] =	wrdreg s3;
	s4 =	sshrl.u32 s12, $0x2;
	s10 =	sshrl.u32 s25, $0x2  }
0x1f: {  	s26 =	sadd.s32 $0x200, s5;
	s5 =	sadd.s32 $0x400, s5;
	s12 =	sadd.s32 $0x20000, s1  }
0x20: {  	s21 =	sshrl.u32 s2, $0x3;
	s1 =	simm.s32 $0x1;
	s2 =	simm.s32 $0x100  }
0x21: {  	_ =	strace $0x80000056;
	s9 =	sshrl.u32 s7, $0x2;
	[dreg:$0xc] =	wrdreg s6  }
0x22: {  	s6 =	sshrl.u32 s15, $0x2;
	s7 =	sshrl.u32 s19, $0x2;
	s4 =	sadd.s32 s4, s0  }
0x23: {  	s8 =	sshrl.u32 s22, $0x2;
	s10 =	sadd.s32 s10, s0;
	[dreg:$0xd] =	wrdreg s26  }
0x24: {  	[dreg:$0xe] =	wrdreg s5;
	s5 =	simm.s32 $0x2;
	s3 =	sadd.s32 s9, s0  }
0x25: {  	s6 =	sadd.s32 s6, s0;
	s7 =	sadd.s32 s7, s0;
	s9 =	sshrl.u32 s24, $0x2  }
0x26: {  	s8 =	sadd.s32 s8, s0;
	s22 =	sshrl.u32 s4, $0x3;
	s28 =	sshrl.u32 @!p0 s10, $0x3  }
0x27: {  	s4 =	simm.s32 $0x3;
	s9 =	sadd.s32 s9, s0;
	s20 =	sshrl.u32 s3, $0x3  }
0x28: {  	s23 =	sshrl.u32 s6, $0x3;
	s24 =	sshrl.u32 s7, $0x3;
	s25 =	sshrl.u32 s8, $0x3  }
0x29: {  	s3 =	simm.s32 $0x4100;
	s6 =	simm.s32 $0x0;
	s26 =	sshrl.u32 s9, $0x3  }
.LBB2_1:
0x2a: {  	s7 =	rddreg [dreg:$0x3]  }
0x2b: {  	[spmem:s20], [sflag:s16] =	dma.local [hbm:s7], $0x500  }
0x2c: {  	_ =	swait.ge [sflag:s31], $0x500  }
0x2d: {  	[sflag:s31] =	ssyncset.done $0x0  }
0x2e: {  	s8 =	rddreg [dreg:$0x4];
	[sflag:s31] =	ssyncadd.s32 $0xFFFFFB00  }
0x2f: {  	[spmem:s21], [sflag:s16] =	dma.local [hbm:s8], $0x500  }
0x30: {  	_ =	swait.ge [sflag:s31], $0x500  }
0x31: {  	[sflag:s31] =	ssyncset.done $0x0  }
0x32: {  	s9 =	rddreg [dreg:$0x5];
	[sflag:s31] =	ssyncadd.s32 $0xFFFFFB00  }
0x33: {  	[spmem:s22], [sflag:s16] =	dma.local [hbm:s9], $0x500  }
0x34: {  	_ =	swait.ge [sflag:s31], $0x500  }
0x35: {  	[sflag:s31] =	ssyncset.done $0x0  }
0x36: {  	s10 =	rddreg [dreg:$0x6];
	[sflag:s31] =	ssyncadd.s32 $0xFFFFFB00  }
0x37: {  	[spmem:s23], [sflag:s16] =	dma.local [hbm:s10], $0x500  }
0x38: {  	_ =	swait.ge [sflag:s31], $0x500  }
0x39: {  	[sflag:s31] =	ssyncset.done $0x0  }
0x3a: {  	s15 =	rddreg [dreg:$0x7];
	[sflag:s31] =	ssyncadd.s32 $0xFFFFFB00  }
0x3b: {  	[spmem:s24], [sflag:s16] =	dma.local [hbm:s15], $0x500  }
0x3c: {  	_ =	swait.ge [sflag:s31], $0x500  }
0x3d: {  	[sflag:s31] =	ssyncset.done $0x0  }
0x3e: {  	s17 =	rddreg [dreg:$0x8];
	[sflag:s31] =	ssyncadd.s32 $0xFFFFFB00  }
0x3f: {  	[spmem:s25], [sflag:s16] =	dma.local [hbm:s17], $0x500  }
0x40: {  	_ =	swait.ge [sflag:s31], $0x500  }
0x41: {  	[sflag:s31] =	ssyncset.done $0x0  }
0x42: {  	s19 =	rddreg [dreg:$0x9];
	[sflag:s31] =	ssyncadd.s32 $0xFFFFFB00  }
0x43: {  	[spmem:s26], [sflag:s16] =	dma.local [hbm:s19], $0x500  }
0x44: {  	_ =	swait.ge [sflag:s31], $0x500  }
0x45: {  	[sflag:s31] =	ssyncset.done $0x0  }
0x46: {  	s7 =	rddreg [dreg:$0xa];
	[sflag:s31] =	ssyncadd.s32 $0xFFFFFB00  }
0x47: {  	[spmem:s28], [sflag:s16] =	dma.local @!p0 [hbm:s7], $0x500  }
0x48: {  	s7 =	simm.s32 @!p0 $0x4  }
0x49: {  	_ =	swait.ge @!p0 [sflag:s7], $0x500  }
0x4a: {  	[sflag:s7] =	ssyncset.done @!p0 $0x0  }
0x4b: {  	[sflag:s7] =	ssyncadd.s32 @!p0 $0xFFFFFB00  }
0x4c: {  	[bflag:$0x0] =	sbarrier.arrive $0xFFFF  }
0x4d: {  	s8 =	rddreg [dreg:$0xb]  }
0x4e: {  	[tilespmem:s13], [sflag:$0x1] =	stream.linear.gather [hbm4b:s8+s13], $0x80, $0x38;
	[tilespmem:$0x1B980] =	vst v63  }
0x4f: {  	s9 =	rddreg [dreg:$0xd]  }
0x50: {  	[tilespmem:s11], [sflag:$0x1] =	stream.linear.gather [hbm4b:s9+s13], $0x80, $0x38;
	[tilespmem:$0x1B980] =	vst v63  }
0x51: {  	_ =	swait.ge [sflag:s1], $0x80  }
0x52: {  	[sflag:s1] =	ssyncset.done $0x0  }
0x53: {  	[sflag:s1] =	ssyncadd.s32 $0xFFFFFF80  }
0x54: {  	[tilespmem:s2], [sflag:$0x2] =	stream.indirect.gather [spmem:s0], $0x80, s13, s11, $0xb8;
	[tilespmem:$0x1B980] =	vst v63  }
0x55: {  	_ =	swait.ge [sflag:s5], $0x4000  }
0x56: {  	[sflag:s5] =	ssyncset.done $0x0  }
0x57: {  	[sflag:s5] =	ssyncadd.s32 $0xFFFFC000  }
0x58: {  	[hbm4b:s18+s13] =	stream.linear.scatter [tilespmem:s2], [sflag:$0x3], $0x4000, $0x38;
	[tilespmem:$0x1B980] =	vst v63  }
0x59: {  	s10 =	rddreg [dreg:$0xe]  }
0x5a: {  	[tilespmem:s13], [sflag:$0x1] =	stream.linear.gather [hbm4b:s10+s13], $0x80, $0x38;
	[tilespmem:$0x1B980] =	vst v63  }
0x5b: {  	_ =	swait.ge [sflag:s1], $0x80  }
0x5c: {  	[sflag:s1] =	ssyncset.done $0x0  }
0x5d: {  	[sflag:s1] =	ssyncadd.s32 $0xFFFFFF80  }
0x5e: {  	[tilespmem:s3], [sflag:$0x2] =	stream.indirect.gather [spmem:s0], $0x80, s11, s11, $0xb8;
	[tilespmem:$0x1B980] =	vst v63  }
0x5f: {  	_ =	swait.ge [sflag:s5], $0x4000  }
0x60: {  	s15 =	simm.s32 $0x600;
	[sflag:s5] =	ssyncset.done $0x0  }
0x61: {  	s7 =	sand.u32 $0x200, s15;
	[sflag:s5] =	ssyncadd.s32 $0xFFFFC000  }
0x62: {  	[hbm4b:s29+s13] =	stream.linear.scatter [tilespmem:s3], [sflag:$0x3], $0x4000, $0x38;
	[tilespmem:$0x1B980] =	vst v63  }
0x63: {  	s7 =	sshrl.u32 s7, $0x2;
	s8 =	sadd.s32 $0x600, s14  }
0x64: {  	[tilespmem:s7], [sflag:$0x1] =	stream.linear.gather [hbm4b:s8+s13], $0x80, $0x38;
	[tilespmem:$0x1B980] =	vst v63  }
0x65: {  	_ =	swait.ge [sflag:s1], $0x80  }
0x66: {  	[sflag:s1] =	ssyncset.done $0x0  }
0x67: {  	[sflag:s1] =	ssyncadd.s32 $0xFFFFFF80  }
0x68: {  	s17 =	sand.u32 $0x1, s5;
	_ =	swait.ge [sflag:s4], $0x4000  }
0x69: {  	s19 =	sshll.u32 s17, $0xE;
	[sflag:s4] =	ssyncset.done $0x0  }
0x6a: {  	s10 =	sor.u32 $0x100, s19;
	s7 =	sshll.u32 s17, $0x7;
	[sflag:s4] =	ssyncadd.s32 $0xFFFFC000  }
0x6b: {  	[tilespmem:s10], [sflag:$0x2] =	stream.indirect.gather [spmem:s0], $0x80, s7, s11, $0xb8;
	[tilespmem:$0x1B980] =	vst v63  }
0x6c: {  	_ =	swait.ge [sflag:s5], $0x4000  }
0x6d: {  	s9 =	simm.s32 $0x800;
	s19 =	smov.u32 s12;
	[sflag:s5] =	ssyncset.done $0x0  }
0x6e: {  	s8 =	sadd.s32 $0x10000, s12;
	s7 =	simm.s32 $0x3;
	[sflag:s5] =	ssyncadd.s32 $0xFFFFC000  }
.LBB2_2:
0x6f: {  	[hbm4b:s19+s13] =	stream.linear.scatter [tilespmem:s10], [sflag:$0x3], $0x4000, $0x38;
	[tilespmem:$0x1B980] =	vst v63  }
0x70: {  	s10 =	smov.u32 s7;
	s19 =	smov.u32 s8  }
0x71: {  	s15 =	sand.u32 $0x200, s9;
	p1 =	sne.s32 s7, $0x4E;
	s7 =	sadd.s32 $0x1, s7  }
0x72: {  	s17 =	sadd.s32 s9, s14;
	s15 =	sshrl.u32 s15, $0x2  }
0x73: {  	[tilespmem:s15], [sflag:$0x1] =	stream.linear.gather [hbm4b:s17+s13], $0x80, $0x38;
	[tilespmem:$0x1B980] =	vst v63  }
0x74: {  	_ =	swait.ge [sflag:s1], $0x80  }
0x75: {  	[sflag:s1] =	ssyncset.done $0x0  }
0x76: {  	[sflag:s1] =	ssyncadd.s32 $0xFFFFFF80  }
0x77: {  	s10 =	sand.u32 $0x1, s10;
	_ =	swait.ge [sflag:s4], $0x4000  }
0x78: {  	s15 =	sshll.u32 s10, $0xE;
	s17 =	sshll.u32 s10, $0x7;
	[sflag:s4] =	ssyncset.done $0x0  }
.Ltmp0:
0x79: {  	s10 =	sor.u32 $0x100, s15;
	[sflag:s4] =	ssyncadd.s32 $0xFFFFC000;
	(pc) =	sbr.rel @p1 .LBB2_2-.Ltmp0, $4  }
0x7a: {  	[tilespmem:s10], [sflag:$0x2] =	stream.indirect.gather [spmem:s0], $0x80, s17, s11, $0xb8;
	[tilespmem:$0x1B980] =	vst v63  }
0x7b: {  	_ =	swait.ge [sflag:s5], $0x4000  }
0x7c: {  	[sflag:s5] =	ssyncset.done $0x0  }
0x7d: {  	s8 =	sadd.s32 $0x10000, s8;
	s9 =	sadd.s32 $0x200, s9;
	[sflag:s5] =	ssyncadd.s32 $0xFFFFC000  }
0x7e: {  	[hbm4b:s19+s13] =	stream.linear.scatter [tilespmem:s10], [sflag:$0x3], $0x4000, $0x38;
	[tilespmem:$0x1B980] =	vst v63  }
0x7f: {  	_ =	swait.ge [sflag:s1], $0x80  }
0x80: {  	[sflag:s1] =	ssyncset.done $0x0  }
0x81: {  	[sflag:s1] =	ssyncadd.s32 $0xFFFFFF80  }
0x82: {  	_ =	swait.ge [sflag:s4], $0x4000  }
0x83: {  	[sflag:s4] =	ssyncset.done $0x0  }
0x84: {  	[sflag:s4] =	ssyncadd.s32 $0xFFFFC000  }
0x85: {  	[tilespmem:s3], [sflag:$0x2] =	stream.indirect.gather [spmem:s0], $0x80, s11, s11, $0xb8;
	[tilespmem:$0x1B980] =	vst v63  }
0x86: {  	_ =	swait.ge [sflag:s5], $0x4000  }
0x87: {  	[sflag:s5] =	ssyncset.done $0x0  }
0x88: {  	[sflag:s5] =	ssyncadd.s32 $0xFFFFC000  }
0x89: {  	[hbm4b:s30+s13] =	stream.linear.scatter [tilespmem:s3], [sflag:$0x3], $0x4000, $0x38;
	[tilespmem:$0x1B980] =	vst v63  }
0x8a: {  	_ =	swait.ge [sflag:s4], $0x4000  }
0x8b: {  	[sflag:s4] =	ssyncset.done $0x0  }
0x8c: {  	[sflag:s4] =	ssyncadd.s32 $0xFFFFC000  }
0x8d: {  	_ =	swait.ge [sflag:s4], $0x4000  }
0x8e: {  	s6 =	sadd.s32 $0x1, s6;
	s7 =	rddreg [dreg:$0xc]  }
0x8f: {  	p1 =	sne.s32 s6, s7  }
.Ltmp1:
0x90: {  	_ = 	snop;
	(pc) =	sbr.rel @p1 .LBB2_1-.Ltmp1, $3  }
0x91: {  	_ =	sdelay $0x1  }
0x92: {  	[sflag:s4] =	ssyncset.done $0x0  }
0x93: {  	[sflag:s4] =	ssyncadd.s32 $0xFFFFC000  }
0x94: {  	_ =	sfence.sel $0x180000  }
0x95: {  	[bflag:$0x0] =	sbarrier.arrive $0xFFFF  }
0x96: {  	_ =	strace $0x90000056  }
0x97: {  	s0 =	stileid.u32;
	[bflag:$0x2] =	sbarrier.arrive $0xFFFF  }
0x98: {  	p0 =	sne.s32 s0, $0x0;
	s0 =	rddreg [dreg:$0x2]  }
0x99: {  	s0 =	sadd.s32 @!p0 $0x100000, s0  }
0x9a: {  	[sflag:s0] =	ssyncadd.tile.s32 @!p0 $0x1;
	_ =	shalt  }
.Lfunc_end2:
_tile_overlayer_lowered:
.L_overlay_start_2:
0x9b: {  	(tag) =	ssettag $0x2  }
0x9c: {  	s0 =	rddreg [dreg:$0x0];
	s2 =	stileid.u32  }
0x9d: {  	s1 =	rddreg [dreg:$0x1];
	p0 =	sne.s32 s2, $0x0  }
0x9e: {  	s3 =	rddreg [dreg:$0x2];
	[bflag:$0x3] =	sbarrier.arrive $0xFFFF;
	s2 =	simm.s32 @!p0 $0x1C04  }
0x9f: {  	[timem:s3], [sflag:s2] =	dma.local @!p0 [hbm:s0], s1  }
0xa0: {  	s0 =	simm.s32 @!p0 $0x4  }
0xa1: {  	_ =	swait.ge @!p0 [sflag:s0], s1  }
0xa2: {  	s1 =	ssub.s32 @!p0 $0x0, s1;
	[sflag:s0] =	ssyncset.done @!p0 $0x0  }
0xa3: {  	[sflag:s0] =	ssyncadd.s32 @!p0 s1  }
0xa4: {  	[bflag:$0x3] =	sbarrier.arrive $0xFFFF  }
0xa5: {  	_ =	shalt  }

// kernel: kernel.31.cloned.1.call-start
scs
__scs_entry_jumppad:
0x0: {  	(pc) =	sbr.rel $0x88, $3  }
0x1: {  	(tag) =	ssettag $0x0;
	lr =	simm.s32 $0x1  }
0x2: {  	[smem:$0x3F94] =	sst lr;
	_ =	strace $0xD0000000  }
0x3: {  	_ = 	snop  }
0x4: {  	_ = 	snop  }
0x5: {  	_ = 	snop  }
0x6: {  	_ = 	snop  }
0x7: {  	_ = 	snop  }
__scs_overlays_trampoline_lowered:
0x8: {  	[smem:$0x3FA3] =	sst s0  }
0x9: {  	[smem:$0x3FA4] =	sst s1  }
0xa: {  	[smem:$0x3FA5] =	sst s2  }
0xb: {  	[smem:$0x3FA6] =	sst s3  }
0xc: {  	[smem:$0x3FA7] =	sst s4  }
0xd: {  	[smem:$0x3FA8] =	sst s5  }
0xe: {  	[smem:$0x3FA9] =	sst s6  }
0xf: {  	[smem:$0x3FAA] =	sst s7  }
0x10: {  	[smem:$0x3FAB] =	sst s8  }
0x11: {  	[smem:$0x3FAC] =	sst s9;
	s0 =	simm.s32 @!p0 $0x0  }
0x12: {  	s1 =	sld [smem:$0x3F92];
	s0 =	simm.s32 @p0 $0x1  }
0x13: {  	[smem:$0x3FAD] =	sst s0;
	s0 =	simm.s32 @!p1 $0x0  }
0x14: {  	s2 =	sld [smem:$0x3F91];
	s0 =	simm.s32 @p1 $0x1  }
0x15: {  	[smem:$0x3FAE] =	sst s0;
	s0 =	simm.s32 @!p2 $0x0  }
0x16: {  	s3 =	sld [smem:$0x3FDB];
	s0 =	simm.s32 @p2 $0x1  }
0x17: {  	s4 =	simm.s32 $0x1BF5;
	[smem:$0x3FB0] =	sst s0  }
0x18: {  	s0 =	sld [smem:$0x3F93];
	_ =	swait.ge [sflag:s4], $0x0  }
0x19: {  	s7 =	sld [smem:$0x3F94]  }
0x1a: {  	s8 =	sadd.s32 $0xFFFFE003, lr  }
0x1b: {  	s9 =	sadd.s32 $0xFFFFFEF7, lr;
	s5 =	simm.s32 $0xFFFFFFFF;
	p2 =	slt.u32 s8, $0xFFFFF086  }
0x1c: {  	p1 =	slt.u32 s9, $0xF7A;
	s5 =	simm.s32 @!p2 $0x0  }
0x1d: {  	s5 =	simm.s32 @p1 $0x1;
	p0 =	seq.s32 s7, s2  }
0x1e: {  	s7 =	smul.u32 @!p0 $0xF7A, s2;
	p2 =	seq.s32 @!p0 s5, $0x0  }
0x1f: {  	s9 =	smul.u32 $0xF7A, s1;
	s8 =	simm.s32 @!p0 $0x1BF5;
	p2 =	por !p2, p0  }
0x20: {  	[sflag:s8] =	ssyncset.s32 @!p0 $0xFFFFF086;
	s6 =	sadd.s32 @!p0 s3, s7;
	s7 =	simm.s32 @!p0 $0x108  }
0x21: {  	s3 =	sadd.s32 s3, s9;
	s6 =	sadd.s32 @!p0 $0x88, s6;
	s7 =	simm.s32 @p2 $0x1082  }
0x22: {  	[simem:s7], [sflag:s8] =	dma.local @!p0 [hbm:s6], $0xF7A  }
0x23: {  	s9 =	sor.u32 $0xD0000000, s2;
	s6 =	simm.s32 $0x108;
	_ =	swait.ge @!p0 [sflag:s8], $0x0  }
0x24: {  	s3 =	sadd.s32 $0x88, s3;
	s6 =	simm.s32 @!p1 $0x1082;
	[sflag:s4] =	ssyncset.s32 $0xFFFFF086  }
0x25: {  	[simem:s6], [sflag:s4] =	dma.local [hbm:s3], $0xF7A  }
0x26: {  	[smem:$0x3F94] =	sst s1;
	(tag) =	ssettag s2;
	_ =	strace s9  }
0x27: {  	s1 =	sld [smem:$0x3FA4]  }
0x28: {  	s2 =	sld [smem:$0x3FA5]  }
0x29: {  	s4 =	sld [smem:$0x3FA7]  }
0x2a: {  	p0 =	seq.s32 s5, $0x0;
	s5 =	sld [smem:$0x3FA8]  }
0x2b: {  	s6 =	sld [smem:$0x3FA9]  }
0x2c: {  	s7 =	sld [smem:$0x3FAA]  }
0x2d: {  	s3 =	simm.s32 $0x108;
	s8 =	sld [smem:$0x3FAB]  }
0x2e: {  	s3 =	simm.s32 @!p0 $0x1082;
	s9 =	sld [smem:$0x3FAC]  }
0x2f: {  	lr =	sadd.s32 s0, s3;
	s0 =	sld [smem:$0x3FA3]  }
0x30: {  	s3 =	sld [smem:$0x3FA6]  }
0x31: {  	[smem:$0x3FAF] =	sst s10  }
0x32: {  	s10 =	sld [smem:$0x3FAD];
	_ =	sdelay $0x3  }
0x33: {  	p0 =	seq.s32 s10, $0x1;
	s10 =	sld [smem:$0x3FAF];
	_ =	sdelay $0x3  }
0x34: {  	[smem:$0x3FAF] =	sst s10  }
0x35: {  	s10 =	sld [smem:$0x3FAE];
	_ =	sdelay $0x3  }
0x36: {  	p1 =	seq.s32 s10, $0x1;
	s10 =	sld [smem:$0x3FAF];
	_ =	sdelay $0x3  }
0x37: {  	[smem:$0x3FAF] =	sst s10  }
0x38: {  	s10 =	sld [smem:$0x3FB0]  }
0x39: {  	_ = 	snop;
	(pc) =	sbr.ind lr, $3  }
0x3a: {  	_ = 	snop  }
0x3b: {  	_ = 	snop  }
0x3c: {  	p2 =	seq.s32 s10, $0x1;
	s10 =	sld [smem:$0x3FAF]  }
0x3d: {  	_ =	shalt  }
0x3e: {  	_ =	shalt  }
0x3f: {  	_ =	shalt  }
0x40: {  	_ =	shalt  }
0x41: {  	_ =	shalt  }
0x42: {  	_ =	shalt  }
0x43: {  	_ =	shalt  }
0x44: {  	_ =	shalt  }
0x45: {  	_ =	shalt  }
0x46: {  	_ =	shalt  }
0x47: {  	_ =	shalt  }
0x48: {  	_ =	shalt  }
0x49: {  	_ =	shalt  }
0x4a: {  	_ =	shalt  }
0x4b: {  	_ =	shalt  }
0x4c: {  	_ =	shalt  }
0x4d: {  	_ =	shalt  }
0x4e: {  	_ =	shalt  }
0x4f: {  	_ =	shalt  }
0x50: {  	_ =	shalt  }
0x51: {  	_ =	shalt  }
0x52: {  	_ =	shalt  }
0x53: {  	_ =	shalt  }
0x54: {  	_ =	shalt  }
0x55: {  	_ =	shalt  }
0x56: {  	_ =	shalt  }
0x57: {  	_ =	shalt  }
0x58: {  	_ =	shalt  }
0x59: {  	_ =	shalt  }
0x5a: {  	_ =	shalt  }
0x5b: {  	_ =	shalt  }
0x5c: {  	_ =	shalt  }
0x5d: {  	_ =	shalt  }
0x5e: {  	_ =	shalt  }
0x5f: {  	_ =	shalt  }
0x60: {  	_ =	shalt  }
0x61: {  	_ =	shalt  }
0x62: {  	_ =	shalt  }
0x63: {  	_ =	shalt  }
0x64: {  	_ =	shalt  }
0x65: {  	_ =	shalt  }
0x66: {  	_ =	shalt  }
0x67: {  	_ =	shalt  }
0x68: {  	_ =	shalt  }
0x69: {  	_ =	shalt  }
0x6a: {  	_ =	shalt  }
0x6b: {  	_ =	shalt  }
0x6c: {  	_ =	shalt  }
0x6d: {  	_ =	shalt  }
0x6e: {  	_ =	shalt  }
0x6f: {  	_ =	shalt  }
0x70: {  	_ =	shalt  }
0x71: {  	_ =	shalt  }
0x72: {  	_ =	shalt  }
0x73: {  	_ =	shalt  }
0x74: {  	_ =	shalt  }
0x75: {  	_ =	shalt  }
0x76: {  	_ =	shalt  }
0x77: {  	_ =	shalt  }
0x78: {  	_ =	shalt  }
0x79: {  	_ =	shalt  }
0x7a: {  	_ =	shalt  }
0x7b: {  	_ =	shalt  }
0x7c: {  	_ =	shalt  }
0x7d: {  	_ =	shalt  }
0x7e: {  	_ =	shalt  }
0x7f: {  	_ =	shalt  }
0x80: {  	_ =	shalt  }
0x81: {  	_ =	shalt  }
0x82: {  	_ =	shalt  }
0x83: {  	_ =	shalt  }
0x84: {  	_ =	shalt  }
0x85: {  	_ =	shalt  }
0x86: {  	_ =	shalt  }
0x87: {  	_ =	shalt  }
.Lfunc_end0:
.L_simem_size_0:
called_computation.6_lowered:
.L_overlay_start_0:
0x88: {  	s2 =	sld [smem:$0x3FD9]  }
0x89: {  	s3 =	sld [smem:$0x3FFE];
	_ =	sdelay $0x1  }
0x8a: {  	s1 =	srdreg.scid  }
0x8b: {  	s0 =	sand.u32 $0x1, s1  }
0x8c: {  	s16 =	sshll.u32 s0, $0xA;
	s2 =	sadd.s32 s3, s2  }
0x8d: {  	s2 =	sadd.s32 s2, s16  }
0x8e: {  	[smem:$0x3FBB] =	sst s2  }
0x8f: {  	_ = 	snop  }
0x90: {  	(tm) =	ssettm $0x1  }
0x91: {  	s17 =	sld [smem:$0x3FFB];
	_ =	sdelay $0x3  }
0x92: {  	_ =	strace s17  }
0x93: {  	s2 =	sld [smem:$0x3FFC];
	_ =	sdelay $0x3  }
0x94: {  	_ =	strace s2  }
0x95: {  	s2 =	sld [smem:$0x3FFD];
	_ =	sdelay $0x3  }
0x96: {  	_ =	strace s2  }
0x97: {  	_ =	strace $0x8FFFFFFF  }
0x98: {  	s18 =	sld [smem:$0x3FDB];
	_ =	sdelay $0x1  }
0x99: {  	s19 =	simm.s32 $_scs_section_size  }
0x9a: {  	s4 =	simm.s32 $_size__tile_overlayer_lowered;
	s5 =	simm.s32 $_tile_overlayer_lowered  }
0x9b: {  	s22 =	simm.s32 $0x1BFF;
	s21 =	sshll.u32 s5, $0x1;
	s2 =	sadd.s32 s19, s18  }
0x9c: {  	s6 =	simm.s32 $0x0;
	s20 =	sshll.u32 s4, $0x1;
	s4 =	sadd.s32 s21, s2  }
0x9d: {  	[timem:s6], [sflag:s22] =	dma.local [hbm:s4], s20  }
0x9e: {  	_ =	swait.ge [sflag:s22], s20  }
0x9f: {  	s3 =	ssub.s32 $0x0, s20;
	[sflag:s22] =	ssyncset.done $0x0  }
0xa0: {  	[sflag:s22] =	ssyncadd.s32 s3;
	_ =	sdelay $0x1  }
0xa1: {  	s23 =	simm.s32 $0x1B8B  }
0xa2: {  	_ =	swait.ge [sflag:s23], $0x1  }
0xa3: {  	[sflag:s23] =	ssyncset.done $0x0  }
0xa4: {  	s25 =	simm.s32 $0x1B8E;
	s24 =	sld [smem:$0x3FFE];
	[sflag:s23] =	ssyncadd.s32 $0xFFFFFFFF  }
0xa5: {  	s26 =	simm.s32 $execute0_lowered;
	[smem:$0x3FD2] =	sst s25  }
0xa6: {  	s4 =	sshll.u32 s26, $0x1;
	_ =	strace $0x80000058;
	[dreg:$0x1] =	wrdreg $0xFFFFFFFF  }
0xa7: {  	s28 =	simm.s32 $_size_execute0_lowered;
	s2 =	sadd.s32 s2, s4;
	[dreg:$0x0] =	wrdreg $0x0  }
0xa8: {  	s4 =	sshll.u32 s28, $0x1;
	[dreg:$0x2] =	wrdreg s2  }
0xa9: {  	[dreg:$0x3] =	wrdreg s4  }
0xaa: {  	[dreg:$0x4] =	wrdreg $0xC0  }
0xab: {  	_ =	task [dreg:s6], $0x5FFFF  }
0xac: {  	[dreg:$0x1] =	wrdreg $0xFFFFFFFF  }
0xad: {  	[dreg:$0x0] =	wrdreg $0x60  }
0xae: {  	[dreg:$0x2] =	wrdreg s24  }
0xaf: {  	[dreg:$0x3] =	wrdreg $0x81000  }
0xb0: {  	[dreg:$0x4] =	wrdreg $0x9  }
0xb1: {  	_ =	task.clear_ibuf [dreg:s6], $0x5FFFF;
	_ =	strace $0x90000058  }
0xb2: {  	s29 =	simm.s32 $0x9;
	_ =	strace $0x8000005A  }
0xb3: {  	_ =	swait.ge [sflag:s29], $0x1  }
0xb4: {  	[sflag:s29] =	ssyncadd.s32 $0xFFFFFFFF  }
0xb5: {  	_ =	strace $0x9000005A  }
0xb6: {  	_ =	sfence  }
0xb7: {  	s30 =	sld [smem:$0x0];
	_ =	sdelay $0x2  }
0xb8: {  	s31 =	sshll.u32 s1, $0xD;
	s1 =	sshrl.u32 s1, $0x2  }
0xb9: {  	s3 =	sand.u32 $0x4000, s31;
	s1 =	sadd.s32 s1, s30  }
0xba: {  	s0 =	sor.u32 s3, s0;
	s1 =	sshll.u32 s1, $0x11  }
0xbb: {  	s0 =	sor.u32 s1, s0  }
0xbc: {  	s0 =	sadd.s32 $0x8F2B, s0  }
0xbd: {  	[sflag:s0] =	ssyncadd.remote.s32 $0x1  }
0xbe: {  	_ =	sfence.sel $0xFFFF  }
0xbf: {  	[dreg:$0x0] =	wrdreg $0xFFFFFFFF;
	(pc) =	sbr.abs _section_cstart, $3  }
0xc0: {  	[dreg:$0x1] =	wrdreg $0xFFFFFFFF  }
0xc1: {  	_ =	task.clear_ibuf [dreg:s6], $0x2FFFF;
	_ =	strace $0x9FFFFFFF  }
0xc2: {  	(tm) =	ssettm $0x7FFFFFFF  }
0xc3: {  	_ =	shalt  }
tec
execute0_lowered:
.L_overlay_start_1:
0x0: {  	(tag) =	ssettag $0x1  }
0x1: {  	s0 =	rddreg [dreg:$0x0]  }
0x2: {  	s1 =	srdreg.scid;
	s16 =	stileid.u32  }
0x3: {  	s2 =	sadd.s32 $0x90000, s0;
	s1 =	sand.u32 $0x1, s1;
	s3 =	sadd.s32 $0xFA00, s0  }
0x4: {  	s5 =	sadd.s32 $0x590000, s0;
	s6 =	sshll.u32 s16, $0x4;
	s12 =	sadd.s32 $0x5B7200, s0  }
0x5: {  	s21 =	smul.u32 $0x500, s16;
	s14 =	sor.u32 $0x30, s16;
	s18 =	sor.u32 $0x40, s16  }
0x6: {  	s0 =	sadd.s32 $0x19A00, s0;
	p2 =	seq.s32 s16, $0xF;
	s4 =	sshll.u32 s1, $0x4  }
0x7: {  	s7 =	ssub.s32 $0x2, s1;
	s6 =	sand.u32 $0x70, s6;
	s23 =	smul.u32 $0x500, s14  }
0x8: {  	p0 =	seq.s32 s1, $0x1;
	s24 =	smul.u32 $0x500, s18;
	s1 =	sshll.u32 s1, $0xF  }
0x9: {  	s4 =	sor.u32 s16, s4;
	s9 =	sshrl.u32 s7, $0x1;
	s11 =	sadd.s32 s3, s6  }
0xa: {  	s5 =	smov.u32 @p0 s12;
	s1 =	sadd.s32 s1, s2;
	s8 =	sshll.u32 s4, $0x4  }
0xb: {  	s7 =	ssub.s32 s7, s9;
	s4 =	sshll.u32 s4, $0xB;
	s9 =	sadd.s32 s5, s21  }
0xc: {  	s21 =	sor.u32 $0x60, s16;
	s12 =	sadd.s32 s5, s23;
	s23 =	sshll.u32 s16, $0xB  }
0xd: {  	s10 =	sand.u32 $0x180, s8;
	s4 =	sadd.s32 s2, s4;
	[dreg:$0x5] =	wrdreg s9  }
0xe: {  	s26 =	smul.u32 $0x500, s21;
	s9 =	sadd.s32 s5, s24;
	s24 =	sor.u32 $0x200, s8  }
0xf: {  	s8 =	smul.u32 $0xA000, s16;
	s20 =	sadd.s32 s10, s11;
	s10 =	sor.u32 $0x10, s16  }
0x10: {  	[dreg:$0x8] =	wrdreg s12;
	s11 =	sor.u32 $0x20, s16;
	s22 =	smul.u32 $0x500, s10  }
0x11: {  	s12 =	rddreg [dreg:$0x1];
	s1 =	sadd.s32 s23, s1;
	s13 =	smul.u32 $0x500, s11  }
0x12: {  	[dreg:$0x4] =	wrdreg s4;
	s17 =	sadd.s32 s5, s26;
	s26 =	smul.u32 $0xA000, s11  }
0x13: {  	[dreg:$0x9] =	wrdreg s9;
	s2 =	sand.u32 $0x380, s24;
	s11 =	smul.u32 $0xA000, s18  }
0x14: {  	[dreg:$0x3] =	wrdreg s20;
	s20 =	sor.u32 $0x50, s16;
	s18 =	smul.u32 $0xA000, s21  }
0x15: {  	s25 =	smul.u32 $0x500, s20;
	s4 =	sadd.s32 s5, s22;
	s22 =	sor.u32 $0x70, s16  }
0x16: {  	s9 =	smax.u32 s7, $0x1;
	s2 =	sadd.s32 s2, s3;
	s15 =	smul.u32 $0x500, s22  }
0x17: {  	[dreg:$0x6] =	wrdreg s4;
	s4 =	sadd.s32 s5, s25;
	s25 =	smul.u32 $0xA000, s10  }
0x18: {  	[dreg:$0xb] =	wrdreg s17;
	s13 =	sadd.s32 s5, s13;
	s10 =	smul.u32 $0xA000, s14  }
0x19: {  	[dreg:$0x7] =	wrdreg s13;
	s13 =	simm.s32 $0x0;
	s14 =	smul.u32 $0xA000, s20  }
0x1a: {  	p1 =	sgt.u32 s22, $0x7C;
	s23 =	smul.u32 $0xA000, s22;
	[dreg:$0xa] =	wrdreg s4  }
0x1b: {  	[smem:$0x7FF] =	sst s13;
	s4 =	sshrl.u32 s8, $0x2;
	s19 =	sadd.s32 s5, s15  }
0x1c: {  	s15 =	sadd.s32 s6, s2;
	s6 =	sshll.u32 s16, $0xE;
	s3 =	sshrl.u32 s25, $0x2  }
0x1d: {  	s4 =	sadd.s32 s4, s12;
	s2 =	sshrl.u32 s10, $0x2;
	s5 =	sshrl.u32 s11, $0x2  }
0x1e: {  	s24 =	sshrl.u32 s14, $0x2;
	s25 =	sshrl.u32 s18, $0x2;
	s10 =	simm.s32 $0x100  }
0x1f: {  	[dreg:$0xc] =	wrdreg s19;
	s17 =	sadd.s32 s6, s12;
	s19 =	sadd.s32 s3, s12  }
0x20: {  	s21 =	sadd.s32 s2, s12;
	s22 =	sadd.s32 s5, s12;
	s2 =	simm.s32 $0x2  }
0x21: {  	s3 =	simm.s32 $0x80;
	_ =	strace $0x80000059;
	[dreg:$0xd] =	wrdreg s0  }
0x22: {  	s5 =	simm.s32 $0x5;
	s6 =	simm.s32 $0x0;
	[dreg:$0xe] =	wrdreg s9  }
0x23: {  	[dreg:$0xf] =	wrdreg s4;
	s0 =	sshrl.u32 s26, $0x2;
	s26 =	sshrl.u32 s23, $0x2  }
0x24: {  	s23 =	sadd.s32 s24, s12;
	s24 =	sadd.s32 s25, s12;
	s28 =	sadd.s32 $0x40000, s17  }
0x25: {  	s29 =	sadd.s32 $0x80000, s17;
	s30 =	sadd.s32 $0xC0000, s17;
	s31 =	sadd.s32 $0x100000, s17  }
0x26: {  	s4 =	simm.s32 $0x3;
	s20 =	sadd.s32 s0, s12;
	s25 =	sadd.s32 s26, s12  }
0x27: {  	s26 =	sadd.s32 $0x10000, s1;
	s0 =	simm.s32 $0x4;
	s1 =	simm.s32 $0x1  }
.LBB2_1:
0x28: {  	s7 =	rddreg [dreg:$0xd]  }
0x29: {  	[tilespmem:s10], [sflag:$0x4] =	stream.linear.gather [hbm4b:s7+s13], $0x4000, $0x38;
	[tilespmem:$0x1BD00] =	vst v63  }
0x2a: {  	_ =	swait.ge [sflag:s0], $0x4000  }
0x2b: {  	[sflag:s0] =	ssyncset.done $0x0  }
0x2c: {  	[sflag:s0] =	ssyncadd.s32 $0xFFFFC000  }
0x2d: {  	[spmem:s17] =	stream.linear.scatter [tilespmem:s10], [sflag:$0x4], $0x4000, $0x38;
	[tilespmem:$0x1BD00] =	vst v63  }
0x2e: {  	_ =	swait.ge [sflag:s0], $0x4000  }
0x2f: {  	[sflag:s0] =	ssyncset.done $0x0  }
0x30: {  	[sflag:s0] =	ssyncadd.s32 $0xFFFFC000  }
0x31: {  	[spmem:s28] =	stream.linear.scatter [tilespmem:s10], [sflag:$0x4], $0x4000, $0x38;
	[tilespmem:$0x1BD00] =	vst v63  }
0x32: {  	_ =	swait.ge [sflag:s0], $0x4000  }
0x33: {  	[sflag:s0] =	ssyncset.done $0x0  }
0x34: {  	[sflag:s0] =	ssyncadd.s32 $0xFFFFC000  }
0x35: {  	[spmem:s29] =	stream.linear.scatter [tilespmem:s10], [sflag:$0x4], $0x4000, $0x38;
	[tilespmem:$0x1BD00] =	vst v63  }
0x36: {  	_ =	swait.ge [sflag:s0], $0x4000  }
0x37: {  	[sflag:s0] =	ssyncset.done $0x0  }
0x38: {  	[sflag:s0] =	ssyncadd.s32 $0xFFFFC000  }
0x39: {  	[spmem:s30] =	stream.linear.scatter [tilespmem:s10], [sflag:$0x4], $0x4000, $0x38;
	[tilespmem:$0x1BD00] =	vst v63  }
0x3a: {  	_ =	swait.ge [sflag:s0], $0x4000  }
0x3b: {  	[sflag:s0] =	ssyncset.done $0x0  }
0x3c: {  	s7 =	simm.s32 @!p2 $0x100;
	[sflag:s0] =	ssyncadd.s32 $0xFFFFC000  }
0x3d: {  	[spmem:s31] =	stream.linear.scatter @!p2 [tilespmem:s7], [sflag:$0x4], $0x4000, $0x38;
	[tilespmem:$0x1BD00] =	vst v63  }
0x3e: {  	s7 =	simm.s32 @!p2 $0x4  }
0x3f: {  	_ =	swait.ge @!p2 [sflag:s7], $0x4000  }
0x40: {  	[sflag:s7] =	ssyncset.done @!p2 $0x0  }
0x41: {  	[sflag:s7] =	ssyncadd.s32 @!p2 $0xFFFFC000  }
0x42: {  	[bflag:$0x0] =	sbarrier.arrive $0xFFFF  }
0x43: {  	s9 =	rddreg [dreg:$0x3]  }
0x44: {  	[tilespmem:s13], [sflag:$0x1] =	stream.linear.gather [hbm4b:s9+s13], $0x80, $0x38;
	[tilespmem:$0x1BD00] =	vst v63  }
0x45: {  	s14 =	sand.u32 $0x1, s1;
	s11 =	rddreg [dreg:$0x4]  }
0x46: {  	[tilespmem:s10], [sflag:$0x2] =	stream.linear.gather [hbm4b:s11+s13], $0x4000, $0x38;
	[tilespmem:$0x1BD00] =	vst v63  }
0x47: {  	s8 =	sshll.u32 s14, $0x7;
	s7 =	sshll.u32 s14, $0xE  }
0x48: {  	[tilespmem:s8], [sflag:$0x1] =	stream.linear.gather [hbm4b:s15+s13], $0x80, $0x38;
	[tilespmem:$0x1BD00] =	vst v63  }
0x49: {  	s7 =	sor.u32 $0x100, s7  }
0x4a: {  	[tilespmem:s7], [sflag:$0x2] =	stream.linear.gather [hbm4b:s26+s13], $0x4000, $0x38;
	[tilespmem:$0x1BD00] =	vst v63  }
0x4b: {  	_ =	swait.ge [sflag:s1], $0x80  }
0x4c: {  	s16 =	simm.s32 $0x0;
	[sflag:s1] =	ssyncset.done $0x0  }
0x4d: {  	s18 =	sand.u32 $0x1, s16;
	[sflag:s1] =	ssyncadd.s32 $0xFFFFFF80  }
0x4e: {  	s9 =	sshll.u32 s18, $0xE;
	_ =	swait.ge [sflag:s2], $0x4000  }
0x4f: {  	s9 =	sor.u32 $0x100, s9;
	[sflag:s2] =	ssyncset.done $0x0  }
0x50: {  	s8 =	sshll.u32 s18, $0x7;
	s7 =	simm.s32 $0x2;
	[sflag:s2] =	ssyncadd.s32 $0xFFFFC000  }
0x51: {  	[spmem:s12] =	stream.indirect.scatter.add.f32 [tilespmem:s9], [sflag:$0x3], $0x80, s8, s3, $0xb8;
	[tilespmem:$0x1BD00] =	vst v63  }
0x52: {  	s11 =	simm.s32 $0x3;
	s14 =	sand.u32 $0x1, s7;
	_ =	swait.ge [sflag:s4], $0x4000  }
0x53: {  	s8 =	sadd.s32 $0x200, s15;
	s9 =	sadd.s32 $0x10000, s26;
	[sflag:s4] =	ssyncset.done $0x0  }
.LBB2_2:
0x54: {  	s16 =	sshll.u32 s14, $0x7  }
0x55: {  	s14 =	sshll.u32 s14, $0xE;
	[sflag:s4] =	ssyncadd.s32 $0xFFFFC000;
	s18 =	smov.u32 s11  }
0x56: {  	[tilespmem:s16], [sflag:$0x1] =	stream.linear.gather [hbm4b:s8+s13], $0x80, $0x38;
	[tilespmem:$0x1BD00] =	vst v63  }
0x57: {  	p3 =	sne.s32 s11, $0x4F;
	s11 =	sadd.s32 $0x1, s11;
	s14 =	sor.u32 $0x100, s14  }
0x58: {  	[tilespmem:s14], [sflag:$0x2] =	stream.linear.gather [hbm4b:s9+s13], $0x4000, $0x38;
	[tilespmem:$0x1BD00] =	vst v63  }
0x59: {  	_ =	swait.ge [sflag:s1], $0x80  }
0x5a: {  	[sflag:s1] =	ssyncset.done $0x0  }
0x5b: {  	s14 =	sadd.s32 $0xFFFFFFFF, s7;
	s7 =	smov.u32 s18;
	[sflag:s1] =	ssyncadd.s32 $0xFFFFFF80  }
0x5c: {  	s14 =	sand.u32 $0x1, s14;
	_ =	swait.ge [sflag:s2], $0x4000  }
.Ltmp0:
0x5d: {  	s16 =	sshll.u32 s14, $0xE;
	[sflag:s2] =	ssyncset.done $0x0;
	(pc) =	sbr.rel @p3 .LBB2_2-.Ltmp0, $4  }
0x5e: {  	s14 =	sshll.u32 s14, $0x7;
	s16 =	sor.u32 $0x100, s16;
	[sflag:s2] =	ssyncadd.s32 $0xFFFFC000  }
0x5f: {  	[spmem:s12] =	stream.indirect.scatter.add.f32 [tilespmem:s16], [sflag:$0x3], $0x80, s14, s3, $0xb8;
	[tilespmem:$0x1BD00] =	vst v63  }
0x60: {  	s8 =	sadd.s32 $0x200, s8;
	_ =	swait.ge [sflag:s4], $0x4000  }
0x61: {  	s9 =	sadd.s32 $0x10000, s9;
	s14 =	sand.u32 $0x1, s7;
	[sflag:s4] =	ssyncset.done $0x0  }
0x62: {  	s11 =	sshll.u32 s14, $0x7;
	[sflag:s4] =	ssyncadd.s32 $0xFFFFC000;
	s16 =	sshll.u32 s14, $0xE  }
0x63: {  	[tilespmem:s11], [sflag:$0x1] =	stream.linear.gather [hbm4b:s8+s13], $0x80, $0x38;
	[tilespmem:$0x1BD00] =	vst v63  }
0x64: {  	s8 =	sor.u32 $0x100, s16  }
0x65: {  	[tilespmem:s8], [sflag:$0x2] =	stream.linear.gather [hbm4b:s9+s13], $0x4000, $0x38;
	[tilespmem:$0x1BD00] =	vst v63  }
0x66: {  	_ =	swait.ge [sflag:s1], $0x80  }
0x67: {  	[sflag:s1] =	ssyncset.done $0x0  }
0x68: {  	s7 =	sadd.s32 $0xFFFFFFFF, s7;
	[sflag:s1] =	ssyncadd.s32 $0xFFFFFF80  }
0x69: {  	s7 =	sand.u32 $0x1, s7;
	_ =	swait.ge [sflag:s2], $0x4000  }
0x6a: {  	s18 =	sshll.u32 s7, $0xE;
	[sflag:s2] =	ssyncset.done $0x0  }
0x6b: {  	s7 =	sshll.u32 s7, $0x7;
	s8 =	sor.u32 $0x100, s18;
	[sflag:s2] =	ssyncadd.s32 $0xFFFFC000  }
0x6c: {  	[spmem:s12] =	stream.indirect.scatter.add.f32 [tilespmem:s8], [sflag:$0x3], $0x80, s7, s3, $0xb8;
	[tilespmem:$0x1BD00] =	vst v63  }
0x6d: {  	_ =	swait.ge [sflag:s4], $0x4000  }
0x6e: {  	[sflag:s4] =	ssyncset.done $0x0  }
0x6f: {  	[sflag:s4] =	ssyncadd.s32 $0xFFFFC000  }
0x70: {  	_ =	swait.ge [sflag:s1], $0x80  }
0x71: {  	[sflag:s1] =	ssyncset.done $0x0  }
0x72: {  	[sflag:s1] =	ssyncadd.s32 $0xFFFFFF80  }
0x73: {  	_ =	swait.ge [sflag:s2], $0x4000  }
0x74: {  	[sflag:s2] =	ssyncset.done $0x0  }
0x75: {  	s9 =	simm.s32 $0x4100;
	[sflag:s2] =	ssyncadd.s32 $0xFFFFC000  }
0x76: {  	[spmem:s12] =	stream.indirect.scatter.add.f32 [tilespmem:s9], [sflag:$0x3], $0x80, s3, s3, $0xb8;
	[tilespmem:$0x1BD00] =	vst v63  }
0x77: {  	_ =	swait.ge [sflag:s4], $0x4000  }
0x78: {  	[sflag:s4] =	ssyncset.done $0x0  }
0x79: {  	[sflag:s4] =	ssyncadd.s32 $0xFFFFC000  }
0x7a: {  	[bflag:$0x0] =	sbarrier.arrive $0xFFFF  }
0x7b: {  	s11 =	rddreg [dreg:$0xf]  }
0x7c: {  	[tilespmem:s10], [sflag:$0x5] =	stream.linear.gather [spmem:s11], $0x2800, $0x38;
	[tilespmem:$0x1BD00] =	vst v63  }
0x7d: {  	_ =	swait.ge [sflag:s5], $0x2800  }
0x7e: {  	s7 =	simm.s32 $0x4;
	[sflag:s5] =	ssyncset.done $0x0  }
0x7f: {  	s7 =	simm.s32 @!p0 $0x5;
	s14 =	rddreg [dreg:$0x5];
	[sflag:s5] =	ssyncadd.s32 $0xFFFFD800  }
0x80: {  	[hbm4b:s14+s13] =	stream.linear.scatter [tilespmem:s10], [sflag:s7], $0x2800, $0x38;
	[tilespmem:$0x1BD00] =	vst v63  }
0x81: {  	_ =	swait.ge [sflag:s7], $0x2800  }
0x82: {  	[sflag:s7] =	ssyncset.done $0x0  }
0x83: {  	[sflag:s7] =	ssyncadd.s32 $0xFFFFD800  }
0x84: {  	[tilespmem:s10], [sflag:$0x5] =	stream.linear.gather [spmem:s19], $0x2800, $0x38;
	[tilespmem:$0x1BD00] =	vst v63  }
0x85: {  	_ =	swait.ge [sflag:s5], $0x2800  }
0x86: {  	[sflag:s5] =	ssyncset.done $0x0  }
0x87: {  	s16 =	rddreg [dreg:$0x6];
	[sflag:s5] =	ssyncadd.s32 $0xFFFFD800  }
0x88: {  	[hbm4b:s16+s13] =	stream.linear.scatter [tilespmem:s10], [sflag:s7], $0x2800, $0x38;
	[tilespmem:$0x1BD00] =	vst v63  }
0x89: {  	_ =	swait.ge [sflag:s7], $0x2800  }
0x8a: {  	[sflag:s7] =	ssyncset.done $0x0  }
0x8b: {  	[sflag:s7] =	ssyncadd.s32 $0xFFFFD800  }
0x8c: {  	[tilespmem:s10], [sflag:$0x5] =	stream.linear.gather [spmem:s20], $0x2800, $0x38;
	[tilespmem:$0x1BD00] =	vst v63  }
0x8d: {  	_ =	swait.ge [sflag:s5], $0x2800  }
0x8e: {  	[sflag:s5] =	ssyncset.done $0x0  }
0x8f: {  	s18 =	rddreg [dreg:$0x7];
	[sflag:s5] =	ssyncadd.s32 $0xFFFFD800  }
0x90: {  	[hbm4b:s18+s13] =	stream.linear.scatter [tilespmem:s10], [sflag:s7], $0x2800, $0x38;
	[tilespmem:$0x1BD00] =	vst v63  }
0x91: {  	_ =	swait.ge [sflag:s7], $0x2800  }
0x92: {  	[sflag:s7] =	ssyncset.done $0x0  }
0x93: {  	[sflag:s7] =	ssyncadd.s32 $0xFFFFD800  }
0x94: {  	[tilespmem:s10], [sflag:$0x5] =	stream.linear.gather [spmem:s21], $0x2800, $0x38;
	[tilespmem:$0x1BD00] =	vst v63  }
0x95: {  	_ =	swait.ge [sflag:s5], $0x2800  }
0x96: {  	[sflag:s5] =	ssyncset.done $0x0  }
0x97: {  	s9 =	rddreg [dreg:$0x8];
	[sflag:s5] =	ssyncadd.s32 $0xFFFFD800  }
0x98: {  	[hbm4b:s9+s13] =	stream.linear.scatter [tilespmem:s10], [sflag:s7], $0x2800, $0x38;
	[tilespmem:$0x1BD00] =	vst v63  }
0x99: {  	_ =	swait.ge [sflag:s7], $0x2800  }
0x9a: {  	[sflag:s7] =	ssyncset.done $0x0  }
0x9b: {  	[sflag:s7] =	ssyncadd.s32 $0xFFFFD800  }
0x9c: {  	[tilespmem:s10], [sflag:$0x5] =	stream.linear.gather [spmem:s22], $0x2800, $0x38;
	[tilespmem:$0x1BD00] =	vst v63  }
0x9d: {  	_ =	swait.ge [sflag:s5], $0x2800  }
0x9e: {  	[sflag:s5] =	ssyncset.done $0x0  }
0x9f: {  	s11 =	rddreg [dreg:$0x9];
	[sflag:s5] =	ssyncadd.s32 $0xFFFFD800  }
0xa0: {  	[hbm4b:s11+s13] =	stream.linear.scatter [tilespmem:s10], [sflag:s7], $0x2800, $0x38;
	[tilespmem:$0x1BD00] =	vst v63  }
0xa1: {  	_ =	swait.ge [sflag:s7], $0x2800  }
0xa2: {  	[sflag:s7] =	ssyncset.done $0x0  }
0xa3: {  	[sflag:s7] =	ssyncadd.s32 $0xFFFFD800  }
0xa4: {  	[tilespmem:s10], [sflag:$0x5] =	stream.linear.gather [spmem:s23], $0x2800, $0x38;
	[tilespmem:$0x1BD00] =	vst v63  }
0xa5: {  	_ =	swait.ge [sflag:s5], $0x2800  }
0xa6: {  	[sflag:s5] =	ssyncset.done $0x0  }
0xa7: {  	s14 =	rddreg [dreg:$0xa];
	[sflag:s5] =	ssyncadd.s32 $0xFFFFD800  }
0xa8: {  	[hbm4b:s14+s13] =	stream.linear.scatter [tilespmem:s10], [sflag:s7], $0x2800, $0x38;
	[tilespmem:$0x1BD00] =	vst v63  }
0xa9: {  	_ =	swait.ge [sflag:s7], $0x2800  }
0xaa: {  	[sflag:s7] =	ssyncset.done $0x0  }
0xab: {  	[sflag:s7] =	ssyncadd.s32 $0xFFFFD800  }
0xac: {  	[tilespmem:s10], [sflag:$0x5] =	stream.linear.gather [spmem:s24], $0x2800, $0x38;
	[tilespmem:$0x1BD00] =	vst v63  }
0xad: {  	_ =	swait.ge [sflag:s5], $0x2800  }
0xae: {  	[sflag:s5] =	ssyncset.done $0x0  }
0xaf: {  	s16 =	rddreg [dreg:$0xb];
	[sflag:s5] =	ssyncadd.s32 $0xFFFFD800  }
0xb0: {  	[hbm4b:s16+s13] =	stream.linear.scatter [tilespmem:s10], [sflag:s7], $0x2800, $0x38;
	[tilespmem:$0x1BD00] =	vst v63  }
0xb1: {  	_ =	swait.ge [sflag:s7], $0x2800  }
0xb2: {  	[sflag:s7] =	ssyncset.done $0x0  }
0xb3: {  	s8 =	simm.s32 @!p1 $0x100;
	s9 =	simm.s32 @!p1 $0x5;
	[sflag:s7] =	ssyncadd.s32 $0xFFFFD800  }
0xb4: {  	[tilespmem:s8], [sflag:$0x5] =	stream.linear.gather @!p1 [spmem:s25], $0x2800, $0x38;
	[tilespmem:$0x1BD00] =	vst v63  }
0xb5: {  	_ =	swait.ge @!p1 [sflag:s9], $0x2800  }
0xb6: {  	[sflag:s9] =	ssyncset.done @!p1 $0x0  }
0xb7: {  	s11 =	rddreg [dreg:$0xc];
	[sflag:s9] =	ssyncadd.s32 @!p1 $0xFFFFD800;
	s9 =	simm.s32 @!p1 $0x0  }
0xb8: {  	[hbm4b:s11+s9] =	stream.linear.scatter @!p1 [tilespmem:s8], [sflag:s7], $0x2800, $0x38;
	[tilespmem:$0x1BD00] =	vst v63  }
0xb9: {  	_ =	swait.ge @!p1 [sflag:s7], $0x2800  }
0xba: {  	s6 =	sadd.s32 $0x1, s6;
	s18 =	rddreg [dreg:$0xe]  }
0xbb: {  	p3 =	sne.s32 s6, s18  }
.Ltmp1:
0xbc: {  	_ = 	snop;
	(pc) =	sbr.rel @p3 .LBB2_1-.Ltmp1, $3  }
0xbd: {  	_ =	sdelay $0x1  }
0xbe: {  	[sflag:s7] =	ssyncset.done @!p1 $0x0  }
0xbf: {  	[sflag:s7] =	ssyncadd.s32 @!p1 $0xFFFFD800  }
0xc0: {  	_ =	sfence.sel $0x180000  }
0xc1: {  	[bflag:$0x0] =	sbarrier.arrive $0xFFFF  }
0xc2: {  	_ =	strace $0x90000059  }
0xc3: {  	s0 =	stileid.u32;
	[bflag:$0x2] =	sbarrier.arrive $0xFFFF  }
0xc4: {  	p0 =	sne.s32 s0, $0x0;
	s0 =	rddreg [dreg:$0x2]  }
0xc5: {  	s0 =	sadd.s32 @!p0 $0x100000, s0  }
0xc6: {  	[sflag:s0] =	ssyncadd.tile.s32 @!p0 $0x1;
	_ =	shalt  }
.Lfunc_end2:
_tile_overlayer_lowered:
.L_overlay_start_2:
0xc7: {  	(tag) =	ssettag $0x2  }
0xc8: {  	s0 =	rddreg [dreg:$0x0];
	s2 =	stileid.u32  }
0xc9: {  	s1 =	rddreg [dreg:$0x1];
	p0 =	sne.s32 s2, $0x0  }
0xca: {  	s3 =	rddreg [dreg:$0x2];
	[bflag:$0x3] =	sbarrier.arrive $0xFFFF;
	s2 =	simm.s32 @!p0 $0x1C04  }
0xcb: {  	[timem:s3], [sflag:s2] =	dma.local @!p0 [hbm:s0], s1  }
0xcc: {  	s0 =	simm.s32 @!p0 $0x4  }
0xcd: {  	_ =	swait.ge @!p0 [sflag:s0], s1  }
0xce: {  	s1 =	ssub.s32 @!p0 $0x0, s1;
	[sflag:s0] =	ssyncset.done @!p0 $0x0  }
0xcf: {  	[sflag:s0] =	ssyncadd.s32 @!p0 s1  }
0xd0: {  	[bflag:$0x3] =	sbarrier.arrive $0xFFFF  }
0xd1: {  	_ =	shalt  }

</sc_bundles>
